<compile_context>
chip_gen: v7x
topology: tpu7x:2x2x1
jax: 0.10.2.dev20260603
libtpu: 0.0.44.dev20260713+nightly
codegen_flags: <defaults>
</compile_context>

<pallas_src>
import functools

import jax
import jax.numpy as jnp
from jax import lax
from jax.experimental import pallas as pl
from jax.experimental.pallas import tpu as pltpu
from jax.experimental.pallas import tpu_sc as plsc

N_NODES_ = 10000
N_PAD = 10240
L_SC = 10048
N_EDGES_ = 320000
N_COMS_ = 4
COM_DIM_ = 32
EPS = 1e-5
BLK = 1024
GRID = N_PAD // BLK
NC, NS = 2, 16
NW = NC * NS
F32 = jnp.float32



def _stage0(xp, W_enc, b_enc_row):
    def body(x_ref, we_ref, be_ref, enc_ref, xT_ref):
        xb = x_ref[...]
        enc_ref[...] = jnp.dot(xb, we_ref[...],
                               preferred_element_type=F32) + be_ref[...]
        xT_ref[...] = xb.T

    return pl.pallas_call(
        body,
        grid=(GRID,),
        in_specs=[
            pl.BlockSpec((BLK, 128), lambda i: (i, 0)),
            pl.BlockSpec((128, 128), lambda i: (0, 0)),
            pl.BlockSpec((1, 128), lambda i: (0, 0)),
        ],
        out_specs=[
            pl.BlockSpec((BLK, 128), lambda i: (i, 0)),
            pl.BlockSpec((128, BLK), lambda i: (0, i)),
        ],
        out_shape=[
            jax.ShapeDtypeStruct((N_PAD, 128), F32),
            jax.ShapeDtypeStruct((128, N_PAD), F32),
        ],
    )(xp, W_enc, b_enc_row)


def _stage1(xp, agg0a, agg0b, W0a, b0a_row, W0b, b0b_row):
    def body(x_ref, aa_ref, ab_ref, wa_ref, ba_ref, wb_ref, bb_ref,
             hpre_ref, st_ref):
        i = pl.program_id(0)
        xb = x_ref[...]
        wa = wa_ref[...]
        wb = wb_ref[...]
        outs = []
        for k in range(N_COMS_):
            agg_ref = aa_ref if k < 2 else ab_ref
            c2 = k % 2
            aggb = (agg_ref[c2 * 128:(c2 + 1) * 128, :]).T
            t = jnp.maximum(
                jnp.dot(xb + aggb, wa, preferred_element_type=F32)
                + ba_ref[...], 0.0)
            outs.append(jnp.dot(t, wb, preferred_element_type=F32)
                        + bb_ref[...])
        hpre = jnp.concatenate(outs, axis=1)
        hpre_ref[...] = hpre
        row = i * BLK + lax.broadcasted_iota(jnp.int32, (BLK, 128), 0)
        hm = jnp.where(row < N_NODES_, hpre, 0.0)
        s = jnp.sum(hm, axis=0, keepdims=True)
        ss = jnp.sum(hm * hm, axis=0, keepdims=True)

        @pl.when(i == 0)
        def _():
            st_ref[...] = jnp.zeros_like(st_ref)
        st_ref[...] += jnp.concatenate([s, ss], axis=0)

    return pl.pallas_call(
        body,
        grid=(GRID,),
        in_specs=[
            pl.BlockSpec((BLK, 128), lambda i: (i, 0)),
            pl.BlockSpec((256, BLK), lambda i: (0, i)),
            pl.BlockSpec((256, BLK), lambda i: (0, i)),
            pl.BlockSpec((128, COM_DIM_), lambda i: (0, 0)),
            pl.BlockSpec((1, COM_DIM_), lambda i: (0, 0)),
            pl.BlockSpec((COM_DIM_, COM_DIM_), lambda i: (0, 0)),
            pl.BlockSpec((1, COM_DIM_), lambda i: (0, 0)),
        ],
        out_specs=[
            pl.BlockSpec((BLK, 128), lambda i: (i, 0)),
            pl.BlockSpec((2, 128), lambda i: (0, 0)),
        ],
        out_shape=[
            jax.ShapeDtypeStruct((N_PAD, 128), F32),
            jax.ShapeDtypeStruct((2, 128), F32),
        ],
    )(xp, agg0a, agg0b, W0a, b0a_row, W0b, b0b_row)


def _stage_var_row(hpre, st):
    def body(hpre_ref, st_ref, var_ref):
        i = pl.program_id(0)
        mu = st_ref[...][0:1, :] / N_NODES_
        row = i * BLK + lax.broadcasted_iota(jnp.int32, (BLK, 128), 0)
        dv = jnp.where(row < N_NODES_, hpre_ref[...] - mu, 0.0)
        s = jnp.sum(dv * dv, axis=0, keepdims=True)

        @pl.when(i == 0)
        def _():
            var_ref[...] = jnp.zeros_like(var_ref)
        var_ref[...] += s

    return pl.pallas_call(
        body,
        grid=(GRID,),
        in_specs=[
            pl.BlockSpec((BLK, 128), lambda i: (i, 0)),
            pl.BlockSpec((2, 128), lambda i: (0, 0)),
        ],
        out_specs=pl.BlockSpec((1, 128), lambda i: (0, 0)),
        out_shape=jax.ShapeDtypeStruct((1, 128), F32),
    )(hpre, st)


def _stage_post_row(hpre, st, varsum, g_row, be_row):
    def body(hpre_ref, st_ref, var_ref, g_ref, be_ref, out_ref, hT_ref):
        mu = st_ref[...][0:1, :] / N_NODES_
        var = var_ref[...] / N_NODES_
        h = jnp.maximum(
            (hpre_ref[...] - mu) / jnp.sqrt(var + EPS) * g_ref[...]
            + be_ref[...], 0.0)
        out_ref[...] = h
        hT_ref[...] = h.T

    return pl.pallas_call(
        body,
        grid=(GRID,),
        in_specs=[
            pl.BlockSpec((BLK, 128), lambda i: (i, 0)),
            pl.BlockSpec((2, 128), lambda i: (0, 0)),
            pl.BlockSpec((1, 128), lambda i: (0, 0)),
            pl.BlockSpec((1, 128), lambda i: (0, 0)),
            pl.BlockSpec((1, 128), lambda i: (0, 0)),
        ],
        out_specs=[
            pl.BlockSpec((BLK, 128), lambda i: (i, 0)),
            pl.BlockSpec((128, BLK), lambda i: (0, i)),
        ],
        out_shape=[
            jax.ShapeDtypeStruct((N_PAD, 128), F32),
            jax.ShapeDtypeStruct((128, N_PAD), F32),
        ],
    )(hpre, st, varsum, g_row, be_row)


def _stage_pre2(h_T, agg_T, Wa, ba_t, Wb, bb_t):
    def body(h_ref, agg_ref, wa_ref, ba_ref, wb_ref, bb_ref, hpre_ref, st_ref):
        i = pl.program_id(0)
        s_in = h_ref[...] + agg_ref[...]
        wa = wa_ref[...]
        wb = wb_ref[...]
        outs = []
        for k in range(N_COMS_):
            u = lax.dot_general(wa, s_in[k * COM_DIM_:(k + 1) * COM_DIM_, :],
                                (((0,), (0,)), ((), ())),
                                preferred_element_type=F32)
            u = jnp.maximum(u + ba_ref[0:COM_DIM_, :], 0.0)
            outs.append(lax.dot_general(wb, u, (((0,), (0,)), ((), ())),
                                        preferred_element_type=F32))
        hpre = jnp.concatenate(outs, axis=0) + bb_ref[...]
        hpre_ref[...] = hpre
        col = i * BLK + lax.broadcasted_iota(jnp.int32, (128, BLK), 1)
        hm = jnp.where(col < N_NODES_, hpre, 0.0)
        su = jnp.sum(hm, axis=1, keepdims=True)
        ss = jnp.sum(hm * hm, axis=1, keepdims=True)

        @pl.when(i == 0)
        def _():
            st_ref[...] = jnp.zeros_like(st_ref)
        st_ref[...] += jnp.concatenate([su, ss], axis=1)

    return pl.pallas_call(
        body,
        grid=(GRID,),
        in_specs=[
            pl.BlockSpec((128, BLK), lambda i: (0, i)),
            pl.BlockSpec((128, BLK), lambda i: (0, i)),
            pl.BlockSpec((COM_DIM_, COM_DIM_), lambda i: (0, 0)),
            pl.BlockSpec((128, 1), lambda i: (0, 0)),
            pl.BlockSpec((COM_DIM_, COM_DIM_), lambda i: (0, 0)),
            pl.BlockSpec((128, 1), lambda i: (0, 0)),
        ],
        out_specs=[
            pl.BlockSpec((128, BLK), lambda i: (0, i)),
            pl.BlockSpec((128, 2), lambda i: (0, 0)),
        ],
        out_shape=[
            jax.ShapeDtypeStruct((128, N_PAD), F32),
            jax.ShapeDtypeStruct((128, 2), F32),
        ],
    )(h_T, agg_T, Wa, ba_t, Wb, bb_t)


def _stage_var(hpre_T, st):
    def body(hpre_ref, st_ref, var_ref):
        i = pl.program_id(0)
        mu = st_ref[...][:, 0:1] / N_NODES_
        col = i * BLK + lax.broadcasted_iota(jnp.int32, (128, BLK), 1)
        dv = jnp.where(col < N_NODES_, hpre_ref[...] - mu, 0.0)
        s = jnp.sum(dv * dv, axis=1, keepdims=True)

        @pl.when(i == 0)
        def _():
            var_ref[...] = jnp.zeros_like(var_ref)
        var_ref[...] += s

    return pl.pallas_call(
        body,
        grid=(GRID,),
        in_specs=[
            pl.BlockSpec((128, BLK), lambda i: (0, i)),
            pl.BlockSpec((128, 2), lambda i: (0, 0)),
        ],
        out_specs=pl.BlockSpec((128, 1), lambda i: (0, 0)),
        out_shape=jax.ShapeDtypeStruct((128, 1), F32),
    )(hpre_T, st)


def _stage_post(hpre_T, st, varsum, g_t, be_t):
    def body(hpre_ref, st_ref, var_ref, g_ref, be_ref, out_ref):
        mu = st_ref[...][:, 0:1] / N_NODES_
        var = var_ref[...] / N_NODES_
        h = jnp.maximum(
            (hpre_ref[...] - mu) / jnp.sqrt(var + EPS) * g_ref[...]
            + be_ref[...], 0.0)
        out_ref[...] = h.T

    return pl.pallas_call(
        body,
        grid=(GRID,),
        in_specs=[
            pl.BlockSpec((128, BLK), lambda i: (0, i)),
            pl.BlockSpec((128, 2), lambda i: (0, 0)),
            pl.BlockSpec((128, 1), lambda i: (0, 0)),
            pl.BlockSpec((128, 1), lambda i: (0, 0)),
            pl.BlockSpec((128, 1), lambda i: (0, 0)),
        ],
        out_specs=pl.BlockSpec((BLK, 128), lambda i: (i, 0)),
        out_shape=jax.ShapeDtypeStruct((N_PAD, 128), F32),
    )(hpre_T, st, varsum, g_t, be_t)



def _sc_mesh():
    return plsc.VectorSubcoreMesh(core_axis_name="c", subcore_axis_name="s",
                                  num_cores=NC, num_subcores=NS)


def _zero_accs(accs):
    @pl.loop(0, L_SC // 16)
    def _(i):
        z = jnp.zeros((16,), F32)
        for a in accs:
            a[pl.ds(i * 16, 16)] = z


def _edge_pipeline(sd_hbm, w_hbm, w_offs, pbufs, wbufs, sems, ec, process):
    n_chunks = N_EDGES_ // ec

    def start(g, b):
        base = g * ec
        pltpu.async_copy(sd_hbm.at[pl.ds(base, ec)], pbufs[b], sems[b])
        for t, off in enumerate(w_offs):
            pltpu.async_copy(w_hbm.at[pl.ds(off + base, ec)], wbufs[t][b],
                             sems[b])

    def wait(b):
        pltpu.make_async_copy(sd_hbm.at[pl.ds(0, ec)], pbufs[b],
                              sems[b]).wait()
        for t in range(len(w_offs)):
            pltpu.make_async_copy(w_hbm.at[pl.ds(0, ec)], wbufs[t][b],
                                  sems[b]).wait()

    start(0, 0)

    @pl.loop(0, n_chunks, step=2)
    def _(g):
        start(g + 1, 1)
        wait(0)
        process(0)

        @pl.when(g + 2 < n_chunks)
        def _():
            start(g + 2, 0)
        wait(1)
        process(1)


def _make_sc_full():
    EC = 800
    scratch = (
        [pltpu.VMEM((L_SC,), F32) for _ in range(4)]
        + [pltpu.VMEM((L_SC,), F32) for _ in range(8)]
        + [pltpu.VMEM((EC,), jnp.int32) for _ in range(2)]
        + [pltpu.VMEM((EC,), F32) for _ in range(4)]
        + [pltpu.SemaphoreType.DMA, pltpu.SemaphoreType.DMA]
    )

    @functools.partial(
        pl.kernel,
        out_type=jax.ShapeDtypeStruct((256 * N_PAD,), F32),
        mesh=_sc_mesh(),
        scratch_types=scratch,
        compiler_params=pltpu.CompilerParams(needs_layout_passes=False),
    )
    def seg(xT_hbm, sd_hbm, w2_hbm, agg_hbm, *refs):
        tabs = refs[0:4]
        accs = refs[4:12]
        pbufs = refs[12:14]
        wb = refs[14:18]
        wbufs = [wb[0:2], wb[2:4]]
        sems = refs[18:20]

        wid = lax.axis_index("s") * NC + lax.axis_index("c")

        for j in range(4):
            off = pl.multiple_of((4 * wid + j) * N_PAD, 8)
            pltpu.sync_copy(xT_hbm.at[pl.ds(off, L_SC)], tabs[j])
        _zero_accs(accs)

        def process(b):
            pb = pbufs[b]

            @plsc.parallel_loop(0, EC // 16, unroll=8)
            def _(i):
                off = i * 16
                pv = pb[pl.ds(off, 16)]
                sidx = lax.shift_right_logical(pv, 14)
                didx = pv & 0x3FFF
                w0 = wbufs[0][b][pl.ds(off, 16)]
                w1 = wbufs[1][b][pl.ds(off, 16)]
                for j in range(4):
                    v = plsc.load_gather(tabs[j], [sidx])
                    plsc.addupdate_scatter(accs[j], [didx], v * w0)
                    plsc.addupdate_scatter(accs[4 + j], [didx], v * w1)

        _edge_pipeline(sd_hbm, w2_hbm, (0, N_EDGES_),
                       pbufs, wbufs, sems, EC, process)

        for c2 in range(2):
            for j in range(4):
                off = pl.multiple_of((c2 * 128 + 4 * wid + j) * N_PAD, 8)
                pltpu.sync_copy(accs[4 * c2 + j],
                                agg_hbm.at[pl.ds(off, L_SC)])

    return seg


def _make_sc_perk():
    EC = 3200
    scratch = (
        [pltpu.VMEM((L_SC,), F32) for _ in range(4)]
        + [pltpu.VMEM((L_SC,), F32) for _ in range(4)]
        + [pltpu.VMEM((EC,), jnp.int32) for _ in range(2)]
        + [pltpu.VMEM((EC,), F32) for _ in range(8)]
        + [pltpu.SemaphoreType.DMA, pltpu.SemaphoreType.DMA]
    )

    @functools.partial(
        pl.kernel,
        out_type=jax.ShapeDtypeStruct((128 * N_PAD,), F32),
        mesh=_sc_mesh(),
        scratch_types=scratch,
        compiler_params=pltpu.CompilerParams(needs_layout_passes=False),
    )
    def seg(hT_hbm, sd_hbm, w_hbm, agg_hbm, *refs):
        tabs = refs[0:4]
        accs = refs[4:8]
        pbufs = refs[8:10]
        wb = refs[10:18]
        wbufs = [wb[0:2], wb[2:4], wb[4:6], wb[6:8]]
        sems = refs[18:20]

        wid = lax.axis_index("s") * NC + lax.axis_index("c")

        for k in range(N_COMS_):
            off = pl.multiple_of((k * COM_DIM_ + wid) * N_PAD, 8)
            pltpu.sync_copy(hT_hbm.at[pl.ds(off, L_SC)], tabs[k])
        _zero_accs(accs)

        def process(b):
            pb = pbufs[b]

            @plsc.parallel_loop(0, EC // 16, unroll=8)
            def _(i):
                off = i * 16
                pv = pb[pl.ds(off, 16)]
                sidx = lax.shift_right_logical(pv, 14)
                didx = pv & 0x3FFF
                for k in range(N_COMS_):
                    v = plsc.load_gather(tabs[k], [sidx])
                    wk = wbufs[k][b][pl.ds(off, 16)]
                    plsc.addupdate_scatter(accs[k], [didx], v * wk)

        _edge_pipeline(sd_hbm, w_hbm,
                       tuple(k * N_EDGES_ for k in range(N_COMS_)),
                       pbufs, wbufs, sems, EC, process)

        for k in range(N_COMS_):
            off = pl.multiple_of((k * COM_DIM_ + wid) * N_PAD, 8)
            pltpu.sync_copy(accs[k], agg_hbm.at[pl.ds(off, L_SC)])

    return seg


_SC_CACHE = {}


def _sc_seg_full(*args):
    if "full" not in _SC_CACHE:
        _SC_CACHE["full"] = _make_sc_full()
    return _SC_CACHE["full"](*args)


def _sc_seg_perk(*args):
    if "perk" not in _SC_CACHE:
        _SC_CACHE["perk"] = _make_sc_perk()
    return _SC_CACHE["perk"](*args)



def kernel(x, edge_index, edge_weight_list, W_enc, b_enc,
           W0a, b0a, W0b, b0b, g0, be0,
           W1a, b1a, W1b, b1b, g1, be1):
    src = edge_index[0].astype(jnp.int32)
    dst = edge_index[1].astype(jnp.int32)
    sd = (src << 14) | dst
    wflat = edge_weight_list.astype(F32).reshape(-1)
    xp = jnp.pad(x.astype(F32), ((0, N_PAD - N_NODES_), (0, 0)))

    enc_p, xT = _stage0(xp, W_enc, b_enc.reshape(1, -1))

    xT_flat = xT.reshape(-1)
    agg0a = _sc_seg_full(xT_flat, sd,
                         wflat[:2 * N_EDGES_]).reshape(256, N_PAD)
    agg0b = _sc_seg_full(xT_flat, sd,
                         wflat[2 * N_EDGES_:]).reshape(256, N_PAD)
    h1pre, st1 = _stage1(xp, agg0a, agg0b, W0a, b0a.reshape(1, -1),
                         W0b, b0b.reshape(1, -1))
    vs1 = _stage_var_row(h1pre, st1)
    out1_p, h1T = _stage_post_row(h1pre, st1, vs1,
                                  jnp.tile(g0, N_COMS_).reshape(1, -1),
                                  jnp.tile(be0, N_COMS_).reshape(1, -1))

    agg1 = _sc_seg_perk(h1T.reshape(-1), sd, wflat).reshape(128, N_PAD)
    h2pre, st2 = _stage_pre2(h1T, agg1, W1a,
                             jnp.tile(b1a, N_COMS_).reshape(-1, 1),
                             W1b, jnp.tile(b1b, N_COMS_).reshape(-1, 1))
    vs2 = _stage_var(h2pre, st2)
    out2_p = _stage_post(h2pre, st2, vs2,
                         jnp.tile(g1, N_COMS_).reshape(-1, 1),
                         jnp.tile(be1, N_COMS_).reshape(-1, 1))

    return (enc_p[:N_NODES_], out1_p[:N_NODES_], out2_p[:N_NODES_])

# --- scband reference (transcript-rebuilt; emitter-appended) ---
"""Pipeline reference for scband-com-gnnbank-13365938225806 (READ-ONLY COPY).

The authoritative reference and input builder live on the scoring server;
editing this copy changes nothing except your own understanding.
"""

import jax, jax.numpy as jnp
import numpy as np

N_NODES = 10000
N_EDGES = 320000
IN_DIM = 128
EMB_DIM = 128
N_COMS = 4
COM_DIM = EMB_DIM // N_COMS  # 32
EPS_BN = 1e-5


def setup_inputs(seed: int = 0) -> dict:
    key = jax.random.key(seed)
    ks = jax.random.split(key, 20)
    x = jax.random.normal(ks[0], (N_NODES, IN_DIM), dtype=jnp.float32)
    edge_index = jax.random.randint(ks[1], (2, N_EDGES), 0, N_NODES, dtype=jnp.int64)
    edge_weight_list = jax.random.uniform(ks[2], (N_COMS, N_EDGES), dtype=jnp.float32)
    s = 0.05
    W_enc = jax.random.normal(ks[3], (IN_DIM, EMB_DIM), jnp.float32) * s
    b_enc = jnp.zeros((EMB_DIM,), jnp.float32)
    W0a = jax.random.normal(ks[4], (IN_DIM, COM_DIM), jnp.float32) * s
    b0a = jnp.zeros((COM_DIM,), jnp.float32)
    W0b = jax.random.normal(ks[5], (COM_DIM, COM_DIM), jnp.float32) * s
    b0b = jnp.zeros((COM_DIM,), jnp.float32)
    g0 = jnp.ones((COM_DIM,), jnp.float32)
    be0 = jnp.zeros((COM_DIM,), jnp.float32)
    W1a = jax.random.normal(ks[6], (COM_DIM, COM_DIM), jnp.float32) * s
    b1a = jnp.zeros((COM_DIM,), jnp.float32)
    W1b = jax.random.normal(ks[7], (COM_DIM, COM_DIM), jnp.float32) * s
    b1b = jnp.zeros((COM_DIM,), jnp.float32)
    g1 = jnp.ones((COM_DIM,), jnp.float32)
    be1 = jnp.zeros((COM_DIM,), jnp.float32)
    return dict(x=x, edge_index=edge_index, edge_weight_list=edge_weight_list,
                W_enc=W_enc, b_enc=b_enc,
                W0a=W0a, b0a=b0a, W0b=W0b, b0b=b0b, g0=g0, be0=be0,
                W1a=W1a, b1a=b1a, W1b=W1b, b1b=b1b, g1=g1, be1=be1)


def _gin_conv(x, src, dst, w, Wa, ba, Wb, bb):
    # GINConv with edge weights, eps=0 (train_eps=False)
    msg = x[src] * w[:, None]
    agg = jax.ops.segment_sum(msg, dst, num_segments=N_NODES)
    h = x + agg
    h = jnp.maximum(h @ Wa + ba, 0.0) @ Wb + bb
    return h


def _bn_relu(h, gamma, beta):
    # BatchNorm1d in training mode: batch statistics (biased variance)
    mu = jnp.mean(h, axis=0)
    var = jnp.var(h, axis=0)
    h = (h - mu) / jnp.sqrt(var + EPS_BN) * gamma + beta
    return jnp.maximum(h, 0.0)


def reference(x, edge_index, edge_weight_list, W_enc, b_enc,
              W0a, b0a, W0b, b0b, g0, be0,
              W1a, b1a, W1b, b1b, g1, be1):
    src = edge_index[0]
    dst = edge_index[1]
    enc = x @ W_enc + b_enc
    h1s = []
    h2s = []
    for k in range(N_COMS):
        w = edge_weight_list[k]
        h1 = _bn_relu(_gin_conv(x, src, dst, w, W0a, b0a, W0b, b0b), g0, be0)
        h2 = _bn_relu(_gin_conv(h1, src, dst, w, W1a, b1a, W1b, b1b), g1, be1)
        h1s.append(h1)
        h2s.append(h2)
    out1 = jnp.concatenate(h1s, axis=-1)
    out2 = jnp.concatenate(h2s, axis=-1)
    return (enc, out1, out2)

if __name__ == "__main__":
    import jax
    _d = setup_inputs()
    print(jax.jit(kernel)(*tuple(_d.values())))

</pallas_src>

<mosaic_0001>
#map = affine_map<(d0, d1) -> (0)>
module attributes {stable_mosaic.version = 14 : i64} {
  func.func @seg(%arg0: i32, %arg1: i32, %arg2: memref<1310720xf32, #tpu.memory_space<hbm>>, %arg3: memref<320000xi32, #tpu.memory_space<hbm>>, %arg4: memref<640000xf32, #tpu.memory_space<hbm>>, %arg5: memref<2621440xf32, #tpu.memory_space<hbm>>, %arg6: memref<10048xf32, #tpu.memory_space<vmem>>, %arg7: memref<10048xf32, #tpu.memory_space<vmem>>, %arg8: memref<10048xf32, #tpu.memory_space<vmem>>, %arg9: memref<10048xf32, #tpu.memory_space<vmem>>, %arg10: memref<10048xf32, #tpu.memory_space<vmem>>, %arg11: memref<10048xf32, #tpu.memory_space<vmem>>, %arg12: memref<10048xf32, #tpu.memory_space<vmem>>, %arg13: memref<10048xf32, #tpu.memory_space<vmem>>, %arg14: memref<10048xf32, #tpu.memory_space<vmem>>, %arg15: memref<10048xf32, #tpu.memory_space<vmem>>, %arg16: memref<10048xf32, #tpu.memory_space<vmem>>, %arg17: memref<10048xf32, #tpu.memory_space<vmem>>, %arg18: memref<800xi32, #tpu.memory_space<vmem>>, %arg19: memref<800xi32, #tpu.memory_space<vmem>>, %arg20: memref<800xf32, #tpu.memory_space<vmem>>, %arg21: memref<800xf32, #tpu.memory_space<vmem>>, %arg22: memref<800xf32, #tpu.memory_space<vmem>>, %arg23: memref<800xf32, #tpu.memory_space<vmem>>, %arg24: memref<!tpu.dma_semaphore, #tpu.memory_space<semaphore_mem>>, %arg25: memref<!tpu.dma_semaphore, #tpu.memory_space<semaphore_mem>>) attributes {dimension_semantics = [#tpu.dimension_semantics<core_parallel>, #tpu.dimension_semantics<subcore_parallel>], iteration_bounds = array<i64: 2, 16>, scalar_prefetch = 0 : i64, scratch_operands = 20 : i64, tpu.core_type = #tpu.core_type<sc_vector_subcore>, window_params = [{transform_indices = #map}, {transform_indices = #map}, {transform_indices = #map}, {transform_indices = #map}]} {
    %mul3A = arith.constant 2 : i32
    %mul3A_0 = arith.muli %arg1, %mul3A : i32
    %add3A = arith.addi %mul3A_0, %arg0 : i32
    %mul3A_1 = arith.constant 4 : i32
    %mul3A_2 = arith.muli %mul3A_1, %add3A : i32
    %add3A_3 = arith.constant 0 : i32
    %add3A_4 = arith.addi %mul3A_2, %add3A_3 : i32
    %mul3A_5 = arith.constant 10240 : i32
    %mul3A_6 = arith.muli %add3A_4, %mul3A_5 : i32
    %multiple_of3A = tpu.assume_multiple %mul3A_6, 8 : i32
    "tpu.region"() ({
      %run_scoped3A = tpu.sem_alloc : memref<!tpu.dma_semaphore, #tpu.memory_space<semaphore_mem>>
      %dma_start3A_120 = tpu.memref_slice %arg2[%multiple_of3A] : memref<1310720xf32, #tpu.memory_space<hbm>> -> memref<10048xf32, #tpu.memory_space<hbm>>
      %dma_start3A_121 = tpu.memref_slice %arg2[%multiple_of3A] : memref<1310720xf32, #tpu.memory_space<hbm>> -> memref<10048xf32, #tpu.memory_space<hbm>>
      tpu.enqueue_dma source(%dma_start3A_121 : memref<10048xf32, #tpu.memory_space<hbm>>) target(%arg6 : memref<10048xf32, #tpu.memory_space<vmem>>) target_semaphore(%run_scoped3A : memref<!tpu.dma_semaphore, #tpu.memory_space<semaphore_mem>>)
      %dma_wait3A = tpu.memref_slice %arg2[%multiple_of3A] : memref<1310720xf32, #tpu.memory_space<hbm>> -> memref<10048xf32, #tpu.memory_space<hbm>>
      %dma_wait3A_122 = tpu.memref_slice %arg2[%multiple_of3A] : memref<1310720xf32, #tpu.memory_space<hbm>> -> memref<10048xf32, #tpu.memory_space<hbm>>
      tpu.wait_dma2 semaphore(%run_scoped3A : memref<!tpu.dma_semaphore, #tpu.memory_space<semaphore_mem>>) src(%dma_wait3A_122 : memref<10048xf32, #tpu.memory_space<hbm>>) dst(%arg6 : memref<10048xf32, #tpu.memory_space<vmem>>)
      tpu.yield
    }) : () -> ()
    %mul3A_7 = arith.constant 4 : i32
    %mul3A_8 = arith.muli %mul3A_7, %add3A : i32
    %add3A_9 = arith.constant 1 : i32
    %add3A_10 = arith.addi %mul3A_8, %add3A_9 : i32
    %mul3A_11 = arith.constant 10240 : i32
    %mul3A_12 = arith.muli %add3A_10, %mul3A_11 : i32
    %multiple_of3A_13 = tpu.assume_multiple %mul3A_12, 8 : i32
    "tpu.region"() ({
      %run_scoped3A = tpu.sem_alloc : memref<!tpu.dma_semaphore, #tpu.memory_space<semaphore_mem>>
      %dma_start3A_120 = tpu.memref_slice %arg2[%multiple_of3A_13] : memref<1310720xf32, #tpu.memory_space<hbm>> -> memref<10048xf32, #tpu.memory_space<hbm>>
      %dma_start3A_121 = tpu.memref_slice %arg2[%multiple_of3A_13] : memref<1310720xf32, #tpu.memory_space<hbm>> -> memref<10048xf32, #tpu.memory_space<hbm>>
      tpu.enqueue_dma source(%dma_start3A_121 : memref<10048xf32, #tpu.memory_space<hbm>>) target(%arg7 : memref<10048xf32, #tpu.memory_space<vmem>>) target_semaphore(%run_scoped3A : memref<!tpu.dma_semaphore, #tpu.memory_space<semaphore_mem>>)
      %dma_wait3A = tpu.memref_slice %arg2[%multiple_of3A_13] : memref<1310720xf32, #tpu.memory_space<hbm>> -> memref<10048xf32, #tpu.memory_space<hbm>>
      %dma_wait3A_122 = tpu.memref_slice %arg2[%multiple_of3A_13] : memref<1310720xf32, #tpu.memory_space<hbm>> -> memref<10048xf32, #tpu.memory_space<hbm>>
      tpu.wait_dma2 semaphore(%run_scoped3A : memref<!tpu.dma_semaphore, #tpu.memory_space<semaphore_mem>>) src(%dma_wait3A_122 : memref<10048xf32, #tpu.memory_space<hbm>>) dst(%arg7 : memref<10048xf32, #tpu.memory_space<vmem>>)
      tpu.yield
    }) : () -> ()
    %mul3A_14 = arith.constant 4 : i32
    %mul3A_15 = arith.muli %mul3A_14, %add3A : i32
    %add3A_16 = arith.constant 2 : i32
    %add3A_17 = arith.addi %mul3A_15, %add3A_16 : i32
    %mul3A_18 = arith.constant 10240 : i32
    %mul3A_19 = arith.muli %add3A_17, %mul3A_18 : i32
    %multiple_of3A_20 = tpu.assume_multiple %mul3A_19, 8 : i32
    "tpu.region"() ({
      %run_scoped3A = tpu.sem_alloc : memref<!tpu.dma_semaphore, #tpu.memory_space<semaphore_mem>>
      %dma_start3A_120 = tpu.memref_slice %arg2[%multiple_of3A_20] : memref<1310720xf32, #tpu.memory_space<hbm>> -> memref<10048xf32, #tpu.memory_space<hbm>>
      %dma_start3A_121 = tpu.memref_slice %arg2[%multiple_of3A_20] : memref<1310720xf32, #tpu.memory_space<hbm>> -> memref<10048xf32, #tpu.memory_space<hbm>>
      tpu.enqueue_dma source(%dma_start3A_121 : memref<10048xf32, #tpu.memory_space<hbm>>) target(%arg8 : memref<10048xf32, #tpu.memory_space<vmem>>) target_semaphore(%run_scoped3A : memref<!tpu.dma_semaphore, #tpu.memory_space<semaphore_mem>>)
      %dma_wait3A = tpu.memref_slice %arg2[%multiple_of3A_20] : memref<1310720xf32, #tpu.memory_space<hbm>> -> memref<10048xf32, #tpu.memory_space<hbm>>
      %dma_wait3A_122 = tpu.memref_slice %arg2[%multiple_of3A_20] : memref<1310720xf32, #tpu.memory_space<hbm>> -> memref<10048xf32, #tpu.memory_space<hbm>>
      tpu.wait_dma2 semaphore(%run_scoped3A : memref<!tpu.dma_semaphore, #tpu.memory_space<semaphore_mem>>) src(%dma_wait3A_122 : memref<10048xf32, #tpu.memory_space<hbm>>) dst(%arg8 : memref<10048xf32, #tpu.memory_space<vmem>>)
      tpu.yield
    }) : () -> ()
    %mul3A_21 = arith.constant 4 : i32
    %mul3A_22 = arith.muli %mul3A_21, %add3A : i32
    %add3A_23 = arith.constant 3 : i32
    %add3A_24 = arith.addi %mul3A_22, %add3A_23 : i32
    %mul3A_25 = arith.constant 10240 : i32
    %mul3A_26 = arith.muli %add3A_24, %mul3A_25 : i32
    %multiple_of3A_27 = tpu.assume_multiple %mul3A_26, 8 : i32
    "tpu.region"() ({
      %run_scoped3A = tpu.sem_alloc : memref<!tpu.dma_semaphore, #tpu.memory_space<semaphore_mem>>
      %dma_start3A_120 = tpu.memref_slice %arg2[%multiple_of3A_27] : memref<1310720xf32, #tpu.memory_space<hbm>> -> memref<10048xf32, #tpu.memory_space<hbm>>
      %dma_start3A_121 = tpu.memref_slice %arg2[%multiple_of3A_27] : memref<1310720xf32, #tpu.memory_space<hbm>> -> memref<10048xf32, #tpu.memory_space<hbm>>
      tpu.enqueue_dma source(%dma_start3A_121 : memref<10048xf32, #tpu.memory_space<hbm>>) target(%arg9 : memref<10048xf32, #tpu.memory_space<vmem>>) target_semaphore(%run_scoped3A : memref<!tpu.dma_semaphore, #tpu.memory_space<semaphore_mem>>)
      %dma_wait3A = tpu.memref_slice %arg2[%multiple_of3A_27] : memref<1310720xf32, #tpu.memory_space<hbm>> -> memref<10048xf32, #tpu.memory_space<hbm>>
      %dma_wait3A_122 = tpu.memref_slice %arg2[%multiple_of3A_27] : memref<1310720xf32, #tpu.memory_space<hbm>> -> memref<10048xf32, #tpu.memory_space<hbm>>
      tpu.wait_dma2 semaphore(%run_scoped3A : memref<!tpu.dma_semaphore, #tpu.memory_space<semaphore_mem>>) src(%dma_wait3A_122 : memref<10048xf32, #tpu.memory_space<hbm>>) dst(%arg9 : memref<10048xf32, #tpu.memory_space<vmem>>)
      tpu.yield
    }) : () -> ()
    %scan3A = arith.constant 0 : i32
    %scan3A_28 = arith.constant 628 : i32
    %scan3A_29 = arith.addi %scan3A, %scan3A_28 : i32
    %scan3A_30 = arith.constant 1 : i32
    scf.for %scan3A_120 = %scan3A to %scan3A_29 step %scan3A_30  : i32 {
      %mul3A_121 = arith.constant 1 : i32
      %mul3A_122 = arith.muli %scan3A_120, %mul3A_121 : i32
      %add3A_123 = arith.constant 0 : i32
      %add3A_124 = arith.addi %add3A_123, %mul3A_122 : i32
      %broadcast_in_dim3A = arith.constant 0.000000e+00 : f32
      %broadcast_in_dim3A_125 = vector.broadcast %broadcast_in_dim3A : f32 to vector<16xf32>
      %mul3A_126 = arith.constant 16 : i32
      %mul3A_127 = arith.muli %add3A_124, %mul3A_126 : i32
      %swap3A = arith.index_cast %mul3A_127 : i32 to index
      %swap3A_128 = tpu.vector_load %arg10[%swap3A] {strides = array<i32>} : memref<10048xf32, #tpu.memory_space<vmem>>, vector<16xf32>,
      tpu.vector_store %arg10[%swap3A], %broadcast_in_dim3A_125 {strides = array<i32>} : memref<10048xf32, #tpu.memory_space<vmem>>, vector<16xf32>,
      %mul3A_129 = arith.constant 16 : i32
      %mul3A_130 = arith.muli %add3A_124, %mul3A_129 : i32
      %swap3A_131 = arith.index_cast %mul3A_130 : i32 to index
      %swap3A_132 = tpu.vector_load %arg11[%swap3A_131] {strides = array<i32>} : memref<10048xf32, #tpu.memory_space<vmem>>, vector<16xf32>,
      tpu.vector_store %arg11[%swap3A_131], %broadcast_in_dim3A_125 {strides = array<i32>} : memref<10048xf32, #tpu.memory_space<vmem>>, vector<16xf32>,
      %mul3A_133 = arith.constant 16 : i32
      %mul3A_134 = arith.muli %add3A_124, %mul3A_133 : i32
      %swap3A_135 = arith.index_cast %mul3A_134 : i32 to index
      %swap3A_136 = tpu.vector_load %arg12[%swap3A_135] {strides = array<i32>} : memref<10048xf32, #tpu.memory_space<vmem>>, vector<16xf32>,
      tpu.vector_store %arg12[%swap3A_135], %broadcast_in_dim3A_125 {strides = array<i32>} : memref<10048xf32, #tpu.memory_space<vmem>>, vector<16xf32>,
      %mul3A_137 = arith.constant 16 : i32
      %mul3A_138 = arith.muli %add3A_124, %mul3A_137 : i32
      %swap3A_139 = arith.index_cast %mul3A_138 : i32 to index
      %swap3A_140 = tpu.vector_load %arg13[%swap3A_139] {strides = array<i32>} : memref<10048xf32, #tpu.memory_space<vmem>>, vector<16xf32>,
      tpu.vector_store %arg13[%swap3A_139], %broadcast_in_dim3A_125 {strides = array<i32>} : memref<10048xf32, #tpu.memory_space<vmem>>, vector<16xf32>,
      %mul3A_141 = arith.constant 16 : i32
      %mul3A_142 = arith.muli %add3A_124, %mul3A_141 : i32
      %swap3A_143 = arith.index_cast %mul3A_142 : i32 to index
      %swap3A_144 = tpu.vector_load %arg14[%swap3A_143] {strides = array<i32>} : memref<10048xf32, #tpu.memory_space<vmem>>, vector<16xf32>,
      tpu.vector_store %arg14[%swap3A_143], %broadcast_in_dim3A_125 {strides = array<i32>} : memref<10048xf32, #tpu.memory_space<vmem>>, vector<16xf32>,
      %mul3A_145 = arith.constant 16 : i32
      %mul3A_146 = arith.muli %add3A_124, %mul3A_145 : i32
      %swap3A_147 = arith.index_cast %mul3A_146 : i32 to index
      %swap3A_148 = tpu.vector_load %arg15[%swap3A_147] {strides = array<i32>} : memref<10048xf32, #tpu.memory_space<vmem>>, vector<16xf32>,
      tpu.vector_store %arg15[%swap3A_147], %broadcast_in_dim3A_125 {strides = array<i32>} : memref<10048xf32, #tpu.memory_space<vmem>>, vector<16xf32>,
      %mul3A_149 = arith.constant 16 : i32
      %mul3A_150 = arith.muli %add3A_124, %mul3A_149 : i32
      %swap3A_151 = arith.index_cast %mul3A_150 : i32 to index
      %swap3A_152 = tpu.vector_load %arg16[%swap3A_151] {strides = array<i32>} : memref<10048xf32, #tpu.memory_space<vmem>>, vector<16xf32>,
      tpu.vector_store %arg16[%swap3A_151], %broadcast_in_dim3A_125 {strides = array<i32>} : memref<10048xf32, #tpu.memory_space<vmem>>, vector<16xf32>,
      %mul3A_153 = arith.constant 16 : i32
      %mul3A_154 = arith.muli %add3A_124, %mul3A_153 : i32
      %swap3A_155 = arith.index_cast %mul3A_154 : i32 to index
      %swap3A_156 = tpu.vector_load %arg17[%swap3A_155] {strides = array<i32>} : memref<10048xf32, #tpu.memory_space<vmem>>, vector<16xf32>,
      tpu.vector_store %arg17[%swap3A_155], %broadcast_in_dim3A_125 {strides = array<i32>} : memref<10048xf32, #tpu.memory_space<vmem>>, vector<16xf32>,
    }
    %scan3A_31 = arith.constant 628 : i32
    %dma_start3A = arith.constant 0 : i32
    %dma_start3A_32 = tpu.memref_slice %arg3[%dma_start3A] : memref<320000xi32, #tpu.memory_space<hbm>> -> memref<800xi32, #tpu.memory_space<hbm>>
    %dma_start3A_33 = arith.constant 0 : i32
    %dma_start3A_34 = tpu.memref_slice %arg3[%dma_start3A_33] : memref<320000xi32, #tpu.memory_space<hbm>> -> memref<800xi32, #tpu.memory_space<hbm>>
    tpu.enqueue_dma source(%dma_start3A_34 : memref<800xi32, #tpu.memory_space<hbm>>) target(%arg18 : memref<800xi32, #tpu.memory_space<vmem>>) target_semaphore(%arg24 : memref<!tpu.dma_semaphore, #tpu.memory_space<semaphore_mem>>)
    %dma_start3A_35 = arith.constant 0 : i32
    %dma_start3A_36 = tpu.memref_slice %arg4[%dma_start3A_35] : memref<640000xf32, #tpu.memory_space<hbm>> -> memref<800xf32, #tpu.memory_space<hbm>>
    %dma_start3A_37 = arith.constant 0 : i32
    %dma_start3A_38 = tpu.memref_slice %arg4[%dma_start3A_37] : memref<640000xf32, #tpu.memory_space<hbm>> -> memref<800xf32, #tpu.memory_space<hbm>>
    tpu.enqueue_dma source(%dma_start3A_38 : memref<800xf32, #tpu.memory_space<hbm>>) target(%arg20 : memref<800xf32, #tpu.memory_space<vmem>>) target_semaphore(%arg24 : memref<!tpu.dma_semaphore, #tpu.memory_space<semaphore_mem>>)
    %dma_start3A_39 = arith.constant 320000 : i32
    %dma_start3A_40 = tpu.memref_slice %arg4[%dma_start3A_39] : memref<640000xf32, #tpu.memory_space<hbm>> -> memref<800xf32, #tpu.memory_space<hbm>>
    %dma_start3A_41 = arith.constant 320000 : i32
    %dma_start3A_42 = tpu.memref_slice %arg4[%dma_start3A_41] : memref<640000xf32, #tpu.memory_space<hbm>> -> memref<800xf32, #tpu.memory_space<hbm>>
    tpu.enqueue_dma source(%dma_start3A_42 : memref<800xf32, #tpu.memory_space<hbm>>) target(%arg22 : memref<800xf32, #tpu.memory_space<vmem>>) target_semaphore(%arg24 : memref<!tpu.dma_semaphore, #tpu.memory_space<semaphore_mem>>)
    %scan3A_43 = arith.constant 0 : i32
    %scan3A_44 = arith.constant 200 : i32
    %scan3A_45 = arith.addi %scan3A_43, %scan3A_44 : i32
    %scan3A_46 = arith.constant 1 : i32
    scf.for %scan3A_120 = %scan3A_43 to %scan3A_45 step %scan3A_46  : i32 {
      %mul3A_121 = arith.constant 2 : i32
      %mul3A_122 = arith.muli %scan3A_120, %mul3A_121 : i32
      %add3A_123 = arith.constant 0 : i32
      %add3A_124 = arith.addi %add3A_123, %mul3A_122 : i32
      %add3A_125 = arith.constant 1 : i32
      %add3A_126 = arith.addi %add3A_124, %add3A_125 : i32
      %mul3A_127 = arith.constant 800 : i32
      %mul3A_128 = arith.muli %add3A_126, %mul3A_127 : i32
      %dma_start3A_129 = tpu.memref_slice %arg3[%mul3A_128] : memref<320000xi32, #tpu.memory_space<hbm>> -> memref<800xi32, #tpu.memory_space<hbm>>
      %dma_start3A_130 = tpu.memref_slice %arg3[%mul3A_128] : memref<320000xi32, #tpu.memory_space<hbm>> -> memref<800xi32, #tpu.memory_space<hbm>>
      tpu.enqueue_dma source(%dma_start3A_130 : memref<800xi32, #tpu.memory_space<hbm>>) target(%arg19 : memref<800xi32, #tpu.memory_space<vmem>>) target_semaphore(%arg25 : memref<!tpu.dma_semaphore, #tpu.memory_space<semaphore_mem>>)
      %add3A_131 = arith.constant 0 : i32
      %add3A_132 = arith.addi %add3A_131, %mul3A_128 : i32
      %dma_start3A_133 = tpu.memref_slice %arg4[%add3A_132] : memref<640000xf32, #tpu.memory_space<hbm>> -> memref<800xf32, #tpu.memory_space<hbm>>
      %dma_start3A_134 = tpu.memref_slice %arg4[%add3A_132] : memref<640000xf32, #tpu.memory_space<hbm>> -> memref<800xf32, #tpu.memory_space<hbm>>
      tpu.enqueue_dma source(%dma_start3A_134 : memref<800xf32, #tpu.memory_space<hbm>>) target(%arg21 : memref<800xf32, #tpu.memory_space<vmem>>) target_semaphore(%arg25 : memref<!tpu.dma_semaphore, #tpu.memory_space<semaphore_mem>>)
      %add3A_135 = arith.constant 320000 : i32
      %add3A_136 = arith.addi %add3A_135, %mul3A_128 : i32
      %dma_start3A_137 = tpu.memref_slice %arg4[%add3A_136] : memref<640000xf32, #tpu.memory_space<hbm>> -> memref<800xf32, #tpu.memory_space<hbm>>
      %dma_start3A_138 = tpu.memref_slice %arg4[%add3A_136] : memref<640000xf32, #tpu.memory_space<hbm>> -> memref<800xf32, #tpu.memory_space<hbm>>
      tpu.enqueue_dma source(%dma_start3A_138 : memref<800xf32, #tpu.memory_space<hbm>>) target(%arg23 : memref<800xf32, #tpu.memory_space<vmem>>) target_semaphore(%arg25 : memref<!tpu.dma_semaphore, #tpu.memory_space<semaphore_mem>>)
      %dma_wait3A = arith.constant 0 : i32
      %dma_wait3A_139 = tpu.memref_slice %arg3[%dma_wait3A] : memref<320000xi32, #tpu.memory_space<hbm>> -> memref<800xi32, #tpu.memory_space<hbm>>
      %dma_wait3A_140 = arith.constant 0 : i32
      %dma_wait3A_141 = tpu.memref_slice %arg3[%dma_wait3A_140] : memref<320000xi32, #tpu.memory_space<hbm>> -> memref<800xi32, #tpu.memory_space<hbm>>
      tpu.wait_dma2 semaphore(%arg24 : memref<!tpu.dma_semaphore, #tpu.memory_space<semaphore_mem>>) src(%dma_wait3A_141 : memref<800xi32, #tpu.memory_space<hbm>>) dst(%arg18 : memref<800xi32, #tpu.memory_space<vmem>>)
      %dma_wait3A_142 = arith.constant 0 : i32
      %dma_wait3A_143 = tpu.memref_slice %arg4[%dma_wait3A_142] : memref<640000xf32, #tpu.memory_space<hbm>> -> memref<800xf32, #tpu.memory_space<hbm>>
      %dma_wait3A_144 = arith.constant 0 : i32
      %dma_wait3A_145 = tpu.memref_slice %arg4[%dma_wait3A_144] : memref<640000xf32, #tpu.memory_space<hbm>> -> memref<800xf32, #tpu.memory_space<hbm>>
      tpu.wait_dma2 semaphore(%arg24 : memref<!tpu.dma_semaphore, #tpu.memory_space<semaphore_mem>>) src(%dma_wait3A_145 : memref<800xf32, #tpu.memory_space<hbm>>) dst(%arg20 : memref<800xf32, #tpu.memory_space<vmem>>)
      %dma_wait3A_146 = arith.constant 0 : i32
      %dma_wait3A_147 = tpu.memref_slice %arg4[%dma_wait3A_146] : memref<640000xf32, #tpu.memory_space<hbm>> -> memref<800xf32, #tpu.memory_space<hbm>>
      %dma_wait3A_148 = arith.constant 0 : i32
      %dma_wait3A_149 = tpu.memref_slice %arg4[%dma_wait3A_148] : memref<640000xf32, #tpu.memory_space<hbm>> -> memref<800xf32, #tpu.memory_space<hbm>>
      tpu.wait_dma2 semaphore(%arg24 : memref<!tpu.dma_semaphore, #tpu.memory_space<semaphore_mem>>) src(%dma_wait3A_149 : memref<800xf32, #tpu.memory_space<hbm>>) dst(%arg22 : memref<800xf32, #tpu.memory_space<vmem>>)
      %parallel_loop3A = arith.constant 0 : i32
      %parallel_loop3A_150 = arith.constant 50 : i32
      %parallel_loop3A_151 = arith.constant 1 : i32
      scf.for %parallel_loop3A_171 = %parallel_loop3A to %parallel_loop3A_150 step %parallel_loop3A_151  : i32 {
        %parallel_loop3A_172 = arith.constant 16 : i32
        %parallel_loop3A_173 = arith.muli %parallel_loop3A_171, %parallel_loop3A_172 : i32
        %parallel_loop3A_174 = arith.index_cast %parallel_loop3A_173 : i32 to index
        %parallel_loop3A_175 = tpu.vector_load %arg18[%parallel_loop3A_174] {strides = array<i32>} : memref<800xi32, #tpu.memory_space<vmem>>, vector<16xi32>,
        %parallel_loop3A_176 = arith.constant 14 : i32
        %parallel_loop3A_177 = vector.broadcast %parallel_loop3A_176 : i32 to vector<16xi32>
        %parallel_loop3A_178 = arith.shrui %parallel_loop3A_175, %parallel_loop3A_177 : vector<16xi32>
        %parallel_loop3A_179 = arith.constant 16383 : i32
        %parallel_loop3A_180 = vector.broadcast %parallel_loop3A_179 : i32 to vector<16xi32>
        %parallel_loop3A_181 = arith.andi %parallel_loop3A_175, %parallel_loop3A_180 : vector<16xi32>
        %parallel_loop3A_182 = arith.index_cast %parallel_loop3A_173 : i32 to index
        %parallel_loop3A_183 = tpu.vector_load %arg20[%parallel_loop3A_182] {strides = array<i32>} : memref<800xf32, #tpu.memory_space<vmem>>, vector<16xf32>,
        %parallel_loop3A_184 = arith.index_cast %parallel_loop3A_173 : i32 to index
        %parallel_loop3A_185 = tpu.vector_load %arg22[%parallel_loop3A_184] {strides = array<i32>} : memref<800xf32, #tpu.memory_space<vmem>>, vector<16xf32>,
        %parallel_loop3A_186 = tpu.vector_load_idx %arg6[%parallel_loop3A_178] : memref<10048xf32, #tpu.memory_space<vmem>>[vector<16xi32>], vector<16xf32>,
        %parallel_loop3A_187 = arith.mulf %parallel_loop3A_186, %parallel_loop3A_183 : vector<16xf32>
        tpu.vector_store_idx %arg10[%parallel_loop3A_181], %parallel_loop3A_187 {add = true} : memref<10048xf32, #tpu.memory_space<vmem>>[vector<16xi32>], vector<16xf32>,
        %parallel_loop3A_188 = arith.mulf %parallel_loop3A_186, %parallel_loop3A_185 : vector<16xf32>
        tpu.vector_store_idx %arg14[%parallel_loop3A_181], %parallel_loop3A_188 {add = true} : memref<10048xf32, #tpu.memory_space<vmem>>[vector<16xi32>], vector<16xf32>,
        %parallel_loop3A_189 = tpu.vector_load_idx %arg7[%parallel_loop3A_178] : memref<10048xf32, #tpu.memory_space<vmem>>[vector<16xi32>], vector<16xf32>,
        %parallel_loop3A_190 = arith.mulf %parallel_loop3A_189, %parallel_loop3A_183 : vector<16xf32>
        tpu.vector_store_idx %arg11[%parallel_loop3A_181], %parallel_loop3A_190 {add = true} : memref<10048xf32, #tpu.memory_space<vmem>>[vector<16xi32>], vector<16xf32>,
        %parallel_loop3A_191 = arith.mulf %parallel_loop3A_189, %parallel_loop3A_185 : vector<16xf32>
        tpu.vector_store_idx %arg15[%parallel_loop3A_181], %parallel_loop3A_191 {add = true} : memref<10048xf32, #tpu.memory_space<vmem>>[vector<16xi32>], vector<16xf32>,
        %parallel_loop3A_192 = tpu.vector_load_idx %arg8[%parallel_loop3A_178] : memref<10048xf32, #tpu.memory_space<vmem>>[vector<16xi32>], vector<16xf32>,
        %parallel_loop3A_193 = arith.mulf %parallel_loop3A_192, %parallel_loop3A_183 : vector<16xf32>
        tpu.vector_store_idx %arg12[%parallel_loop3A_181], %parallel_loop3A_193 {add = true} : memref<10048xf32, #tpu.memory_space<vmem>>[vector<16xi32>], vector<16xf32>,
        %parallel_loop3A_194 = arith.mulf %parallel_loop3A_192, %parallel_loop3A_185 : vector<16xf32>
        tpu.vector_store_idx %arg16[%parallel_loop3A_181], %parallel_loop3A_194 {add = true} : memref<10048xf32, #tpu.memory_space<vmem>>[vector<16xi32>], vector<16xf32>,
        %parallel_loop3A_195 = tpu.vector_load_idx %arg9[%parallel_loop3A_178] : memref<10048xf32, #tpu.memory_space<vmem>>[vector<16xi32>], vector<16xf32>,
        %parallel_loop3A_196 = arith.mulf %parallel_loop3A_195, %parallel_loop3A_183 : vector<16xf32>
        tpu.vector_store_idx %arg13[%parallel_loop3A_181], %parallel_loop3A_196 {add = true} : memref<10048xf32, #tpu.memory_space<vmem>>[vector<16xi32>], vector<16xf32>,
        %parallel_loop3A_197 = arith.mulf %parallel_loop3A_195, %parallel_loop3A_185 : vector<16xf32>
        tpu.vector_store_idx %arg17[%parallel_loop3A_181], %parallel_loop3A_197 {add = true} : memref<10048xf32, #tpu.memory_space<vmem>>[vector<16xi32>], vector<16xf32>,
      } {sc.loop_unroll_factor = 8 : i64, sc.parallel_access}
      %add3A_152 = arith.constant 2 : i32
      %add3A_153 = arith.addi %add3A_124, %add3A_152 : i32
      %lt3A = arith.constant 400 : i32
      %lt3A_154 = arith.cmpi slt, %add3A_153, %lt3A : i32
      %convert_element_type3A = arith.extui %lt3A_154 : i1 to i32
      %cond3A = arith.constant 0 : i32
      %cond3A_155 = arith.cmpi ne, %convert_element_type3A, %cond3A : i32
      scf.if %cond3A_155 {
        %add3A_171 = arith.constant 2 : i32
        %add3A_172 = arith.addi %add3A_124, %add3A_171 : i32
        %mul3A_173 = arith.constant 800 : i32
        %mul3A_174 = arith.muli %add3A_172, %mul3A_173 : i32
        %dma_start3A_175 = tpu.memref_slice %arg3[%mul3A_174] : memref<320000xi32, #tpu.memory_space<hbm>> -> memref<800xi32, #tpu.memory_space<hbm>>
        %dma_start3A_176 = tpu.memref_slice %arg3[%mul3A_174] : memref<320000xi32, #tpu.memory_space<hbm>> -> memref<800xi32, #tpu.memory_space<hbm>>
        tpu.enqueue_dma source(%dma_start3A_176 : memref<800xi32, #tpu.memory_space<hbm>>) target(%arg18 : memref<800xi32, #tpu.memory_space<vmem>>) target_semaphore(%arg24 : memref<!tpu.dma_semaphore, #tpu.memory_space<semaphore_mem>>)
        %add3A_177 = arith.constant 0 : i32
        %add3A_178 = arith.addi %add3A_177, %mul3A_174 : i32
        %dma_start3A_179 = tpu.memref_slice %arg4[%add3A_178] : memref<640000xf32, #tpu.memory_space<hbm>> -> memref<800xf32, #tpu.memory_space<hbm>>
        %dma_start3A_180 = tpu.memref_slice %arg4[%add3A_178] : memref<640000xf32, #tpu.memory_space<hbm>> -> memref<800xf32, #tpu.memory_space<hbm>>
        tpu.enqueue_dma source(%dma_start3A_180 : memref<800xf32, #tpu.memory_space<hbm>>) target(%arg20 : memref<800xf32, #tpu.memory_space<vmem>>) target_semaphore(%arg24 : memref<!tpu.dma_semaphore, #tpu.memory_space<semaphore_mem>>)
        %add3A_181 = arith.constant 320000 : i32
        %add3A_182 = arith.addi %add3A_181, %mul3A_174 : i32
        %dma_start3A_183 = tpu.memref_slice %arg4[%add3A_182] : memref<640000xf32, #tpu.memory_space<hbm>> -> memref<800xf32, #tpu.memory_space<hbm>>
        %dma_start3A_184 = tpu.memref_slice %arg4[%add3A_182] : memref<640000xf32, #tpu.memory_space<hbm>> -> memref<800xf32, #tpu.memory_space<hbm>>
        tpu.enqueue_dma source(%dma_start3A_184 : memref<800xf32, #tpu.memory_space<hbm>>) target(%arg22 : memref<800xf32, #tpu.memory_space<vmem>>) target_semaphore(%arg24 : memref<!tpu.dma_semaphore, #tpu.memory_space<semaphore_mem>>)
      } else {
      }
      %dma_wait3A_156 = arith.constant 0 : i32
      %dma_wait3A_157 = tpu.memref_slice %arg3[%dma_wait3A_156] : memref<320000xi32, #tpu.memory_space<hbm>> -> memref<800xi32, #tpu.memory_space<hbm>>
      %dma_wait3A_158 = arith.constant 0 : i32
      %dma_wait3A_159 = tpu.memref_slice %arg3[%dma_wait3A_158] : memref<320000xi32, #tpu.memory_space<hbm>> -> memref<800xi32, #tpu.memory_space<hbm>>
      tpu.wait_dma2 semaphore(%arg25 : memref<!tpu.dma_semaphore, #tpu.memory_space<semaphore_mem>>) src(%dma_wait3A_159 : memref<800xi32, #tpu.memory_space<hbm>>) dst(%arg19 : memref<800xi32, #tpu.memory_space<vmem>>)
      %dma_wait3A_160 = arith.constant 0 : i32
      %dma_wait3A_161 = tpu.memref_slice %arg4[%dma_wait3A_160] : memref<640000xf32, #tpu.memory_space<hbm>> -> memref<800xf32, #tpu.memory_space<hbm>>
      %dma_wait3A_162 = arith.constant 0 : i32
      %dma_wait3A_163 = tpu.memref_slice %arg4[%dma_wait3A_162] : memref<640000xf32, #tpu.memory_space<hbm>> -> memref<800xf32, #tpu.memory_space<hbm>>
      tpu.wait_dma2 semaphore(%arg25 : memref<!tpu.dma_semaphore, #tpu.memory_space<semaphore_mem>>) src(%dma_wait3A_163 : memref<800xf32, #tpu.memory_space<hbm>>) dst(%arg21 : memref<800xf32, #tpu.memory_space<vmem>>)
      %dma_wait3A_164 = arith.constant 0 : i32
      %dma_wait3A_165 = tpu.memref_slice %arg4[%dma_wait3A_164] : memref<640000xf32, #tpu.memory_space<hbm>> -> memref<800xf32, #tpu.memory_space<hbm>>
      %dma_wait3A_166 = arith.constant 0 : i32
      %dma_wait3A_167 = tpu.memref_slice %arg4[%dma_wait3A_166] : memref<640000xf32, #tpu.memory_space<hbm>> -> memref<800xf32, #tpu.memory_space<hbm>>
      tpu.wait_dma2 semaphore(%arg25 : memref<!tpu.dma_semaphore, #tpu.memory_space<semaphore_mem>>) src(%dma_wait3A_167 : memref<800xf32, #tpu.memory_space<hbm>>) dst(%arg23 : memref<800xf32, #tpu.memory_space<vmem>>)
      %parallel_loop3A_168 = arith.constant 0 : i32
      %parallel_loop3A_169 = arith.constant 50 : i32
      %parallel_loop3A_170 = arith.constant 1 : i32
      scf.for %parallel_loop3A_171 = %parallel_loop3A_168 to %parallel_loop3A_169 step %parallel_loop3A_170  : i32 {
        %parallel_loop3A_172 = arith.constant 16 : i32
        %parallel_loop3A_173 = arith.muli %parallel_loop3A_171, %parallel_loop3A_172 : i32
        %parallel_loop3A_174 = arith.index_cast %parallel_loop3A_173 : i32 to index
        %parallel_loop3A_175 = tpu.vector_load %arg19[%parallel_loop3A_174] {strides = array<i32>} : memref<800xi32, #tpu.memory_space<vmem>>, vector<16xi32>,
        %parallel_loop3A_176 = arith.constant 14 : i32
        %parallel_loop3A_177 = vector.broadcast %parallel_loop3A_176 : i32 to vector<16xi32>
        %parallel_loop3A_178 = arith.shrui %parallel_loop3A_175, %parallel_loop3A_177 : vector<16xi32>
        %parallel_loop3A_179 = arith.constant 16383 : i32
        %parallel_loop3A_180 = vector.broadcast %parallel_loop3A_179 : i32 to vector<16xi32>
        %parallel_loop3A_181 = arith.andi %parallel_loop3A_175, %parallel_loop3A_180 : vector<16xi32>
        %parallel_loop3A_182 = arith.index_cast %parallel_loop3A_173 : i32 to index
        %parallel_loop3A_183 = tpu.vector_load %arg21[%parallel_loop3A_182] {strides = array<i32>} : memref<800xf32, #tpu.memory_space<vmem>>, vector<16xf32>,
        %parallel_loop3A_184 = arith.index_cast %parallel_loop3A_173 : i32 to index
        %parallel_loop3A_185 = tpu.vector_load %arg23[%parallel_loop3A_184] {strides = array<i32>} : memref<800xf32, #tpu.memory_space<vmem>>, vector<16xf32>,
        %parallel_loop3A_186 = tpu.vector_load_idx %arg6[%parallel_loop3A_178] : memref<10048xf32, #tpu.memory_space<vmem>>[vector<16xi32>], vector<16xf32>,
        %parallel_loop3A_187 = arith.mulf %parallel_loop3A_186, %parallel_loop3A_183 : vector<16xf32>
        tpu.vector_store_idx %arg10[%parallel_loop3A_181], %parallel_loop3A_187 {add = true} : memref<10048xf32, #tpu.memory_space<vmem>>[vector<16xi32>], vector<16xf32>,
        %parallel_loop3A_188 = arith.mulf %parallel_loop3A_186, %parallel_loop3A_185 : vector<16xf32>
        tpu.vector_store_idx %arg14[%parallel_loop3A_181], %parallel_loop3A_188 {add = true} : memref<10048xf32, #tpu.memory_space<vmem>>[vector<16xi32>], vector<16xf32>,
        %parallel_loop3A_189 = tpu.vector_load_idx %arg7[%parallel_loop3A_178] : memref<10048xf32, #tpu.memory_space<vmem>>[vector<16xi32>], vector<16xf32>,
        %parallel_loop3A_190 = arith.mulf %parallel_loop3A_189, %parallel_loop3A_183 : vector<16xf32>
        tpu.vector_store_idx %arg11[%parallel_loop3A_181], %parallel_loop3A_190 {add = true} : memref<10048xf32, #tpu.memory_space<vmem>>[vector<16xi32>], vector<16xf32>,
        %parallel_loop3A_191 = arith.mulf %parallel_loop3A_189, %parallel_loop3A_185 : vector<16xf32>
        tpu.vector_store_idx %arg15[%parallel_loop3A_181], %parallel_loop3A_191 {add = true} : memref<10048xf32, #tpu.memory_space<vmem>>[vector<16xi32>], vector<16xf32>,
        %parallel_loop3A_192 = tpu.vector_load_idx %arg8[%parallel_loop3A_178] : memref<10048xf32, #tpu.memory_space<vmem>>[vector<16xi32>], vector<16xf32>,
        %parallel_loop3A_193 = arith.mulf %parallel_loop3A_192, %parallel_loop3A_183 : vector<16xf32>
        tpu.vector_store_idx %arg12[%parallel_loop3A_181], %parallel_loop3A_193 {add = true} : memref<10048xf32, #tpu.memory_space<vmem>>[vector<16xi32>], vector<16xf32>,
        %parallel_loop3A_194 = arith.mulf %parallel_loop3A_192, %parallel_loop3A_185 : vector<16xf32>
        tpu.vector_store_idx %arg16[%parallel_loop3A_181], %parallel_loop3A_194 {add = true} : memref<10048xf32, #tpu.memory_space<vmem>>[vector<16xi32>], vector<16xf32>,
        %parallel_loop3A_195 = tpu.vector_load_idx %arg9[%parallel_loop3A_178] : memref<10048xf32, #tpu.memory_space<vmem>>[vector<16xi32>], vector<16xf32>,
        %parallel_loop3A_196 = arith.mulf %parallel_loop3A_195, %parallel_loop3A_183 : vector<16xf32>
        tpu.vector_store_idx %arg13[%parallel_loop3A_181], %parallel_loop3A_196 {add = true} : memref<10048xf32, #tpu.memory_space<vmem>>[vector<16xi32>], vector<16xf32>,
        %parallel_loop3A_197 = arith.mulf %parallel_loop3A_195, %parallel_loop3A_185 : vector<16xf32>
        tpu.vector_store_idx %arg17[%parallel_loop3A_181], %parallel_loop3A_197 {add = true} : memref<10048xf32, #tpu.memory_space<vmem>>[vector<16xi32>], vector<16xf32>,
      } {sc.loop_unroll_factor = 8 : i64, sc.parallel_access}
    }
    %scan3A_47 = arith.constant 200 : i32
    %mul3A_48 = arith.constant 4 : i32
    %mul3A_49 = arith.muli %mul3A_48, %add3A : i32
    %add3A_50 = arith.constant 0 : i32
    %add3A_51 = arith.addi %add3A_50, %mul3A_49 : i32
    %add3A_52 = arith.constant 0 : i32
    %add3A_53 = arith.addi %add3A_51, %add3A_52 : i32
    %mul3A_54 = arith.constant 10240 : i32
    %mul3A_55 = arith.muli %add3A_53, %mul3A_54 : i32
    %multiple_of3A_56 = tpu.assume_multiple %mul3A_55, 8 : i32
    "tpu.region"() ({
      %run_scoped3A = tpu.sem_alloc : memref<!tpu.dma_semaphore, #tpu.memory_space<semaphore_mem>>
      %dma_start3A_120 = tpu.memref_slice %arg5[%multiple_of3A_56] : memref<2621440xf32, #tpu.memory_space<hbm>> -> memref<10048xf32, #tpu.memory_space<hbm>>
      %dma_start3A_121 = tpu.memref_slice %arg5[%multiple_of3A_56] : memref<2621440xf32, #tpu.memory_space<hbm>> -> memref<10048xf32, #tpu.memory_space<hbm>>
      tpu.enqueue_dma source(%arg10 : memref<10048xf32, #tpu.memory_space<vmem>>) target(%dma_start3A_121 : memref<10048xf32, #tpu.memory_space<hbm>>) target_semaphore(%run_scoped3A : memref<!tpu.dma_semaphore, #tpu.memory_space<semaphore_mem>>)
      %dma_wait3A = tpu.memref_slice %arg5[%multiple_of3A_56] : memref<2621440xf32, #tpu.memory_space<hbm>> -> memref<10048xf32, #tpu.memory_space<hbm>>
      %dma_wait3A_122 = tpu.memref_slice %arg5[%multiple_of3A_56] : memref<2621440xf32, #tpu.memory_space<hbm>> -> memref<10048xf32, #tpu.memory_space<hbm>>
      tpu.wait_dma2 semaphore(%run_scoped3A : memref<!tpu.dma_semaphore, #tpu.memory_space<semaphore_mem>>) src(%arg10 : memref<10048xf32, #tpu.memory_space<vmem>>) dst(%dma_wait3A_122 : memref<10048xf32, #tpu.memory_space<hbm>>)
      tpu.yield
    }) : () -> ()
    %mul3A_57 = arith.constant 4 : i32
    %mul3A_58 = arith.muli %mul3A_57, %add3A : i32
    %add3A_59 = arith.constant 0 : i32
    %add3A_60 = arith.addi %add3A_59, %mul3A_58 : i32
    %add3A_61 = arith.constant 1 : i32
    %add3A_62 = arith.addi %add3A_60, %add3A_61 : i32
    %mul3A_63 = arith.constant 10240 : i32
    %mul3A_64 = arith.muli %add3A_62, %mul3A_63 : i32
    %multiple_of3A_65 = tpu.assume_multiple %mul3A_64, 8 : i32
    "tpu.region"() ({
      %run_scoped3A = tpu.sem_alloc : memref<!tpu.dma_semaphore, #tpu.memory_space<semaphore_mem>>
      %dma_start3A_120 = tpu.memref_slice %arg5[%multiple_of3A_65] : memref<2621440xf32, #tpu.memory_space<hbm>> -> memref<10048xf32, #tpu.memory_space<hbm>>
      %dma_start3A_121 = tpu.memref_slice %arg5[%multiple_of3A_65] : memref<2621440xf32, #tpu.memory_space<hbm>> -> memref<10048xf32, #tpu.memory_space<hbm>>
      tpu.enqueue_dma source(%arg11 : memref<10048xf32, #tpu.memory_space<vmem>>) target(%dma_start3A_121 : memref<10048xf32, #tpu.memory_space<hbm>>) target_semaphore(%run_scoped3A : memref<!tpu.dma_semaphore, #tpu.memory_space<semaphore_mem>>)
      %dma_wait3A = tpu.memref_slice %arg5[%multiple_of3A_65] : memref<2621440xf32, #tpu.memory_space<hbm>> -> memref<10048xf32, #tpu.memory_space<hbm>>
      %dma_wait3A_122 = tpu.memref_slice %arg5[%multiple_of3A_65] : memref<2621440xf32, #tpu.memory_space<hbm>> -> memref<10048xf32, #tpu.memory_space<hbm>>
      tpu.wait_dma2 semaphore(%run_scoped3A : memref<!tpu.dma_semaphore, #tpu.memory_space<semaphore_mem>>) src(%arg11 : memref<10048xf32, #tpu.memory_space<vmem>>) dst(%dma_wait3A_122 : memref<10048xf32, #tpu.memory_space<hbm>>)
      tpu.yield
    }) : () -> ()
    %mul3A_66 = arith.constant 4 : i32
    %mul3A_67 = arith.muli %mul3A_66, %add3A : i32
    %add3A_68 = arith.constant 0 : i32
    %add3A_69 = arith.addi %add3A_68, %mul3A_67 : i32
    %add3A_70 = arith.constant 2 : i32
    %add3A_71 = arith.addi %add3A_69, %add3A_70 : i32
    %mul3A_72 = arith.constant 10240 : i32
    %mul3A_73 = arith.muli %add3A_71, %mul3A_72 : i32
    %multiple_of3A_74 = tpu.assume_multiple %mul3A_73, 8 : i32
    "tpu.region"() ({
      %run_scoped3A = tpu.sem_alloc : memref<!tpu.dma_semaphore, #tpu.memory_space<semaphore_mem>>
      %dma_start3A_120 = tpu.memref_slice %arg5[%multiple_of3A_74] : memref<2621440xf32, #tpu.memory_space<hbm>> -> memref<10048xf32, #tpu.memory_space<hbm>>
      %dma_start3A_121 = tpu.memref_slice %arg5[%multiple_of3A_74] : memref<2621440xf32, #tpu.memory_space<hbm>> -> memref<10048xf32, #tpu.memory_space<hbm>>
      tpu.enqueue_dma source(%arg12 : memref<10048xf32, #tpu.memory_space<vmem>>) target(%dma_start3A_121 : memref<10048xf32, #tpu.memory_space<hbm>>) target_semaphore(%run_scoped3A : memref<!tpu.dma_semaphore, #tpu.memory_space<semaphore_mem>>)
      %dma_wait3A = tpu.memref_slice %arg5[%multiple_of3A_74] : memref<2621440xf32, #tpu.memory_space<hbm>> -> memref<10048xf32, #tpu.memory_space<hbm>>
      %dma_wait3A_122 = tpu.memref_slice %arg5[%multiple_of3A_74] : memref<2621440xf32, #tpu.memory_space<hbm>> -> memref<10048xf32, #tpu.memory_space<hbm>>
      tpu.wait_dma2 semaphore(%run_scoped3A : memref<!tpu.dma_semaphore, #tpu.memory_space<semaphore_mem>>) src(%arg12 : memref<10048xf32, #tpu.memory_space<vmem>>) dst(%dma_wait3A_122 : memref<10048xf32, #tpu.memory_space<hbm>>)
      tpu.yield
    }) : () -> ()
    %mul3A_75 = arith.constant 4 : i32
    %mul3A_76 = arith.muli %mul3A_75, %add3A : i32
    %add3A_77 = arith.constant 0 : i32
    %add3A_78 = arith.addi %add3A_77, %mul3A_76 : i32
    %add3A_79 = arith.constant 3 : i32
    %add3A_80 = arith.addi %add3A_78, %add3A_79 : i32
    %mul3A_81 = arith.constant 10240 : i32
    %mul3A_82 = arith.muli %add3A_80, %mul3A_81 : i32
    %multiple_of3A_83 = tpu.assume_multiple %mul3A_82, 8 : i32
    "tpu.region"() ({
      %run_scoped3A = tpu.sem_alloc : memref<!tpu.dma_semaphore, #tpu.memory_space<semaphore_mem>>
      %dma_start3A_120 = tpu.memref_slice %arg5[%multiple_of3A_83] : memref<2621440xf32, #tpu.memory_space<hbm>> -> memref<10048xf32, #tpu.memory_space<hbm>>
      %dma_start3A_121 = tpu.memref_slice %arg5[%multiple_of3A_83] : memref<2621440xf32, #tpu.memory_space<hbm>> -> memref<10048xf32, #tpu.memory_space<hbm>>
      tpu.enqueue_dma source(%arg13 : memref<10048xf32, #tpu.memory_space<vmem>>) target(%dma_start3A_121 : memref<10048xf32, #tpu.memory_space<hbm>>) target_semaphore(%run_scoped3A : memref<!tpu.dma_semaphore, #tpu.memory_space<semaphore_mem>>)
      %dma_wait3A = tpu.memref_slice %arg5[%multiple_of3A_83] : memref<2621440xf32, #tpu.memory_space<hbm>> -> memref<10048xf32, #tpu.memory_space<hbm>>
      %dma_wait3A_122 = tpu.memref_slice %arg5[%multiple_of3A_83] : memref<2621440xf32, #tpu.memory_space<hbm>> -> memref<10048xf32, #tpu.memory_space<hbm>>
      tpu.wait_dma2 semaphore(%run_scoped3A : memref<!tpu.dma_semaphore, #tpu.memory_space<semaphore_mem>>) src(%arg13 : memref<10048xf32, #tpu.memory_space<vmem>>) dst(%dma_wait3A_122 : memref<10048xf32, #tpu.memory_space<hbm>>)
      tpu.yield
    }) : () -> ()
    %mul3A_84 = arith.constant 4 : i32
    %mul3A_85 = arith.muli %mul3A_84, %add3A : i32
    %add3A_86 = arith.constant 128 : i32
    %add3A_87 = arith.addi %add3A_86, %mul3A_85 : i32
    %add3A_88 = arith.constant 0 : i32
    %add3A_89 = arith.addi %add3A_87, %add3A_88 : i32
    %mul3A_90 = arith.constant 10240 : i32
    %mul3A_91 = arith.muli %add3A_89, %mul3A_90 : i32
    %multiple_of3A_92 = tpu.assume_multiple %mul3A_91, 8 : i32
    "tpu.region"() ({
      %run_scoped3A = tpu.sem_alloc : memref<!tpu.dma_semaphore, #tpu.memory_space<semaphore_mem>>
      %dma_start3A_120 = tpu.memref_slice %arg5[%multiple_of3A_92] : memref<2621440xf32, #tpu.memory_space<hbm>> -> memref<10048xf32, #tpu.memory_space<hbm>>
      %dma_start3A_121 = tpu.memref_slice %arg5[%multiple_of3A_92] : memref<2621440xf32, #tpu.memory_space<hbm>> -> memref<10048xf32, #tpu.memory_space<hbm>>
      tpu.enqueue_dma source(%arg14 : memref<10048xf32, #tpu.memory_space<vmem>>) target(%dma_start3A_121 : memref<10048xf32, #tpu.memory_space<hbm>>) target_semaphore(%run_scoped3A : memref<!tpu.dma_semaphore, #tpu.memory_space<semaphore_mem>>)
      %dma_wait3A = tpu.memref_slice %arg5[%multiple_of3A_92] : memref<2621440xf32, #tpu.memory_space<hbm>> -> memref<10048xf32, #tpu.memory_space<hbm>>
      %dma_wait3A_122 = tpu.memref_slice %arg5[%multiple_of3A_92] : memref<2621440xf32, #tpu.memory_space<hbm>> -> memref<10048xf32, #tpu.memory_space<hbm>>
      tpu.wait_dma2 semaphore(%run_scoped3A : memref<!tpu.dma_semaphore, #tpu.memory_space<semaphore_mem>>) src(%arg14 : memref<10048xf32, #tpu.memory_space<vmem>>) dst(%dma_wait3A_122 : memref<10048xf32, #tpu.memory_space<hbm>>)
      tpu.yield
    }) : () -> ()
    %mul3A_93 = arith.constant 4 : i32
    %mul3A_94 = arith.muli %mul3A_93, %add3A : i32
    %add3A_95 = arith.constant 128 : i32
    %add3A_96 = arith.addi %add3A_95, %mul3A_94 : i32
    %add3A_97 = arith.constant 1 : i32
    %add3A_98 = arith.addi %add3A_96, %add3A_97 : i32
    %mul3A_99 = arith.constant 10240 : i32
    %mul3A_100 = arith.muli %add3A_98, %mul3A_99 : i32
    %multiple_of3A_101 = tpu.assume_multiple %mul3A_100, 8 : i32
    "tpu.region"() ({
      %run_scoped3A = tpu.sem_alloc : memref<!tpu.dma_semaphore, #tpu.memory_space<semaphore_mem>>
      %dma_start3A_120 = tpu.memref_slice %arg5[%multiple_of3A_101] : memref<2621440xf32, #tpu.memory_space<hbm>> -> memref<10048xf32, #tpu.memory_space<hbm>>
      %dma_start3A_121 = tpu.memref_slice %arg5[%multiple_of3A_101] : memref<2621440xf32, #tpu.memory_space<hbm>> -> memref<10048xf32, #tpu.memory_space<hbm>>
      tpu.enqueue_dma source(%arg15 : memref<10048xf32, #tpu.memory_space<vmem>>) target(%dma_start3A_121 : memref<10048xf32, #tpu.memory_space<hbm>>) target_semaphore(%run_scoped3A : memref<!tpu.dma_semaphore, #tpu.memory_space<semaphore_mem>>)
      %dma_wait3A = tpu.memref_slice %arg5[%multiple_of3A_101] : memref<2621440xf32, #tpu.memory_space<hbm>> -> memref<10048xf32, #tpu.memory_space<hbm>>
      %dma_wait3A_122 = tpu.memref_slice %arg5[%multiple_of3A_101] : memref<2621440xf32, #tpu.memory_space<hbm>> -> memref<10048xf32, #tpu.memory_space<hbm>>
      tpu.wait_dma2 semaphore(%run_scoped3A : memref<!tpu.dma_semaphore, #tpu.memory_space<semaphore_mem>>) src(%arg15 : memref<10048xf32, #tpu.memory_space<vmem>>) dst(%dma_wait3A_122 : memref<10048xf32, #tpu.memory_space<hbm>>)
      tpu.yield
    }) : () -> ()
    %mul3A_102 = arith.constant 4 : i32
    %mul3A_103 = arith.muli %mul3A_102, %add3A : i32
    %add3A_104 = arith.constant 128 : i32
    %add3A_105 = arith.addi %add3A_104, %mul3A_103 : i32
    %add3A_106 = arith.constant 2 : i32
    %add3A_107 = arith.addi %add3A_105, %add3A_106 : i32
    %mul3A_108 = arith.constant 10240 : i32
    %mul3A_109 = arith.muli %add3A_107, %mul3A_108 : i32
    %multiple_of3A_110 = tpu.assume_multiple %mul3A_109, 8 : i32
    "tpu.region"() ({
      %run_scoped3A = tpu.sem_alloc : memref<!tpu.dma_semaphore, #tpu.memory_space<semaphore_mem>>
      %dma_start3A_120 = tpu.memref_slice %arg5[%multiple_of3A_110] : memref<2621440xf32, #tpu.memory_space<hbm>> -> memref<10048xf32, #tpu.memory_space<hbm>>
      %dma_start3A_121 = tpu.memref_slice %arg5[%multiple_of3A_110] : memref<2621440xf32, #tpu.memory_space<hbm>> -> memref<10048xf32, #tpu.memory_space<hbm>>
      tpu.enqueue_dma source(%arg16 : memref<10048xf32, #tpu.memory_space<vmem>>) target(%dma_start3A_121 : memref<10048xf32, #tpu.memory_space<hbm>>) target_semaphore(%run_scoped3A : memref<!tpu.dma_semaphore, #tpu.memory_space<semaphore_mem>>)
      %dma_wait3A = tpu.memref_slice %arg5[%multiple_of3A_110] : memref<2621440xf32, #tpu.memory_space<hbm>> -> memref<10048xf32, #tpu.memory_space<hbm>>
      %dma_wait3A_122 = tpu.memref_slice %arg5[%multiple_of3A_110] : memref<2621440xf32, #tpu.memory_space<hbm>> -> memref<10048xf32, #tpu.memory_space<hbm>>
      tpu.wait_dma2 semaphore(%run_scoped3A : memref<!tpu.dma_semaphore, #tpu.memory_space<semaphore_mem>>) src(%arg16 : memref<10048xf32, #tpu.memory_space<vmem>>) dst(%dma_wait3A_122 : memref<10048xf32, #tpu.memory_space<hbm>>)
      tpu.yield
    }) : () -> ()
    %mul3A_111 = arith.constant 4 : i32
    %mul3A_112 = arith.muli %mul3A_111, %add3A : i32
    %add3A_113 = arith.constant 128 : i32
    %add3A_114 = arith.addi %add3A_113, %mul3A_112 : i32
    %add3A_115 = arith.constant 3 : i32
    %add3A_116 = arith.addi %add3A_114, %add3A_115 : i32
    %mul3A_117 = arith.constant 10240 : i32
    %mul3A_118 = arith.muli %add3A_116, %mul3A_117 : i32
    %multiple_of3A_119 = tpu.assume_multiple %mul3A_118, 8 : i32
    "tpu.region"() ({
      %run_scoped3A = tpu.sem_alloc : memref<!tpu.dma_semaphore, #tpu.memory_space<semaphore_mem>>
      %dma_start3A_120 = tpu.memref_slice %arg5[%multiple_of3A_119] : memref<2621440xf32, #tpu.memory_space<hbm>> -> memref<10048xf32, #tpu.memory_space<hbm>>
      %dma_start3A_121 = tpu.memref_slice %arg5[%multiple_of3A_119] : memref<2621440xf32, #tpu.memory_space<hbm>> -> memref<10048xf32, #tpu.memory_space<hbm>>
      tpu.enqueue_dma source(%arg17 : memref<10048xf32, #tpu.memory_space<vmem>>) target(%dma_start3A_121 : memref<10048xf32, #tpu.memory_space<hbm>>) target_semaphore(%run_scoped3A : memref<!tpu.dma_semaphore, #tpu.memory_space<semaphore_mem>>)
      %dma_wait3A = tpu.memref_slice %arg5[%multiple_of3A_119] : memref<2621440xf32, #tpu.memory_space<hbm>> -> memref<10048xf32, #tpu.memory_space<hbm>>
      %dma_wait3A_122 = tpu.memref_slice %arg5[%multiple_of3A_119] : memref<2621440xf32, #tpu.memory_space<hbm>> -> memref<10048xf32, #tpu.memory_space<hbm>>
      tpu.wait_dma2 semaphore(%run_scoped3A : memref<!tpu.dma_semaphore, #tpu.memory_space<semaphore_mem>>) src(%arg17 : memref<10048xf32, #tpu.memory_space<vmem>>) dst(%dma_wait3A_122 : memref<10048xf32, #tpu.memory_space<hbm>>)
      tpu.yield
    }) : () -> ()
    return
  }
}

#map = affine_map<(d0, d1) -> (0)>
module attributes {stable_mosaic.version = 14 : i64} {
  func.func @seg(%arg0: i32, %arg1: i32, %arg2: memref<1310720xf32, #tpu.memory_space<hbm>>, %arg3: memref<320000xi32, #tpu.memory_space<hbm>>, %arg4: memref<640000xf32, #tpu.memory_space<hbm>>, %arg5: memref<2621440xf32, #tpu.memory_space<hbm>>, %arg6: memref<10048xf32, #tpu.memory_space<vmem>>, %arg7: memref<10048xf32, #tpu.memory_space<vmem>>, %arg8: memref<10048xf32, #tpu.memory_space<vmem>>, %arg9: memref<10048xf32, #tpu.memory_space<vmem>>, %arg10: memref<10048xf32, #tpu.memory_space<vmem>>, %arg11: memref<10048xf32, #tpu.memory_space<vmem>>, %arg12: memref<10048xf32, #tpu.memory_space<vmem>>, %arg13: memref<10048xf32, #tpu.memory_space<vmem>>, %arg14: memref<10048xf32, #tpu.memory_space<vmem>>, %arg15: memref<10048xf32, #tpu.memory_space<vmem>>, %arg16: memref<10048xf32, #tpu.memory_space<vmem>>, %arg17: memref<10048xf32, #tpu.memory_space<vmem>>, %arg18: memref<800xi32, #tpu.memory_space<vmem>>, %arg19: memref<800xi32, #tpu.memory_space<vmem>>, %arg20: memref<800xf32, #tpu.memory_space<vmem>>, %arg21: memref<800xf32, #tpu.memory_space<vmem>>, %arg22: memref<800xf32, #tpu.memory_space<vmem>>, %arg23: memref<800xf32, #tpu.memory_space<vmem>>, %arg24: memref<!tpu.dma_semaphore, #tpu.memory_space<semaphore_mem>>, %arg25: memref<!tpu.dma_semaphore, #tpu.memory_space<semaphore_mem>>) attributes {dimension_semantics = [#tpu.dimension_semantics<core_parallel>, #tpu.dimension_semantics<subcore_parallel>], iteration_bounds = array<i64: 2, 16>, scalar_prefetch = 0 : i64, scratch_operands = 20 : i64, tpu.core_type = #tpu.core_type<sc_vector_subcore>, window_params = [{transform_indices = #map}, {transform_indices = #map}, {transform_indices = #map}, {transform_indices = #map}]} {
    %mul3A = arith.constant 2 : i32
    %mul3A_0 = arith.muli %arg1, %mul3A : i32
    %add3A = arith.addi %mul3A_0, %arg0 : i32
    %mul3A_1 = arith.constant 4 : i32
    %mul3A_2 = arith.muli %mul3A_1, %add3A : i32
    %add3A_3 = arith.constant 0 : i32
    %add3A_4 = arith.addi %mul3A_2, %add3A_3 : i32
    %mul3A_5 = arith.constant 10240 : i32
    %mul3A_6 = arith.muli %add3A_4, %mul3A_5 : i32
    %multiple_of3A = tpu.assume_multiple %mul3A_6, 8 : i32
    "tpu.region"() ({
      %run_scoped3A = tpu.sem_alloc : memref<!tpu.dma_semaphore, #tpu.memory_space<semaphore_mem>>
      %dma_start3A_120 = tpu.memref_slice %arg2[%multiple_of3A] : memref<1310720xf32, #tpu.memory_space<hbm>> -> memref<10048xf32, #tpu.memory_space<hbm>>
      %dma_start3A_121 = tpu.memref_slice %arg2[%multiple_of3A] : memref<1310720xf32, #tpu.memory_space<hbm>> -> memref<10048xf32, #tpu.memory_space<hbm>>
      tpu.enqueue_dma source(%dma_start3A_121 : memref<10048xf32, #tpu.memory_space<hbm>>) target(%arg6 : memref<10048xf32, #tpu.memory_space<vmem>>) target_semaphore(%run_scoped3A : memref<!tpu.dma_semaphore, #tpu.memory_space<semaphore_mem>>)
      %dma_wait3A = tpu.memref_slice %arg2[%multiple_of3A] : memref<1310720xf32, #tpu.memory_space<hbm>> -> memref<10048xf32, #tpu.memory_space<hbm>>
      %dma_wait3A_122 = tpu.memref_slice %arg2[%multiple_of3A] : memref<1310720xf32, #tpu.memory_space<hbm>> -> memref<10048xf32, #tpu.memory_space<hbm>>
      tpu.wait_dma2 semaphore(%run_scoped3A : memref<!tpu.dma_semaphore, #tpu.memory_space<semaphore_mem>>) src(%dma_wait3A_122 : memref<10048xf32, #tpu.memory_space<hbm>>) dst(%arg6 : memref<10048xf32, #tpu.memory_space<vmem>>)
      tpu.yield
    }) : () -> ()
    %mul3A_7 = arith.constant 4 : i32
    %mul3A_8 = arith.muli %mul3A_7, %add3A : i32
    %add3A_9 = arith.constant 1 : i32
    %add3A_10 = arith.addi %mul3A_8, %add3A_9 : i32
    %mul3A_11 = arith.constant 10240 : i32
    %mul3A_12 = arith.muli %add3A_10, %mul3A_11 : i32
    %multiple_of3A_13 = tpu.assume_multiple %mul3A_12, 8 : i32
    "tpu.region"() ({
      %run_scoped3A = tpu.sem_alloc : memref<!tpu.dma_semaphore, #tpu.memory_space<semaphore_mem>>
      %dma_start3A_120 = tpu.memref_slice %arg2[%multiple_of3A_13] : memref<1310720xf32, #tpu.memory_space<hbm>> -> memref<10048xf32, #tpu.memory_space<hbm>>
      %dma_start3A_121 = tpu.memref_slice %arg2[%multiple_of3A_13] : memref<1310720xf32, #tpu.memory_space<hbm>> -> memref<10048xf32, #tpu.memory_space<hbm>>
      tpu.enqueue_dma source(%dma_start3A_121 : memref<10048xf32, #tpu.memory_space<hbm>>) target(%arg7 : memref<10048xf32, #tpu.memory_space<vmem>>) target_semaphore(%run_scoped3A : memref<!tpu.dma_semaphore, #tpu.memory_space<semaphore_mem>>)
      %dma_wait3A = tpu.memref_slice %arg2[%multiple_of3A_13] : memref<1310720xf32, #tpu.memory_space<hbm>> -> memref<10048xf32, #tpu.memory_space<hbm>>
      %dma_wait3A_122 = tpu.memref_slice %arg2[%multiple_of3A_13] : memref<1310720xf32, #tpu.memory_space<hbm>> -> memref<10048xf32, #tpu.memory_space<hbm>>
      tpu.wait_dma2 semaphore(%run_scoped3A : memref<!tpu.dma_semaphore, #tpu.memory_space<semaphore_mem>>) src(%dma_wait3A_122 : memref<10048xf32, #tpu.memory_space<hbm>>) dst(%arg7 : memref<10048xf32, #tpu.memory_space<vmem>>)
      tpu.yield
    }) : () -> ()
    %mul3A_14 = arith.constant 4 : i32
    %mul3A_15 = arith.muli %mul3A_14, %add3A : i32
    %add3A_16 = arith.constant 2 : i32
    %add3A_17 = arith.addi %mul3A_15, %add3A_16 : i32
    %mul3A_18 = arith.constant 10240 : i32
    %mul3A_19 = arith.muli %add3A_17, %mul3A_18 : i32
    %multiple_of3A_20 = tpu.assume_multiple %mul3A_19, 8 : i32
    "tpu.region"() ({
      %run_scoped3A = tpu.sem_alloc : memref<!tpu.dma_semaphore, #tpu.memory_space<semaphore_mem>>
      %dma_start3A_120 = tpu.memref_slice %arg2[%multiple_of3A_20] : memref<1310720xf32, #tpu.memory_space<hbm>> -> memref<10048xf32, #tpu.memory_space<hbm>>
      %dma_start3A_121 = tpu.memref_slice %arg2[%multiple_of3A_20] : memref<1310720xf32, #tpu.memory_space<hbm>> -> memref<10048xf32, #tpu.memory_space<hbm>>
      tpu.enqueue_dma source(%dma_start3A_121 : memref<10048xf32, #tpu.memory_space<hbm>>) target(%arg8 : memref<10048xf32, #tpu.memory_space<vmem>>) target_semaphore(%run_scoped3A : memref<!tpu.dma_semaphore, #tpu.memory_space<semaphore_mem>>)
      %dma_wait3A = tpu.memref_slice %arg2[%multiple_of3A_20] : memref<1310720xf32, #tpu.memory_space<hbm>> -> memref<10048xf32, #tpu.memory_space<hbm>>
      %dma_wait3A_122 = tpu.memref_slice %arg2[%multiple_of3A_20] : memref<1310720xf32, #tpu.memory_space<hbm>> -> memref<10048xf32, #tpu.memory_space<hbm>>
      tpu.wait_dma2 semaphore(%run_scoped3A : memref<!tpu.dma_semaphore, #tpu.memory_space<semaphore_mem>>) src(%dma_wait3A_122 : memref<10048xf32, #tpu.memory_space<hbm>>) dst(%arg8 : memref<10048xf32, #tpu.memory_space<vmem>>)
      tpu.yield
    }) : () -> ()
    %mul3A_21 = arith.constant 4 : i32
    %mul3A_22 = arith.muli %mul3A_21, %add3A : i32
    %add3A_23 = arith.constant 3 : i32
    %add3A_24 = arith.addi %mul3A_22, %add3A_23 : i32
    %mul3A_25 = arith.constant 10240 : i32
    %mul3A_26 = arith.muli %add3A_24, %mul3A_25 : i32
    %multiple_of3A_27 = tpu.assume_multiple %mul3A_26, 8 : i32
    "tpu.region"() ({
      %run_scoped3A = tpu.sem_alloc : memref<!tpu.dma_semaphore, #tpu.memory_space<semaphore_mem>>
      %dma_start3A_120 = tpu.memref_slice %arg2[%multiple_of3A_27] : memref<1310720xf32, #tpu.memory_space<hbm>> -> memref<10048xf32, #tpu.memory_space<hbm>>
      %dma_start3A_121 = tpu.memref_slice %arg2[%multiple_of3A_27] : memref<1310720xf32, #tpu.memory_space<hbm>> -> memref<10048xf32, #tpu.memory_space<hbm>>
      tpu.enqueue_dma source(%dma_start3A_121 : memref<10048xf32, #tpu.memory_space<hbm>>) target(%arg9 : memref<10048xf32, #tpu.memory_space<vmem>>) target_semaphore(%run_scoped3A : memref<!tpu.dma_semaphore, #tpu.memory_space<semaphore_mem>>)
      %dma_wait3A = tpu.memref_slice %arg2[%multiple_of3A_27] : memref<1310720xf32, #tpu.memory_space<hbm>> -> memref<10048xf32, #tpu.memory_space<hbm>>
      %dma_wait3A_122 = tpu.memref_slice %arg2[%multiple_of3A_27] : memref<1310720xf32, #tpu.memory_space<hbm>> -> memref<10048xf32, #tpu.memory_space<hbm>>
      tpu.wait_dma2 semaphore(%run_scoped3A : memref<!tpu.dma_semaphore, #tpu.memory_space<semaphore_mem>>) src(%dma_wait3A_122 : memref<10048xf32, #tpu.memory_space<hbm>>) dst(%arg9 : memref<10048xf32, #tpu.memory_space<vmem>>)
      tpu.yield
    }) : () -> ()
    %scan3A = arith.constant 0 : i32
    %scan3A_28 = arith.constant 628 : i32
    %scan3A_29 = arith.addi %scan3A, %scan3A_28 : i32
    %scan3A_30 = arith.constant 1 : i32
    scf.for %scan3A_120 = %scan3A to %scan3A_29 step %scan3A_30  : i32 {
      %mul3A_121 = arith.constant 1 : i32
      %mul3A_122 = arith.muli %scan3A_120, %mul3A_121 : i32
      %add3A_123 = arith.constant 0 : i32
      %add3A_124 = arith.addi %add3A_123, %mul3A_122 : i32
      %broadcast_in_dim3A = arith.constant 0.000000e+00 : f32
      %broadcast_in_dim3A_125 = vector.broadcast %broadcast_in_dim3A : f32 to vector<16xf32>
      %mul3A_126 = arith.constant 16 : i32
      %mul3A_127 = arith.muli %add3A_124, %mul3A_126 : i32
      %swap3A = arith.index_cast %mul3A_127 : i32 to index
      %swap3A_128 = tpu.vector_load %arg10[%swap3A] {strides = array<i32>} : memref<10048xf32, #tpu.memory_space<vmem>>, vector<16xf32>,
      tpu.vector_store %arg10[%swap3A], %broadcast_in_dim3A_125 {strides = array<i32>} : memref<10048xf32, #tpu.memory_space<vmem>>, vector<16xf32>,
      %mul3A_129 = arith.constant 16 : i32
      %mul3A_130 = arith.muli %add3A_124, %mul3A_129 : i32
      %swap3A_131 = arith.index_cast %mul3A_130 : i32 to index
      %swap3A_132 = tpu.vector_load %arg11[%swap3A_131] {strides = array<i32>} : memref<10048xf32, #tpu.memory_space<vmem>>, vector<16xf32>,
      tpu.vector_store %arg11[%swap3A_131], %broadcast_in_dim3A_125 {strides = array<i32>} : memref<10048xf32, #tpu.memory_space<vmem>>, vector<16xf32>,
      %mul3A_133 = arith.constant 16 : i32
      %mul3A_134 = arith.muli %add3A_124, %mul3A_133 : i32
      %swap3A_135 = arith.index_cast %mul3A_134 : i32 to index
      %swap3A_136 = tpu.vector_load %arg12[%swap3A_135] {strides = array<i32>} : memref<10048xf32, #tpu.memory_space<vmem>>, vector<16xf32>,
      tpu.vector_store %arg12[%swap3A_135], %broadcast_in_dim3A_125 {strides = array<i32>} : memref<10048xf32, #tpu.memory_space<vmem>>, vector<16xf32>,
      %mul3A_137 = arith.constant 16 : i32
      %mul3A_138 = arith.muli %add3A_124, %mul3A_137 : i32
      %swap3A_139 = arith.index_cast %mul3A_138 : i32 to index
      %swap3A_140 = tpu.vector_load %arg13[%swap3A_139] {strides = array<i32>} : memref<10048xf32, #tpu.memory_space<vmem>>, vector<16xf32>,
      tpu.vector_store %arg13[%swap3A_139], %broadcast_in_dim3A_125 {strides = array<i32>} : memref<10048xf32, #tpu.memory_space<vmem>>, vector<16xf32>,
      %mul3A_141 = arith.constant 16 : i32
      %mul3A_142 = arith.muli %add3A_124, %mul3A_141 : i32
      %swap3A_143 = arith.index_cast %mul3A_142 : i32 to index
      %swap3A_144 = tpu.vector_load %arg14[%swap3A_143] {strides = array<i32>} : memref<10048xf32, #tpu.memory_space<vmem>>, vector<16xf32>,
      tpu.vector_store %arg14[%swap3A_143], %broadcast_in_dim3A_125 {strides = array<i32>} : memref<10048xf32, #tpu.memory_space<vmem>>, vector<16xf32>,
      %mul3A_145 = arith.constant 16 : i32
      %mul3A_146 = arith.muli %add3A_124, %mul3A_145 : i32
      %swap3A_147 = arith.index_cast %mul3A_146 : i32 to index
      %swap3A_148 = tpu.vector_load %arg15[%swap3A_147] {strides = array<i32>} : memref<10048xf32, #tpu.memory_space<vmem>>, vector<16xf32>,
      tpu.vector_store %arg15[%swap3A_147], %broadcast_in_dim3A_125 {strides = array<i32>} : memref<10048xf32, #tpu.memory_space<vmem>>, vector<16xf32>,
      %mul3A_149 = arith.constant 16 : i32
      %mul3A_150 = arith.muli %add3A_124, %mul3A_149 : i32
      %swap3A_151 = arith.index_cast %mul3A_150 : i32 to index
      %swap3A_152 = tpu.vector_load %arg16[%swap3A_151] {strides = array<i32>} : memref<10048xf32, #tpu.memory_space<vmem>>, vector<16xf32>,
      tpu.vector_store %arg16[%swap3A_151], %broadcast_in_dim3A_125 {strides = array<i32>} : memref<10048xf32, #tpu.memory_space<vmem>>, vector<16xf32>,
      %mul3A_153 = arith.constant 16 : i32
      %mul3A_154 = arith.muli %add3A_124, %mul3A_153 : i32
      %swap3A_155 = arith.index_cast %mul3A_154 : i32 to index
      %swap3A_156 = tpu.vector_load %arg17[%swap3A_155] {strides = array<i32>} : memref<10048xf32, #tpu.memory_space<vmem>>, vector<16xf32>,
      tpu.vector_store %arg17[%swap3A_155], %broadcast_in_dim3A_125 {strides = array<i32>} : memref<10048xf32, #tpu.memory_space<vmem>>, vector<16xf32>,
    }
    %scan3A_31 = arith.constant 628 : i32
    %dma_start3A = arith.constant 0 : i32
    %dma_start3A_32 = tpu.memref_slice %arg3[%dma_start3A] : memref<320000xi32, #tpu.memory_space<hbm>> -> memref<800xi32, #tpu.memory_space<hbm>>
    %dma_start3A_33 = arith.constant 0 : i32
    %dma_start3A_34 = tpu.memref_slice %arg3[%dma_start3A_33] : memref<320000xi32, #tpu.memory_space<hbm>> -> memref<800xi32, #tpu.memory_space<hbm>>
    tpu.enqueue_dma source(%dma_start3A_34 : memref<800xi32, #tpu.memory_space<hbm>>) target(%arg18 : memref<800xi32, #tpu.memory_space<vmem>>) target_semaphore(%arg24 : memref<!tpu.dma_semaphore, #tpu.memory_space<semaphore_mem>>)
    %dma_start3A_35 = arith.constant 0 : i32
    %dma_start3A_36 = tpu.memref_slice %arg4[%dma_start3A_35] : memref<640000xf32, #tpu.memory_space<hbm>> -> memref<800xf32, #tpu.memory_space<hbm>>
    %dma_start3A_37 = arith.constant 0 : i32
    %dma_start3A_38 = tpu.memref_slice %arg4[%dma_start3A_37] : memref<640000xf32, #tpu.memory_space<hbm>> -> memref<800xf32, #tpu.memory_space<hbm>>
    tpu.enqueue_dma source(%dma_start3A_38 : memref<800xf32, #tpu.memory_space<hbm>>) target(%arg20 : memref<800xf32, #tpu.memory_space<vmem>>) target_semaphore(%arg24 : memref<!tpu.dma_semaphore, #tpu.memory_space<semaphore_mem>>)
    %dma_start3A_39 = arith.constant 320000 : i32
    %dma_start3A_40 = tpu.memref_slice %arg4[%dma_start3A_39] : memref<640000xf32, #tpu.memory_space<hbm>> -> memref<800xf32, #tpu.memory_space<hbm>>
    %dma_start3A_41 = arith.constant 320000 : i32
    %dma_start3A_42 = tpu.memref_slice %arg4[%dma_start3A_41] : memref<640000xf32, #tpu.memory_space<hbm>> -> memref<800xf32, #tpu.memory_space<hbm>>
    tpu.enqueue_dma source(%dma_start3A_42 : memref<800xf32, #tpu.memory_space<hbm>>) target(%arg22 : memref<800xf32, #tpu.memory_space<vmem>>) target_semaphore(%arg24 : memref<!tpu.dma_semaphore, #tpu.memory_space<semaphore_mem>>)
    %scan3A_43 = arith.constant 0 : i32
    %scan3A_44 = arith.constant 200 : i32
    %scan3A_45 = arith.addi %scan3A_43, %scan3A_44 : i32
    %scan3A_46 = arith.constant 1 : i32
    scf.for %scan3A_120 = %scan3A_43 to %scan3A_45 step %scan3A_46  : i32 {
      %mul3A_121 = arith.constant 2 : i32
      %mul3A_122 = arith.muli %scan3A_120, %mul3A_121 : i32
      %add3A_123 = arith.constant 0 : i32
      %add3A_124 = arith.addi %add3A_123, %mul3A_122 : i32
      %add3A_125 = arith.constant 1 : i32
      %add3A_126 = arith.addi %add3A_124, %add3A_125 : i32
      %mul3A_127 = arith.constant 800 : i32
      %mul3A_128 = arith.muli %add3A_126, %mul3A_127 : i32
      %dma_start3A_129 = tpu.memref_slice %arg3[%mul3A_128] : memref<320000xi32, #tpu.memory_space<hbm>> -> memref<800xi32, #tpu.memory_space<hbm>>
      %dma_start3A_130 = tpu.memref_slice %arg3[%mul3A_128] : memref<320000xi32, #tpu.memory_space<hbm>> -> memref<800xi32, #tpu.memory_space<hbm>>
      tpu.enqueue_dma source(%dma_start3A_130 : memref<800xi32, #tpu.memory_space<hbm>>) target(%arg19 : memref<800xi32, #tpu.memory_space<vmem>>) target_semaphore(%arg25 : memref<!tpu.dma_semaphore, #tpu.memory_space<semaphore_mem>>)
      %add3A_131 = arith.constant 0 : i32
      %add3A_132 = arith.addi %add3A_131, %mul3A_128 : i32
      %dma_start3A_133 = tpu.memref_slice %arg4[%add3A_132] : memref<640000xf32, #tpu.memory_space<hbm>> -> memref<800xf32, #tpu.memory_space<hbm>>
      %dma_start3A_134 = tpu.memref_slice %arg4[%add3A_132] : memref<640000xf32, #tpu.memory_space<hbm>> -> memref<800xf32, #tpu.memory_space<hbm>>
      tpu.enqueue_dma source(%dma_start3A_134 : memref<800xf32, #tpu.memory_space<hbm>>) target(%arg21 : memref<800xf32, #tpu.memory_space<vmem>>) target_semaphore(%arg25 : memref<!tpu.dma_semaphore, #tpu.memory_space<semaphore_mem>>)
      %add3A_135 = arith.constant 320000 : i32
      %add3A_136 = arith.addi %add3A_135, %mul3A_128 : i32
      %dma_start3A_137 = tpu.memref_slice %arg4[%add3A_136] : memref<640000xf32, #tpu.memory_space<hbm>> -> memref<800xf32, #tpu.memory_space<hbm>>
      %dma_start3A_138 = tpu.memref_slice %arg4[%add3A_136] : memref<640000xf32, #tpu.memory_space<hbm>> -> memref<800xf32, #tpu.memory_space<hbm>>
      tpu.enqueue_dma source(%dma_start3A_138 : memref<800xf32, #tpu.memory_space<hbm>>) target(%arg23 : memref<800xf32, #tpu.memory_space<vmem>>) target_semaphore(%arg25 : memref<!tpu.dma_semaphore, #tpu.memory_space<semaphore_mem>>)
      %dma_wait3A = arith.constant 0 : i32
      %dma_wait3A_139 = tpu.memref_slice %arg3[%dma_wait3A] : memref<320000xi32, #tpu.memory_space<hbm>> -> memref<800xi32, #tpu.memory_space<hbm>>
      %dma_wait3A_140 = arith.constant 0 : i32
      %dma_wait3A_141 = tpu.memref_slice %arg3[%dma_wait3A_140] : memref<320000xi32, #tpu.memory_space<hbm>> -> memref<800xi32, #tpu.memory_space<hbm>>
      tpu.wait_dma2 semaphore(%arg24 : memref<!tpu.dma_semaphore, #tpu.memory_space<semaphore_mem>>) src(%dma_wait3A_141 : memref<800xi32, #tpu.memory_space<hbm>>) dst(%arg18 : memref<800xi32, #tpu.memory_space<vmem>>)
      %dma_wait3A_142 = arith.constant 0 : i32
      %dma_wait3A_143 = tpu.memref_slice %arg4[%dma_wait3A_142] : memref<640000xf32, #tpu.memory_space<hbm>> -> memref<800xf32, #tpu.memory_space<hbm>>
      %dma_wait3A_144 = arith.constant 0 : i32
      %dma_wait3A_145 = tpu.memref_slice %arg4[%dma_wait3A_144] : memref<640000xf32, #tpu.memory_space<hbm>> -> memref<800xf32, #tpu.memory_space<hbm>>
      tpu.wait_dma2 semaphore(%arg24 : memref<!tpu.dma_semaphore, #tpu.memory_space<semaphore_mem>>) src(%dma_wait3A_145 : memref<800xf32, #tpu.memory_space<hbm>>) dst(%arg20 : memref<800xf32, #tpu.memory_space<vmem>>)
      %dma_wait3A_146 = arith.constant 0 : i32
      %dma_wait3A_147 = tpu.memref_slice %arg4[%dma_wait3A_146] : memref<640000xf32, #tpu.memory_space<hbm>> -> memref<800xf32, #tpu.memory_space<hbm>>
      %dma_wait3A_148 = arith.constant 0 : i32
      %dma_wait3A_149 = tpu.memref_slice %arg4[%dma_wait3A_148] : memref<640000xf32, #tpu.memory_space<hbm>> -> memref<800xf32, #tpu.memory_space<hbm>>
      tpu.wait_dma2 semaphore(%arg24 : memref<!tpu.dma_semaphore, #tpu.memory_space<semaphore_mem>>) src(%dma_wait3A_149 : memref<800xf32, #tpu.memory_space<hbm>>) dst(%arg22 : memref<800xf32, #tpu.memory_space<vmem>>)
      %parallel_loop3A = arith.constant 0 : i32
      %parallel_loop3A_150 = arith.constant 50 : i32
      %parallel_loop3A_151 = arith.constant 1 : i32
      scf.for %parallel_loop3A_171 = %parallel_loop3A to %parallel_loop3A_150 step %parallel_loop3A_151  : i32 {
        %parallel_loop3A_172 = arith.constant 16 : i32
        %parallel_loop3A_173 = arith.muli %parallel_loop3A_171, %parallel_loop3A_172 : i32
        %parallel_loop3A_174 = arith.index_cast %parallel_loop3A_173 : i32 to index
        %parallel_loop3A_175 = tpu.vector_load %arg18[%parallel_loop3A_174] {strides = array<i32>} : memref<800xi32, #tpu.memory_space<vmem>>, vector<16xi32>,
        %parallel_loop3A_176 = arith.constant 14 : i32
        %parallel_loop3A_177 = vector.broadcast %parallel_loop3A_176 : i32 to vector<16xi32>
        %parallel_loop3A_178 = arith.shrui %parallel_loop3A_175, %parallel_loop3A_177 : vector<16xi32>
        %parallel_loop3A_179 = arith.constant 16383 : i32
        %parallel_loop3A_180 = vector.broadcast %parallel_loop3A_179 : i32 to vector<16xi32>
        %parallel_loop3A_181 = arith.andi %parallel_loop3A_175, %parallel_loop3A_180 : vector<16xi32>
        %parallel_loop3A_182 = arith.index_cast %parallel_loop3A_173 : i32 to index
        %parallel_loop3A_183 = tpu.vector_load %arg20[%parallel_loop3A_182] {strides = array<i32>} : memref<800xf32, #tpu.memory_space<vmem>>, vector<16xf32>,
        %parallel_loop3A_184 = arith.index_cast %parallel_loop3A_173 : i32 to index
        %parallel_loop3A_185 = tpu.vector_load %arg22[%parallel_loop3A_184] {strides = array<i32>} : memref<800xf32, #tpu.memory_space<vmem>>, vector<16xf32>,
        %parallel_loop3A_186 = tpu.vector_load_idx %arg6[%parallel_loop3A_178] : memref<10048xf32, #tpu.memory_space<vmem>>[vector<16xi32>], vector<16xf32>,
        %parallel_loop3A_187 = arith.mulf %parallel_loop3A_186, %parallel_loop3A_183 : vector<16xf32>
        tpu.vector_store_idx %arg10[%parallel_loop3A_181], %parallel_loop3A_187 {add = true} : memref<10048xf32, #tpu.memory_space<vmem>>[vector<16xi32>], vector<16xf32>,
        %parallel_loop3A_188 = arith.mulf %parallel_loop3A_186, %parallel_loop3A_185 : vector<16xf32>
        tpu.vector_store_idx %arg14[%parallel_loop3A_181], %parallel_loop3A_188 {add = true} : memref<10048xf32, #tpu.memory_space<vmem>>[vector<16xi32>], vector<16xf32>,
        %parallel_loop3A_189 = tpu.vector_load_idx %arg7[%parallel_loop3A_178] : memref<10048xf32, #tpu.memory_space<vmem>>[vector<16xi32>], vector<16xf32>,
        %parallel_loop3A_190 = arith.mulf %parallel_loop3A_189, %parallel_loop3A_183 : vector<16xf32>
        tpu.vector_store_idx %arg11[%parallel_loop3A_181], %parallel_loop3A_190 {add = true} : memref<10048xf32, #tpu.memory_space<vmem>>[vector<16xi32>], vector<16xf32>,
        %parallel_loop3A_191 = arith.mulf %parallel_loop3A_189, %parallel_loop3A_185 : vector<16xf32>
        tpu.vector_store_idx %arg15[%parallel_loop3A_181], %parallel_loop3A_191 {add = true} : memref<10048xf32, #tpu.memory_space<vmem>>[vector<16xi32>], vector<16xf32>,
        %parallel_loop3A_192 = tpu.vector_load_idx %arg8[%parallel_loop3A_178] : memref<10048xf32, #tpu.memory_space<vmem>>[vector<16xi32>], vector<16xf32>,
        %parallel_loop3A_193 = arith.mulf %parallel_loop3A_192, %parallel_loop3A_183 : vector<16xf32>
        tpu.vector_store_idx %arg12[%parallel_loop3A_181], %parallel_loop3A_193 {add = true} : memref<10048xf32, #tpu.memory_space<vmem>>[vector<16xi32>], vector<16xf32>,
        %parallel_loop3A_194 = arith.mulf %parallel_loop3A_192, %parallel_loop3A_185 : vector<16xf32>
        tpu.vector_store_idx %arg16[%parallel_loop3A_181], %parallel_loop3A_194 {add = true} : memref<10048xf32, #tpu.memory_space<vmem>>[vector<16xi32>], vector<16xf32>,
        %parallel_loop3A_195 = tpu.vector_load_idx %arg9[%parallel_loop3A_178] : memref<10048xf32, #tpu.memory_space<vmem>>[vector<16xi32>], vector<16xf32>,
        %parallel_loop3A_196 = arith.mulf %parallel_loop3A_195, %parallel_loop3A_183 : vector<16xf32>
        tpu.vector_store_idx %arg13[%parallel_loop3A_181], %parallel_loop3A_196 {add = true} : memref<10048xf32, #tpu.memory_space<vmem>>[vector<16xi32>], vector<16xf32>,
        %parallel_loop3A_197 = arith.mulf %parallel_loop3A_195, %parallel_loop3A_185 : vector<16xf32>
        tpu.vector_store_idx %arg17[%parallel_loop3A_181], %parallel_loop3A_197 {add = true} : memref<10048xf32, #tpu.memory_space<vmem>>[vector<16xi32>], vector<16xf32>,
      } {sc.loop_unroll_factor = 8 : i64, sc.parallel_access}
      %add3A_152 = arith.constant 2 : i32
      %add3A_153 = arith.addi %add3A_124, %add3A_152 : i32
      %lt3A = arith.constant 400 : i32
      %lt3A_154 = arith.cmpi slt, %add3A_153, %lt3A : i32
      %convert_element_type3A = arith.extui %lt3A_154 : i1 to i32
      %cond3A = arith.constant 0 : i32
      %cond3A_155 = arith.cmpi ne, %convert_element_type3A, %cond3A : i32
      scf.if %cond3A_155 {
        %add3A_171 = arith.constant 2 : i32
        %add3A_172 = arith.addi %add3A_124, %add3A_171 : i32
        %mul3A_173 = arith.constant 800 : i32
        %mul3A_174 = arith.muli %add3A_172, %mul3A_173 : i32
        %dma_start3A_175 = tpu.memref_slice %arg3[%mul3A_174] : memref<320000xi32, #tpu.memory_space<hbm>> -> memref<800xi32, #tpu.memory_space<hbm>>
        %dma_start3A_176 = tpu.memref_slice %arg3[%mul3A_174] : memref<320000xi32, #tpu.memory_space<hbm>> -> memref<800xi32, #tpu.memory_space<hbm>>
        tpu.enqueue_dma source(%dma_start3A_176 : memref<800xi32, #tpu.memory_space<hbm>>) target(%arg18 : memref<800xi32, #tpu.memory_space<vmem>>) target_semaphore(%arg24 : memref<!tpu.dma_semaphore, #tpu.memory_space<semaphore_mem>>)
        %add3A_177 = arith.constant 0 : i32
        %add3A_178 = arith.addi %add3A_177, %mul3A_174 : i32
        %dma_start3A_179 = tpu.memref_slice %arg4[%add3A_178] : memref<640000xf32, #tpu.memory_space<hbm>> -> memref<800xf32, #tpu.memory_space<hbm>>
        %dma_start3A_180 = tpu.memref_slice %arg4[%add3A_178] : memref<640000xf32, #tpu.memory_space<hbm>> -> memref<800xf32, #tpu.memory_space<hbm>>
        tpu.enqueue_dma source(%dma_start3A_180 : memref<800xf32, #tpu.memory_space<hbm>>) target(%arg20 : memref<800xf32, #tpu.memory_space<vmem>>) target_semaphore(%arg24 : memref<!tpu.dma_semaphore, #tpu.memory_space<semaphore_mem>>)
        %add3A_181 = arith.constant 320000 : i32
        %add3A_182 = arith.addi %add3A_181, %mul3A_174 : i32
        %dma_start3A_183 = tpu.memref_slice %arg4[%add3A_182] : memref<640000xf32, #tpu.memory_space<hbm>> -> memref<800xf32, #tpu.memory_space<hbm>>
        %dma_start3A_184 = tpu.memref_slice %arg4[%add3A_182] : memref<640000xf32, #tpu.memory_space<hbm>> -> memref<800xf32, #tpu.memory_space<hbm>>
        tpu.enqueue_dma source(%dma_start3A_184 : memref<800xf32, #tpu.memory_space<hbm>>) target(%arg22 : memref<800xf32, #tpu.memory_space<vmem>>) target_semaphore(%arg24 : memref<!tpu.dma_semaphore, #tpu.memory_space<semaphore_mem>>)
      } else {
      }
      %dma_wait3A_156 = arith.constant 0 : i32
      %dma_wait3A_157 = tpu.memref_slice %arg3[%dma_wait3A_156] : memref<320000xi32, #tpu.memory_space<hbm>> -> memref<800xi32, #tpu.memory_space<hbm>>
      %dma_wait3A_158 = arith.constant 0 : i32
      %dma_wait3A_159 = tpu.memref_slice %arg3[%dma_wait3A_158] : memref<320000xi32, #tpu.memory_space<hbm>> -> memref<800xi32, #tpu.memory_space<hbm>>
      tpu.wait_dma2 semaphore(%arg25 : memref<!tpu.dma_semaphore, #tpu.memory_space<semaphore_mem>>) src(%dma_wait3A_159 : memref<800xi32, #tpu.memory_space<hbm>>) dst(%arg19 : memref<800xi32, #tpu.memory_space<vmem>>)
      %dma_wait3A_160 = arith.constant 0 : i32
      %dma_wait3A_161 = tpu.memref_slice %arg4[%dma_wait3A_160] : memref<640000xf32, #tpu.memory_space<hbm>> -> memref<800xf32, #tpu.memory_space<hbm>>
      %dma_wait3A_162 = arith.constant 0 : i32
      %dma_wait3A_163 = tpu.memref_slice %arg4[%dma_wait3A_162] : memref<640000xf32, #tpu.memory_space<hbm>> -> memref<800xf32, #tpu.memory_space<hbm>>
      tpu.wait_dma2 semaphore(%arg25 : memref<!tpu.dma_semaphore, #tpu.memory_space<semaphore_mem>>) src(%dma_wait3A_163 : memref<800xf32, #tpu.memory_space<hbm>>) dst(%arg21 : memref<800xf32, #tpu.memory_space<vmem>>)
      %dma_wait3A_164 = arith.constant 0 : i32
      %dma_wait3A_165 = tpu.memref_slice %arg4[%dma_wait3A_164] : memref<640000xf32, #tpu.memory_space<hbm>> -> memref<800xf32, #tpu.memory_space<hbm>>
      %dma_wait3A_166 = arith.constant 0 : i32
      %dma_wait3A_167 = tpu.memref_slice %arg4[%dma_wait3A_166] : memref<640000xf32, #tpu.memory_space<hbm>> -> memref<800xf32, #tpu.memory_space<hbm>>
      tpu.wait_dma2 semaphore(%arg25 : memref<!tpu.dma_semaphore, #tpu.memory_space<semaphore_mem>>) src(%dma_wait3A_167 : memref<800xf32, #tpu.memory_space<hbm>>) dst(%arg23 : memref<800xf32, #tpu.memory_space<vmem>>)
      %parallel_loop3A_168 = arith.constant 0 : i32
      %parallel_loop3A_169 = arith.constant 50 : i32
      %parallel_loop3A_170 = arith.constant 1 : i32
      scf.for %parallel_loop3A_171 = %parallel_loop3A_168 to %parallel_loop3A_169 step %parallel_loop3A_170  : i32 {
        %parallel_loop3A_172 = arith.constant 16 : i32
        %parallel_loop3A_173 = arith.muli %parallel_loop3A_171, %parallel_loop3A_172 : i32
        %parallel_loop3A_174 = arith.index_cast %parallel_loop3A_173 : i32 to index
        %parallel_loop3A_175 = tpu.vector_load %arg19[%parallel_loop3A_174] {strides = array<i32>} : memref<800xi32, #tpu.memory_space<vmem>>, vector<16xi32>,
        %parallel_loop3A_176 = arith.constant 14 : i32
        %parallel_loop3A_177 = vector.broadcast %parallel_loop3A_176 : i32 to vector<16xi32>
        %parallel_loop3A_178 = arith.shrui %parallel_loop3A_175, %parallel_loop3A_177 : vector<16xi32>
        %parallel_loop3A_179 = arith.constant 16383 : i32
        %parallel_loop3A_180 = vector.broadcast %parallel_loop3A_179 : i32 to vector<16xi32>
        %parallel_loop3A_181 = arith.andi %parallel_loop3A_175, %parallel_loop3A_180 : vector<16xi32>
        %parallel_loop3A_182 = arith.index_cast %parallel_loop3A_173 : i32 to index
        %parallel_loop3A_183 = tpu.vector_load %arg21[%parallel_loop3A_182] {strides = array<i32>} : memref<800xf32, #tpu.memory_space<vmem>>, vector<16xf32>,
        %parallel_loop3A_184 = arith.index_cast %parallel_loop3A_173 : i32 to index
        %parallel_loop3A_185 = tpu.vector_load %arg23[%parallel_loop3A_184] {strides = array<i32>} : memref<800xf32, #tpu.memory_space<vmem>>, vector<16xf32>,
        %parallel_loop3A_186 = tpu.vector_load_idx %arg6[%parallel_loop3A_178] : memref<10048xf32, #tpu.memory_space<vmem>>[vector<16xi32>], vector<16xf32>,
        %parallel_loop3A_187 = arith.mulf %parallel_loop3A_186, %parallel_loop3A_183 : vector<16xf32>
        tpu.vector_store_idx %arg10[%parallel_loop3A_181], %parallel_loop3A_187 {add = true} : memref<10048xf32, #tpu.memory_space<vmem>>[vector<16xi32>], vector<16xf32>,
        %parallel_loop3A_188 = arith.mulf %parallel_loop3A_186, %parallel_loop3A_185 : vector<16xf32>
        tpu.vector_store_idx %arg14[%parallel_loop3A_181], %parallel_loop3A_188 {add = true} : memref<10048xf32, #tpu.memory_space<vmem>>[vector<16xi32>], vector<16xf32>,
        %parallel_loop3A_189 = tpu.vector_load_idx %arg7[%parallel_loop3A_178] : memref<10048xf32, #tpu.memory_space<vmem>>[vector<16xi32>], vector<16xf32>,
        %parallel_loop3A_190 = arith.mulf %parallel_loop3A_189, %parallel_loop3A_183 : vector<16xf32>
        tpu.vector_store_idx %arg11[%parallel_loop3A_181], %parallel_loop3A_190 {add = true} : memref<10048xf32, #tpu.memory_space<vmem>>[vector<16xi32>], vector<16xf32>,
        %parallel_loop3A_191 = arith.mulf %parallel_loop3A_189, %parallel_loop3A_185 : vector<16xf32>
        tpu.vector_store_idx %arg15[%parallel_loop3A_181], %parallel_loop3A_191 {add = true} : memref<10048xf32, #tpu.memory_space<vmem>>[vector<16xi32>], vector<16xf32>,
        %parallel_loop3A_192 = tpu.vector_load_idx %arg8[%parallel_loop3A_178] : memref<10048xf32, #tpu.memory_space<vmem>>[vector<16xi32>], vector<16xf32>,
        %parallel_loop3A_193 = arith.mulf %parallel_loop3A_192, %parallel_loop3A_183 : vector<16xf32>
        tpu.vector_store_idx %arg12[%parallel_loop3A_181], %parallel_loop3A_193 {add = true} : memref<10048xf32, #tpu.memory_space<vmem>>[vector<16xi32>], vector<16xf32>,
        %parallel_loop3A_194 = arith.mulf %parallel_loop3A_192, %parallel_loop3A_185 : vector<16xf32>
        tpu.vector_store_idx %arg16[%parallel_loop3A_181], %parallel_loop3A_194 {add = true} : memref<10048xf32, #tpu.memory_space<vmem>>[vector<16xi32>], vector<16xf32>,
        %parallel_loop3A_195 = tpu.vector_load_idx %arg9[%parallel_loop3A_178] : memref<10048xf32, #tpu.memory_space<vmem>>[vector<16xi32>], vector<16xf32>,
        %parallel_loop3A_196 = arith.mulf %parallel_loop3A_195, %parallel_loop3A_183 : vector<16xf32>
        tpu.vector_store_idx %arg13[%parallel_loop3A_181], %parallel_loop3A_196 {add = true} : memref<10048xf32, #tpu.memory_space<vmem>>[vector<16xi32>], vector<16xf32>,
        %parallel_loop3A_197 = arith.mulf %parallel_loop3A_195, %parallel_loop3A_185 : vector<16xf32>
        tpu.vector_store_idx %arg17[%parallel_loop3A_181], %parallel_loop3A_197 {add = true} : memref<10048xf32, #tpu.memory_space<vmem>>[vector<16xi32>], vector<16xf32>,
      } {sc.loop_unroll_factor = 8 : i64, sc.parallel_access}
    }
    %scan3A_47 = arith.constant 200 : i32
    %mul3A_48 = arith.constant 4 : i32
    %mul3A_49 = arith.muli %mul3A_48, %add3A : i32
    %add3A_50 = arith.constant 0 : i32
    %add3A_51 = arith.addi %add3A_50, %mul3A_49 : i32
    %add3A_52 = arith.constant 0 : i32
    %add3A_53 = arith.addi %add3A_51, %add3A_52 : i32
    %mul3A_54 = arith.constant 10240 : i32
    %mul3A_55 = arith.muli %add3A_53, %mul3A_54 : i32
    %multiple_of3A_56 = tpu.assume_multiple %mul3A_55, 8 : i32
    "tpu.region"() ({
      %run_scoped3A = tpu.sem_alloc : memref<!tpu.dma_semaphore, #tpu.memory_space<semaphore_mem>>
      %dma_start3A_120 = tpu.memref_slice %arg5[%multiple_of3A_56] : memref<2621440xf32, #tpu.memory_space<hbm>> -> memref<10048xf32, #tpu.memory_space<hbm>>
      %dma_start3A_121 = tpu.memref_slice %arg5[%multiple_of3A_56] : memref<2621440xf32, #tpu.memory_space<hbm>> -> memref<10048xf32, #tpu.memory_space<hbm>>
      tpu.enqueue_dma source(%arg10 : memref<10048xf32, #tpu.memory_space<vmem>>) target(%dma_start3A_121 : memref<10048xf32, #tpu.memory_space<hbm>>) target_semaphore(%run_scoped3A : memref<!tpu.dma_semaphore, #tpu.memory_space<semaphore_mem>>)
      %dma_wait3A = tpu.memref_slice %arg5[%multiple_of3A_56] : memref<2621440xf32, #tpu.memory_space<hbm>> -> memref<10048xf32, #tpu.memory_space<hbm>>
      %dma_wait3A_122 = tpu.memref_slice %arg5[%multiple_of3A_56] : memref<2621440xf32, #tpu.memory_space<hbm>> -> memref<10048xf32, #tpu.memory_space<hbm>>
      tpu.wait_dma2 semaphore(%run_scoped3A : memref<!tpu.dma_semaphore, #tpu.memory_space<semaphore_mem>>) src(%arg10 : memref<10048xf32, #tpu.memory_space<vmem>>) dst(%dma_wait3A_122 : memref<10048xf32, #tpu.memory_space<hbm>>)
      tpu.yield
    }) : () -> ()
    %mul3A_57 = arith.constant 4 : i32
    %mul3A_58 = arith.muli %mul3A_57, %add3A : i32
    %add3A_59 = arith.constant 0 : i32
    %add3A_60 = arith.addi %add3A_59, %mul3A_58 : i32
    %add3A_61 = arith.constant 1 : i32
    %add3A_62 = arith.addi %add3A_60, %add3A_61 : i32
    %mul3A_63 = arith.constant 10240 : i32
    %mul3A_64 = arith.muli %add3A_62, %mul3A_63 : i32
    %multiple_of3A_65 = tpu.assume_multiple %mul3A_64, 8 : i32
    "tpu.region"() ({
      %run_scoped3A = tpu.sem_alloc : memref<!tpu.dma_semaphore, #tpu.memory_space<semaphore_mem>>
      %dma_start3A_120 = tpu.memref_slice %arg5[%multiple_of3A_65] : memref<2621440xf32, #tpu.memory_space<hbm>> -> memref<10048xf32, #tpu.memory_space<hbm>>
      %dma_start3A_121 = tpu.memref_slice %arg5[%multiple_of3A_65] : memref<2621440xf32, #tpu.memory_space<hbm>> -> memref<10048xf32, #tpu.memory_space<hbm>>
      tpu.enqueue_dma source(%arg11 : memref<10048xf32, #tpu.memory_space<vmem>>) target(%dma_start3A_121 : memref<10048xf32, #tpu.memory_space<hbm>>) target_semaphore(%run_scoped3A : memref<!tpu.dma_semaphore, #tpu.memory_space<semaphore_mem>>)
      %dma_wait3A = tpu.memref_slice %arg5[%multiple_of3A_65] : memref<2621440xf32, #tpu.memory_space<hbm>> -> memref<10048xf32, #tpu.memory_space<hbm>>
      %dma_wait3A_122 = tpu.memref_slice %arg5[%multiple_of3A_65] : memref<2621440xf32, #tpu.memory_space<hbm>> -> memref<10048xf32, #tpu.memory_space<hbm>>
      tpu.wait_dma2 semaphore(%run_scoped3A : memref<!tpu.dma_semaphore, #tpu.memory_space<semaphore_mem>>) src(%arg11 : memref<10048xf32, #tpu.memory_space<vmem>>) dst(%dma_wait3A_122 : memref<10048xf32, #tpu.memory_space<hbm>>)
      tpu.yield
    }) : () -> ()
    %mul3A_66 = arith.constant 4 : i32
    %mul3A_67 = arith.muli %mul3A_66, %add3A : i32
    %add3A_68 = arith.constant 0 : i32
    %add3A_69 = arith.addi %add3A_68, %mul3A_67 : i32
    %add3A_70 = arith.constant 2 : i32
    %add3A_71 = arith.addi %add3A_69, %add3A_70 : i32
    %mul3A_72 = arith.constant 10240 : i32
    %mul3A_73 = arith.muli %add3A_71, %mul3A_72 : i32
    %multiple_of3A_74 = tpu.assume_multiple %mul3A_73, 8 : i32
    "tpu.region"() ({
      %run_scoped3A = tpu.sem_alloc : memref<!tpu.dma_semaphore, #tpu.memory_space<semaphore_mem>>
      %dma_start3A_120 = tpu.memref_slice %arg5[%multiple_of3A_74] : memref<2621440xf32, #tpu.memory_space<hbm>> -> memref<10048xf32, #tpu.memory_space<hbm>>
      %dma_start3A_121 = tpu.memref_slice %arg5[%multiple_of3A_74] : memref<2621440xf32, #tpu.memory_space<hbm>> -> memref<10048xf32, #tpu.memory_space<hbm>>
      tpu.enqueue_dma source(%arg12 : memref<10048xf32, #tpu.memory_space<vmem>>) target(%dma_start3A_121 : memref<10048xf32, #tpu.memory_space<hbm>>) target_semaphore(%run_scoped3A : memref<!tpu.dma_semaphore, #tpu.memory_space<semaphore_mem>>)
      %dma_wait3A = tpu.memref_slice %arg5[%multiple_of3A_74] : memref<2621440xf32, #tpu.memory_space<hbm>> -> memref<10048xf32, #tpu.memory_space<hbm>>
      %dma_wait3A_122 = tpu.memref_slice %arg5[%multiple_of3A_74] : memref<2621440xf32, #tpu.memory_space<hbm>> -> memref<10048xf32, #tpu.memory_space<hbm>>
      tpu.wait_dma2 semaphore(%run_scoped3A : memref<!tpu.dma_semaphore, #tpu.memory_space<semaphore_mem>>) src(%arg12 : memref<10048xf32, #tpu.memory_space<vmem>>) dst(%dma_wait3A_122 : memref<10048xf32, #tpu.memory_space<hbm>>)
      tpu.yield
    }) : () -> ()
    %mul3A_75 = arith.constant 4 : i32
    %mul3A_76 = arith.muli %mul3A_75, %add3A : i32
    %add3A_77 = arith.constant 0 : i32
    %add3A_78 = arith.addi %add3A_77, %mul3A_76 : i32
    %add3A_79 = arith.constant 3 : i32
    %add3A_80 = arith.addi %add3A_78, %add3A_79 : i32
    %mul3A_81 = arith.constant 10240 : i32
    %mul3A_82 = arith.muli %add3A_80, %mul3A_81 : i32
    %multiple_of3A_83 = tpu.assume_multiple %mul3A_82, 8 : i32
    "tpu.region"() ({
      %run_scoped3A = tpu.sem_alloc : memref<!tpu.dma_semaphore, #tpu.memory_space<semaphore_mem>>
      %dma_start3A_120 = tpu.memref_slice %arg5[%multiple_of3A_83] : memref<2621440xf32, #tpu.memory_space<hbm>> -> memref<10048xf32, #tpu.memory_space<hbm>>
      %dma_start3A_121 = tpu.memref_slice %arg5[%multiple_of3A_83] : memref<2621440xf32, #tpu.memory_space<hbm>> -> memref<10048xf32, #tpu.memory_space<hbm>>
      tpu.enqueue_dma source(%arg13 : memref<10048xf32, #tpu.memory_space<vmem>>) target(%dma_start3A_121 : memref<10048xf32, #tpu.memory_space<hbm>>) target_semaphore(%run_scoped3A : memref<!tpu.dma_semaphore, #tpu.memory_space<semaphore_mem>>)
      %dma_wait3A = tpu.memref_slice %arg5[%multiple_of3A_83] : memref<2621440xf32, #tpu.memory_space<hbm>> -> memref<10048xf32, #tpu.memory_space<hbm>>
      %dma_wait3A_122 = tpu.memref_slice %arg5[%multiple_of3A_83] : memref<2621440xf32, #tpu.memory_space<hbm>> -> memref<10048xf32, #tpu.memory_space<hbm>>
      tpu.wait_dma2 semaphore(%run_scoped3A : memref<!tpu.dma_semaphore, #tpu.memory_space<semaphore_mem>>) src(%arg13 : memref<10048xf32, #tpu.memory_space<vmem>>) dst(%dma_wait3A_122 : memref<10048xf32, #tpu.memory_space<hbm>>)
      tpu.yield
    }) : () -> ()
    %mul3A_84 = arith.constant 4 : i32
    %mul3A_85 = arith.muli %mul3A_84, %add3A : i32
    %add3A_86 = arith.constant 128 : i32
    %add3A_87 = arith.addi %add3A_86, %mul3A_85 : i32
    %add3A_88 = arith.constant 0 : i32
    %add3A_89 = arith.addi %add3A_87, %add3A_88 : i32
    %mul3A_90 = arith.constant 10240 : i32
    %mul3A_91 = arith.muli %add3A_89, %mul3A_90 : i32
    %multiple_of3A_92 = tpu.assume_multiple %mul3A_91, 8 : i32
    "tpu.region"() ({
      %run_scoped3A = tpu.sem_alloc : memref<!tpu.dma_semaphore, #tpu.memory_space<semaphore_mem>>
      %dma_start3A_120 = tpu.memref_slice %arg5[%multiple_of3A_92] : memref<2621440xf32, #tpu.memory_space<hbm>> -> memref<10048xf32, #tpu.memory_space<hbm>>
      %dma_start3A_121 = tpu.memref_slice %arg5[%multiple_of3A_92] : memref<2621440xf32, #tpu.memory_space<hbm>> -> memref<10048xf32, #tpu.memory_space<hbm>>
      tpu.enqueue_dma source(%arg14 : memref<10048xf32, #tpu.memory_space<vmem>>) target(%dma_start3A_121 : memref<10048xf32, #tpu.memory_space<hbm>>) target_semaphore(%run_scoped3A : memref<!tpu.dma_semaphore, #tpu.memory_space<semaphore_mem>>)
      %dma_wait3A = tpu.memref_slice %arg5[%multiple_of3A_92] : memref<2621440xf32, #tpu.memory_space<hbm>> -> memref<10048xf32, #tpu.memory_space<hbm>>
      %dma_wait3A_122 = tpu.memref_slice %arg5[%multiple_of3A_92] : memref<2621440xf32, #tpu.memory_space<hbm>> -> memref<10048xf32, #tpu.memory_space<hbm>>
      tpu.wait_dma2 semaphore(%run_scoped3A : memref<!tpu.dma_semaphore, #tpu.memory_space<semaphore_mem>>) src(%arg14 : memref<10048xf32, #tpu.memory_space<vmem>>) dst(%dma_wait3A_122 : memref<10048xf32, #tpu.memory_space<hbm>>)
      tpu.yield
    }) : () -> ()
    %mul3A_93 = arith.constant 4 : i32
    %mul3A_94 = arith.muli %mul3A_93, %add3A : i32
    %add3A_95 = arith.constant 128 : i32
    %add3A_96 = arith.addi %add3A_95, %mul3A_94 : i32
    %add3A_97 = arith.constant 1 : i32
    %add3A_98 = arith.addi %add3A_96, %add3A_97 : i32
    %mul3A_99 = arith.constant 10240 : i32
    %mul3A_100 = arith.muli %add3A_98, %mul3A_99 : i32
    %multiple_of3A_101 = tpu.assume_multiple %mul3A_100, 8 : i32
    "tpu.region"() ({
      %run_scoped3A = tpu.sem_alloc : memref<!tpu.dma_semaphore, #tpu.memory_space<semaphore_mem>>
      %dma_start3A_120 = tpu.memref_slice %arg5[%multiple_of3A_101] : memref<2621440xf32, #tpu.memory_space<hbm>> -> memref<10048xf32, #tpu.memory_space<hbm>>
      %dma_start3A_121 = tpu.memref_slice %arg5[%multiple_of3A_101] : memref<2621440xf32, #tpu.memory_space<hbm>> -> memref<10048xf32, #tpu.memory_space<hbm>>
      tpu.enqueue_dma source(%arg15 : memref<10048xf32, #tpu.memory_space<vmem>>) target(%dma_start3A_121 : memref<10048xf32, #tpu.memory_space<hbm>>) target_semaphore(%run_scoped3A : memref<!tpu.dma_semaphore, #tpu.memory_space<semaphore_mem>>)
      %dma_wait3A = tpu.memref_slice %arg5[%multiple_of3A_101] : memref<2621440xf32, #tpu.memory_space<hbm>> -> memref<10048xf32, #tpu.memory_space<hbm>>
      %dma_wait3A_122 = tpu.memref_slice %arg5[%multiple_of3A_101] : memref<2621440xf32, #tpu.memory_space<hbm>> -> memref<10048xf32, #tpu.memory_space<hbm>>
      tpu.wait_dma2 semaphore(%run_scoped3A : memref<!tpu.dma_semaphore, #tpu.memory_space<semaphore_mem>>) src(%arg15 : memref<10048xf32, #tpu.memory_space<vmem>>) dst(%dma_wait3A_122 : memref<10048xf32, #tpu.memory_space<hbm>>)
      tpu.yield
    }) : () -> ()
    %mul3A_102 = arith.constant 4 : i32
    %mul3A_103 = arith.muli %mul3A_102, %add3A : i32
    %add3A_104 = arith.constant 128 : i32
    %add3A_105 = arith.addi %add3A_104, %mul3A_103 : i32
    %add3A_106 = arith.constant 2 : i32
    %add3A_107 = arith.addi %add3A_105, %add3A_106 : i32
    %mul3A_108 = arith.constant 10240 : i32
    %mul3A_109 = arith.muli %add3A_107, %mul3A_108 : i32
    %multiple_of3A_110 = tpu.assume_multiple %mul3A_109, 8 : i32
    "tpu.region"() ({
      %run_scoped3A = tpu.sem_alloc : memref<!tpu.dma_semaphore, #tpu.memory_space<semaphore_mem>>
      %dma_start3A_120 = tpu.memref_slice %arg5[%multiple_of3A_110] : memref<2621440xf32, #tpu.memory_space<hbm>> -> memref<10048xf32, #tpu.memory_space<hbm>>
      %dma_start3A_121 = tpu.memref_slice %arg5[%multiple_of3A_110] : memref<2621440xf32, #tpu.memory_space<hbm>> -> memref<10048xf32, #tpu.memory_space<hbm>>
      tpu.enqueue_dma source(%arg16 : memref<10048xf32, #tpu.memory_space<vmem>>) target(%dma_start3A_121 : memref<10048xf32, #tpu.memory_space<hbm>>) target_semaphore(%run_scoped3A : memref<!tpu.dma_semaphore, #tpu.memory_space<semaphore_mem>>)
      %dma_wait3A = tpu.memref_slice %arg5[%multiple_of3A_110] : memref<2621440xf32, #tpu.memory_space<hbm>> -> memref<10048xf32, #tpu.memory_space<hbm>>
      %dma_wait3A_122 = tpu.memref_slice %arg5[%multiple_of3A_110] : memref<2621440xf32, #tpu.memory_space<hbm>> -> memref<10048xf32, #tpu.memory_space<hbm>>
      tpu.wait_dma2 semaphore(%run_scoped3A : memref<!tpu.dma_semaphore, #tpu.memory_space<semaphore_mem>>) src(%arg16 : memref<10048xf32, #tpu.memory_space<vmem>>) dst(%dma_wait3A_122 : memref<10048xf32, #tpu.memory_space<hbm>>)
      tpu.yield
    }) : () -> ()
    %mul3A_111 = arith.constant 4 : i32
    %mul3A_112 = arith.muli %mul3A_111, %add3A : i32
    %add3A_113 = arith.constant 128 : i32
    %add3A_114 = arith.addi %add3A_113, %mul3A_112 : i32
    %add3A_115 = arith.constant 3 : i32
    %add3A_116 = arith.addi %add3A_114, %add3A_115 : i32
    %mul3A_117 = arith.constant 10240 : i32
    %mul3A_118 = arith.muli %add3A_116, %mul3A_117 : i32
    %multiple_of3A_119 = tpu.assume_multiple %mul3A_118, 8 : i32
    "tpu.region"() ({
      %run_scoped3A = tpu.sem_alloc : memref<!tpu.dma_semaphore, #tpu.memory_space<semaphore_mem>>
      %dma_start3A_120 = tpu.memref_slice %arg5[%multiple_of3A_119] : memref<2621440xf32, #tpu.memory_space<hbm>> -> memref<10048xf32, #tpu.memory_space<hbm>>
      %dma_start3A_121 = tpu.memref_slice %arg5[%multiple_of3A_119] : memref<2621440xf32, #tpu.memory_space<hbm>> -> memref<10048xf32, #tpu.memory_space<hbm>>
      tpu.enqueue_dma source(%arg17 : memref<10048xf32, #tpu.memory_space<vmem>>) target(%dma_start3A_121 : memref<10048xf32, #tpu.memory_space<hbm>>) target_semaphore(%run_scoped3A : memref<!tpu.dma_semaphore, #tpu.memory_space<semaphore_mem>>)
      %dma_wait3A = tpu.memref_slice %arg5[%multiple_of3A_119] : memref<2621440xf32, #tpu.memory_space<hbm>> -> memref<10048xf32, #tpu.memory_space<hbm>>
      %dma_wait3A_122 = tpu.memref_slice %arg5[%multiple_of3A_119] : memref<2621440xf32, #tpu.memory_space<hbm>> -> memref<10048xf32, #tpu.memory_space<hbm>>
      tpu.wait_dma2 semaphore(%run_scoped3A : memref<!tpu.dma_semaphore, #tpu.memory_space<semaphore_mem>>) src(%arg17 : memref<10048xf32, #tpu.memory_space<vmem>>) dst(%dma_wait3A_122 : memref<10048xf32, #tpu.memory_space<hbm>>)
      tpu.yield
    }) : () -> ()
    return
  }
}

#map = affine_map<(d0, d1) -> (0)>
module attributes {stable_mosaic.version = 14 : i64} {
  func.func @seg(%arg0: i32, %arg1: i32, %arg2: memref<1310720xf32, #tpu.memory_space<hbm>>, %arg3: memref<320000xi32, #tpu.memory_space<hbm>>, %arg4: memref<1280000xf32, #tpu.memory_space<hbm>>, %arg5: memref<1310720xf32, #tpu.memory_space<hbm>>, %arg6: memref<10048xf32, #tpu.memory_space<vmem>>, %arg7: memref<10048xf32, #tpu.memory_space<vmem>>, %arg8: memref<10048xf32, #tpu.memory_space<vmem>>, %arg9: memref<10048xf32, #tpu.memory_space<vmem>>, %arg10: memref<10048xf32, #tpu.memory_space<vmem>>, %arg11: memref<10048xf32, #tpu.memory_space<vmem>>, %arg12: memref<10048xf32, #tpu.memory_space<vmem>>, %arg13: memref<10048xf32, #tpu.memory_space<vmem>>, %arg14: memref<3200xi32, #tpu.memory_space<vmem>>, %arg15: memref<3200xi32, #tpu.memory_space<vmem>>, %arg16: memref<3200xf32, #tpu.memory_space<vmem>>, %arg17: memref<3200xf32, #tpu.memory_space<vmem>>, %arg18: memref<3200xf32, #tpu.memory_space<vmem>>, %arg19: memref<3200xf32, #tpu.memory_space<vmem>>, %arg20: memref<3200xf32, #tpu.memory_space<vmem>>, %arg21: memref<3200xf32, #tpu.memory_space<vmem>>, %arg22: memref<3200xf32, #tpu.memory_space<vmem>>, %arg23: memref<3200xf32, #tpu.memory_space<vmem>>, %arg24: memref<!tpu.dma_semaphore, #tpu.memory_space<semaphore_mem>>, %arg25: memref<!tpu.dma_semaphore, #tpu.memory_space<semaphore_mem>>) attributes {dimension_semantics = [#tpu.dimension_semantics<core_parallel>, #tpu.dimension_semantics<subcore_parallel>], iteration_bounds = array<i64: 2, 16>, scalar_prefetch = 0 : i64, scratch_operands = 20 : i64, tpu.core_type = #tpu.core_type<sc_vector_subcore>, window_params = [{transform_indices = #map}, {transform_indices = #map}, {transform_indices = #map}, {transform_indices = #map}]} {
    %mul3A = arith.constant 2 : i32
    %mul3A_0 = arith.muli %arg1, %mul3A : i32
    %add3A = arith.addi %mul3A_0, %arg0 : i32
    %add3A_1 = arith.constant 0 : i32
    %add3A_2 = arith.addi %add3A_1, %add3A : i32
    %mul3A_3 = arith.constant 10240 : i32
    %mul3A_4 = arith.muli %add3A_2, %mul3A_3 : i32
    %multiple_of3A = tpu.assume_multiple %mul3A_4, 8 : i32
    "tpu.region"() ({
      %run_scoped3A = tpu.sem_alloc : memref<!tpu.dma_semaphore, #tpu.memory_space<semaphore_mem>>
      %dma_start3A_68 = tpu.memref_slice %arg2[%multiple_of3A] : memref<1310720xf32, #tpu.memory_space<hbm>> -> memref<10048xf32, #tpu.memory_space<hbm>>
      %dma_start3A_69 = tpu.memref_slice %arg2[%multiple_of3A] : memref<1310720xf32, #tpu.memory_space<hbm>> -> memref<10048xf32, #tpu.memory_space<hbm>>
      tpu.enqueue_dma source(%dma_start3A_69 : memref<10048xf32, #tpu.memory_space<hbm>>) target(%arg6 : memref<10048xf32, #tpu.memory_space<vmem>>) target_semaphore(%run_scoped3A : memref<!tpu.dma_semaphore, #tpu.memory_space<semaphore_mem>>)
      %dma_wait3A = tpu.memref_slice %arg2[%multiple_of3A] : memref<1310720xf32, #tpu.memory_space<hbm>> -> memref<10048xf32, #tpu.memory_space<hbm>>
      %dma_wait3A_70 = tpu.memref_slice %arg2[%multiple_of3A] : memref<1310720xf32, #tpu.memory_space<hbm>> -> memref<10048xf32, #tpu.memory_space<hbm>>
      tpu.wait_dma2 semaphore(%run_scoped3A : memref<!tpu.dma_semaphore, #tpu.memory_space<semaphore_mem>>) src(%dma_wait3A_70 : memref<10048xf32, #tpu.memory_space<hbm>>) dst(%arg6 : memref<10048xf32, #tpu.memory_space<vmem>>)
      tpu.yield
    }) : () -> ()
    %add3A_5 = arith.constant 32 : i32
    %add3A_6 = arith.addi %add3A_5, %add3A : i32
    %mul3A_7 = arith.constant 10240 : i32
    %mul3A_8 = arith.muli %add3A_6, %mul3A_7 : i32
    %multiple_of3A_9 = tpu.assume_multiple %mul3A_8, 8 : i32
    "tpu.region"() ({
      %run_scoped3A = tpu.sem_alloc : memref<!tpu.dma_semaphore, #tpu.memory_space<semaphore_mem>>
      %dma_start3A_68 = tpu.memref_slice %arg2[%multiple_of3A_9] : memref<1310720xf32, #tpu.memory_space<hbm>> -> memref<10048xf32, #tpu.memory_space<hbm>>
      %dma_start3A_69 = tpu.memref_slice %arg2[%multiple_of3A_9] : memref<1310720xf32, #tpu.memory_space<hbm>> -> memref<10048xf32, #tpu.memory_space<hbm>>
      tpu.enqueue_dma source(%dma_start3A_69 : memref<10048xf32, #tpu.memory_space<hbm>>) target(%arg7 : memref<10048xf32, #tpu.memory_space<vmem>>) target_semaphore(%run_scoped3A : memref<!tpu.dma_semaphore, #tpu.memory_space<semaphore_mem>>)
      %dma_wait3A = tpu.memref_slice %arg2[%multiple_of3A_9] : memref<1310720xf32, #tpu.memory_space<hbm>> -> memref<10048xf32, #tpu.memory_space<hbm>>
      %dma_wait3A_70 = tpu.memref_slice %arg2[%multiple_of3A_9] : memref<1310720xf32, #tpu.memory_space<hbm>> -> memref<10048xf32, #tpu.memory_space<hbm>>
      tpu.wait_dma2 semaphore(%run_scoped3A : memref<!tpu.dma_semaphore, #tpu.memory_space<semaphore_mem>>) src(%dma_wait3A_70 : memref<10048xf32, #tpu.memory_space<hbm>>) dst(%arg7 : memref<10048xf32, #tpu.memory_space<vmem>>)
      tpu.yield
    }) : () -> ()
    %add3A_10 = arith.constant 64 : i32
    %add3A_11 = arith.addi %add3A_10, %add3A : i32
    %mul3A_12 = arith.constant 10240 : i32
    %mul3A_13 = arith.muli %add3A_11, %mul3A_12 : i32
    %multiple_of3A_14 = tpu.assume_multiple %mul3A_13, 8 : i32
    "tpu.region"() ({
      %run_scoped3A = tpu.sem_alloc : memref<!tpu.dma_semaphore, #tpu.memory_space<semaphore_mem>>
      %dma_start3A_68 = tpu.memref_slice %arg2[%multiple_of3A_14] : memref<1310720xf32, #tpu.memory_space<hbm>> -> memref<10048xf32, #tpu.memory_space<hbm>>
      %dma_start3A_69 = tpu.memref_slice %arg2[%multiple_of3A_14] : memref<1310720xf32, #tpu.memory_space<hbm>> -> memref<10048xf32, #tpu.memory_space<hbm>>
      tpu.enqueue_dma source(%dma_start3A_69 : memref<10048xf32, #tpu.memory_space<hbm>>) target(%arg8 : memref<10048xf32, #tpu.memory_space<vmem>>) target_semaphore(%run_scoped3A : memref<!tpu.dma_semaphore, #tpu.memory_space<semaphore_mem>>)
      %dma_wait3A = tpu.memref_slice %arg2[%multiple_of3A_14] : memref<1310720xf32, #tpu.memory_space<hbm>> -> memref<10048xf32, #tpu.memory_space<hbm>>
      %dma_wait3A_70 = tpu.memref_slice %arg2[%multiple_of3A_14] : memref<1310720xf32, #tpu.memory_space<hbm>> -> memref<10048xf32, #tpu.memory_space<hbm>>
      tpu.wait_dma2 semaphore(%run_scoped3A : memref<!tpu.dma_semaphore, #tpu.memory_space<semaphore_mem>>) src(%dma_wait3A_70 : memref<10048xf32, #tpu.memory_space<hbm>>) dst(%arg8 : memref<10048xf32, #tpu.memory_space<vmem>>)
      tpu.yield
    }) : () -> ()
    %add3A_15 = arith.constant 96 : i32
    %add3A_16 = arith.addi %add3A_15, %add3A : i32
    %mul3A_17 = arith.constant 10240 : i32
    %mul3A_18 = arith.muli %add3A_16, %mul3A_17 : i32
    %multiple_of3A_19 = tpu.assume_multiple %mul3A_18, 8 : i32
    "tpu.region"() ({
      %run_scoped3A = tpu.sem_alloc : memref<!tpu.dma_semaphore, #tpu.memory_space<semaphore_mem>>
      %dma_start3A_68 = tpu.memref_slice %arg2[%multiple_of3A_19] : memref<1310720xf32, #tpu.memory_space<hbm>> -> memref<10048xf32, #tpu.memory_space<hbm>>
      %dma_start3A_69 = tpu.memref_slice %arg2[%multiple_of3A_19] : memref<1310720xf32, #tpu.memory_space<hbm>> -> memref<10048xf32, #tpu.memory_space<hbm>>
      tpu.enqueue_dma source(%dma_start3A_69 : memref<10048xf32, #tpu.memory_space<hbm>>) target(%arg9 : memref<10048xf32, #tpu.memory_space<vmem>>) target_semaphore(%run_scoped3A : memref<!tpu.dma_semaphore, #tpu.memory_space<semaphore_mem>>)
      %dma_wait3A = tpu.memref_slice %arg2[%multiple_of3A_19] : memref<1310720xf32, #tpu.memory_space<hbm>> -> memref<10048xf32, #tpu.memory_space<hbm>>
      %dma_wait3A_70 = tpu.memref_slice %arg2[%multiple_of3A_19] : memref<1310720xf32, #tpu.memory_space<hbm>> -> memref<10048xf32, #tpu.memory_space<hbm>>
      tpu.wait_dma2 semaphore(%run_scoped3A : memref<!tpu.dma_semaphore, #tpu.memory_space<semaphore_mem>>) src(%dma_wait3A_70 : memref<10048xf32, #tpu.memory_space<hbm>>) dst(%arg9 : memref<10048xf32, #tpu.memory_space<vmem>>)
      tpu.yield
    }) : () -> ()
    %scan3A = arith.constant 0 : i32
    %scan3A_20 = arith.constant 628 : i32
    %scan3A_21 = arith.addi %scan3A, %scan3A_20 : i32
    %scan3A_22 = arith.constant 1 : i32
    scf.for %scan3A_68 = %scan3A to %scan3A_21 step %scan3A_22  : i32 {
      %mul3A_69 = arith.constant 1 : i32
      %mul3A_70 = arith.muli %scan3A_68, %mul3A_69 : i32
      %add3A_71 = arith.constant 0 : i32
      %add3A_72 = arith.addi %add3A_71, %mul3A_70 : i32
      %broadcast_in_dim3A = arith.constant 0.000000e+00 : f32
      %broadcast_in_dim3A_73 = vector.broadcast %broadcast_in_dim3A : f32 to vector<16xf32>
      %mul3A_74 = arith.constant 16 : i32
      %mul3A_75 = arith.muli %add3A_72, %mul3A_74 : i32
      %swap3A = arith.index_cast %mul3A_75 : i32 to index
      %swap3A_76 = tpu.vector_load %arg10[%swap3A] {strides = array<i32>} : memref<10048xf32, #tpu.memory_space<vmem>>, vector<16xf32>,
      tpu.vector_store %arg10[%swap3A], %broadcast_in_dim3A_73 {strides = array<i32>} : memref<10048xf32, #tpu.memory_space<vmem>>, vector<16xf32>,
      %mul3A_77 = arith.constant 16 : i32
      %mul3A_78 = arith.muli %add3A_72, %mul3A_77 : i32
      %swap3A_79 = arith.index_cast %mul3A_78 : i32 to index
      %swap3A_80 = tpu.vector_load %arg11[%swap3A_79] {strides = array<i32>} : memref<10048xf32, #tpu.memory_space<vmem>>, vector<16xf32>,
      tpu.vector_store %arg11[%swap3A_79], %broadcast_in_dim3A_73 {strides = array<i32>} : memref<10048xf32, #tpu.memory_space<vmem>>, vector<16xf32>,
      %mul3A_81 = arith.constant 16 : i32
      %mul3A_82 = arith.muli %add3A_72, %mul3A_81 : i32
      %swap3A_83 = arith.index_cast %mul3A_82 : i32 to index
      %swap3A_84 = tpu.vector_load %arg12[%swap3A_83] {strides = array<i32>} : memref<10048xf32, #tpu.memory_space<vmem>>, vector<16xf32>,
      tpu.vector_store %arg12[%swap3A_83], %broadcast_in_dim3A_73 {strides = array<i32>} : memref<10048xf32, #tpu.memory_space<vmem>>, vector<16xf32>,
      %mul3A_85 = arith.constant 16 : i32
      %mul3A_86 = arith.muli %add3A_72, %mul3A_85 : i32
      %swap3A_87 = arith.index_cast %mul3A_86 : i32 to index
      %swap3A_88 = tpu.vector_load %arg13[%swap3A_87] {strides = array<i32>} : memref<10048xf32, #tpu.memory_space<vmem>>, vector<16xf32>,
      tpu.vector_store %arg13[%swap3A_87], %broadcast_in_dim3A_73 {strides = array<i32>} : memref<10048xf32, #tpu.memory_space<vmem>>, vector<16xf32>,
    }
    %scan3A_23 = arith.constant 628 : i32
    %dma_start3A = arith.constant 0 : i32
    %dma_start3A_24 = tpu.memref_slice %arg3[%dma_start3A] : memref<320000xi32, #tpu.memory_space<hbm>> -> memref<3200xi32, #tpu.memory_space<hbm>>
    %dma_start3A_25 = arith.constant 0 : i32
    %dma_start3A_26 = tpu.memref_slice %arg3[%dma_start3A_25] : memref<320000xi32, #tpu.memory_space<hbm>> -> memref<3200xi32, #tpu.memory_space<hbm>>
    tpu.enqueue_dma source(%dma_start3A_26 : memref<3200xi32, #tpu.memory_space<hbm>>) target(%arg14 : memref<3200xi32, #tpu.memory_space<vmem>>) target_semaphore(%arg24 : memref<!tpu.dma_semaphore, #tpu.memory_space<semaphore_mem>>)
    %dma_start3A_27 = arith.constant 0 : i32
    %dma_start3A_28 = tpu.memref_slice %arg4[%dma_start3A_27] : memref<1280000xf32, #tpu.memory_space<hbm>> -> memref<3200xf32, #tpu.memory_space<hbm>>
    %dma_start3A_29 = arith.constant 0 : i32
    %dma_start3A_30 = tpu.memref_slice %arg4[%dma_start3A_29] : memref<1280000xf32, #tpu.memory_space<hbm>> -> memref<3200xf32, #tpu.memory_space<hbm>>
    tpu.enqueue_dma source(%dma_start3A_30 : memref<3200xf32, #tpu.memory_space<hbm>>) target(%arg16 : memref<3200xf32, #tpu.memory_space<vmem>>) target_semaphore(%arg24 : memref<!tpu.dma_semaphore, #tpu.memory_space<semaphore_mem>>)
    %dma_start3A_31 = arith.constant 320000 : i32
    %dma_start3A_32 = tpu.memref_slice %arg4[%dma_start3A_31] : memref<1280000xf32, #tpu.memory_space<hbm>> -> memref<3200xf32, #tpu.memory_space<hbm>>
    %dma_start3A_33 = arith.constant 320000 : i32
    %dma_start3A_34 = tpu.memref_slice %arg4[%dma_start3A_33] : memref<1280000xf32, #tpu.memory_space<hbm>> -> memref<3200xf32, #tpu.memory_space<hbm>>
    tpu.enqueue_dma source(%dma_start3A_34 : memref<3200xf32, #tpu.memory_space<hbm>>) target(%arg18 : memref<3200xf32, #tpu.memory_space<vmem>>) target_semaphore(%arg24 : memref<!tpu.dma_semaphore, #tpu.memory_space<semaphore_mem>>)
    %dma_start3A_35 = arith.constant 640000 : i32
    %dma_start3A_36 = tpu.memref_slice %arg4[%dma_start3A_35] : memref<1280000xf32, #tpu.memory_space<hbm>> -> memref<3200xf32, #tpu.memory_space<hbm>>
    %dma_start3A_37 = arith.constant 640000 : i32
    %dma_start3A_38 = tpu.memref_slice %arg4[%dma_start3A_37] : memref<1280000xf32, #tpu.memory_space<hbm>> -> memref<3200xf32, #tpu.memory_space<hbm>>
    tpu.enqueue_dma source(%dma_start3A_38 : memref<3200xf32, #tpu.memory_space<hbm>>) target(%arg20 : memref<3200xf32, #tpu.memory_space<vmem>>) target_semaphore(%arg24 : memref<!tpu.dma_semaphore, #tpu.memory_space<semaphore_mem>>)
    %dma_start3A_39 = arith.constant 960000 : i32
    %dma_start3A_40 = tpu.memref_slice %arg4[%dma_start3A_39] : memref<1280000xf32, #tpu.memory_space<hbm>> -> memref<3200xf32, #tpu.memory_space<hbm>>
    %dma_start3A_41 = arith.constant 960000 : i32
    %dma_start3A_42 = tpu.memref_slice %arg4[%dma_start3A_41] : memref<1280000xf32, #tpu.memory_space<hbm>> -> memref<3200xf32, #tpu.memory_space<hbm>>
    tpu.enqueue_dma source(%dma_start3A_42 : memref<3200xf32, #tpu.memory_space<hbm>>) target(%arg22 : memref<3200xf32, #tpu.memory_space<vmem>>) target_semaphore(%arg24 : memref<!tpu.dma_semaphore, #tpu.memory_space<semaphore_mem>>)
    %scan3A_43 = arith.constant 0 : i32
    %scan3A_44 = arith.constant 50 : i32
    %scan3A_45 = arith.addi %scan3A_43, %scan3A_44 : i32
    %scan3A_46 = arith.constant 1 : i32
    scf.for %scan3A_68 = %scan3A_43 to %scan3A_45 step %scan3A_46  : i32 {
      %mul3A_69 = arith.constant 2 : i32
      %mul3A_70 = arith.muli %scan3A_68, %mul3A_69 : i32
      %add3A_71 = arith.constant 0 : i32
      %add3A_72 = arith.addi %add3A_71, %mul3A_70 : i32
      %add3A_73 = arith.constant 1 : i32
      %add3A_74 = arith.addi %add3A_72, %add3A_73 : i32
      %mul3A_75 = arith.constant 3200 : i32
      %mul3A_76 = arith.muli %add3A_74, %mul3A_75 : i32
      %dma_start3A_77 = tpu.memref_slice %arg3[%mul3A_76] : memref<320000xi32, #tpu.memory_space<hbm>> -> memref<3200xi32, #tpu.memory_space<hbm>>
      %dma_start3A_78 = tpu.memref_slice %arg3[%mul3A_76] : memref<320000xi32, #tpu.memory_space<hbm>> -> memref<3200xi32, #tpu.memory_space<hbm>>
      tpu.enqueue_dma source(%dma_start3A_78 : memref<3200xi32, #tpu.memory_space<hbm>>) target(%arg15 : memref<3200xi32, #tpu.memory_space<vmem>>) target_semaphore(%arg25 : memref<!tpu.dma_semaphore, #tpu.memory_space<semaphore_mem>>)
      %add3A_79 = arith.constant 0 : i32
      %add3A_80 = arith.addi %add3A_79, %mul3A_76 : i32
      %dma_start3A_81 = tpu.memref_slice %arg4[%add3A_80] : memref<1280000xf32, #tpu.memory_space<hbm>> -> memref<3200xf32, #tpu.memory_space<hbm>>
      %dma_start3A_82 = tpu.memref_slice %arg4[%add3A_80] : memref<1280000xf32, #tpu.memory_space<hbm>> -> memref<3200xf32, #tpu.memory_space<hbm>>
      tpu.enqueue_dma source(%dma_start3A_82 : memref<3200xf32, #tpu.memory_space<hbm>>) target(%arg17 : memref<3200xf32, #tpu.memory_space<vmem>>) target_semaphore(%arg25 : memref<!tpu.dma_semaphore, #tpu.memory_space<semaphore_mem>>)
      %add3A_83 = arith.constant 320000 : i32
      %add3A_84 = arith.addi %add3A_83, %mul3A_76 : i32
      %dma_start3A_85 = tpu.memref_slice %arg4[%add3A_84] : memref<1280000xf32, #tpu.memory_space<hbm>> -> memref<3200xf32, #tpu.memory_space<hbm>>
      %dma_start3A_86 = tpu.memref_slice %arg4[%add3A_84] : memref<1280000xf32, #tpu.memory_space<hbm>> -> memref<3200xf32, #tpu.memory_space<hbm>>
      tpu.enqueue_dma source(%dma_start3A_86 : memref<3200xf32, #tpu.memory_space<hbm>>) target(%arg19 : memref<3200xf32, #tpu.memory_space<vmem>>) target_semaphore(%arg25 : memref<!tpu.dma_semaphore, #tpu.memory_space<semaphore_mem>>)
      %add3A_87 = arith.constant 640000 : i32
      %add3A_88 = arith.addi %add3A_87, %mul3A_76 : i32
      %dma_start3A_89 = tpu.memref_slice %arg4[%add3A_88] : memref<1280000xf32, #tpu.memory_space<hbm>> -> memref<3200xf32, #tpu.memory_space<hbm>>
      %dma_start3A_90 = tpu.memref_slice %arg4[%add3A_88] : memref<1280000xf32, #tpu.memory_space<hbm>> -> memref<3200xf32, #tpu.memory_space<hbm>>
      tpu.enqueue_dma source(%dma_start3A_90 : memref<3200xf32, #tpu.memory_space<hbm>>) target(%arg21 : memref<3200xf32, #tpu.memory_space<vmem>>) target_semaphore(%arg25 : memref<!tpu.dma_semaphore, #tpu.memory_space<semaphore_mem>>)
      %add3A_91 = arith.constant 960000 : i32
      %add3A_92 = arith.addi %add3A_91, %mul3A_76 : i32
      %dma_start3A_93 = tpu.memref_slice %arg4[%add3A_92] : memref<1280000xf32, #tpu.memory_space<hbm>> -> memref<3200xf32, #tpu.memory_space<hbm>>
      %dma_start3A_94 = tpu.memref_slice %arg4[%add3A_92] : memref<1280000xf32, #tpu.memory_space<hbm>> -> memref<3200xf32, #tpu.memory_space<hbm>>
      tpu.enqueue_dma source(%dma_start3A_94 : memref<3200xf32, #tpu.memory_space<hbm>>) target(%arg23 : memref<3200xf32, #tpu.memory_space<vmem>>) target_semaphore(%arg25 : memref<!tpu.dma_semaphore, #tpu.memory_space<semaphore_mem>>)
      %dma_wait3A = arith.constant 0 : i32
      %dma_wait3A_95 = tpu.memref_slice %arg3[%dma_wait3A] : memref<320000xi32, #tpu.memory_space<hbm>> -> memref<3200xi32, #tpu.memory_space<hbm>>
      %dma_wait3A_96 = arith.constant 0 : i32
      %dma_wait3A_97 = tpu.memref_slice %arg3[%dma_wait3A_96] : memref<320000xi32, #tpu.memory_space<hbm>> -> memref<3200xi32, #tpu.memory_space<hbm>>
      tpu.wait_dma2 semaphore(%arg24 : memref<!tpu.dma_semaphore, #tpu.memory_space<semaphore_mem>>) src(%dma_wait3A_97 : memref<3200xi32, #tpu.memory_space<hbm>>) dst(%arg14 : memref<3200xi32, #tpu.memory_space<vmem>>)
      %dma_wait3A_98 = arith.constant 0 : i32
      %dma_wait3A_99 = tpu.memref_slice %arg4[%dma_wait3A_98] : memref<1280000xf32, #tpu.memory_space<hbm>> -> memref<3200xf32, #tpu.memory_space<hbm>>
      %dma_wait3A_100 = arith.constant 0 : i32
      %dma_wait3A_101 = tpu.memref_slice %arg4[%dma_wait3A_100] : memref<1280000xf32, #tpu.memory_space<hbm>> -> memref<3200xf32, #tpu.memory_space<hbm>>
      tpu.wait_dma2 semaphore(%arg24 : memref<!tpu.dma_semaphore, #tpu.memory_space<semaphore_mem>>) src(%dma_wait3A_101 : memref<3200xf32, #tpu.memory_space<hbm>>) dst(%arg16 : memref<3200xf32, #tpu.memory_space<vmem>>)
      %dma_wait3A_102 = arith.constant 0 : i32
      %dma_wait3A_103 = tpu.memref_slice %arg4[%dma_wait3A_102] : memref<1280000xf32, #tpu.memory_space<hbm>> -> memref<3200xf32, #tpu.memory_space<hbm>>
      %dma_wait3A_104 = arith.constant 0 : i32
      %dma_wait3A_105 = tpu.memref_slice %arg4[%dma_wait3A_104] : memref<1280000xf32, #tpu.memory_space<hbm>> -> memref<3200xf32, #tpu.memory_space<hbm>>
      tpu.wait_dma2 semaphore(%arg24 : memref<!tpu.dma_semaphore, #tpu.memory_space<semaphore_mem>>) src(%dma_wait3A_105 : memref<3200xf32, #tpu.memory_space<hbm>>) dst(%arg18 : memref<3200xf32, #tpu.memory_space<vmem>>)
      %dma_wait3A_106 = arith.constant 0 : i32
      %dma_wait3A_107 = tpu.memref_slice %arg4[%dma_wait3A_106] : memref<1280000xf32, #tpu.memory_space<hbm>> -> memref<3200xf32, #tpu.memory_space<hbm>>
      %dma_wait3A_108 = arith.constant 0 : i32
      %dma_wait3A_109 = tpu.memref_slice %arg4[%dma_wait3A_108] : memref<1280000xf32, #tpu.memory_space<hbm>> -> memref<3200xf32, #tpu.memory_space<hbm>>
      tpu.wait_dma2 semaphore(%arg24 : memref<!tpu.dma_semaphore, #tpu.memory_space<semaphore_mem>>) src(%dma_wait3A_109 : memref<3200xf32, #tpu.memory_space<hbm>>) dst(%arg20 : memref<3200xf32, #tpu.memory_space<vmem>>)
      %dma_wait3A_110 = arith.constant 0 : i32
      %dma_wait3A_111 = tpu.memref_slice %arg4[%dma_wait3A_110] : memref<1280000xf32, #tpu.memory_space<hbm>> -> memref<3200xf32, #tpu.memory_space<hbm>>
      %dma_wait3A_112 = arith.constant 0 : i32
      %dma_wait3A_113 = tpu.memref_slice %arg4[%dma_wait3A_112] : memref<1280000xf32, #tpu.memory_space<hbm>> -> memref<3200xf32, #tpu.memory_space<hbm>>
      tpu.wait_dma2 semaphore(%arg24 : memref<!tpu.dma_semaphore, #tpu.memory_space<semaphore_mem>>) src(%dma_wait3A_113 : memref<3200xf32, #tpu.memory_space<hbm>>) dst(%arg22 : memref<3200xf32, #tpu.memory_space<vmem>>)
      %parallel_loop3A = arith.constant 0 : i32
      %parallel_loop3A_114 = arith.constant 200 : i32
      %parallel_loop3A_115 = arith.constant 1 : i32
      scf.for %parallel_loop3A_143 = %parallel_loop3A to %parallel_loop3A_114 step %parallel_loop3A_115  : i32 {
        %parallel_loop3A_144 = arith.constant 16 : i32
        %parallel_loop3A_145 = arith.muli %parallel_loop3A_143, %parallel_loop3A_144 : i32
        %parallel_loop3A_146 = arith.index_cast %parallel_loop3A_145 : i32 to index
        %parallel_loop3A_147 = tpu.vector_load %arg14[%parallel_loop3A_146] {strides = array<i32>} : memref<3200xi32, #tpu.memory_space<vmem>>, vector<16xi32>,
        %parallel_loop3A_148 = arith.constant 14 : i32
        %parallel_loop3A_149 = vector.broadcast %parallel_loop3A_148 : i32 to vector<16xi32>
        %parallel_loop3A_150 = arith.shrui %parallel_loop3A_147, %parallel_loop3A_149 : vector<16xi32>
        %parallel_loop3A_151 = arith.constant 16383 : i32
        %parallel_loop3A_152 = vector.broadcast %parallel_loop3A_151 : i32 to vector<16xi32>
        %parallel_loop3A_153 = arith.andi %parallel_loop3A_147, %parallel_loop3A_152 : vector<16xi32>
        %parallel_loop3A_154 = tpu.vector_load_idx %arg6[%parallel_loop3A_150] : memref<10048xf32, #tpu.memory_space<vmem>>[vector<16xi32>], vector<16xf32>,
        %parallel_loop3A_155 = arith.index_cast %parallel_loop3A_145 : i32 to index
        %parallel_loop3A_156 = tpu.vector_load %arg16[%parallel_loop3A_155] {strides = array<i32>} : memref<3200xf32, #tpu.memory_space<vmem>>, vector<16xf32>,
        %parallel_loop3A_157 = arith.mulf %parallel_loop3A_154, %parallel_loop3A_156 : vector<16xf32>
        tpu.vector_store_idx %arg10[%parallel_loop3A_153], %parallel_loop3A_157 {add = true} : memref<10048xf32, #tpu.memory_space<vmem>>[vector<16xi32>], vector<16xf32>,
        %parallel_loop3A_158 = tpu.vector_load_idx %arg7[%parallel_loop3A_150] : memref<10048xf32, #tpu.memory_space<vmem>>[vector<16xi32>], vector<16xf32>,
        %parallel_loop3A_159 = arith.index_cast %parallel_loop3A_145 : i32 to index
        %parallel_loop3A_160 = tpu.vector_load %arg18[%parallel_loop3A_159] {strides = array<i32>} : memref<3200xf32, #tpu.memory_space<vmem>>, vector<16xf32>,
        %parallel_loop3A_161 = arith.mulf %parallel_loop3A_158, %parallel_loop3A_160 : vector<16xf32>
        tpu.vector_store_idx %arg11[%parallel_loop3A_153], %parallel_loop3A_161 {add = true} : memref<10048xf32, #tpu.memory_space<vmem>>[vector<16xi32>], vector<16xf32>,
        %parallel_loop3A_162 = tpu.vector_load_idx %arg8[%parallel_loop3A_150] : memref<10048xf32, #tpu.memory_space<vmem>>[vector<16xi32>], vector<16xf32>,
        %parallel_loop3A_163 = arith.index_cast %parallel_loop3A_145 : i32 to index
        %parallel_loop3A_164 = tpu.vector_load %arg20[%parallel_loop3A_163] {strides = array<i32>} : memref<3200xf32, #tpu.memory_space<vmem>>, vector<16xf32>,
        %parallel_loop3A_165 = arith.mulf %parallel_loop3A_162, %parallel_loop3A_164 : vector<16xf32>
        tpu.vector_store_idx %arg12[%parallel_loop3A_153], %parallel_loop3A_165 {add = true} : memref<10048xf32, #tpu.memory_space<vmem>>[vector<16xi32>], vector<16xf32>,
        %parallel_loop3A_166 = tpu.vector_load_idx %arg9[%parallel_loop3A_150] : memref<10048xf32, #tpu.memory_space<vmem>>[vector<16xi32>], vector<16xf32>,
        %parallel_loop3A_167 = arith.index_cast %parallel_loop3A_145 : i32 to index
        %parallel_loop3A_168 = tpu.vector_load %arg22[%parallel_loop3A_167] {strides = array<i32>} : memref<3200xf32, #tpu.memory_space<vmem>>, vector<16xf32>,
        %parallel_loop3A_169 = arith.mulf %parallel_loop3A_166, %parallel_loop3A_168 : vector<16xf32>
        tpu.vector_store_idx %arg13[%parallel_loop3A_153], %parallel_loop3A_169 {add = true} : memref<10048xf32, #tpu.memory_space<vmem>>[vector<16xi32>], vector<16xf32>,
      } {sc.loop_unroll_factor = 8 : i64, sc.parallel_access}
      %add3A_116 = arith.constant 2 : i32
      %add3A_117 = arith.addi %add3A_72, %add3A_116 : i32
      %lt3A = arith.constant 100 : i32
      %lt3A_118 = arith.cmpi slt, %add3A_117, %lt3A : i32
      %convert_element_type3A = arith.extui %lt3A_118 : i1 to i32
      %cond3A = arith.constant 0 : i32
      %cond3A_119 = arith.cmpi ne, %convert_element_type3A, %cond3A : i32
      scf.if %cond3A_119 {
        %add3A_143 = arith.constant 2 : i32
        %add3A_144 = arith.addi %add3A_72, %add3A_143 : i32
        %mul3A_145 = arith.constant 3200 : i32
        %mul3A_146 = arith.muli %add3A_144, %mul3A_145 : i32
        %dma_start3A_147 = tpu.memref_slice %arg3[%mul3A_146] : memref<320000xi32, #tpu.memory_space<hbm>> -> memref<3200xi32, #tpu.memory_space<hbm>>
        %dma_start3A_148 = tpu.memref_slice %arg3[%mul3A_146] : memref<320000xi32, #tpu.memory_space<hbm>> -> memref<3200xi32, #tpu.memory_space<hbm>>
        tpu.enqueue_dma source(%dma_start3A_148 : memref<3200xi32, #tpu.memory_space<hbm>>) target(%arg14 : memref<3200xi32, #tpu.memory_space<vmem>>) target_semaphore(%arg24 : memref<!tpu.dma_semaphore, #tpu.memory_space<semaphore_mem>>)
        %add3A_149 = arith.constant 0 : i32
        %add3A_150 = arith.addi %add3A_149, %mul3A_146 : i32
        %dma_start3A_151 = tpu.memref_slice %arg4[%add3A_150] : memref<1280000xf32, #tpu.memory_space<hbm>> -> memref<3200xf32, #tpu.memory_space<hbm>>
        %dma_start3A_152 = tpu.memref_slice %arg4[%add3A_150] : memref<1280000xf32, #tpu.memory_space<hbm>> -> memref<3200xf32, #tpu.memory_space<hbm>>
        tpu.enqueue_dma source(%dma_start3A_152 : memref<3200xf32, #tpu.memory_space<hbm>>) target(%arg16 : memref<3200xf32, #tpu.memory_space<vmem>>) target_semaphore(%arg24 : memref<!tpu.dma_semaphore, #tpu.memory_space<semaphore_mem>>)
        %add3A_153 = arith.constant 320000 : i32
        %add3A_154 = arith.addi %add3A_153, %mul3A_146 : i32
        %dma_start3A_155 = tpu.memref_slice %arg4[%add3A_154] : memref<1280000xf32, #tpu.memory_space<hbm>> -> memref<3200xf32, #tpu.memory_space<hbm>>
        %dma_start3A_156 = tpu.memref_slice %arg4[%add3A_154] : memref<1280000xf32, #tpu.memory_space<hbm>> -> memref<3200xf32, #tpu.memory_space<hbm>>
        tpu.enqueue_dma source(%dma_start3A_156 : memref<3200xf32, #tpu.memory_space<hbm>>) target(%arg18 : memref<3200xf32, #tpu.memory_space<vmem>>) target_semaphore(%arg24 : memref<!tpu.dma_semaphore, #tpu.memory_space<semaphore_mem>>)
        %add3A_157 = arith.constant 640000 : i32
        %add3A_158 = arith.addi %add3A_157, %mul3A_146 : i32
        %dma_start3A_159 = tpu.memref_slice %arg4[%add3A_158] : memref<1280000xf32, #tpu.memory_space<hbm>> -> memref<3200xf32, #tpu.memory_space<hbm>>
        %dma_start3A_160 = tpu.memref_slice %arg4[%add3A_158] : memref<1280000xf32, #tpu.memory_space<hbm>> -> memref<3200xf32, #tpu.memory_space<hbm>>
        tpu.enqueue_dma source(%dma_start3A_160 : memref<3200xf32, #tpu.memory_space<hbm>>) target(%arg20 : memref<3200xf32, #tpu.memory_space<vmem>>) target_semaphore(%arg24 : memref<!tpu.dma_semaphore, #tpu.memory_space<semaphore_mem>>)
        %add3A_161 = arith.constant 960000 : i32
        %add3A_162 = arith.addi %add3A_161, %mul3A_146 : i32
        %dma_start3A_163 = tpu.memref_slice %arg4[%add3A_162] : memref<1280000xf32, #tpu.memory_space<hbm>> -> memref<3200xf32, #tpu.memory_space<hbm>>
        %dma_start3A_164 = tpu.memref_slice %arg4[%add3A_162] : memref<1280000xf32, #tpu.memory_space<hbm>> -> memref<3200xf32, #tpu.memory_space<hbm>>
        tpu.enqueue_dma source(%dma_start3A_164 : memref<3200xf32, #tpu.memory_space<hbm>>) target(%arg22 : memref<3200xf32, #tpu.memory_space<vmem>>) target_semaphore(%arg24 : memref<!tpu.dma_semaphore, #tpu.memory_space<semaphore_mem>>)
      } else {
      }
      %dma_wait3A_120 = arith.constant 0 : i32
      %dma_wait3A_121 = tpu.memref_slice %arg3[%dma_wait3A_120] : memref<320000xi32, #tpu.memory_space<hbm>> -> memref<3200xi32, #tpu.memory_space<hbm>>
      %dma_wait3A_122 = arith.constant 0 : i32
      %dma_wait3A_123 = tpu.memref_slice %arg3[%dma_wait3A_122] : memref<320000xi32, #tpu.memory_space<hbm>> -> memref<3200xi32, #tpu.memory_space<hbm>>
      tpu.wait_dma2 semaphore(%arg25 : memref<!tpu.dma_semaphore, #tpu.memory_space<semaphore_mem>>) src(%dma_wait3A_123 : memref<3200xi32, #tpu.memory_space<hbm>>) dst(%arg15 : memref<3200xi32, #tpu.memory_space<vmem>>)
      %dma_wait3A_124 = arith.constant 0 : i32
      %dma_wait3A_125 = tpu.memref_slice %arg4[%dma_wait3A_124] : memref<1280000xf32, #tpu.memory_space<hbm>> -> memref<3200xf32, #tpu.memory_space<hbm>>
      %dma_wait3A_126 = arith.constant 0 : i32
      %dma_wait3A_127 = tpu.memref_slice %arg4[%dma_wait3A_126] : memref<1280000xf32, #tpu.memory_space<hbm>> -> memref<3200xf32, #tpu.memory_space<hbm>>
      tpu.wait_dma2 semaphore(%arg25 : memref<!tpu.dma_semaphore, #tpu.memory_space<semaphore_mem>>) src(%dma_wait3A_127 : memref<3200xf32, #tpu.memory_space<hbm>>) dst(%arg17 : memref<3200xf32, #tpu.memory_space<vmem>>)
      %dma_wait3A_128 = arith.constant 0 : i32
      %dma_wait3A_129 = tpu.memref_slice %arg4[%dma_wait3A_128] : memref<1280000xf32, #tpu.memory_space<hbm>> -> memref<3200xf32, #tpu.memory_space<hbm>>
      %dma_wait3A_130 = arith.constant 0 : i32
      %dma_wait3A_131 = tpu.memref_slice %arg4[%dma_wait3A_130] : memref<1280000xf32, #tpu.memory_space<hbm>> -> memref<3200xf32, #tpu.memory_space<hbm>>
      tpu.wait_dma2 semaphore(%arg25 : memref<!tpu.dma_semaphore, #tpu.memory_space<semaphore_mem>>) src(%dma_wait3A_131 : memref<3200xf32, #tpu.memory_space<hbm>>) dst(%arg19 : memref<3200xf32, #tpu.memory_space<vmem>>)
      %dma_wait3A_132 = arith.constant 0 : i32
      %dma_wait3A_133 = tpu.memref_slice %arg4[%dma_wait3A_132] : memref<1280000xf32, #tpu.memory_space<hbm>> -> memref<3200xf32, #tpu.memory_space<hbm>>
      %dma_wait3A_134 = arith.constant 0 : i32
      %dma_wait3A_135 = tpu.memref_slice %arg4[%dma_wait3A_134] : memref<1280000xf32, #tpu.memory_space<hbm>> -> memref<3200xf32, #tpu.memory_space<hbm>>
      tpu.wait_dma2 semaphore(%arg25 : memref<!tpu.dma_semaphore, #tpu.memory_space<semaphore_mem>>) src(%dma_wait3A_135 : memref<3200xf32, #tpu.memory_space<hbm>>) dst(%arg21 : memref<3200xf32, #tpu.memory_space<vmem>>)
      %dma_wait3A_136 = arith.constant 0 : i32
      %dma_wait3A_137 = tpu.memref_slice %arg4[%dma_wait3A_136] : memref<1280000xf32, #tpu.memory_space<hbm>> -> memref<3200xf32, #tpu.memory_space<hbm>>
      %dma_wait3A_138 = arith.constant 0 : i32
      %dma_wait3A_139 = tpu.memref_slice %arg4[%dma_wait3A_138] : memref<1280000xf32, #tpu.memory_space<hbm>> -> memref<3200xf32, #tpu.memory_space<hbm>>
      tpu.wait_dma2 semaphore(%arg25 : memref<!tpu.dma_semaphore, #tpu.memory_space<semaphore_mem>>) src(%dma_wait3A_139 : memref<3200xf32, #tpu.memory_space<hbm>>) dst(%arg23 : memref<3200xf32, #tpu.memory_space<vmem>>)
      %parallel_loop3A_140 = arith.constant 0 : i32
      %parallel_loop3A_141 = arith.constant 200 : i32
      %parallel_loop3A_142 = arith.constant 1 : i32
      scf.for %parallel_loop3A_143 = %parallel_loop3A_140 to %parallel_loop3A_141 step %parallel_loop3A_142  : i32 {
        %parallel_loop3A_144 = arith.constant 16 : i32
        %parallel_loop3A_145 = arith.muli %parallel_loop3A_143, %parallel_loop3A_144 : i32
        %parallel_loop3A_146 = arith.index_cast %parallel_loop3A_145 : i32 to index
        %parallel_loop3A_147 = tpu.vector_load %arg15[%parallel_loop3A_146] {strides = array<i32>} : memref<3200xi32, #tpu.memory_space<vmem>>, vector<16xi32>,
        %parallel_loop3A_148 = arith.constant 14 : i32
        %parallel_loop3A_149 = vector.broadcast %parallel_loop3A_148 : i32 to vector<16xi32>
        %parallel_loop3A_150 = arith.shrui %parallel_loop3A_147, %parallel_loop3A_149 : vector<16xi32>
        %parallel_loop3A_151 = arith.constant 16383 : i32
        %parallel_loop3A_152 = vector.broadcast %parallel_loop3A_151 : i32 to vector<16xi32>
        %parallel_loop3A_153 = arith.andi %parallel_loop3A_147, %parallel_loop3A_152 : vector<16xi32>
        %parallel_loop3A_154 = tpu.vector_load_idx %arg6[%parallel_loop3A_150] : memref<10048xf32, #tpu.memory_space<vmem>>[vector<16xi32>], vector<16xf32>,
        %parallel_loop3A_155 = arith.index_cast %parallel_loop3A_145 : i32 to index
        %parallel_loop3A_156 = tpu.vector_load %arg17[%parallel_loop3A_155] {strides = array<i32>} : memref<3200xf32, #tpu.memory_space<vmem>>, vector<16xf32>,
        %parallel_loop3A_157 = arith.mulf %parallel_loop3A_154, %parallel_loop3A_156 : vector<16xf32>
        tpu.vector_store_idx %arg10[%parallel_loop3A_153], %parallel_loop3A_157 {add = true} : memref<10048xf32, #tpu.memory_space<vmem>>[vector<16xi32>], vector<16xf32>,
        %parallel_loop3A_158 = tpu.vector_load_idx %arg7[%parallel_loop3A_150] : memref<10048xf32, #tpu.memory_space<vmem>>[vector<16xi32>], vector<16xf32>,
        %parallel_loop3A_159 = arith.index_cast %parallel_loop3A_145 : i32 to index
        %parallel_loop3A_160 = tpu.vector_load %arg19[%parallel_loop3A_159] {strides = array<i32>} : memref<3200xf32, #tpu.memory_space<vmem>>, vector<16xf32>,
        %parallel_loop3A_161 = arith.mulf %parallel_loop3A_158, %parallel_loop3A_160 : vector<16xf32>
        tpu.vector_store_idx %arg11[%parallel_loop3A_153], %parallel_loop3A_161 {add = true} : memref<10048xf32, #tpu.memory_space<vmem>>[vector<16xi32>], vector<16xf32>,
        %parallel_loop3A_162 = tpu.vector_load_idx %arg8[%parallel_loop3A_150] : memref<10048xf32, #tpu.memory_space<vmem>>[vector<16xi32>], vector<16xf32>,
        %parallel_loop3A_163 = arith.index_cast %parallel_loop3A_145 : i32 to index
        %parallel_loop3A_164 = tpu.vector_load %arg21[%parallel_loop3A_163] {strides = array<i32>} : memref<3200xf32, #tpu.memory_space<vmem>>, vector<16xf32>,
        %parallel_loop3A_165 = arith.mulf %parallel_loop3A_162, %parallel_loop3A_164 : vector<16xf32>
        tpu.vector_store_idx %arg12[%parallel_loop3A_153], %parallel_loop3A_165 {add = true} : memref<10048xf32, #tpu.memory_space<vmem>>[vector<16xi32>], vector<16xf32>,
        %parallel_loop3A_166 = tpu.vector_load_idx %arg9[%parallel_loop3A_150] : memref<10048xf32, #tpu.memory_space<vmem>>[vector<16xi32>], vector<16xf32>,
        %parallel_loop3A_167 = arith.index_cast %parallel_loop3A_145 : i32 to index
        %parallel_loop3A_168 = tpu.vector_load %arg23[%parallel_loop3A_167] {strides = array<i32>} : memref<3200xf32, #tpu.memory_space<vmem>>, vector<16xf32>,
        %parallel_loop3A_169 = arith.mulf %parallel_loop3A_166, %parallel_loop3A_168 : vector<16xf32>
        tpu.vector_store_idx %arg13[%parallel_loop3A_153], %parallel_loop3A_169 {add = true} : memref<10048xf32, #tpu.memory_space<vmem>>[vector<16xi32>], vector<16xf32>,
      } {sc.loop_unroll_factor = 8 : i64, sc.parallel_access}
    }
    %scan3A_47 = arith.constant 50 : i32
    %add3A_48 = arith.constant 0 : i32
    %add3A_49 = arith.addi %add3A_48, %add3A : i32
    %mul3A_50 = arith.constant 10240 : i32
    %mul3A_51 = arith.muli %add3A_49, %mul3A_50 : i32
    %multiple_of3A_52 = tpu.assume_multiple %mul3A_51, 8 : i32
    "tpu.region"() ({
      %run_scoped3A = tpu.sem_alloc : memref<!tpu.dma_semaphore, #tpu.memory_space<semaphore_mem>>
      %dma_start3A_68 = tpu.memref_slice %arg5[%multiple_of3A_52] : memref<1310720xf32, #tpu.memory_space<hbm>> -> memref<10048xf32, #tpu.memory_space<hbm>>
      %dma_start3A_69 = tpu.memref_slice %arg5[%multiple_of3A_52] : memref<1310720xf32, #tpu.memory_space<hbm>> -> memref<10048xf32, #tpu.memory_space<hbm>>
      tpu.enqueue_dma source(%arg10 : memref<10048xf32, #tpu.memory_space<vmem>>) target(%dma_start3A_69 : memref<10048xf32, #tpu.memory_space<hbm>>) target_semaphore(%run_scoped3A : memref<!tpu.dma_semaphore, #tpu.memory_space<semaphore_mem>>)
      %dma_wait3A = tpu.memref_slice %arg5[%multiple_of3A_52] : memref<1310720xf32, #tpu.memory_space<hbm>> -> memref<10048xf32, #tpu.memory_space<hbm>>
      %dma_wait3A_70 = tpu.memref_slice %arg5[%multiple_of3A_52] : memref<1310720xf32, #tpu.memory_space<hbm>> -> memref<10048xf32, #tpu.memory_space<hbm>>
      tpu.wait_dma2 semaphore(%run_scoped3A : memref<!tpu.dma_semaphore, #tpu.memory_space<semaphore_mem>>) src(%arg10 : memref<10048xf32, #tpu.memory_space<vmem>>) dst(%dma_wait3A_70 : memref<10048xf32, #tpu.memory_space<hbm>>)
      tpu.yield
    }) : () -> ()
    %add3A_53 = arith.constant 32 : i32
    %add3A_54 = arith.addi %add3A_53, %add3A : i32
    %mul3A_55 = arith.constant 10240 : i32
    %mul3A_56 = arith.muli %add3A_54, %mul3A_55 : i32
    %multiple_of3A_57 = tpu.assume_multiple %mul3A_56, 8 : i32
    "tpu.region"() ({
      %run_scoped3A = tpu.sem_alloc : memref<!tpu.dma_semaphore, #tpu.memory_space<semaphore_mem>>
      %dma_start3A_68 = tpu.memref_slice %arg5[%multiple_of3A_57] : memref<1310720xf32, #tpu.memory_space<hbm>> -> memref<10048xf32, #tpu.memory_space<hbm>>
      %dma_start3A_69 = tpu.memref_slice %arg5[%multiple_of3A_57] : memref<1310720xf32, #tpu.memory_space<hbm>> -> memref<10048xf32, #tpu.memory_space<hbm>>
      tpu.enqueue_dma source(%arg11 : memref<10048xf32, #tpu.memory_space<vmem>>) target(%dma_start3A_69 : memref<10048xf32, #tpu.memory_space<hbm>>) target_semaphore(%run_scoped3A : memref<!tpu.dma_semaphore, #tpu.memory_space<semaphore_mem>>)
      %dma_wait3A = tpu.memref_slice %arg5[%multiple_of3A_57] : memref<1310720xf32, #tpu.memory_space<hbm>> -> memref<10048xf32, #tpu.memory_space<hbm>>
      %dma_wait3A_70 = tpu.memref_slice %arg5[%multiple_of3A_57] : memref<1310720xf32, #tpu.memory_space<hbm>> -> memref<10048xf32, #tpu.memory_space<hbm>>
      tpu.wait_dma2 semaphore(%run_scoped3A : memref<!tpu.dma_semaphore, #tpu.memory_space<semaphore_mem>>) src(%arg11 : memref<10048xf32, #tpu.memory_space<vmem>>) dst(%dma_wait3A_70 : memref<10048xf32, #tpu.memory_space<hbm>>)
      tpu.yield
    }) : () -> ()
    %add3A_58 = arith.constant 64 : i32
    %add3A_59 = arith.addi %add3A_58, %add3A : i32
    %mul3A_60 = arith.constant 10240 : i32
    %mul3A_61 = arith.muli %add3A_59, %mul3A_60 : i32
    %multiple_of3A_62 = tpu.assume_multiple %mul3A_61, 8 : i32
    "tpu.region"() ({
      %run_scoped3A = tpu.sem_alloc : memref<!tpu.dma_semaphore, #tpu.memory_space<semaphore_mem>>
      %dma_start3A_68 = tpu.memref_slice %arg5[%multiple_of3A_62] : memref<1310720xf32, #tpu.memory_space<hbm>> -> memref<10048xf32, #tpu.memory_space<hbm>>
      %dma_start3A_69 = tpu.memref_slice %arg5[%multiple_of3A_62] : memref<1310720xf32, #tpu.memory_space<hbm>> -> memref<10048xf32, #tpu.memory_space<hbm>>
      tpu.enqueue_dma source(%arg12 : memref<10048xf32, #tpu.memory_space<vmem>>) target(%dma_start3A_69 : memref<10048xf32, #tpu.memory_space<hbm>>) target_semaphore(%run_scoped3A : memref<!tpu.dma_semaphore, #tpu.memory_space<semaphore_mem>>)
      %dma_wait3A = tpu.memref_slice %arg5[%multiple_of3A_62] : memref<1310720xf32, #tpu.memory_space<hbm>> -> memref<10048xf32, #tpu.memory_space<hbm>>
      %dma_wait3A_70 = tpu.memref_slice %arg5[%multiple_of3A_62] : memref<1310720xf32, #tpu.memory_space<hbm>> -> memref<10048xf32, #tpu.memory_space<hbm>>
      tpu.wait_dma2 semaphore(%run_scoped3A : memref<!tpu.dma_semaphore, #tpu.memory_space<semaphore_mem>>) src(%arg12 : memref<10048xf32, #tpu.memory_space<vmem>>) dst(%dma_wait3A_70 : memref<10048xf32, #tpu.memory_space<hbm>>)
      tpu.yield
    }) : () -> ()
    %add3A_63 = arith.constant 96 : i32
    %add3A_64 = arith.addi %add3A_63, %add3A : i32
    %mul3A_65 = arith.constant 10240 : i32
    %mul3A_66 = arith.muli %add3A_64, %mul3A_65 : i32
    %multiple_of3A_67 = tpu.assume_multiple %mul3A_66, 8 : i32
    "tpu.region"() ({
      %run_scoped3A = tpu.sem_alloc : memref<!tpu.dma_semaphore, #tpu.memory_space<semaphore_mem>>
      %dma_start3A_68 = tpu.memref_slice %arg5[%multiple_of3A_67] : memref<1310720xf32, #tpu.memory_space<hbm>> -> memref<10048xf32, #tpu.memory_space<hbm>>
      %dma_start3A_69 = tpu.memref_slice %arg5[%multiple_of3A_67] : memref<1310720xf32, #tpu.memory_space<hbm>> -> memref<10048xf32, #tpu.memory_space<hbm>>
      tpu.enqueue_dma source(%arg13 : memref<10048xf32, #tpu.memory_space<vmem>>) target(%dma_start3A_69 : memref<10048xf32, #tpu.memory_space<hbm>>) target_semaphore(%run_scoped3A : memref<!tpu.dma_semaphore, #tpu.memory_space<semaphore_mem>>)
      %dma_wait3A = tpu.memref_slice %arg5[%multiple_of3A_67] : memref<1310720xf32, #tpu.memory_space<hbm>> -> memref<10048xf32, #tpu.memory_space<hbm>>
      %dma_wait3A_70 = tpu.memref_slice %arg5[%multiple_of3A_67] : memref<1310720xf32, #tpu.memory_space<hbm>> -> memref<10048xf32, #tpu.memory_space<hbm>>
      tpu.wait_dma2 semaphore(%run_scoped3A : memref<!tpu.dma_semaphore, #tpu.memory_space<semaphore_mem>>) src(%arg13 : memref<10048xf32, #tpu.memory_space<vmem>>) dst(%dma_wait3A_70 : memref<10048xf32, #tpu.memory_space<hbm>>)
      tpu.yield
    }) : () -> ()
    return
  }
}

module attributes {stable_mosaic.version = 14 : i64} {
  func.func @body(%arg0: i32, %arg1: memref<1024x128xf32, #tpu.memory_space<vmem>>, %arg2: memref<128x128xf32, #tpu.memory_space<vmem>>, %arg3: memref<1x128xf32, #tpu.memory_space<vmem>>, %arg4: memref<1024x128xf32, #tpu.memory_space<vmem>>, %arg5: memref<128x1024xf32, #tpu.memory_space<vmem>>) attributes {dimension_semantics = [#tpu.dimension_semantics<arbitrary>], iteration_bounds = array<i64: 10>, scalar_prefetch = 0 : i64, scratch_operands = 0 : i64, tpu.core_type = #tpu.core_type<tc>, window_params = [{transform_indices = @transform_0, window_bounds = array<i64: 1024, 128>}, {pipeline_mode = #tpu.pipeline_mode<synchronous>, transform_indices = @transform_1, window_bounds = array<i64: 128, 128>}, {pipeline_mode = #tpu.pipeline_mode<synchronous>, transform_indices = @transform_2, window_bounds = array<i64: 1, 128>}, {transform_indices = @transform_3, window_bounds = array<i64: 1024, 128>}, {transform_indices = @transform_4, window_bounds = array<i64: 128, 1024>}]} {
    %get3A = arith.constant 0 : index
    %get3A_0 = arith.constant 0 : index
    %get3A_1 = vector.load %arg1[%get3A, %get3A_0] : memref<1024x128xf32, #tpu.memory_space<vmem>>, vector<1024x128xf32>
    %get3A_2 = arith.constant 0 : index
    %get3A_3 = arith.constant 0 : index
    %get3A_4 = vector.load %arg2[%get3A_2, %get3A_3] : memref<128x128xf32, #tpu.memory_space<vmem>>, vector<128x128xf32>
    %dot_general3A = arith.constant dense<0.000000e+00> : vector<1024x128xf32>
    %dot_general3A_5 = tpu.matmul %get3A_1, %get3A_4, %dot_general3A {dimension_numbers = #tpu.dot_dimension_numbers<[1], [0], [0], [1], [0, 0, 1, 1], [], []>, transpose_lhs_hint = false} : vector<1024x128xf32>, vector<128x128xf32>, vector<1024x128xf32> -> vector<1024x128xf32>
    %get3A_6 = arith.constant 0 : index
    %get3A_7 = arith.constant 0 : index
    %get3A_8 = vector.load %arg3[%get3A_6, %get3A_7] : memref<1x128xf32, #tpu.memory_space<vmem>>, vector<1x128xf32>
    %add3A = vector.broadcast %get3A_8 : vector<1x128xf32> to vector<1024x128xf32>
    %add3A_9 = arith.addf %dot_general3A_5, %add3A : vector<1024x128xf32>
    %swap3A = arith.constant 0 : index
    %swap3A_10 = arith.constant 0 : index
    %swap3A_11 = vector.load %arg4[%swap3A, %swap3A_10] : memref<1024x128xf32, #tpu.memory_space<vmem>>, vector<1024x128xf32>
    tpu.vector_store %arg4[%swap3A, %swap3A_10], %add3A_9 {strides = array<i32>} : memref<1024x128xf32, #tpu.memory_space<vmem>>, vector<1024x128xf32>,
    %transpose3A = tpu.transpose %get3A_1, [1, 0] : vector<1024x128xf32> -> vector<128x1024xf32>
    %swap3A_12 = arith.constant 0 : index
    %swap3A_13 = arith.constant 0 : index
    %swap3A_14 = vector.load %arg5[%swap3A_12, %swap3A_13] : memref<128x1024xf32, #tpu.memory_space<vmem>>, vector<128x1024xf32>
    tpu.vector_store %arg5[%swap3A_12, %swap3A_13], %transpose3A {strides = array<i32>} : memref<128x1024xf32, #tpu.memory_space<vmem>>, vector<128x1024xf32>,
    return
  }
  func.func @transform_0(%arg0: i32) -> (i32, i32) {
    %c0_i32 = arith.constant 0 : i32
    %c0_i32_0 = arith.constant 0 : i32
    return %arg0, %c0_i32 : i32, i32
  }
  func.func @transform_1(%arg0: i32) -> (i32, i32) {
    %c0_i32 = arith.constant 0 : i32
    %c0_i32_0 = arith.constant 0 : i32
    %c0_i32_1 = arith.constant 0 : i32
    return %c0_i32, %c0_i32_0 : i32, i32
  }
  func.func @transform_2(%arg0: i32) -> (i32, i32) {
    %c0_i32 = arith.constant 0 : i32
    %c0_i32_0 = arith.constant 0 : i32
    %c0_i32_1 = arith.constant 0 : i32
    return %c0_i32, %c0_i32_0 : i32, i32
  }
  func.func @transform_3(%arg0: i32) -> (i32, i32) {
    %c0_i32 = arith.constant 0 : i32
    %c0_i32_0 = arith.constant 0 : i32
    return %arg0, %c0_i32 : i32, i32
  }
  func.func @transform_4(%arg0: i32) -> (i32, i32) {
    %c0_i32 = arith.constant 0 : i32
    %c0_i32_0 = arith.constant 0 : i32
    return %c0_i32, %arg0 : i32, i32
  }
}

module attributes {stable_mosaic.version = 14 : i64} {
  func.func @body(%arg0: i32, %arg1: memref<1024x128xf32, #tpu.memory_space<vmem>>, %arg2: memref<256x1024xf32, #tpu.memory_space<vmem>>, %arg3: memref<256x1024xf32, #tpu.memory_space<vmem>>, %arg4: memref<128x32xf32, #tpu.memory_space<vmem>>, %arg5: memref<1x32xf32, #tpu.memory_space<vmem>>, %arg6: memref<32x32xf32, #tpu.memory_space<vmem>>, %arg7: memref<1x32xf32, #tpu.memory_space<vmem>>, %arg8: memref<1024x128xf32, #tpu.memory_space<vmem>>, %arg9: memref<2x128xf32, #tpu.memory_space<vmem>>) attributes {dimension_semantics = [#tpu.dimension_semantics<arbitrary>], iteration_bounds = array<i64: 10>, scalar_prefetch = 0 : i64, scratch_operands = 0 : i64, tpu.core_type = #tpu.core_type<tc>, window_params = [{transform_indices = @transform_0, window_bounds = array<i64: 1024, 128>}, {transform_indices = @transform_1, window_bounds = array<i64: 256, 1024>}, {transform_indices = @transform_2, window_bounds = array<i64: 256, 1024>}, {pipeline_mode = #tpu.pipeline_mode<synchronous>, transform_indices = @transform_3, window_bounds = array<i64: 128, 32>}, {pipeline_mode = #tpu.pipeline_mode<synchronous>, transform_indices = @transform_4, window_bounds = array<i64: 1, 32>}, {pipeline_mode = #tpu.pipeline_mode<synchronous>, transform_indices = @transform_5, window_bounds = array<i64: 32, 32>}, {pipeline_mode = #tpu.pipeline_mode<synchronous>, transform_indices = @transform_6, window_bounds = array<i64: 1, 32>}, {transform_indices = @transform_7, window_bounds = array<i64: 1024, 128>}, {pipeline_mode = #tpu.pipeline_mode<synchronous>, transform_indices = @transform_8, window_bounds = array<i64: 2, 128>}]} {
    %get3A = arith.constant 0 : index
    %get3A_0 = arith.constant 0 : index
    %get3A_1 = vector.load %arg1[%get3A, %get3A_0] : memref<1024x128xf32, #tpu.memory_space<vmem>>, vector<1024x128xf32>
    %get3A_2 = arith.constant 0 : index
    %get3A_3 = arith.constant 0 : index
    %get3A_4 = vector.load %arg4[%get3A_2, %get3A_3] : memref<128x32xf32, #tpu.memory_space<vmem>>, vector<128x32xf32>
    %get3A_5 = arith.constant 0 : index
    %get3A_6 = arith.constant 0 : index
    %get3A_7 = vector.load %arg6[%get3A_5, %get3A_6] : memref<32x32xf32, #tpu.memory_space<vmem>>, vector<32x32xf32>
    %get3A_8 = arith.constant 0 : index
    %get3A_9 = arith.constant 0 : index
    %get3A_10 = vector.load %arg2[%get3A_8, %get3A_9] : memref<256x1024xf32, #tpu.memory_space<vmem>>, vector<128x1024xf32>
    %transpose3A = tpu.transpose %get3A_10, [1, 0] : vector<128x1024xf32> -> vector<1024x128xf32>
    %add3A = arith.addf %get3A_1, %transpose3A : vector<1024x128xf32>
    %dot_general3A = arith.constant dense<0.000000e+00> : vector<1024x32xf32>
    %dot_general3A_11 = tpu.matmul %add3A, %get3A_4, %dot_general3A {dimension_numbers = #tpu.dot_dimension_numbers<[1], [0], [0], [1], [0, 0, 1, 1], [], []>, transpose_lhs_hint = false} : vector<1024x128xf32>, vector<128x32xf32>, vector<1024x32xf32> -> vector<1024x32xf32>
    %get3A_12 = arith.constant 0 : index
    %get3A_13 = arith.constant 0 : index
    %get3A_14 = vector.load %arg5[%get3A_12, %get3A_13] : memref<1x32xf32, #tpu.memory_space<vmem>>, vector<1x32xf32>
    %add3A_15 = vector.broadcast %get3A_14 : vector<1x32xf32> to vector<1024x32xf32>
    %add3A_16 = arith.addf %dot_general3A_11, %add3A_15 : vector<1024x32xf32>
    %max3A = arith.constant 0.000000e+00 : f32
    %max3A_17 = vector.broadcast %max3A : f32 to vector<1024x32xf32>
    %max3A_18 = arith.maximumf %add3A_16, %max3A_17 : vector<1024x32xf32>
    %dot_general3A_19 = arith.constant dense<0.000000e+00> : vector<1024x32xf32>
    %dot_general3A_20 = tpu.matmul %max3A_18, %get3A_7, %dot_general3A_19 {dimension_numbers = #tpu.dot_dimension_numbers<[1], [0], [0], [1], [0, 0, 1, 1], [], []>, transpose_lhs_hint = false} : vector<1024x32xf32>, vector<32x32xf32>, vector<1024x32xf32> -> vector<1024x32xf32>
    %get3A_21 = arith.constant 0 : index
    %get3A_22 = arith.constant 0 : index
    %get3A_23 = vector.load %arg7[%get3A_21, %get3A_22] : memref<1x32xf32, #tpu.memory_space<vmem>>, vector<1x32xf32>
    %add3A_24 = vector.broadcast %get3A_23 : vector<1x32xf32> to vector<1024x32xf32>
    %add3A_25 = arith.addf %dot_general3A_20, %add3A_24 : vector<1024x32xf32>
    %get3A_26 = arith.constant 128 : index
    %get3A_27 = arith.constant 0 : index
    %get3A_28 = vector.load %arg2[%get3A_26, %get3A_27] : memref<256x1024xf32, #tpu.memory_space<vmem>>, vector<128x1024xf32>
    %transpose3A_29 = tpu.transpose %get3A_28, [1, 0] : vector<128x1024xf32> -> vector<1024x128xf32>
    %add3A_30 = arith.addf %get3A_1, %transpose3A_29 : vector<1024x128xf32>
    %dot_general3A_31 = arith.constant dense<0.000000e+00> : vector<1024x32xf32>
    %dot_general3A_32 = tpu.matmul %add3A_30, %get3A_4, %dot_general3A_31 {dimension_numbers = #tpu.dot_dimension_numbers<[1], [0], [0], [1], [0, 0, 1, 1], [], []>, transpose_lhs_hint = false} : vector<1024x128xf32>, vector<128x32xf32>, vector<1024x32xf32> -> vector<1024x32xf32>
    %get3A_33 = arith.constant 0 : index
    %get3A_34 = arith.constant 0 : index
    %get3A_35 = vector.load %arg5[%get3A_33, %get3A_34] : memref<1x32xf32, #tpu.memory_space<vmem>>, vector<1x32xf32>
    %add3A_36 = vector.broadcast %get3A_35 : vector<1x32xf32> to vector<1024x32xf32>
    %add3A_37 = arith.addf %dot_general3A_32, %add3A_36 : vector<1024x32xf32>
    %max3A_38 = arith.constant 0.000000e+00 : f32
    %max3A_39 = vector.broadcast %max3A_38 : f32 to vector<1024x32xf32>
    %max3A_40 = arith.maximumf %add3A_37, %max3A_39 : vector<1024x32xf32>
    %dot_general3A_41 = arith.constant dense<0.000000e+00> : vector<1024x32xf32>
    %dot_general3A_42 = tpu.matmul %max3A_40, %get3A_7, %dot_general3A_41 {dimension_numbers = #tpu.dot_dimension_numbers<[1], [0], [0], [1], [0, 0, 1, 1], [], []>, transpose_lhs_hint = false} : vector<1024x32xf32>, vector<32x32xf32>, vector<1024x32xf32> -> vector<1024x32xf32>
    %get3A_43 = arith.constant 0 : index
    %get3A_44 = arith.constant 0 : index
    %get3A_45 = vector.load %arg7[%get3A_43, %get3A_44] : memref<1x32xf32, #tpu.memory_space<vmem>>, vector<1x32xf32>
    %add3A_46 = vector.broadcast %get3A_45 : vector<1x32xf32> to vector<1024x32xf32>
    %add3A_47 = arith.addf %dot_general3A_42, %add3A_46 : vector<1024x32xf32>
    %get3A_48 = arith.constant 0 : index
    %get3A_49 = arith.constant 0 : index
    %get3A_50 = vector.load %arg3[%get3A_48, %get3A_49] : memref<256x1024xf32, #tpu.memory_space<vmem>>, vector<128x1024xf32>
    %transpose3A_51 = tpu.transpose %get3A_50, [1, 0] : vector<128x1024xf32> -> vector<1024x128xf32>
    %add3A_52 = arith.addf %get3A_1, %transpose3A_51 : vector<1024x128xf32>
    %dot_general3A_53 = arith.constant dense<0.000000e+00> : vector<1024x32xf32>
    %dot_general3A_54 = tpu.matmul %add3A_52, %get3A_4, %dot_general3A_53 {dimension_numbers = #tpu.dot_dimension_numbers<[1], [0], [0], [1], [0, 0, 1, 1], [], []>, transpose_lhs_hint = false} : vector<1024x128xf32>, vector<128x32xf32>, vector<1024x32xf32> -> vector<1024x32xf32>
    %get3A_55 = arith.constant 0 : index
    %get3A_56 = arith.constant 0 : index
    %get3A_57 = vector.load %arg5[%get3A_55, %get3A_56] : memref<1x32xf32, #tpu.memory_space<vmem>>, vector<1x32xf32>
    %add3A_58 = vector.broadcast %get3A_57 : vector<1x32xf32> to vector<1024x32xf32>
    %add3A_59 = arith.addf %dot_general3A_54, %add3A_58 : vector<1024x32xf32>
    %max3A_60 = arith.constant 0.000000e+00 : f32
    %max3A_61 = vector.broadcast %max3A_60 : f32 to vector<1024x32xf32>
    %max3A_62 = arith.maximumf %add3A_59, %max3A_61 : vector<1024x32xf32>
    %dot_general3A_63 = arith.constant dense<0.000000e+00> : vector<1024x32xf32>
    %dot_general3A_64 = tpu.matmul %max3A_62, %get3A_7, %dot_general3A_63 {dimension_numbers = #tpu.dot_dimension_numbers<[1], [0], [0], [1], [0, 0, 1, 1], [], []>, transpose_lhs_hint = false} : vector<1024x32xf32>, vector<32x32xf32>, vector<1024x32xf32> -> vector<1024x32xf32>
    %get3A_65 = arith.constant 0 : index
    %get3A_66 = arith.constant 0 : index
    %get3A_67 = vector.load %arg7[%get3A_65, %get3A_66] : memref<1x32xf32, #tpu.memory_space<vmem>>, vector<1x32xf32>
    %add3A_68 = vector.broadcast %get3A_67 : vector<1x32xf32> to vector<1024x32xf32>
    %add3A_69 = arith.addf %dot_general3A_64, %add3A_68 : vector<1024x32xf32>
    %get3A_70 = arith.constant 128 : index
    %get3A_71 = arith.constant 0 : index
    %get3A_72 = vector.load %arg3[%get3A_70, %get3A_71] : memref<256x1024xf32, #tpu.memory_space<vmem>>, vector<128x1024xf32>
    %transpose3A_73 = tpu.transpose %get3A_72, [1, 0] : vector<128x1024xf32> -> vector<1024x128xf32>
    %add3A_74 = arith.addf %get3A_1, %transpose3A_73 : vector<1024x128xf32>
    %dot_general3A_75 = arith.constant dense<0.000000e+00> : vector<1024x32xf32>
    %dot_general3A_76 = tpu.matmul %add3A_74, %get3A_4, %dot_general3A_75 {dimension_numbers = #tpu.dot_dimension_numbers<[1], [0], [0], [1], [0, 0, 1, 1], [], []>, transpose_lhs_hint = false} : vector<1024x128xf32>, vector<128x32xf32>, vector<1024x32xf32> -> vector<1024x32xf32>
    %get3A_77 = arith.constant 0 : index
    %get3A_78 = arith.constant 0 : index
    %get3A_79 = vector.load %arg5[%get3A_77, %get3A_78] : memref<1x32xf32, #tpu.memory_space<vmem>>, vector<1x32xf32>
    %add3A_80 = vector.broadcast %get3A_79 : vector<1x32xf32> to vector<1024x32xf32>
    %add3A_81 = arith.addf %dot_general3A_76, %add3A_80 : vector<1024x32xf32>
    %max3A_82 = arith.constant 0.000000e+00 : f32
    %max3A_83 = vector.broadcast %max3A_82 : f32 to vector<1024x32xf32>
    %max3A_84 = arith.maximumf %add3A_81, %max3A_83 : vector<1024x32xf32>
    %dot_general3A_85 = arith.constant dense<0.000000e+00> : vector<1024x32xf32>
    %dot_general3A_86 = tpu.matmul %max3A_84, %get3A_7, %dot_general3A_85 {dimension_numbers = #tpu.dot_dimension_numbers<[1], [0], [0], [1], [0, 0, 1, 1], [], []>, transpose_lhs_hint = false} : vector<1024x32xf32>, vector<32x32xf32>, vector<1024x32xf32> -> vector<1024x32xf32>
    %get3A_87 = arith.constant 0 : index
    %get3A_88 = arith.constant 0 : index
    %get3A_89 = vector.load %arg7[%get3A_87, %get3A_88] : memref<1x32xf32, #tpu.memory_space<vmem>>, vector<1x32xf32>
    %add3A_90 = vector.broadcast %get3A_89 : vector<1x32xf32> to vector<1024x32xf32>
    %add3A_91 = arith.addf %dot_general3A_86, %add3A_90 : vector<1024x32xf32>
    %concatenate3A = tpu.concatenate %add3A_25, %add3A_47, %add3A_69, %add3A_91 in 1 : vector<1024x32xf32>, vector<1024x32xf32>, vector<1024x32xf32>, vector<1024x32xf32> -> vector<1024x128xf32>
    %swap3A = arith.constant 0 : index
    %swap3A_92 = arith.constant 0 : index
    %swap3A_93 = vector.load %arg8[%swap3A, %swap3A_92] : memref<1024x128xf32, #tpu.memory_space<vmem>>, vector<1024x128xf32>
    tpu.vector_store %arg8[%swap3A, %swap3A_92], %concatenate3A {strides = array<i32>} : memref<1024x128xf32, #tpu.memory_space<vmem>>, vector<1024x128xf32>,
    %mul3A = arith.constant 1024 : i32
    %mul3A_94 = arith.muli %arg0, %mul3A : i32
    %iota3A = tpu.iota {dimensions = array<i32: 0>} : vector<1024x128xi32>
    %add3A_95 = vector.broadcast %mul3A_94 : i32 to vector<1024x128xi32>
    %add3A_96 = arith.addi %add3A_95, %iota3A : vector<1024x128xi32>
    %lt3A = arith.constant 10000 : i32
    %lt3A_97 = vector.broadcast %lt3A : i32 to vector<1024x128xi32>
    %lt3A_98 = arith.cmpi slt, %add3A_96, %lt3A_97 : vector<1024x128xi32>
    %jit3A = arith.constant 0.000000e+00 : f32
    %broadcast_in_dim3A = vector.broadcast %jit3A : f32 to vector<1024x128xf32>
    %select_n3A = arith.select %lt3A_98, %concatenate3A, %broadcast_in_dim3A : vector<1024x128xi1>, vector<1024x128xf32>
    %reduce_sum3A = arith.constant dense<0.000000e+00> : vector<128xf32>
    %reduce_sum3A_99 = vector.multi_reduction <add>, %select_n3A, %reduce_sum3A [0] : vector<1024x128xf32> to vector<128xf32>
    %broadcast_in_dim3A_100 = vector.shape_cast %reduce_sum3A_99 : vector<128xf32> to vector<1x128xf32>
    %mul3A_101 = arith.mulf %select_n3A, %select_n3A : vector<1024x128xf32>
    %reduce_sum3A_102 = arith.constant dense<0.000000e+00> : vector<128xf32>
    %reduce_sum3A_103 = vector.multi_reduction <add>, %mul3A_101, %reduce_sum3A_102 [0] : vector<1024x128xf32> to vector<128xf32>
    %broadcast_in_dim3A_104 = vector.shape_cast %reduce_sum3A_103 : vector<128xf32> to vector<1x128xf32>
    %eq3A = arith.constant 0 : i32
    %eq3A_105 = arith.cmpi eq, %arg0, %eq3A : i32
    %convert_element_type3A = arith.extui %eq3A_105 : i1 to i32
    %cond3A = arith.constant 0 : i32
    %cond3A_106 = arith.cmpi ne, %convert_element_type3A, %cond3A : i32
    scf.if %cond3A_106 {
      %broadcast_in_dim3A_115 = arith.constant 0.000000e+00 : f32
      %broadcast_in_dim3A_116 = vector.broadcast %broadcast_in_dim3A_115 : f32 to vector<2x128xf32>
      %swap3A_117 = arith.constant 0 : index
      %swap3A_118 = arith.constant 0 : index
      %swap3A_119 = vector.load %arg9[%swap3A_117, %swap3A_118] : memref<2x128xf32, #tpu.memory_space<vmem>>, vector<2x128xf32>
      tpu.vector_store %arg9[%swap3A_117, %swap3A_118], %broadcast_in_dim3A_116 {strides = array<i32>} : memref<2x128xf32, #tpu.memory_space<vmem>>, vector<2x128xf32>,
    } else {
    }
    %get3A_107 = arith.constant 0 : index
    %get3A_108 = arith.constant 0 : index
    %get3A_109 = vector.load %arg9[%get3A_107, %get3A_108] : memref<2x128xf32, #tpu.memory_space<vmem>>, vector<2x128xf32>
    %concatenate3A_110 = tpu.concatenate %broadcast_in_dim3A_100, %broadcast_in_dim3A_104 in 0 : vector<1x128xf32>, vector<1x128xf32> -> vector<2x128xf32>
    %add3A_111 = arith.addf %get3A_109, %concatenate3A_110 : vector<2x128xf32>
    %swap3A_112 = arith.constant 0 : index
    %swap3A_113 = arith.constant 0 : index
    %swap3A_114 = vector.load %arg9[%swap3A_112, %swap3A_113] : memref<2x128xf32, #tpu.memory_space<vmem>>, vector<2x128xf32>
    tpu.vector_store %arg9[%swap3A_112, %swap3A_113], %add3A_111 {strides = array<i32>} : memref<2x128xf32, #tpu.memory_space<vmem>>, vector<2x128xf32>,
    return
  }
  func.func @transform_0(%arg0: i32) -> (i32, i32) {
    %c0_i32 = arith.constant 0 : i32
    %c0_i32_0 = arith.constant 0 : i32
    return %arg0, %c0_i32 : i32, i32
  }
  func.func @transform_1(%arg0: i32) -> (i32, i32) {
    %c0_i32 = arith.constant 0 : i32
    %c0_i32_0 = arith.constant 0 : i32
    return %c0_i32, %arg0 : i32, i32
  }
  func.func @transform_2(%arg0: i32) -> (i32, i32) {
    %c0_i32 = arith.constant 0 : i32
    %c0_i32_0 = arith.constant 0 : i32
    return %c0_i32, %arg0 : i32, i32
  }
  func.func @transform_3(%arg0: i32) -> (i32, i32) {
    %c0_i32 = arith.constant 0 : i32
    %c0_i32_0 = arith.constant 0 : i32
    %c0_i32_1 = arith.constant 0 : i32
    return %c0_i32, %c0_i32_0 : i32, i32
  }
  func.func @transform_4(%arg0: i32) -> (i32, i32) {
    %c0_i32 = arith.constant 0 : i32
    %c0_i32_0 = arith.constant 0 : i32
    %c0_i32_1 = arith.constant 0 : i32
    return %c0_i32, %c0_i32_0 : i32, i32
  }
  func.func @transform_5(%arg0: i32) -> (i32, i32) {
    %c0_i32 = arith.constant 0 : i32
    %c0_i32_0 = arith.constant 0 : i32
    %c0_i32_1 = arith.constant 0 : i32
    return %c0_i32, %c0_i32_0 : i32, i32
  }
  func.func @transform_6(%arg0: i32) -> (i32, i32) {
    %c0_i32 = arith.constant 0 : i32
    %c0_i32_0 = arith.constant 0 : i32
    %c0_i32_1 = arith.constant 0 : i32
    return %c0_i32, %c0_i32_0 : i32, i32
  }
  func.func @transform_7(%arg0: i32) -> (i32, i32) {
    %c0_i32 = arith.constant 0 : i32
    %c0_i32_0 = arith.constant 0 : i32
    return %arg0, %c0_i32 : i32, i32
  }
  func.func @transform_8(%arg0: i32) -> (i32, i32) {
    %c0_i32 = arith.constant 0 : i32
    %c0_i32_0 = arith.constant 0 : i32
    %c0_i32_1 = arith.constant 0 : i32
    return %c0_i32, %c0_i32_0 : i32, i32
  }
}

module attributes {stable_mosaic.version = 14 : i64} {
  func.func @body(%arg0: i32, %arg1: memref<1024x128xf32, #tpu.memory_space<vmem>>, %arg2: memref<2x128xf32, #tpu.memory_space<vmem>>, %arg3: memref<1x128xf32, #tpu.memory_space<vmem>>) attributes {dimension_semantics = [#tpu.dimension_semantics<arbitrary>], iteration_bounds = array<i64: 10>, scalar_prefetch = 0 : i64, scratch_operands = 0 : i64, tpu.core_type = #tpu.core_type<tc>, window_params = [{transform_indices = @transform_0, window_bounds = array<i64: 1024, 128>}, {pipeline_mode = #tpu.pipeline_mode<synchronous>, transform_indices = @transform_1, window_bounds = array<i64: 2, 128>}, {pipeline_mode = #tpu.pipeline_mode<synchronous>, transform_indices = @transform_2, window_bounds = array<i64: 1, 128>}]} {
    %get3A = arith.constant 0 : index
    %get3A_0 = arith.constant 0 : index
    %get3A_1 = vector.load %arg2[%get3A, %get3A_0] : memref<2x128xf32, #tpu.memory_space<vmem>>, vector<2x128xf32>
    %slice3A = vector.extract_strided_slice %get3A_1 {offsets = [0, 0], sizes = [1, 128], strides = [1, 1]} : vector<2x128xf32> to vector<1x128xf32>
    %div3A = arith.constant 1.000000e+04 : f32
    %div3A_2 = vector.broadcast %div3A : f32 to vector<1x128xf32>
    %div3A_3 = arith.divf %slice3A, %div3A_2 : vector<1x128xf32>
    %mul3A = arith.constant 1024 : i32
    %mul3A_4 = arith.muli %arg0, %mul3A : i32
    %iota3A = tpu.iota {dimensions = array<i32: 0>} : vector<1024x128xi32>
    %add3A = vector.broadcast %mul3A_4 : i32 to vector<1024x128xi32>
    %add3A_5 = arith.addi %add3A, %iota3A : vector<1024x128xi32>
    %lt3A = arith.constant 10000 : i32
    %lt3A_6 = vector.broadcast %lt3A : i32 to vector<1024x128xi32>
    %lt3A_7 = arith.cmpi slt, %add3A_5, %lt3A_6 : vector<1024x128xi32>
    %get3A_8 = arith.constant 0 : index
    %get3A_9 = arith.constant 0 : index
    %get3A_10 = vector.load %arg1[%get3A_8, %get3A_9] : memref<1024x128xf32, #tpu.memory_space<vmem>>, vector<1024x128xf32>
    %sub3A = vector.broadcast %div3A_3 : vector<1x128xf32> to vector<1024x128xf32>
    %sub3A_11 = arith.subf %get3A_10, %sub3A : vector<1024x128xf32>
    %jit3A = arith.constant 0.000000e+00 : f32
    %broadcast_in_dim3A = vector.broadcast %jit3A : f32 to vector<1024x128xf32>
    %select_n3A = arith.select %lt3A_7, %sub3A_11, %broadcast_in_dim3A : vector<1024x128xi1>, vector<1024x128xf32>
    %mul3A_12 = arith.mulf %select_n3A, %select_n3A : vector<1024x128xf32>
    %reduce_sum3A = arith.constant dense<0.000000e+00> : vector<128xf32>
    %reduce_sum3A_13 = vector.multi_reduction <add>, %mul3A_12, %reduce_sum3A [0] : vector<1024x128xf32> to vector<128xf32>
    %broadcast_in_dim3A_14 = vector.shape_cast %reduce_sum3A_13 : vector<128xf32> to vector<1x128xf32>
    %eq3A = arith.constant 0 : i32
    %eq3A_15 = arith.cmpi eq, %arg0, %eq3A : i32
    %convert_element_type3A = arith.extui %eq3A_15 : i1 to i32
    %cond3A = arith.constant 0 : i32
    %cond3A_16 = arith.cmpi ne, %convert_element_type3A, %cond3A : i32
    scf.if %cond3A_16 {
      %broadcast_in_dim3A_23 = arith.constant 0.000000e+00 : f32
      %broadcast_in_dim3A_24 = vector.broadcast %broadcast_in_dim3A_23 : f32 to vector<1x128xf32>
      %swap3A_25 = arith.constant 0 : index
      %swap3A_26 = arith.constant 0 : index
      %swap3A_27 = vector.load %arg3[%swap3A_25, %swap3A_26] : memref<1x128xf32, #tpu.memory_space<vmem>>, vector<1x128xf32>
      tpu.vector_store %arg3[%swap3A_25, %swap3A_26], %broadcast_in_dim3A_24 {strides = array<i32>} : memref<1x128xf32, #tpu.memory_space<vmem>>, vector<1x128xf32>,
    } else {
    }
    %get3A_17 = arith.constant 0 : index
    %get3A_18 = arith.constant 0 : index
    %get3A_19 = vector.load %arg3[%get3A_17, %get3A_18] : memref<1x128xf32, #tpu.memory_space<vmem>>, vector<1x128xf32>
    %add3A_20 = arith.addf %get3A_19, %broadcast_in_dim3A_14 : vector<1x128xf32>
    %swap3A = arith.constant 0 : index
    %swap3A_21 = arith.constant 0 : index
    %swap3A_22 = vector.load %arg3[%swap3A, %swap3A_21] : memref<1x128xf32, #tpu.memory_space<vmem>>, vector<1x128xf32>
    tpu.vector_store %arg3[%swap3A, %swap3A_21], %add3A_20 {strides = array<i32>} : memref<1x128xf32, #tpu.memory_space<vmem>>, vector<1x128xf32>,
    return
  }
  func.func @transform_0(%arg0: i32) -> (i32, i32) {
    %c0_i32 = arith.constant 0 : i32
    %c0_i32_0 = arith.constant 0 : i32
    return %arg0, %c0_i32 : i32, i32
  }
  func.func @transform_1(%arg0: i32) -> (i32, i32) {
    %c0_i32 = arith.constant 0 : i32
    %c0_i32_0 = arith.constant 0 : i32
    %c0_i32_1 = arith.constant 0 : i32
    return %c0_i32, %c0_i32_0 : i32, i32
  }
  func.func @transform_2(%arg0: i32) -> (i32, i32) {
    %c0_i32 = arith.constant 0 : i32
    %c0_i32_0 = arith.constant 0 : i32
    %c0_i32_1 = arith.constant 0 : i32
    return %c0_i32, %c0_i32_0 : i32, i32
  }
}

module attributes {stable_mosaic.version = 14 : i64} {
  func.func @body(%arg0: i32, %arg1: memref<1024x128xf32, #tpu.memory_space<vmem>>, %arg2: memref<2x128xf32, #tpu.memory_space<vmem>>, %arg3: memref<1x128xf32, #tpu.memory_space<vmem>>, %arg4: memref<1x128xf32, #tpu.memory_space<vmem>>, %arg5: memref<1x128xf32, #tpu.memory_space<vmem>>, %arg6: memref<1024x128xf32, #tpu.memory_space<vmem>>, %arg7: memref<128x1024xf32, #tpu.memory_space<vmem>>) attributes {dimension_semantics = [#tpu.dimension_semantics<arbitrary>], iteration_bounds = array<i64: 10>, scalar_prefetch = 0 : i64, scratch_operands = 0 : i64, tpu.core_type = #tpu.core_type<tc>, window_params = [{transform_indices = @transform_0, window_bounds = array<i64: 1024, 128>}, {pipeline_mode = #tpu.pipeline_mode<synchronous>, transform_indices = @transform_1, window_bounds = array<i64: 2, 128>}, {pipeline_mode = #tpu.pipeline_mode<synchronous>, transform_indices = @transform_2, window_bounds = array<i64: 1, 128>}, {pipeline_mode = #tpu.pipeline_mode<synchronous>, transform_indices = @transform_3, window_bounds = array<i64: 1, 128>}, {pipeline_mode = #tpu.pipeline_mode<synchronous>, transform_indices = @transform_4, window_bounds = array<i64: 1, 128>}, {transform_indices = @transform_5, window_bounds = array<i64: 1024, 128>}, {transform_indices = @transform_6, window_bounds = array<i64: 128, 1024>}]} {
    %get3A = arith.constant 0 : index
    %get3A_0 = arith.constant 0 : index
    %get3A_1 = vector.load %arg2[%get3A, %get3A_0] : memref<2x128xf32, #tpu.memory_space<vmem>>, vector<2x128xf32>
    %slice3A = vector.extract_strided_slice %get3A_1 {offsets = [0, 0], sizes = [1, 128], strides = [1, 1]} : vector<2x128xf32> to vector<1x128xf32>
    %div3A = arith.constant 1.000000e+04 : f32
    %div3A_2 = vector.broadcast %div3A : f32 to vector<1x128xf32>
    %div3A_3 = arith.divf %slice3A, %div3A_2 : vector<1x128xf32>
    %get3A_4 = arith.constant 0 : index
    %get3A_5 = arith.constant 0 : index
    %get3A_6 = vector.load %arg3[%get3A_4, %get3A_5] : memref<1x128xf32, #tpu.memory_space<vmem>>, vector<1x128xf32>
    %div3A_7 = arith.constant 1.000000e+04 : f32
    %div3A_8 = vector.broadcast %div3A_7 : f32 to vector<1x128xf32>
    %div3A_9 = arith.divf %get3A_6, %div3A_8 : vector<1x128xf32>
    %get3A_10 = arith.constant 0 : index
    %get3A_11 = arith.constant 0 : index
    %get3A_12 = vector.load %arg1[%get3A_10, %get3A_11] : memref<1024x128xf32, #tpu.memory_space<vmem>>, vector<1024x128xf32>
    %sub3A = vector.broadcast %div3A_3 : vector<1x128xf32> to vector<1024x128xf32>
    %sub3A_13 = arith.subf %get3A_12, %sub3A : vector<1024x128xf32>
    %add3A = arith.constant 9.99999974E-6 : f32
    %add3A_14 = vector.broadcast %add3A : f32 to vector<1x128xf32>
    %add3A_15 = arith.addf %div3A_9, %add3A_14 : vector<1x128xf32>
    %sqrt3A = math.sqrt %add3A_15 : vector<1x128xf32>
    %div3A_16 = vector.broadcast %sqrt3A : vector<1x128xf32> to vector<1024x128xf32>
    %div3A_17 = arith.divf %sub3A_13, %div3A_16 : vector<1024x128xf32>
    %get3A_18 = arith.constant 0 : index
    %get3A_19 = arith.constant 0 : index
    %get3A_20 = vector.load %arg4[%get3A_18, %get3A_19] : memref<1x128xf32, #tpu.memory_space<vmem>>, vector<1x128xf32>
    %mul3A = vector.broadcast %get3A_20 : vector<1x128xf32> to vector<1024x128xf32>
    %mul3A_21 = arith.mulf %div3A_17, %mul3A : vector<1024x128xf32>
    %get3A_22 = arith.constant 0 : index
    %get3A_23 = arith.constant 0 : index
    %get3A_24 = vector.load %arg5[%get3A_22, %get3A_23] : memref<1x128xf32, #tpu.memory_space<vmem>>, vector<1x128xf32>
    %add3A_25 = vector.broadcast %get3A_24 : vector<1x128xf32> to vector<1024x128xf32>
    %add3A_26 = arith.addf %mul3A_21, %add3A_25 : vector<1024x128xf32>
    %max3A = arith.constant 0.000000e+00 : f32
    %max3A_27 = vector.broadcast %max3A : f32 to vector<1024x128xf32>
    %max3A_28 = arith.maximumf %add3A_26, %max3A_27 : vector<1024x128xf32>
    %swap3A = arith.constant 0 : index
    %swap3A_29 = arith.constant 0 : index
    %swap3A_30 = vector.load %arg6[%swap3A, %swap3A_29] : memref<1024x128xf32, #tpu.memory_space<vmem>>, vector<1024x128xf32>
    tpu.vector_store %arg6[%swap3A, %swap3A_29], %max3A_28 {strides = array<i32>} : memref<1024x128xf32, #tpu.memory_space<vmem>>, vector<1024x128xf32>,
    %transpose3A = tpu.transpose %max3A_28, [1, 0] : vector<1024x128xf32> -> vector<128x1024xf32>
    %swap3A_31 = arith.constant 0 : index
    %swap3A_32 = arith.constant 0 : index
    %swap3A_33 = vector.load %arg7[%swap3A_31, %swap3A_32] : memref<128x1024xf32, #tpu.memory_space<vmem>>, vector<128x1024xf32>
    tpu.vector_store %arg7[%swap3A_31, %swap3A_32], %transpose3A {strides = array<i32>} : memref<128x1024xf32, #tpu.memory_space<vmem>>, vector<128x1024xf32>,
    return
  }
  func.func @transform_0(%arg0: i32) -> (i32, i32) {
    %c0_i32 = arith.constant 0 : i32
    %c0_i32_0 = arith.constant 0 : i32
    return %arg0, %c0_i32 : i32, i32
  }
  func.func @transform_1(%arg0: i32) -> (i32, i32) {
    %c0_i32 = arith.constant 0 : i32
    %c0_i32_0 = arith.constant 0 : i32
    %c0_i32_1 = arith.constant 0 : i32
    return %c0_i32, %c0_i32_0 : i32, i32
  }
  func.func @transform_2(%arg0: i32) -> (i32, i32) {
    %c0_i32 = arith.constant 0 : i32
    %c0_i32_0 = arith.constant 0 : i32
    %c0_i32_1 = arith.constant 0 : i32
    return %c0_i32, %c0_i32_0 : i32, i32
  }
  func.func @transform_3(%arg0: i32) -> (i32, i32) {
    %c0_i32 = arith.constant 0 : i32
    %c0_i32_0 = arith.constant 0 : i32
    %c0_i32_1 = arith.constant 0 : i32
    return %c0_i32, %c0_i32_0 : i32, i32
  }
  func.func @transform_4(%arg0: i32) -> (i32, i32) {
    %c0_i32 = arith.constant 0 : i32
    %c0_i32_0 = arith.constant 0 : i32
    %c0_i32_1 = arith.constant 0 : i32
    return %c0_i32, %c0_i32_0 : i32, i32
  }
  func.func @transform_5(%arg0: i32) -> (i32, i32) {
    %c0_i32 = arith.constant 0 : i32
    %c0_i32_0 = arith.constant 0 : i32
    return %arg0, %c0_i32 : i32, i32
  }
  func.func @transform_6(%arg0: i32) -> (i32, i32) {
    %c0_i32 = arith.constant 0 : i32
    %c0_i32_0 = arith.constant 0 : i32
    return %c0_i32, %arg0 : i32, i32
  }
}

module attributes {stable_mosaic.version = 14 : i64} {
  func.func @body(%arg0: i32, %arg1: memref<128x1024xf32, #tpu.memory_space<vmem>>, %arg2: memref<128x1024xf32, #tpu.memory_space<vmem>>, %arg3: memref<32x32xf32, #tpu.memory_space<vmem>>, %arg4: memref<128x1xf32, #tpu.memory_space<vmem>>, %arg5: memref<32x32xf32, #tpu.memory_space<vmem>>, %arg6: memref<128x1xf32, #tpu.memory_space<vmem>>, %arg7: memref<128x1024xf32, #tpu.memory_space<vmem>>, %arg8: memref<128x2xf32, #tpu.memory_space<vmem>>) attributes {dimension_semantics = [#tpu.dimension_semantics<arbitrary>], iteration_bounds = array<i64: 10>, scalar_prefetch = 0 : i64, scratch_operands = 0 : i64, tpu.core_type = #tpu.core_type<tc>, window_params = [{transform_indices = @transform_0, window_bounds = array<i64: 128, 1024>}, {transform_indices = @transform_1, window_bounds = array<i64: 128, 1024>}, {pipeline_mode = #tpu.pipeline_mode<synchronous>, transform_indices = @transform_2, window_bounds = array<i64: 32, 32>}, {pipeline_mode = #tpu.pipeline_mode<synchronous>, transform_indices = @transform_3, window_bounds = array<i64: 128, 1>}, {pipeline_mode = #tpu.pipeline_mode<synchronous>, transform_indices = @transform_4, window_bounds = array<i64: 32, 32>}, {pipeline_mode = #tpu.pipeline_mode<synchronous>, transform_indices = @transform_5, window_bounds = array<i64: 128, 1>}, {transform_indices = @transform_6, window_bounds = array<i64: 128, 1024>}, {pipeline_mode = #tpu.pipeline_mode<synchronous>, transform_indices = @transform_7, window_bounds = array<i64: 128, 2>}]} {
    %get3A = arith.constant 0 : index
    %get3A_0 = arith.constant 0 : index
    %get3A_1 = vector.load %arg1[%get3A, %get3A_0] : memref<128x1024xf32, #tpu.memory_space<vmem>>, vector<128x1024xf32>
    %get3A_2 = arith.constant 0 : index
    %get3A_3 = arith.constant 0 : index
    %get3A_4 = vector.load %arg2[%get3A_2, %get3A_3] : memref<128x1024xf32, #tpu.memory_space<vmem>>, vector<128x1024xf32>
    %add3A = arith.addf %get3A_1, %get3A_4 : vector<128x1024xf32>
    %get3A_5 = arith.constant 0 : index
    %get3A_6 = arith.constant 0 : index
    %get3A_7 = vector.load %arg3[%get3A_5, %get3A_6] : memref<32x32xf32, #tpu.memory_space<vmem>>, vector<32x32xf32>
    %get3A_8 = arith.constant 0 : index
    %get3A_9 = arith.constant 0 : index
    %get3A_10 = vector.load %arg5[%get3A_8, %get3A_9] : memref<32x32xf32, #tpu.memory_space<vmem>>, vector<32x32xf32>
    %slice3A = vector.extract_strided_slice %add3A {offsets = [0, 0], sizes = [32, 1024], strides = [1, 1]} : vector<128x1024xf32> to vector<32x1024xf32>
    %dot_general3A = arith.constant dense<0.000000e+00> : vector<32x1024xf32>
    %dot_general3A_11 = tpu.matmul %get3A_7, %slice3A, %dot_general3A {dimension_numbers = #tpu.dot_dimension_numbers<[0], [0], [1], [1], [0, 1, 1, 1], [], []>, transpose_lhs_hint = false} : vector<32x32xf32>, vector<32x1024xf32>, vector<32x1024xf32> -> vector<32x1024xf32>
    %get3A_12 = arith.constant 0 : index
    %get3A_13 = arith.constant 0 : index
    %get3A_14 = vector.load %arg4[%get3A_12, %get3A_13] : memref<128x1xf32, #tpu.memory_space<vmem>>, vector<32x1xf32>
    %add3A_15 = vector.broadcast %get3A_14 : vector<32x1xf32> to vector<32x1024xf32>
    %add3A_16 = arith.addf %dot_general3A_11, %add3A_15 : vector<32x1024xf32>
    %max3A = arith.constant 0.000000e+00 : f32
    %max3A_17 = vector.broadcast %max3A : f32 to vector<32x1024xf32>
    %max3A_18 = arith.maximumf %add3A_16, %max3A_17 : vector<32x1024xf32>
    %dot_general3A_19 = arith.constant dense<0.000000e+00> : vector<32x1024xf32>
    %dot_general3A_20 = tpu.matmul %get3A_10, %max3A_18, %dot_general3A_19 {dimension_numbers = #tpu.dot_dimension_numbers<[0], [0], [1], [1], [0, 1, 1, 1], [], []>, transpose_lhs_hint = false} : vector<32x32xf32>, vector<32x1024xf32>, vector<32x1024xf32> -> vector<32x1024xf32>
    %slice3A_21 = vector.extract_strided_slice %add3A {offsets = [32, 0], sizes = [32, 1024], strides = [1, 1]} : vector<128x1024xf32> to vector<32x1024xf32>
    %dot_general3A_22 = arith.constant dense<0.000000e+00> : vector<32x1024xf32>
    %dot_general3A_23 = tpu.matmul %get3A_7, %slice3A_21, %dot_general3A_22 {dimension_numbers = #tpu.dot_dimension_numbers<[0], [0], [1], [1], [0, 1, 1, 1], [], []>, transpose_lhs_hint = false} : vector<32x32xf32>, vector<32x1024xf32>, vector<32x1024xf32> -> vector<32x1024xf32>
    %get3A_24 = arith.constant 0 : index
    %get3A_25 = arith.constant 0 : index
    %get3A_26 = vector.load %arg4[%get3A_24, %get3A_25] : memref<128x1xf32, #tpu.memory_space<vmem>>, vector<32x1xf32>
    %add3A_27 = vector.broadcast %get3A_26 : vector<32x1xf32> to vector<32x1024xf32>
    %add3A_28 = arith.addf %dot_general3A_23, %add3A_27 : vector<32x1024xf32>
    %max3A_29 = arith.constant 0.000000e+00 : f32
    %max3A_30 = vector.broadcast %max3A_29 : f32 to vector<32x1024xf32>
    %max3A_31 = arith.maximumf %add3A_28, %max3A_30 : vector<32x1024xf32>
    %dot_general3A_32 = arith.constant dense<0.000000e+00> : vector<32x1024xf32>
    %dot_general3A_33 = tpu.matmul %get3A_10, %max3A_31, %dot_general3A_32 {dimension_numbers = #tpu.dot_dimension_numbers<[0], [0], [1], [1], [0, 1, 1, 1], [], []>, transpose_lhs_hint = false} : vector<32x32xf32>, vector<32x1024xf32>, vector<32x1024xf32> -> vector<32x1024xf32>
    %slice3A_34 = vector.extract_strided_slice %add3A {offsets = [64, 0], sizes = [32, 1024], strides = [1, 1]} : vector<128x1024xf32> to vector<32x1024xf32>
    %dot_general3A_35 = arith.constant dense<0.000000e+00> : vector<32x1024xf32>
    %dot_general3A_36 = tpu.matmul %get3A_7, %slice3A_34, %dot_general3A_35 {dimension_numbers = #tpu.dot_dimension_numbers<[0], [0], [1], [1], [0, 1, 1, 1], [], []>, transpose_lhs_hint = false} : vector<32x32xf32>, vector<32x1024xf32>, vector<32x1024xf32> -> vector<32x1024xf32>
    %get3A_37 = arith.constant 0 : index
    %get3A_38 = arith.constant 0 : index
    %get3A_39 = vector.load %arg4[%get3A_37, %get3A_38] : memref<128x1xf32, #tpu.memory_space<vmem>>, vector<32x1xf32>
    %add3A_40 = vector.broadcast %get3A_39 : vector<32x1xf32> to vector<32x1024xf32>
    %add3A_41 = arith.addf %dot_general3A_36, %add3A_40 : vector<32x1024xf32>
    %max3A_42 = arith.constant 0.000000e+00 : f32
    %max3A_43 = vector.broadcast %max3A_42 : f32 to vector<32x1024xf32>
    %max3A_44 = arith.maximumf %add3A_41, %max3A_43 : vector<32x1024xf32>
    %dot_general3A_45 = arith.constant dense<0.000000e+00> : vector<32x1024xf32>
    %dot_general3A_46 = tpu.matmul %get3A_10, %max3A_44, %dot_general3A_45 {dimension_numbers = #tpu.dot_dimension_numbers<[0], [0], [1], [1], [0, 1, 1, 1], [], []>, transpose_lhs_hint = false} : vector<32x32xf32>, vector<32x1024xf32>, vector<32x1024xf32> -> vector<32x1024xf32>
    %slice3A_47 = vector.extract_strided_slice %add3A {offsets = [96, 0], sizes = [32, 1024], strides = [1, 1]} : vector<128x1024xf32> to vector<32x1024xf32>
    %dot_general3A_48 = arith.constant dense<0.000000e+00> : vector<32x1024xf32>
    %dot_general3A_49 = tpu.matmul %get3A_7, %slice3A_47, %dot_general3A_48 {dimension_numbers = #tpu.dot_dimension_numbers<[0], [0], [1], [1], [0, 1, 1, 1], [], []>, transpose_lhs_hint = false} : vector<32x32xf32>, vector<32x1024xf32>, vector<32x1024xf32> -> vector<32x1024xf32>
    %get3A_50 = arith.constant 0 : index
    %get3A_51 = arith.constant 0 : index
    %get3A_52 = vector.load %arg4[%get3A_50, %get3A_51] : memref<128x1xf32, #tpu.memory_space<vmem>>, vector<32x1xf32>
    %add3A_53 = vector.broadcast %get3A_52 : vector<32x1xf32> to vector<32x1024xf32>
    %add3A_54 = arith.addf %dot_general3A_49, %add3A_53 : vector<32x1024xf32>
    %max3A_55 = arith.constant 0.000000e+00 : f32
    %max3A_56 = vector.broadcast %max3A_55 : f32 to vector<32x1024xf32>
    %max3A_57 = arith.maximumf %add3A_54, %max3A_56 : vector<32x1024xf32>
    %dot_general3A_58 = arith.constant dense<0.000000e+00> : vector<32x1024xf32>
    %dot_general3A_59 = tpu.matmul %get3A_10, %max3A_57, %dot_general3A_58 {dimension_numbers = #tpu.dot_dimension_numbers<[0], [0], [1], [1], [0, 1, 1, 1], [], []>, transpose_lhs_hint = false} : vector<32x32xf32>, vector<32x1024xf32>, vector<32x1024xf32> -> vector<32x1024xf32>
    %concatenate3A = tpu.concatenate %dot_general3A_20, %dot_general3A_33, %dot_general3A_46, %dot_general3A_59 in 0 : vector<32x1024xf32>, vector<32x1024xf32>, vector<32x1024xf32>, vector<32x1024xf32> -> vector<128x1024xf32>
    %get3A_60 = arith.constant 0 : index
    %get3A_61 = arith.constant 0 : index
    %get3A_62 = vector.load %arg6[%get3A_60, %get3A_61] : memref<128x1xf32, #tpu.memory_space<vmem>>, vector<128x1xf32>
    %add3A_63 = vector.broadcast %get3A_62 : vector<128x1xf32> to vector<128x1024xf32>
    %add3A_64 = arith.addf %concatenate3A, %add3A_63 : vector<128x1024xf32>
    %swap3A = arith.constant 0 : index
    %swap3A_65 = arith.constant 0 : index
    %swap3A_66 = vector.load %arg7[%swap3A, %swap3A_65] : memref<128x1024xf32, #tpu.memory_space<vmem>>, vector<128x1024xf32>
    tpu.vector_store %arg7[%swap3A, %swap3A_65], %add3A_64 {strides = array<i32>} : memref<128x1024xf32, #tpu.memory_space<vmem>>, vector<128x1024xf32>,
    %mul3A = arith.constant 1024 : i32
    %mul3A_67 = arith.muli %arg0, %mul3A : i32
    %iota3A = tpu.iota {dimensions = array<i32: 1>} : vector<128x1024xi32>
    %add3A_68 = vector.broadcast %mul3A_67 : i32 to vector<128x1024xi32>
    %add3A_69 = arith.addi %add3A_68, %iota3A : vector<128x1024xi32>
    %lt3A = arith.constant 10000 : i32
    %lt3A_70 = vector.broadcast %lt3A : i32 to vector<128x1024xi32>
    %lt3A_71 = arith.cmpi slt, %add3A_69, %lt3A_70 : vector<128x1024xi32>
    %jit3A = arith.constant 0.000000e+00 : f32
    %broadcast_in_dim3A = vector.broadcast %jit3A : f32 to vector<128x1024xf32>
    %select_n3A = arith.select %lt3A_71, %add3A_64, %broadcast_in_dim3A : vector<128x1024xi1>, vector<128x1024xf32>
    %reduce_sum3A = arith.constant dense<0.000000e+00> : vector<128xf32>
    %reduce_sum3A_72 = vector.multi_reduction <add>, %select_n3A, %reduce_sum3A [1] : vector<128x1024xf32> to vector<128xf32>
    %broadcast_in_dim3A_73 = vector.shape_cast %reduce_sum3A_72 : vector<128xf32> to vector<128x1xf32>
    %mul3A_74 = arith.mulf %select_n3A, %select_n3A : vector<128x1024xf32>
    %reduce_sum3A_75 = arith.constant dense<0.000000e+00> : vector<128xf32>
    %reduce_sum3A_76 = vector.multi_reduction <add>, %mul3A_74, %reduce_sum3A_75 [1] : vector<128x1024xf32> to vector<128xf32>
    %broadcast_in_dim3A_77 = vector.shape_cast %reduce_sum3A_76 : vector<128xf32> to vector<128x1xf32>
    %eq3A = arith.constant 0 : i32
    %eq3A_78 = arith.cmpi eq, %arg0, %eq3A : i32
    %convert_element_type3A = arith.extui %eq3A_78 : i1 to i32
    %cond3A = arith.constant 0 : i32
    %cond3A_79 = arith.cmpi ne, %convert_element_type3A, %cond3A : i32
    scf.if %cond3A_79 {
      %broadcast_in_dim3A_88 = arith.constant 0.000000e+00 : f32
      %broadcast_in_dim3A_89 = vector.broadcast %broadcast_in_dim3A_88 : f32 to vector<128x2xf32>
      %swap3A_90 = arith.constant 0 : index
      %swap3A_91 = arith.constant 0 : index
      %swap3A_92 = vector.load %arg8[%swap3A_90, %swap3A_91] : memref<128x2xf32, #tpu.memory_space<vmem>>, vector<128x2xf32>
      tpu.vector_store %arg8[%swap3A_90, %swap3A_91], %broadcast_in_dim3A_89 {strides = array<i32>} : memref<128x2xf32, #tpu.memory_space<vmem>>, vector<128x2xf32>,
    } else {
    }
    %get3A_80 = arith.constant 0 : index
    %get3A_81 = arith.constant 0 : index
    %get3A_82 = vector.load %arg8[%get3A_80, %get3A_81] : memref<128x2xf32, #tpu.memory_space<vmem>>, vector<128x2xf32>
    %concatenate3A_83 = tpu.concatenate %broadcast_in_dim3A_73, %broadcast_in_dim3A_77 in 1 : vector<128x1xf32>, vector<128x1xf32> -> vector<128x2xf32>
    %add3A_84 = arith.addf %get3A_82, %concatenate3A_83 : vector<128x2xf32>
    %swap3A_85 = arith.constant 0 : index
    %swap3A_86 = arith.constant 0 : index
    %swap3A_87 = vector.load %arg8[%swap3A_85, %swap3A_86] : memref<128x2xf32, #tpu.memory_space<vmem>>, vector<128x2xf32>
    tpu.vector_store %arg8[%swap3A_85, %swap3A_86], %add3A_84 {strides = array<i32>} : memref<128x2xf32, #tpu.memory_space<vmem>>, vector<128x2xf32>,
    return
  }
  func.func @transform_0(%arg0: i32) -> (i32, i32) {
    %c0_i32 = arith.constant 0 : i32
    %c0_i32_0 = arith.constant 0 : i32
    return %c0_i32, %arg0 : i32, i32
  }
  func.func @transform_1(%arg0: i32) -> (i32, i32) {
    %c0_i32 = arith.constant 0 : i32
    %c0_i32_0 = arith.constant 0 : i32
    return %c0_i32, %arg0 : i32, i32
  }
  func.func @transform_2(%arg0: i32) -> (i32, i32) {
    %c0_i32 = arith.constant 0 : i32
    %c0_i32_0 = arith.constant 0 : i32
    %c0_i32_1 = arith.constant 0 : i32
    return %c0_i32, %c0_i32_0 : i32, i32
  }
  func.func @transform_3(%arg0: i32) -> (i32, i32) {
    %c0_i32 = arith.constant 0 : i32
    %c0_i32_0 = arith.constant 0 : i32
    %c0_i32_1 = arith.constant 0 : i32
    return %c0_i32, %c0_i32_0 : i32, i32
  }
  func.func @transform_4(%arg0: i32) -> (i32, i32) {
    %c0_i32 = arith.constant 0 : i32
    %c0_i32_0 = arith.constant 0 : i32
    %c0_i32_1 = arith.constant 0 : i32
    return %c0_i32, %c0_i32_0 : i32, i32
  }
  func.func @transform_5(%arg0: i32) -> (i32, i32) {
    %c0_i32 = arith.constant 0 : i32
    %c0_i32_0 = arith.constant 0 : i32
    %c0_i32_1 = arith.constant 0 : i32
    return %c0_i32, %c0_i32_0 : i32, i32
  }
  func.func @transform_6(%arg0: i32) -> (i32, i32) {
    %c0_i32 = arith.constant 0 : i32
    %c0_i32_0 = arith.constant 0 : i32
    return %c0_i32, %arg0 : i32, i32
  }
  func.func @transform_7(%arg0: i32) -> (i32, i32) {
    %c0_i32 = arith.constant 0 : i32
    %c0_i32_0 = arith.constant 0 : i32
    %c0_i32_1 = arith.constant 0 : i32
    return %c0_i32, %c0_i32_0 : i32, i32
  }
}

module attributes {stable_mosaic.version = 14 : i64} {
  func.func @body(%arg0: i32, %arg1: memref<128x1024xf32, #tpu.memory_space<vmem>>, %arg2: memref<128x2xf32, #tpu.memory_space<vmem>>, %arg3: memref<128x1xf32, #tpu.memory_space<vmem>>) attributes {dimension_semantics = [#tpu.dimension_semantics<arbitrary>], iteration_bounds = array<i64: 10>, scalar_prefetch = 0 : i64, scratch_operands = 0 : i64, tpu.core_type = #tpu.core_type<tc>, window_params = [{transform_indices = @transform_0, window_bounds = array<i64: 128, 1024>}, {pipeline_mode = #tpu.pipeline_mode<synchronous>, transform_indices = @transform_1, window_bounds = array<i64: 128, 2>}, {pipeline_mode = #tpu.pipeline_mode<synchronous>, transform_indices = @transform_2, window_bounds = array<i64: 128, 1>}]} {
    %get3A = arith.constant 0 : index
    %get3A_0 = arith.constant 0 : index
    %get3A_1 = vector.load %arg2[%get3A, %get3A_0] : memref<128x2xf32, #tpu.memory_space<vmem>>, vector<128x2xf32>
    %slice3A = vector.extract_strided_slice %get3A_1 {offsets = [0, 0], sizes = [128, 1], strides = [1, 1]} : vector<128x2xf32> to vector<128x1xf32>
    %div3A = arith.constant 1.000000e+04 : f32
    %div3A_2 = vector.broadcast %div3A : f32 to vector<128x1xf32>
    %div3A_3 = arith.divf %slice3A, %div3A_2 : vector<128x1xf32>
    %mul3A = arith.constant 1024 : i32
    %mul3A_4 = arith.muli %arg0, %mul3A : i32
    %iota3A = tpu.iota {dimensions = array<i32: 1>} : vector<128x1024xi32>
    %add3A = vector.broadcast %mul3A_4 : i32 to vector<128x1024xi32>
    %add3A_5 = arith.addi %add3A, %iota3A : vector<128x1024xi32>
    %lt3A = arith.constant 10000 : i32
    %lt3A_6 = vector.broadcast %lt3A : i32 to vector<128x1024xi32>
    %lt3A_7 = arith.cmpi slt, %add3A_5, %lt3A_6 : vector<128x1024xi32>
    %get3A_8 = arith.constant 0 : index
    %get3A_9 = arith.constant 0 : index
    %get3A_10 = vector.load %arg1[%get3A_8, %get3A_9] : memref<128x1024xf32, #tpu.memory_space<vmem>>, vector<128x1024xf32>
    %sub3A = vector.broadcast %div3A_3 : vector<128x1xf32> to vector<128x1024xf32>
    %sub3A_11 = arith.subf %get3A_10, %sub3A : vector<128x1024xf32>
    %jit3A = arith.constant 0.000000e+00 : f32
    %broadcast_in_dim3A = vector.broadcast %jit3A : f32 to vector<128x1024xf32>
    %select_n3A = arith.select %lt3A_7, %sub3A_11, %broadcast_in_dim3A : vector<128x1024xi1>, vector<128x1024xf32>
    %mul3A_12 = arith.mulf %select_n3A, %select_n3A : vector<128x1024xf32>
    %reduce_sum3A = arith.constant dense<0.000000e+00> : vector<128xf32>
    %reduce_sum3A_13 = vector.multi_reduction <add>, %mul3A_12, %reduce_sum3A [1] : vector<128x1024xf32> to vector<128xf32>
    %broadcast_in_dim3A_14 = vector.shape_cast %reduce_sum3A_13 : vector<128xf32> to vector<128x1xf32>
    %eq3A = arith.constant 0 : i32
    %eq3A_15 = arith.cmpi eq, %arg0, %eq3A : i32
    %convert_element_type3A = arith.extui %eq3A_15 : i1 to i32
    %cond3A = arith.constant 0 : i32
    %cond3A_16 = arith.cmpi ne, %convert_element_type3A, %cond3A : i32
    scf.if %cond3A_16 {
      %broadcast_in_dim3A_23 = arith.constant 0.000000e+00 : f32
      %broadcast_in_dim3A_24 = vector.broadcast %broadcast_in_dim3A_23 : f32 to vector<128x1xf32>
      %swap3A_25 = arith.constant 0 : index
      %swap3A_26 = arith.constant 0 : index
      %swap3A_27 = vector.load %arg3[%swap3A_25, %swap3A_26] : memref<128x1xf32, #tpu.memory_space<vmem>>, vector<128x1xf32>
      tpu.vector_store %arg3[%swap3A_25, %swap3A_26], %broadcast_in_dim3A_24 {strides = array<i32>} : memref<128x1xf32, #tpu.memory_space<vmem>>, vector<128x1xf32>,
    } else {
    }
    %get3A_17 = arith.constant 0 : index
    %get3A_18 = arith.constant 0 : index
    %get3A_19 = vector.load %arg3[%get3A_17, %get3A_18] : memref<128x1xf32, #tpu.memory_space<vmem>>, vector<128x1xf32>
    %add3A_20 = arith.addf %get3A_19, %broadcast_in_dim3A_14 : vector<128x1xf32>
    %swap3A = arith.constant 0 : index
    %swap3A_21 = arith.constant 0 : index
    %swap3A_22 = vector.load %arg3[%swap3A, %swap3A_21] : memref<128x1xf32, #tpu.memory_space<vmem>>, vector<128x1xf32>
    tpu.vector_store %arg3[%swap3A, %swap3A_21], %add3A_20 {strides = array<i32>} : memref<128x1xf32, #tpu.memory_space<vmem>>, vector<128x1xf32>,
    return
  }
  func.func @transform_0(%arg0: i32) -> (i32, i32) {
    %c0_i32 = arith.constant 0 : i32
    %c0_i32_0 = arith.constant 0 : i32
    return %c0_i32, %arg0 : i32, i32
  }
  func.func @transform_1(%arg0: i32) -> (i32, i32) {
    %c0_i32 = arith.constant 0 : i32
    %c0_i32_0 = arith.constant 0 : i32
    %c0_i32_1 = arith.constant 0 : i32
    return %c0_i32, %c0_i32_0 : i32, i32
  }
  func.func @transform_2(%arg0: i32) -> (i32, i32) {
    %c0_i32 = arith.constant 0 : i32
    %c0_i32_0 = arith.constant 0 : i32
    %c0_i32_1 = arith.constant 0 : i32
    return %c0_i32, %c0_i32_0 : i32, i32
  }
}

module attributes {stable_mosaic.version = 14 : i64} {
  func.func @body(%arg0: i32, %arg1: memref<128x1024xf32, #tpu.memory_space<vmem>>, %arg2: memref<128x2xf32, #tpu.memory_space<vmem>>, %arg3: memref<128x1xf32, #tpu.memory_space<vmem>>, %arg4: memref<128x1xf32, #tpu.memory_space<vmem>>, %arg5: memref<128x1xf32, #tpu.memory_space<vmem>>, %arg6: memref<1024x128xf32, #tpu.memory_space<vmem>>) attributes {dimension_semantics = [#tpu.dimension_semantics<arbitrary>], iteration_bounds = array<i64: 10>, scalar_prefetch = 0 : i64, scratch_operands = 0 : i64, tpu.core_type = #tpu.core_type<tc>, window_params = [{transform_indices = @transform_0, window_bounds = array<i64: 128, 1024>}, {pipeline_mode = #tpu.pipeline_mode<synchronous>, transform_indices = @transform_1, window_bounds = array<i64: 128, 2>}, {pipeline_mode = #tpu.pipeline_mode<synchronous>, transform_indices = @transform_2, window_bounds = array<i64: 128, 1>}, {pipeline_mode = #tpu.pipeline_mode<synchronous>, transform_indices = @transform_3, window_bounds = array<i64: 128, 1>}, {pipeline_mode = #tpu.pipeline_mode<synchronous>, transform_indices = @transform_4, window_bounds = array<i64: 128, 1>}, {transform_indices = @transform_5, window_bounds = array<i64: 1024, 128>}]} {
    %get3A = arith.constant 0 : index
    %get3A_0 = arith.constant 0 : index
    %get3A_1 = vector.load %arg2[%get3A, %get3A_0] : memref<128x2xf32, #tpu.memory_space<vmem>>, vector<128x2xf32>
    %slice3A = vector.extract_strided_slice %get3A_1 {offsets = [0, 0], sizes = [128, 1], strides = [1, 1]} : vector<128x2xf32> to vector<128x1xf32>
    %div3A = arith.constant 1.000000e+04 : f32
    %div3A_2 = vector.broadcast %div3A : f32 to vector<128x1xf32>
    %div3A_3 = arith.divf %slice3A, %div3A_2 : vector<128x1xf32>
    %get3A_4 = arith.constant 0 : index
    %get3A_5 = arith.constant 0 : index
    %get3A_6 = vector.load %arg3[%get3A_4, %get3A_5] : memref<128x1xf32, #tpu.memory_space<vmem>>, vector<128x1xf32>
    %div3A_7 = arith.constant 1.000000e+04 : f32
    %div3A_8 = vector.broadcast %div3A_7 : f32 to vector<128x1xf32>
    %div3A_9 = arith.divf %get3A_6, %div3A_8 : vector<128x1xf32>
    %get3A_10 = arith.constant 0 : index
    %get3A_11 = arith.constant 0 : index
    %get3A_12 = vector.load %arg1[%get3A_10, %get3A_11] : memref<128x1024xf32, #tpu.memory_space<vmem>>, vector<128x1024xf32>
    %sub3A = vector.broadcast %div3A_3 : vector<128x1xf32> to vector<128x1024xf32>
    %sub3A_13 = arith.subf %get3A_12, %sub3A : vector<128x1024xf32>
    %add3A = arith.constant 9.99999974E-6 : f32
    %add3A_14 = vector.broadcast %add3A : f32 to vector<128x1xf32>
    %add3A_15 = arith.addf %div3A_9, %add3A_14 : vector<128x1xf32>
    %sqrt3A = math.sqrt %add3A_15 : vector<128x1xf32>
    %div3A_16 = vector.broadcast %sqrt3A : vector<128x1xf32> to vector<128x1024xf32>
    %div3A_17 = arith.divf %sub3A_13, %div3A_16 : vector<128x1024xf32>
    %get3A_18 = arith.constant 0 : index
    %get3A_19 = arith.constant 0 : index
    %get3A_20 = vector.load %arg4[%get3A_18, %get3A_19] : memref<128x1xf32, #tpu.memory_space<vmem>>, vector<128x1xf32>
    %mul3A = vector.broadcast %get3A_20 : vector<128x1xf32> to vector<128x1024xf32>
    %mul3A_21 = arith.mulf %div3A_17, %mul3A : vector<128x1024xf32>
    %get3A_22 = arith.constant 0 : index
    %get3A_23 = arith.constant 0 : index
    %get3A_24 = vector.load %arg5[%get3A_22, %get3A_23] : memref<128x1xf32, #tpu.memory_space<vmem>>, vector<128x1xf32>
    %add3A_25 = vector.broadcast %get3A_24 : vector<128x1xf32> to vector<128x1024xf32>
    %add3A_26 = arith.addf %mul3A_21, %add3A_25 : vector<128x1024xf32>
    %max3A = arith.constant 0.000000e+00 : f32
    %max3A_27 = vector.broadcast %max3A : f32 to vector<128x1024xf32>
    %max3A_28 = arith.maximumf %add3A_26, %max3A_27 : vector<128x1024xf32>
    %transpose3A = tpu.transpose %max3A_28, [1, 0] : vector<128x1024xf32> -> vector<1024x128xf32>
    %swap3A = arith.constant 0 : index
    %swap3A_29 = arith.constant 0 : index
    %swap3A_30 = vector.load %arg6[%swap3A, %swap3A_29] : memref<1024x128xf32, #tpu.memory_space<vmem>>, vector<1024x128xf32>
    tpu.vector_store %arg6[%swap3A, %swap3A_29], %transpose3A {strides = array<i32>} : memref<1024x128xf32, #tpu.memory_space<vmem>>, vector<1024x128xf32>,
    return
  }
  func.func @transform_0(%arg0: i32) -> (i32, i32) {
    %c0_i32 = arith.constant 0 : i32
    %c0_i32_0 = arith.constant 0 : i32
    return %c0_i32, %arg0 : i32, i32
  }
  func.func @transform_1(%arg0: i32) -> (i32, i32) {
    %c0_i32 = arith.constant 0 : i32
    %c0_i32_0 = arith.constant 0 : i32
    %c0_i32_1 = arith.constant 0 : i32
    return %c0_i32, %c0_i32_0 : i32, i32
  }
  func.func @transform_2(%arg0: i32) -> (i32, i32) {
    %c0_i32 = arith.constant 0 : i32
    %c0_i32_0 = arith.constant 0 : i32
    %c0_i32_1 = arith.constant 0 : i32
    return %c0_i32, %c0_i32_0 : i32, i32
  }
  func.func @transform_3(%arg0: i32) -> (i32, i32) {
    %c0_i32 = arith.constant 0 : i32
    %c0_i32_0 = arith.constant 0 : i32
    %c0_i32_1 = arith.constant 0 : i32
    return %c0_i32, %c0_i32_0 : i32, i32
  }
  func.func @transform_4(%arg0: i32) -> (i32, i32) {
    %c0_i32 = arith.constant 0 : i32
    %c0_i32_0 = arith.constant 0 : i32
    %c0_i32_1 = arith.constant 0 : i32
    return %c0_i32, %c0_i32_0 : i32, i32
  }
  func.func @transform_5(%arg0: i32) -> (i32, i32) {
    %c0_i32 = arith.constant 0 : i32
    %c0_i32_0 = arith.constant 0 : i32
    return %arg0, %c0_i32 : i32, i32
  }
}

</mosaic_0001>

<sc_bundles>
// kernel: kernel.12.cloned.1.call-start
scs
__scs_entry_jumppad:
0x0: {  	(pc) =	sbr.rel $0x88, $3  }
0x1: {  	(tag) =	ssettag $0x0;
	lr =	simm.s32 $0x1  }
0x2: {  	[smem:$0x3F90] =	sst lr;
	_ =	strace $0xD0000000  }
0x3: {  	_ = 	snop  }
0x4: {  	_ = 	snop  }
0x5: {  	_ = 	snop  }
0x6: {  	_ = 	snop  }
0x7: {  	_ = 	snop  }
__scs_overlays_trampoline_lowered:
0x8: {  	[smem:$0x3F9F] =	sst s0  }
0x9: {  	[smem:$0x3FA0] =	sst s1  }
0xa: {  	[smem:$0x3FA1] =	sst s2  }
0xb: {  	[smem:$0x3FA2] =	sst s3  }
0xc: {  	[smem:$0x3FA3] =	sst s4  }
0xd: {  	[smem:$0x3FA4] =	sst s5  }
0xe: {  	[smem:$0x3FA5] =	sst s6  }
0xf: {  	[smem:$0x3FA6] =	sst s7  }
0x10: {  	[smem:$0x3FA7] =	sst s8  }
0x11: {  	[smem:$0x3FA8] =	sst s9;
	s0 =	simm.s32 @!p0 $0x0  }
0x12: {  	s1 =	sld [smem:$0x3F8E];
	s0 =	simm.s32 @p0 $0x1  }
0x13: {  	[smem:$0x3FA9] =	sst s0;
	s0 =	simm.s32 @!p1 $0x0  }
0x14: {  	s2 =	sld [smem:$0x3F8D];
	s0 =	simm.s32 @p1 $0x1  }
0x15: {  	[smem:$0x3FAA] =	sst s0;
	s0 =	simm.s32 @!p2 $0x0  }
0x16: {  	s3 =	sld [smem:$0x3FDB];
	s0 =	simm.s32 @p2 $0x1  }
0x17: {  	s4 =	simm.s32 $0x1BF5;
	[smem:$0x3FAC] =	sst s0  }
0x18: {  	s0 =	sld [smem:$0x3F8F];
	_ =	swait.ge [sflag:s4], $0x0  }
0x19: {  	s7 =	sld [smem:$0x3F90]  }
0x1a: {  	s8 =	sadd.s32 $0xFFFFE003, lr  }
0x1b: {  	s9 =	sadd.s32 $0xFFFFFEF7, lr;
	s5 =	simm.s32 $0xFFFFFFFF;
	p2 =	slt.u32 s8, $0xFFFFF086  }
0x1c: {  	p1 =	slt.u32 s9, $0xF7A;
	s5 =	simm.s32 @!p2 $0x0  }
0x1d: {  	s5 =	simm.s32 @p1 $0x1;
	p0 =	seq.s32 s7, s2  }
0x1e: {  	s7 =	smul.u32 @!p0 $0xF7A, s2;
	p2 =	seq.s32 @!p0 s5, $0x0  }
0x1f: {  	s9 =	smul.u32 $0xF7A, s1;
	s8 =	simm.s32 @!p0 $0x1BF5;
	p2 =	por !p2, p0  }
0x20: {  	[sflag:s8] =	ssyncset.s32 @!p0 $0xFFFFF086;
	s6 =	sadd.s32 @!p0 s3, s7;
	s7 =	simm.s32 @!p0 $0x108  }
0x21: {  	s3 =	sadd.s32 s3, s9;
	s6 =	sadd.s32 @!p0 $0x88, s6;
	s7 =	simm.s32 @p2 $0x1082  }
0x22: {  	[simem:s7], [sflag:s8] =	dma.local @!p0 [hbm:s6], $0xF7A  }
0x23: {  	s9 =	sor.u32 $0xD0000000, s2;
	s6 =	simm.s32 $0x108;
	_ =	swait.ge @!p0 [sflag:s8], $0x0  }
0x24: {  	s3 =	sadd.s32 $0x88, s3;
	s6 =	simm.s32 @!p1 $0x1082;
	[sflag:s4] =	ssyncset.s32 $0xFFFFF086  }
0x25: {  	[simem:s6], [sflag:s4] =	dma.local [hbm:s3], $0xF7A  }
0x26: {  	[smem:$0x3F90] =	sst s1;
	(tag) =	ssettag s2;
	_ =	strace s9  }
0x27: {  	s1 =	sld [smem:$0x3FA0]  }
0x28: {  	s2 =	sld [smem:$0x3FA1]  }
0x29: {  	s4 =	sld [smem:$0x3FA3]  }
0x2a: {  	p0 =	seq.s32 s5, $0x0;
	s5 =	sld [smem:$0x3FA4]  }
0x2b: {  	s6 =	sld [smem:$0x3FA5]  }
0x2c: {  	s7 =	sld [smem:$0x3FA6]  }
0x2d: {  	s3 =	simm.s32 $0x108;
	s8 =	sld [smem:$0x3FA7]  }
0x2e: {  	s3 =	simm.s32 @!p0 $0x1082;
	s9 =	sld [smem:$0x3FA8]  }
0x2f: {  	lr =	sadd.s32 s0, s3;
	s0 =	sld [smem:$0x3F9F]  }
0x30: {  	s3 =	sld [smem:$0x3FA2]  }
0x31: {  	[smem:$0x3FAB] =	sst s10  }
0x32: {  	s10 =	sld [smem:$0x3FA9];
	_ =	sdelay $0x3  }
0x33: {  	p0 =	seq.s32 s10, $0x1;
	s10 =	sld [smem:$0x3FAB];
	_ =	sdelay $0x3  }
0x34: {  	[smem:$0x3FAB] =	sst s10  }
0x35: {  	s10 =	sld [smem:$0x3FAA];
	_ =	sdelay $0x3  }
0x36: {  	p1 =	seq.s32 s10, $0x1;
	s10 =	sld [smem:$0x3FAB];
	_ =	sdelay $0x3  }
0x37: {  	[smem:$0x3FAB] =	sst s10  }
0x38: {  	s10 =	sld [smem:$0x3FAC]  }
0x39: {  	_ = 	snop;
	(pc) =	sbr.ind lr, $3  }
0x3a: {  	_ = 	snop  }
0x3b: {  	_ = 	snop  }
0x3c: {  	p2 =	seq.s32 s10, $0x1;
	s10 =	sld [smem:$0x3FAB]  }
0x3d: {  	_ =	shalt  }
0x3e: {  	_ =	shalt  }
0x3f: {  	_ =	shalt  }
0x40: {  	_ =	shalt  }
0x41: {  	_ =	shalt  }
0x42: {  	_ =	shalt  }
0x43: {  	_ =	shalt  }
0x44: {  	_ =	shalt  }
0x45: {  	_ =	shalt  }
0x46: {  	_ =	shalt  }
0x47: {  	_ =	shalt  }
0x48: {  	_ =	shalt  }
0x49: {  	_ =	shalt  }
0x4a: {  	_ =	shalt  }
0x4b: {  	_ =	shalt  }
0x4c: {  	_ =	shalt  }
0x4d: {  	_ =	shalt  }
0x4e: {  	_ =	shalt  }
0x4f: {  	_ =	shalt  }
0x50: {  	_ =	shalt  }
0x51: {  	_ =	shalt  }
0x52: {  	_ =	shalt  }
0x53: {  	_ =	shalt  }
0x54: {  	_ =	shalt  }
0x55: {  	_ =	shalt  }
0x56: {  	_ =	shalt  }
0x57: {  	_ =	shalt  }
0x58: {  	_ =	shalt  }
0x59: {  	_ =	shalt  }
0x5a: {  	_ =	shalt  }
0x5b: {  	_ =	shalt  }
0x5c: {  	_ =	shalt  }
0x5d: {  	_ =	shalt  }
0x5e: {  	_ =	shalt  }
0x5f: {  	_ =	shalt  }
0x60: {  	_ =	shalt  }
0x61: {  	_ =	shalt  }
0x62: {  	_ =	shalt  }
0x63: {  	_ =	shalt  }
0x64: {  	_ =	shalt  }
0x65: {  	_ =	shalt  }
0x66: {  	_ =	shalt  }
0x67: {  	_ =	shalt  }
0x68: {  	_ =	shalt  }
0x69: {  	_ =	shalt  }
0x6a: {  	_ =	shalt  }
0x6b: {  	_ =	shalt  }
0x6c: {  	_ =	shalt  }
0x6d: {  	_ =	shalt  }
0x6e: {  	_ =	shalt  }
0x6f: {  	_ =	shalt  }
0x70: {  	_ =	shalt  }
0x71: {  	_ =	shalt  }
0x72: {  	_ =	shalt  }
0x73: {  	_ =	shalt  }
0x74: {  	_ =	shalt  }
0x75: {  	_ =	shalt  }
0x76: {  	_ =	shalt  }
0x77: {  	_ =	shalt  }
0x78: {  	_ =	shalt  }
0x79: {  	_ =	shalt  }
0x7a: {  	_ =	shalt  }
0x7b: {  	_ =	shalt  }
0x7c: {  	_ =	shalt  }
0x7d: {  	_ =	shalt  }
0x7e: {  	_ =	shalt  }
0x7f: {  	_ =	shalt  }
0x80: {  	_ =	shalt  }
0x81: {  	_ =	shalt  }
0x82: {  	_ =	shalt  }
0x83: {  	_ =	shalt  }
0x84: {  	_ =	shalt  }
0x85: {  	_ =	shalt  }
0x86: {  	_ =	shalt  }
0x87: {  	_ =	shalt  }
.Lfunc_end0:
.L_simem_size_0:
called_computation_lowered:
.L_overlay_start_0:
0x88: {  	s2 =	sld [smem:$0x3FD9]  }
0x89: {  	s3 =	sld [smem:$0x3FFE];
	_ =	sdelay $0x1  }
0x8a: {  	s1 =	srdreg.scid  }
0x8b: {  	s0 =	sand.u32 $0x1, s1  }
0x8c: {  	s14 =	sshll.u32 s0, $0xA;
	s2 =	sadd.s32 s3, s2  }
0x8d: {  	s2 =	sadd.s32 s2, s14  }
0x8e: {  	[smem:$0x3FB7] =	sst s2  }
0x8f: {  	_ = 	snop  }
0x90: {  	s2 =	sld [smem:$0x3FD0];
	_ =	sdelay $0x2  }
0x91: {  	s15 =	simm.s32 $0xB;
	s4 =	simm.s32 $0x10  }
0x92: {  	[smem:s4], [sflag:s15] =	dma.local [hbm:s2], $0x1  }
0x93: {  	_ =	swait.eq [sflag:s15], $0x1  }
0x94: {  	[sflag:s15] =	ssyncset.done $0x0  }
0x95: {  	[sflag:s15] =	ssyncadd.s32 $0xFFFFFFFF  }
0x96: {  	s16 =	sld [smem:$0x11];
	(tm) =	ssettm $0x1  }
0x97: {  	s17 =	sld [smem:$0x3FFB];
	_ =	sdelay $0x3  }
0x98: {  	_ =	strace s17  }
0x99: {  	s3 =	sld [smem:$0x3FFC];
	_ =	sdelay $0x3  }
0x9a: {  	_ =	strace s3  }
0x9b: {  	s3 =	sld [smem:$0x3FFD];
	_ =	sdelay $0x3  }
0x9c: {  	_ =	strace s3  }
0x9d: {  	_ =	strace $0x8FFFFFFF  }
0x9e: {  	s18 =	sld [smem:$0x3FDB];
	_ =	sdelay $0x1  }
0x9f: {  	s19 =	simm.s32 $_scs_section_size  }
0xa0: {  	s5 =	simm.s32 $_size__tile_overlayer_lowered;
	s6 =	simm.s32 $_tile_overlayer_lowered  }
0xa1: {  	s22 =	simm.s32 $0x1BFF;
	s21 =	sshll.u32 s6, $0x1;
	s3 =	sadd.s32 s19, s18  }
0xa2: {  	s7 =	simm.s32 $0x0;
	s20 =	sshll.u32 s5, $0x1;
	s5 =	sadd.s32 s21, s3  }
0xa3: {  	[timem:s7], [sflag:s22] =	dma.local [hbm:s5], s20  }
0xa4: {  	_ =	swait.ge [sflag:s22], s20  }
0xa5: {  	s4 =	ssub.s32 $0x0, s20;
	[sflag:s22] =	ssyncset.done $0x0  }
0xa6: {  	[sflag:s22] =	ssyncadd.s32 s4;
	_ =	sdelay $0x1  }
0xa7: {  	s23 =	simm.s32 $0x1B8B  }
0xa8: {  	_ =	swait.ge [sflag:s23], $0x1  }
0xa9: {  	[sflag:s23] =	ssyncset.done $0x0  }
0xaa: {  	s25 =	simm.s32 $0x1B8E;
	s24 =	sld [smem:$0x3FFE];
	[sflag:s23] =	ssyncadd.s32 $0xFFFFFFFF  }
0xab: {  	s26 =	simm.s32 $execute0_lowered;
	[smem:$0x3FD2] =	sst s25  }
0xac: {  	s5 =	sshll.u32 s26, $0x1;
	_ =	strace $0x80000046;
	[dreg:$0x1] =	wrdreg $0xFFFFFFFF  }
0xad: {  	s28 =	simm.s32 $_size_execute0_lowered;
	s3 =	sadd.s32 s3, s5;
	[dreg:$0x0] =	wrdreg $0x0  }
0xae: {  	s5 =	sshll.u32 s28, $0x1;
	[dreg:$0x2] =	wrdreg s3  }
0xaf: {  	[dreg:$0x3] =	wrdreg s5  }
0xb0: {  	[dreg:$0x4] =	wrdreg $0xC0  }
0xb1: {  	_ =	task [dreg:s7], $0x5FFFF  }
0xb2: {  	[dreg:$0x1] =	wrdreg $0xFFFFFFFF  }
0xb3: {  	[dreg:$0x0] =	wrdreg $0x60  }
0xb4: {  	[dreg:$0x2] =	wrdreg s24  }
0xb5: {  	[dreg:$0x3] =	wrdreg s16  }
0xb6: {  	[dreg:$0x4] =	wrdreg $0x9  }
0xb7: {  	_ =	task.clear_ibuf [dreg:s7], $0x5FFFF;
	_ =	strace $0x90000046  }
0xb8: {  	s29 =	simm.s32 $0x9;
	_ =	strace $0x80000048  }
0xb9: {  	_ =	swait.ge [sflag:s29], $0x1  }
0xba: {  	[sflag:s29] =	ssyncadd.s32 $0xFFFFFFFF  }
0xbb: {  	_ =	strace $0x90000048  }
0xbc: {  	_ =	sfence  }
0xbd: {  	s30 =	sld [smem:$0x0];
	_ =	sdelay $0x2  }
0xbe: {  	s31 =	sshll.u32 s1, $0xD;
	s1 =	sshrl.u32 s1, $0x2  }
0xbf: {  	s3 =	sand.u32 $0x4000, s31;
	s1 =	sadd.s32 s1, s30  }
0xc0: {  	s0 =	sor.u32 s3, s0;
	s1 =	sshll.u32 s1, $0x11  }
0xc1: {  	s0 =	sor.u32 s1, s0  }
0xc2: {  	s0 =	sadd.s32 $0x8F2B, s0  }
0xc3: {  	[sflag:s0] =	ssyncadd.remote.s32 $0x1  }
0xc4: {  	_ =	sfence.sel $0xFFFF  }
0xc5: {  	[dreg:$0x0] =	wrdreg $0xFFFFFFFF;
	(pc) =	sbr.abs _section_cstart, $3  }
0xc6: {  	[dreg:$0x1] =	wrdreg $0xFFFFFFFF  }
0xc7: {  	_ =	task.clear_ibuf [dreg:s7], $0x2FFFF;
	_ =	strace $0x9FFFFFFF  }
0xc8: {  	(tm) =	ssettm $0x7FFFFFFF  }
0xc9: {  	_ =	shalt  }
tec
execute0_lowered:
.L_overlay_start_1:
0x0: {  	(tag) =	ssettag $0x1  }
0x1: {  	s0 =	rddreg [dreg:$0x0]  }
0x2: {  	s2 =	rddreg [dreg:$0x1];
	s3 =	simm.s32 $0x0;
	s1 =	srdreg.scid  }
0x3: {  	s4 =	stileid.u32;
	s28 =	simm.s32 $0x1E480;
	s29 =	simm.s32 $0x1EB80  }
0x4: {  	s30 =	simm.s32 $0x1;
	s1 =	sand.u32 $0x1, s1;
	s4 =	sshll.u32 s4, $0x1  }
0x5: {  	s31 =	simm.s32 $0x9E00;
	[smem:$0x7FF] =	sst s3;
	s5 =	sor.u32 s1, s4  }
0x6: {  	s6 =	sadd.s32 $0x2C600, s0;
	s20 =	sadd.s32 $0x9C40, s2;
	s7 =	smul.u32 $0xA000, s5  }
0x7: {  	_ =	strace $0x80000047;
	s1 =	ssub.s32 $0x2, s1;
	s5 =	smul.u32 $0x1400, s5  }
0x8: {  	s4 =	sadd.s32 $0x54600, s0;
	s0 =	sadd.s32 $0x5E400, s0;
	[dreg:$0x7] =	wrdreg s20  }
0x9: {  	s20 =	simm.s32 $0x2780;
	s7 =	sshrl.u32 s7, $0x3;
	s16 =	sadd.s32 s6, s5  }
0xa: {  	s5 =	sadd.s32 s0, s5;
	[dreg:$0x3] =	wrdreg s16;
	s17 =	sadd.s32 $0x500, s7  }
0xb: {  	s9 =	sadd.s32 $0xA00, s7;
	[dreg:$0x8] =	wrdreg s5;
	s10 =	sadd.s32 s6, s17  }
0xc: {  	s19 =	sadd.s32 $0xF00, s7;
	s18 =	sadd.s32 s6, s9;
	[dreg:$0x4] =	wrdreg s10  }
0xd: {  	s8 =	sshrl.u32 s1, $0x1;
	s6 =	sadd.s32 s6, s19;
	[dreg:$0x5] =	wrdreg s18  }
0xe: {  	s1 =	ssub.s32 s1, s8;
	s21 =	sadd.s32 s0, s17;
	[dreg:$0x6] =	wrdreg s6  }
0xf: {  	s8 =	simm.s32 $0x0;
	s22 =	sadd.s32 s0, s9;
	[dreg:$0x9] =	wrdreg s21  }
0x10: {  	s23 =	sadd.s32 s0, s7;
	s0 =	sadd.s32 s0, s19;
	[dreg:$0xa] =	wrdreg s22  }
0x11: {  	s5 =	simm.s32 $0x11480;
	s24 =	sadd.s32 $0x28000, s23;
	[dreg:$0xb] =	wrdreg s0  }
0x12: {  	s7 =	simm.s32 $0x2;
	s25 =	sadd.s32 $0x28500, s23;
	[dreg:$0xc] =	wrdreg s24  }
0x13: {  	s26 =	sadd.s32 $0x28A00, s23;
	s17 =	sadd.s32 $0x28F00, s23;
	[dreg:$0xd] =	wrdreg s25  }
0x14: {  	s19 =	simm.s32 $0x3;
	s23 =	simm.s32 $0x16380;
	[dreg:$0xe] =	wrdreg s26  }
0x15: {  	s18 =	smax.u32 s1, $0x1;
	s21 =	simm.s32 $0x4F00;
	s22 =	simm.s32 $0x7680  }
0x16: {  	s26 =	simm.s32 $0x1DD80;
	s0 =	simm.s32 $0x13C00;
	s1 =	simm.s32 $0xC580  }
0x17: {  	v0 =	vimm.f32 $0.0e+00;
	s24 =	simm.s32 $0xED00;
	s25 =	simm.s32 $0x18B00;
	s6 =	simm.s32 $0x1B280  }
.LBB2_1:
0x18: {  	s9 =	rddreg [dreg:$0x3]  }
0x19: {  	[tilespmem:s3], [sflag:$0x3] =	stream.linear.gather [hbm4b:s9+s3], $0x2740, $0x38;
	[tilespmem:$0x1EF00] =	vst v63  }
0x1a: {  	_ =	swait.ge [sflag:s19], $0x2740  }
0x1b: {  	[sflag:s19] =	ssyncset.done $0x0  }
0x1c: {  	s14 =	rddreg [dreg:$0x4];
	[sflag:s19] =	ssyncadd.s32 $0xFFFFD8C0  }
0x1d: {  	[tilespmem:s20], [sflag:$0x3] =	stream.linear.gather [hbm4b:s14+s3], $0x2740, $0x38;
	[tilespmem:$0x1EF00] =	vst v63  }
0x1e: {  	_ =	swait.ge [sflag:s19], $0x2740  }
0x1f: {  	[sflag:s19] =	ssyncset.done $0x0  }
0x20: {  	s15 =	rddreg [dreg:$0x5];
	[sflag:s19] =	ssyncadd.s32 $0xFFFFD8C0  }
0x21: {  	[tilespmem:s21], [sflag:$0x3] =	stream.linear.gather [hbm4b:s15+s3], $0x2740, $0x38;
	[tilespmem:$0x1EF00] =	vst v63  }
0x22: {  	_ =	swait.ge [sflag:s19], $0x2740  }
0x23: {  	[sflag:s19] =	ssyncset.done $0x0  }
0x24: {  	s16 =	rddreg [dreg:$0x6];
	[sflag:s19] =	ssyncadd.s32 $0xFFFFD8C0  }
0x25: {  	[tilespmem:s22], [sflag:$0x3] =	stream.linear.gather [hbm4b:s16+s3], $0x2740, $0x38;
	[tilespmem:$0x1EF00] =	vst v63  }
0x26: {  	_ =	swait.ge [sflag:s19], $0x2740  }
0x27: {  	[sflag:s19] =	ssyncset.done $0x0  }
0x28: {  	s10 =	simm.s32 $0x40;
	s9 =	simm.s32 $0x0;
	[sflag:s19] =	ssyncadd.s32 $0xFFFFD8C0  }
.LBB2_2:
0x29: {  	p0 =	sne.s32 s10, $0x9CC0;
	[tilespmem:s9+$0x1B280] =	vst v0  }
0x2a: {  	[tilespmem:s9+$0x9E00] =	vst v0  }
0x2b: {  	[tilespmem:s9+$0xC580] =	vst v0  }
.Ltmp0:
0x2c: {  	[tilespmem:s9+$0xED00] =	vst v0;
	(pc) =	sbr.rel @p0 .LBB2_2-.Ltmp0, $4  }
0x2d: {  	[tilespmem:s9+$0x11480] =	vst v0  }
0x2e: {  	[tilespmem:s9+$0x13C00] =	vst v0  }
0x2f: {  	[tilespmem:s9+$0x16380] =	vst v0  }
0x30: {  	[tilespmem:s9+$0x18B00] =	vst v0;
	s9 =	sshra.s32 s10, $0x2;
	s10 =	sadd.s32 $0x40, s10  }
0x31: {  	[tilespmem:s9+$0x1B280] =	vst v0  }
0x32: {  	[tilespmem:s9+$0x9E00] =	vst v0  }
0x33: {  	[tilespmem:s9+$0xC580] =	vst v0  }
0x34: {  	[tilespmem:s9+$0xED00] =	vst v0  }
0x35: {  	[tilespmem:s9+$0x11480] =	vst v0  }
0x36: {  	[tilespmem:s9+$0x13C00] =	vst v0  }
0x37: {  	[tilespmem:s9+$0x16380] =	vst v0  }
0x38: {  	[tilespmem:s9+$0x18B00] =	vst v0;
	s9 =	simm.s32 $0x0;
	s10 =	simm.s32 $0x1DA00  }
0x39: {  	[tilespmem:s10], [sflag:$0x1] =	stream.linear.gather [hbm4b:s4+s9], $0x320, $0x38;
	[tilespmem:$0x1EF00] =	vst v63  }
0x3a: {  	s15 =	simm.s32 $0x1E100  }
0x3b: {  	[tilespmem:s15], [sflag:$0x1] =	stream.linear.gather [hbm4b:s2+s9], $0x320, $0x38;
	[tilespmem:$0x1EF00] =	vst v63  }
0x3c: {  	s16 =	rddreg [dreg:$0x7];
	s11 =	simm.s32 $0x1E800;
	s10 =	simm.s32 $0x0  }
0x3d: {  	[tilespmem:s11], [sflag:$0x1] =	stream.linear.gather [hbm4b:s16+s9], $0x320, $0x38;
	[tilespmem:$0x1EF00] =	vst v63  }
.LBB2_4:
0x3e: {  	s11 =	smul.u32 $0x640, s10;
	_ =	sdelay $0x1  }
0x3f: {  	s12 =	sshrl.u32 s11, $0x3  }
0x40: {  	s13 =	sadd.s32 $0x64, s12  }
0x41: {  	s14 =	sadd.s32 s4, s13  }
0x42: {  	[tilespmem:s26], [sflag:$0x2] =	stream.linear.gather [hbm4b:s14+s3], $0x320, $0x38;
	[tilespmem:$0x1EF00] =	vst v63  }
0x43: {  	s12 =	sadd.s32 s2, s12;
	s13 =	sadd.s32 s2, s13  }
0x44: {  	[tilespmem:s28], [sflag:$0x2] =	stream.linear.gather [hbm4b:s13+s3], $0x320, $0x38;
	[tilespmem:$0x1EF00] =	vst v63  }
0x45: {  	s12 =	sadd.s32 $0x9CA4, s12  }
0x46: {  	[tilespmem:s29], [sflag:$0x2] =	stream.linear.gather [hbm4b:s12+s3], $0x320, $0x38;
	[tilespmem:$0x1EF00] =	vst v63  }
0x47: {  	_ =	swait.ge [sflag:s30], $0x320  }
0x48: {  	[sflag:s30] =	ssyncset.done $0x0  }
0x49: {  	[sflag:s30] =	ssyncadd.s32 $0xFFFFFCE0  }
0x4a: {  	_ =	swait.ge [sflag:s30], $0x320  }
0x4b: {  	[sflag:s30] =	ssyncset.done $0x0  }
0x4c: {  	[sflag:s30] =	ssyncadd.s32 $0xFFFFFCE0  }
0x4d: {  	_ =	swait.ge [sflag:s30], $0x320  }
0x4e: {  	[sflag:s30] =	ssyncset.done $0x0  }
0x4f: {  	s16 =	simm.s32 $0x1DA40;
	[sflag:s30] =	ssyncadd.s32 $0xFFFFFCE0  }
0x50: {  	v1 =	vld [tilespmem:s16+$0x30]  }
0x51: {  	v2 =	vld [tilespmem:s16+$0xFFFFFFD0]  }
0x52: {  	v3 =	vld [tilespmem:s16+$0xFFFFFFE0]  }
0x53: {  	v25 =	vld [tilespmem:s16+$0xFFFFFFF0]  }
0x54: {  	v26 =	vld [tilespmem:s16+$0x0]  }
0x55: {  	v24 =	vld [tilespmem:s16+$0xFFFFFFC0]  }
0x56: {  	v27 =	vld [tilespmem:s16+$0x10]  }
0x57: {  	s12 =	simm.s32 $0x1E140;
	v28 =	vld [tilespmem:s16+$0x20]  }
0x58: {  	s13 =	simm.s32 $0x1E840;
	v29 =	vld [tilespmem:s12+$0x30]  }
0x59: {  	v30 =	vld [tilespmem:s13+$0x30]  }
0x5a: {  	v19 =	vld [tilespmem:s12+$0xFFFFFFC0];
	v23 =	vshrl.u32 v1, $0xE  }
0x5b: {  	v20 =	vld [tilespmem:s13+$0xFFFFFFC0]  }
0x5c: {  	v17 =	vld [tilespmem:s12+$0xFFFFFFD0]  }
0x5d: {  	v13 =	vld [tilespmem:s12+$0xFFFFFFE0]  }
0x5e: {  	v22 =	vld [tilespmem:s13+$0xFFFFFFE0]  }
0x5f: {  	v11 =	vld.idx.msk [tilespmem:v23+s9+$0x0], $0xffff  }
0x60: {  	v21 =	vld [tilespmem:s12+$0xFFFFFFF0];
	v4 =	vshrl.u32 v2, $0xE  }
0x61: {  	v18 =	vld [tilespmem:s13+$0xFFFFFFF0];
	v1 =	vand.u32 $0x3FFF, v1  }
0x62: {  	v15 =	vld [tilespmem:s13+$0x0]  }
0x63: {  	v16 =	vld [tilespmem:s13+$0x10]  }
0x64: {  	v43 =	vld [tilespmem:s13+$0x20];
	v5 =	vshrl.u32 v3, $0xE;
	v12 =	vmul.f32 v11, v29  }
0x65: {  	v6 =	vshrl.u32 v25, $0xE;
	v31 =	vld.idx.msk [tilespmem:v4+s9+$0x0], $0xffff;
	v11 =	vmul.f32 v11, v30  }
0x66: {  	v7 =	vshrl.u32 v26, $0xE;
	[tilespmem:v1+s31+$0x0] =	vst.idx.add.f32.msk $0xffff, v12  }
0x67: {  	v8 =	vshrl.u32 v24, $0xE;
	[tilespmem:v1+s0+$0x0] =	vst.idx.add.f32.msk $0xffff, v11  }
0x68: {  	v9 =	vshrl.u32 v27, $0xE;
	v11 =	vld.idx.msk [tilespmem:v23+s20+$0x0], $0xffff  }
0x69: {  	v10 =	vshrl.u32 v28, $0xE;
	v32 =	vld.idx.msk [tilespmem:v5+s9+$0x0], $0xffff  }
0x6a: {  	v33 =	vld.idx.msk [tilespmem:v6+s9+$0x0], $0xffff  }
0x6b: {  	v34 =	vld.idx.msk [tilespmem:v7+s9+$0x0], $0xffff  }
0x6c: {  	v35 =	vld.idx.msk [tilespmem:v8+s9+$0x0], $0xffff  }
0x6d: {  	v36 =	vld.idx.msk [tilespmem:v9+s9+$0x0], $0xffff;
	v14 =	vmul.f32 v11, v29  }
0x6e: {  	v40 =	vand.u32 $0x3FFF, v24;
	v37 =	vld.idx.msk [tilespmem:v10+s9+$0x0], $0xffff;
	v11 =	vmul.f32 v11, v30  }
0x6f: {  	[tilespmem:v1+s1+$0x0] =	vst.idx.add.f32.msk $0xffff, v14  }
0x70: {  	[tilespmem:v1+s23+$0x0] =	vst.idx.add.f32.msk $0xffff, v11  }
0x71: {  	v41 =	vand.u32 $0x3FFF, v3;
	v63 =	vmul.f32 v35, v19;
	v38 =	vld.idx.msk [tilespmem:v23+s21+$0x0], $0xffff  }
0x72: {  	v3 =	vmul.f32 v35, v20;
	v12 =	vld [tilespmem:s13+$0xFFFFFFD0]  }
0x73: {  	[tilespmem:v40+s31+$0x0] =	vst.idx.add.f32.msk $0xffff, v63  }
0x74: {  	[tilespmem:v40+s0+$0x0] =	vst.idx.add.f32.msk $0xffff, v3;
	v3 =	vmul.f32 v32, v13  }
0x75: {  	v45 =	vmul.f32 v32, v22;
	v48 =	vld.idx.msk [tilespmem:v8+s20+$0x0], $0xffff  }
0x76: {  	[tilespmem:v41+s31+$0x0] =	vst.idx.add.f32.msk $0xffff, v3;
	v39 =	vmul.f32 v38, v29  }
0x77: {  	[tilespmem:v41+s0+$0x0] =	vst.idx.add.f32.msk $0xffff, v45;
	v38 =	vmul.f32 v38, v30  }
0x78: {  	[tilespmem:v1+s24+$0x0] =	vst.idx.add.f32.msk $0xffff, v39  }
0x79: {  	[tilespmem:v1+s25+$0x0] =	vst.idx.add.f32.msk $0xffff, v38  }
0x7a: {  	v49 =	vmul.f32 v48, v19;
	v38 =	vand.u32 $0x3FFF, v2;
	v2 =	vld.idx.msk [tilespmem:v23+s22+$0x0], $0xffff  }
0x7b: {  	v14 =	vld [tilespmem:s12+$0x0]  }
0x7c: {  	[tilespmem:v40+s1+$0x0] =	vst.idx.add.f32.msk $0xffff, v49  }
0x7d: {  	v44 =	vmul.f32 v31, v17;
	v11 =	vld [tilespmem:s12+$0x10]  }
0x7e: {  	v31 =	vmul.f32 v31, v12;
	v23 =	vld [tilespmem:s12+$0x20]  }
0x7f: {  	v25 =	vand.u32 $0x3FFF, v25;
	[tilespmem:v38+s31+$0x0] =	vst.idx.add.f32.msk $0xffff, v44;
	v29 =	vmul.f32 v2, v29  }
0x80: {  	[tilespmem:v38+s0+$0x0] =	vst.idx.add.f32.msk $0xffff, v31;
	v3 =	vmul.f32 v2, v30;
	v2 =	vand.u32 $0x3FFF, v26;
	v26 =	vmul.f32 v48, v20  }
0x81: {  	[tilespmem:v1+s5+$0x0] =	vst.idx.add.f32.msk $0xffff, v29  }
0x82: {  	[tilespmem:v40+s23+$0x0] =	vst.idx.add.f32.msk $0xffff, v26  }
0x83: {  	v29 =	vmul.f32 v33, v21;
	[tilespmem:v1+s6+$0x0] =	vst.idx.add.f32.msk $0xffff, v3  }
0x84: {  	v1 =	vand.u32 $0x3FFF, v27;
	v27 =	vmul.f32 v33, v18;
	v56 =	vld.idx.msk [tilespmem:v8+s21+$0x0], $0xffff  }
0x85: {  	v46 =	vmul.f32 v34, v14;
	[tilespmem:v25+s31+$0x0] =	vst.idx.add.f32.msk $0xffff, v29  }
0x86: {  	v3 =	vand.u32 $0x3FFF, v28;
	v28 =	vmul.f32 v34, v15;
	[tilespmem:v25+s0+$0x0] =	vst.idx.add.f32.msk $0xffff, v27  }
0x87: {  	[tilespmem:v2+s31+$0x0] =	vst.idx.add.f32.msk $0xffff, v46  }
0x88: {  	[tilespmem:v2+s0+$0x0] =	vst.idx.add.f32.msk $0xffff, v28  }
0x89: {  	v27 =	vmul.f32 v36, v11;
	v29 =	vld.idx.msk [tilespmem:v6+s20+$0x0], $0xffff  }
0x8a: {  	v28 =	vmul.f32 v37, v23;
	v30 =	vld.idx.msk [tilespmem:v7+s20+$0x0], $0xffff  }
0x8b: {  	[tilespmem:v1+s31+$0x0] =	vst.idx.add.f32.msk $0xffff, v27  }
0x8c: {  	v47 =	vmul.f32 v36, v16;
	[tilespmem:v3+s31+$0x0] =	vst.idx.add.f32.msk $0xffff, v28  }
0x8d: {  	v27 =	vmul.f32 v37, v43;
	v28 =	vld.idx.msk [tilespmem:v5+s20+$0x0], $0xffff  }
0x8e: {  	[tilespmem:v1+s0+$0x0] =	vst.idx.add.f32.msk $0xffff, v47  }
0x8f: {  	[tilespmem:v3+s0+$0x0] =	vst.idx.add.f32.msk $0xffff, v27  }
0x90: {  	v57 =	vmul.f32 v56, v19;
	v27 =	vld.idx.msk [tilespmem:v4+s20+$0x0], $0xffff  }
0x91: {  	v31 =	vld.idx.msk [tilespmem:v9+s20+$0x0], $0xffff  }
0x92: {  	v26 =	vmul.f32 v56, v20;
	[tilespmem:v40+s24+$0x0] =	vst.idx.add.f32.msk $0xffff, v57  }
0x93: {  	v50 =	vld.idx.msk [tilespmem:v10+s20+$0x0], $0xffff  }
0x94: {  	[tilespmem:v40+s25+$0x0] =	vst.idx.add.f32.msk $0xffff, v26;
	v52 =	vmul.f32 v28, v13  }
0x95: {  	v8 =	vld.idx.msk [tilespmem:v8+s22+$0x0], $0xffff;
	v28 =	vmul.f32 v28, v22  }
0x96: {  	v51 =	vmul.f32 v27, v17;
	[tilespmem:v41+s1+$0x0] =	vst.idx.add.f32.msk $0xffff, v52  }
0x97: {  	v54 =	vmul.f32 v31, v11;
	[tilespmem:v41+s23+$0x0] =	vst.idx.add.f32.msk $0xffff, v28  }
0x98: {  	v27 =	vmul.f32 v27, v12;
	[tilespmem:v38+s1+$0x0] =	vst.idx.add.f32.msk $0xffff, v51  }
0x99: {  	v28 =	vmul.f32 v30, v14;
	[tilespmem:v1+s1+$0x0] =	vst.idx.add.f32.msk $0xffff, v54  }
0x9a: {  	v19 =	vmul.f32 v8, v19;
	[tilespmem:v38+s23+$0x0] =	vst.idx.add.f32.msk $0xffff, v27  }
0x9b: {  	v27 =	vmul.f32 v29, v21;
	[tilespmem:v2+s1+$0x0] =	vst.idx.add.f32.msk $0xffff, v28  }
0x9c: {  	v28 =	vmul.f32 v31, v16;
	[tilespmem:v40+s5+$0x0] =	vst.idx.add.f32.msk $0xffff, v19  }
0x9d: {  	[tilespmem:v25+s1+$0x0] =	vst.idx.add.f32.msk $0xffff, v27  }
0x9e: {  	v8 =	vmul.f32 v8, v20;
	[tilespmem:v1+s23+$0x0] =	vst.idx.add.f32.msk $0xffff, v28  }
0x9f: {  	v53 =	vmul.f32 v29, v18;
	v28 =	vld.idx.msk [tilespmem:v5+s21+$0x0], $0xffff  }
0xa0: {  	[tilespmem:v40+s6+$0x0] =	vst.idx.add.f32.msk $0xffff, v8  }
0xa1: {  	v27 =	vmul.f32 v30, v15;
	[tilespmem:v25+s23+$0x0] =	vst.idx.add.f32.msk $0xffff, v53  }
0xa2: {  	v31 =	vld.idx.msk [tilespmem:v9+s21+$0x0], $0xffff  }
0xa3: {  	[tilespmem:v2+s23+$0x0] =	vst.idx.add.f32.msk $0xffff, v27  }
0xa4: {  	v27 =	vmul.f32 v50, v23;
	v29 =	vld.idx.msk [tilespmem:v6+s21+$0x0], $0xffff  }
0xa5: {  	v30 =	vld.idx.msk [tilespmem:v7+s21+$0x0], $0xffff  }
0xa6: {  	v55 =	vmul.f32 v50, v43;
	[tilespmem:v3+s1+$0x0] =	vst.idx.add.f32.msk $0xffff, v27  }
0xa7: {  	v27 =	vld.idx.msk [tilespmem:v4+s21+$0x0], $0xffff  }
0xa8: {  	[tilespmem:v3+s23+$0x0] =	vst.idx.add.f32.msk $0xffff, v55;
	v60 =	vmul.f32 v28, v13  }
0xa9: {  	v28 =	vmul.f32 v28, v22;
	v58 =	vld.idx.msk [tilespmem:v10+s21+$0x0], $0xffff  }
0xaa: {  	v62 =	vmul.f32 v31, v11;
	[tilespmem:v41+s24+$0x0] =	vst.idx.add.f32.msk $0xffff, v60  }
0xab: {  	[tilespmem:v41+s25+$0x0] =	vst.idx.add.f32.msk $0xffff, v28  }
0xac: {  	v28 =	vmul.f32 v30, v14;
	[tilespmem:v1+s24+$0x0] =	vst.idx.add.f32.msk $0xffff, v62  }
0xad: {  	v59 =	vmul.f32 v27, v17;
	v5 =	vld.idx.msk [tilespmem:v5+s22+$0x0], $0xffff  }
0xae: {  	v27 =	vmul.f32 v27, v12;
	[tilespmem:v2+s24+$0x0] =	vst.idx.add.f32.msk $0xffff, v28  }
0xaf: {  	v28 =	vmul.f32 v31, v16;
	[tilespmem:v38+s24+$0x0] =	vst.idx.add.f32.msk $0xffff, v59  }
0xb0: {  	[tilespmem:v38+s25+$0x0] =	vst.idx.add.f32.msk $0xffff, v27  }
0xb1: {  	[tilespmem:v1+s25+$0x0] =	vst.idx.add.f32.msk $0xffff, v28  }
0xb2: {  	v27 =	vmul.f32 v29, v21;
	v4 =	vld.idx.msk [tilespmem:v4+s22+$0x0], $0xffff  }
0xb3: {  	v61 =	vmul.f32 v29, v18;
	v9 =	vld.idx.msk [tilespmem:v9+s22+$0x0], $0xffff  }
0xb4: {  	[tilespmem:v25+s24+$0x0] =	vst.idx.add.f32.msk $0xffff, v27;
	v27 =	vmul.f32 v30, v15  }
0xb5: {  	[tilespmem:v25+s25+$0x0] =	vst.idx.add.f32.msk $0xffff, v61  }
0xb6: {  	v8 =	vmul.f32 v5, v13;
	[tilespmem:v2+s25+$0x0] =	vst.idx.add.f32.msk $0xffff, v27  }
0xb7: {  	v6 =	vld.idx.msk [tilespmem:v6+s22+$0x0], $0xffff  }
0xb8: {  	v27 =	vmul.f32 v58, v23;
	[tilespmem:v41+s5+$0x0] =	vst.idx.add.f32.msk $0xffff, v8  }
0xb9: {  	v63 =	vmul.f32 v58, v43;
	v7 =	vld.idx.msk [tilespmem:v7+s22+$0x0], $0xffff  }
0xba: {  	[tilespmem:v3+s24+$0x0] =	vst.idx.add.f32.msk $0xffff, v27  }
0xbb: {  	v17 =	vmul.f32 v4, v17;
	[tilespmem:v3+s25+$0x0] =	vst.idx.add.f32.msk $0xffff, v63  }
0xbc: {  	v4 =	vmul.f32 v4, v12;
	v10 =	vld.idx.msk [tilespmem:v10+s22+$0x0], $0xffff  }
0xbd: {  	v5 =	vmul.f32 v5, v22;
	[tilespmem:v38+s5+$0x0] =	vst.idx.add.f32.msk $0xffff, v17  }
0xbe: {  	[tilespmem:v38+s6+$0x0] =	vst.idx.add.f32.msk $0xffff, v4;
	v4 =	vmul.f32 v6, v21  }
0xbf: {  	[tilespmem:v41+s6+$0x0] =	vst.idx.add.f32.msk $0xffff, v5;
	v6 =	vmul.f32 v6, v18  }
0xc0: {  	v12 =	vmul.f32 v9, v11;
	v5 =	vmul.f32 v7, v14;
	[tilespmem:v25+s5+$0x0] =	vst.idx.add.f32.msk $0xffff, v4  }
0xc1: {  	v29 =	vmul.f32 v9, v16;
	v13 =	vmul.f32 v7, v15;
	[tilespmem:v25+s6+$0x0] =	vst.idx.add.f32.msk $0xffff, v6  }
0xc2: {  	s15 =	simm.s32 $0x0;
	s16 =	simm.s32 $0x1DAC0;
	[tilespmem:v2+s5+$0x0] =	vst.idx.add.f32.msk $0xffff, v5;
	v11 =	vmul.f32 v10, v23;
	v4 =	vmul.f32 v10, v43  }
.LBB2_5:
0xc3: {  	v18 =	vld [tilespmem:s16+$0x30]  }
0xc4: {  	v5 =	vld [tilespmem:s16+$0xFFFFFFD0]  }
0xc5: {  	v6 =	vld [tilespmem:s16+$0xFFFFFFE0]  }
0xc6: {  	v14 =	vld [tilespmem:s16+$0xFFFFFFF0]  }
0xc7: {  	s15 =	sadd.s32 $0x8, s15;
	v15 =	vld [tilespmem:s16+$0x0]  }
0xc8: {  	p0 =	slt.u32 s15, $0x28;
	v16 =	vld [tilespmem:s16+$0x10];
	v31 =	vshrl.u32 v18, $0xE  }
0xc9: {  	v8 =	vshrl.u32 v5, $0xE;
	v7 =	vand.u32 $0x3FFF, v5;
	v17 =	vld [tilespmem:s16+$0x20]  }
0xca: {  	v19 =	vld [tilespmem:s16+$0xFFFFFFC0];
	v9 =	vshrl.u32 v6, $0xE;
	v6 =	vand.u32 $0x3FFF, v6  }
0xcb: {  	v10 =	vshrl.u32 v14, $0xE;
	v5 =	vand.u32 $0x3FFF, v14;
	[tilespmem:v2+s6+$0x0] =	vst.idx.add.f32.msk $0xffff, v13  }
0xcc: {  	s14 =	simm.s32 $0x0;
	v14 =	vshrl.u32 v15, $0xE;
	v2 =	vand.u32 $0x3FFF, v15;
	[tilespmem:v1+s5+$0x0] =	vst.idx.add.f32.msk $0xffff, v12  }
0xcd: {  	s12 =	sadd.s32 $0x80, s12;
	v15 =	vshrl.u32 v16, $0xE;
	v33 =	vand.u32 $0x3FFF, v16;
	v20 =	vld.idx.msk [tilespmem:v31+s14+$0x0], $0xffff  }
0xce: {  	s13 =	sadd.s32 $0x80, s13;
	v16 =	vshrl.u32 v17, $0xE;
	v13 =	vand.u32 $0x3FFF, v17;
	v34 =	vld [tilespmem:s12+$0x30]  }
0xcf: {  	v17 =	vshrl.u32 v19, $0xE;
	v12 =	vand.u32 $0x3FFF, v19;
	v35 =	vld [tilespmem:s13+$0x30]  }
0xd0: {  	v36 =	vand.u32 $0x3FFF, v18;
	v23 =	vld.idx.msk [tilespmem:v8+s14+$0x0], $0xffff  }
0xd1: {  	v28 =	vld.idx.msk [tilespmem:v9+s14+$0x0], $0xffff  }
0xd2: {  	v32 =	vld.idx.msk [tilespmem:v10+s14+$0x0], $0xffff  }
0xd3: {  	v37 =	vld.idx.msk [tilespmem:v14+s14+$0x0], $0xffff;
	v18 =	vmul.f32 v20, v34  }
0xd4: {  	v24 =	vld.idx.msk [tilespmem:v17+s14+$0x0], $0xffff;
	v19 =	vmul.f32 v20, v35  }
0xd5: {  	[tilespmem:v36+s31+$0x0] =	vst.idx.add.f32.msk $0xffff, v18  }
0xd6: {  	[tilespmem:v36+s0+$0x0] =	vst.idx.add.f32.msk $0xffff, v19  }
0xd7: {  	v25 =	vld.idx.msk [tilespmem:v31+s20+$0x0], $0xffff  }
0xd8: {  	v38 =	vld.idx.msk [tilespmem:v15+s14+$0x0], $0xffff  }
0xd9: {  	v39 =	vld.idx.msk [tilespmem:v16+s14+$0x0], $0xffff  }
0xda: {  	v19 =	vld [tilespmem:s12+$0xFFFFFFC0]  }
0xdb: {  	v21 =	vld [tilespmem:s13+$0xFFFFFFC0]  }
0xdc: {  	v20 =	vld [tilespmem:s12+$0xFFFFFFD0]  }
0xdd: {  	v26 =	vmul.f32 v25, v34;
	v22 =	vld [tilespmem:s13+$0xFFFFFFD0]  }
0xde: {  	v25 =	vmul.f32 v25, v35;
	v18 =	vld [tilespmem:s12+$0xFFFFFFE0]  }
0xdf: {  	v40 =	vmul.f32 v24, v19;
	[tilespmem:v36+s1+$0x0] =	vst.idx.add.f32.msk $0xffff, v26  }
0xe0: {  	v41 =	vmul.f32 v24, v21;
	[tilespmem:v36+s23+$0x0] =	vst.idx.add.f32.msk $0xffff, v25  }
0xe1: {  	v42 =	vmul.f32 v23, v20;
	v43 =	vld.idx.msk [tilespmem:v31+s21+$0x0], $0xffff  }
0xe2: {  	v44 =	vmul.f32 v23, v22;
	v23 =	vld [tilespmem:s13+$0xFFFFFFE0]  }
0xe3: {  	v45 =	vmul.f32 v28, v18;
	v24 =	vld [tilespmem:s12+$0xFFFFFFF0]  }
0xe4: {  	v26 =	vld [tilespmem:s13+$0xFFFFFFF0]  }
0xe5: {  	v25 =	vld [tilespmem:s12+$0x0]  }
0xe6: {  	v27 =	vld [tilespmem:s13+$0x0]  }
0xe7: {  	v47 =	vmul.f32 v43, v34;
	v46 =	vmul.f32 v28, v23;
	v28 =	vld [tilespmem:s12+$0x10]  }
0xe8: {  	v43 =	vmul.f32 v43, v35;
	v48 =	vmul.f32 v32, v24;
	v30 =	vld [tilespmem:s13+$0x10]  }
0xe9: {  	v49 =	vmul.f32 v32, v26;
	[tilespmem:v36+s24+$0x0] =	vst.idx.add.f32.msk $0xffff, v47  }
0xea: {  	v47 =	vmul.f32 v37, v25;
	[tilespmem:v36+s25+$0x0] =	vst.idx.add.f32.msk $0xffff, v43  }
0xeb: {  	v37 =	vmul.f32 v37, v27;
	v43 =	vld.idx.msk [tilespmem:v31+s22+$0x0], $0xffff  }
0xec: {  	v50 =	vmul.f32 v38, v28;
	v31 =	vld [tilespmem:s12+$0x20]  }
0xed: {  	v38 =	vmul.f32 v38, v30;
	v32 =	vld [tilespmem:s13+$0x20]  }
0xee: {  	[tilespmem:v12+s31+$0x0] =	vst.idx.add.f32.msk $0xffff, v40  }
0xef: {  	[tilespmem:v12+s0+$0x0] =	vst.idx.add.f32.msk $0xffff, v41  }
0xf0: {  	[tilespmem:v7+s31+$0x0] =	vst.idx.add.f32.msk $0xffff, v42  }
0xf1: {  	v34 =	vmul.f32 v43, v34;
	[tilespmem:v7+s0+$0x0] =	vst.idx.add.f32.msk $0xffff, v44;
	v40 =	vmul.f32 v39, v31  }
0xf2: {  	v35 =	vmul.f32 v43, v35;
	[tilespmem:v6+s31+$0x0] =	vst.idx.add.f32.msk $0xffff, v45;
	v39 =	vmul.f32 v39, v32  }
0xf3: {  	[tilespmem:v36+s5+$0x0] =	vst.idx.add.f32.msk $0xffff, v34  }
0xf4: {  	[tilespmem:v36+s6+$0x0] =	vst.idx.add.f32.msk $0xffff, v35  }
0xf5: {  	[tilespmem:v6+s0+$0x0] =	vst.idx.add.f32.msk $0xffff, v46  }
0xf6: {  	[tilespmem:v5+s31+$0x0] =	vst.idx.add.f32.msk $0xffff, v48  }
0xf7: {  	[tilespmem:v5+s0+$0x0] =	vst.idx.add.f32.msk $0xffff, v49  }
0xf8: {  	[tilespmem:v2+s31+$0x0] =	vst.idx.add.f32.msk $0xffff, v47  }
0xf9: {  	[tilespmem:v2+s0+$0x0] =	vst.idx.add.f32.msk $0xffff, v37  }
0xfa: {  	[tilespmem:v33+s31+$0x0] =	vst.idx.add.f32.msk $0xffff, v50  }
0xfb: {  	[tilespmem:v33+s0+$0x0] =	vst.idx.add.f32.msk $0xffff, v38  }
0xfc: {  	[tilespmem:v13+s31+$0x0] =	vst.idx.add.f32.msk $0xffff, v40  }
0xfd: {  	[tilespmem:v13+s0+$0x0] =	vst.idx.add.f32.msk $0xffff, v39  }
0xfe: {  	v34 =	vld.idx.msk [tilespmem:v17+s20+$0x0], $0xffff  }
0xff: {  	v35 =	vld.idx.msk [tilespmem:v8+s20+$0x0], $0xffff  }
0x100: {  	v36 =	vld.idx.msk [tilespmem:v9+s20+$0x0], $0xffff  }
0x101: {  	v37 =	vld.idx.msk [tilespmem:v10+s20+$0x0], $0xffff  }
0x102: {  	v38 =	vld.idx.msk [tilespmem:v14+s20+$0x0], $0xffff  }
0x103: {  	v39 =	vld.idx.msk [tilespmem:v15+s20+$0x0], $0xffff  }
0x104: {  	v40 =	vmul.f32 v34, v19;
	v34 =	vmul.f32 v34, v21;
	v41 =	vld.idx.msk [tilespmem:v16+s20+$0x0], $0xffff  }
0x105: {  	v42 =	vmul.f32 v35, v20;
	v35 =	vmul.f32 v35, v22;
	[tilespmem:v1+s6+$0x0] =	vst.idx.add.f32.msk $0xffff, v29;
	v1 =	vmov v33  }
0x106: {  	v29 =	vmul.f32 v36, v18;
	v33 =	vmul.f32 v36, v23;
	[tilespmem:v12+s1+$0x0] =	vst.idx.add.f32.msk $0xffff, v40  }
0x107: {  	v36 =	vmul.f32 v37, v26;
	[tilespmem:v12+s23+$0x0] =	vst.idx.add.f32.msk $0xffff, v34;
	v34 =	vmul.f32 v37, v24  }
0x108: {  	v37 =	vmul.f32 v38, v25;
	v38 =	vmul.f32 v38, v27;
	[tilespmem:v7+s1+$0x0] =	vst.idx.add.f32.msk $0xffff, v42  }
0x109: {  	[tilespmem:v7+s23+$0x0] =	vst.idx.add.f32.msk $0xffff, v35;
	v35 =	vmul.f32 v39, v28;
	v39 =	vmul.f32 v39, v30  }
0x10a: {  	v40 =	vmul.f32 v41, v32;
	[tilespmem:v6+s1+$0x0] =	vst.idx.add.f32.msk $0xffff, v29;
	v29 =	vmul.f32 v41, v31  }
0x10b: {  	[tilespmem:v6+s23+$0x0] =	vst.idx.add.f32.msk $0xffff, v33  }
0x10c: {  	[tilespmem:v5+s1+$0x0] =	vst.idx.add.f32.msk $0xffff, v34  }
0x10d: {  	[tilespmem:v5+s23+$0x0] =	vst.idx.add.f32.msk $0xffff, v36  }
0x10e: {  	[tilespmem:v2+s1+$0x0] =	vst.idx.add.f32.msk $0xffff, v37  }
0x10f: {  	[tilespmem:v2+s23+$0x0] =	vst.idx.add.f32.msk $0xffff, v38  }
0x110: {  	[tilespmem:v1+s1+$0x0] =	vst.idx.add.f32.msk $0xffff, v35  }
0x111: {  	[tilespmem:v1+s23+$0x0] =	vst.idx.add.f32.msk $0xffff, v39  }
0x112: {  	[tilespmem:v13+s1+$0x0] =	vst.idx.add.f32.msk $0xffff, v29  }
0x113: {  	[tilespmem:v13+s23+$0x0] =	vst.idx.add.f32.msk $0xffff, v40  }
0x114: {  	v29 =	vld.idx.msk [tilespmem:v17+s21+$0x0], $0xffff  }
0x115: {  	v33 =	vld.idx.msk [tilespmem:v8+s21+$0x0], $0xffff  }
0x116: {  	v34 =	vld.idx.msk [tilespmem:v9+s21+$0x0], $0xffff  }
0x117: {  	v35 =	vld.idx.msk [tilespmem:v10+s21+$0x0], $0xffff  }
0x118: {  	v36 =	vld.idx.msk [tilespmem:v14+s21+$0x0], $0xffff  }
0x119: {  	v37 =	vld.idx.msk [tilespmem:v15+s21+$0x0], $0xffff  }
0x11a: {  	v38 =	vmul.f32 v29, v19;
	v29 =	vmul.f32 v29, v21;
	v39 =	vld.idx.msk [tilespmem:v16+s21+$0x0], $0xffff  }
0x11b: {  	v40 =	vmul.f32 v33, v20;
	v33 =	vmul.f32 v33, v22;
	[tilespmem:v3+s5+$0x0] =	vst.idx.add.f32.msk $0xffff, v11  }
0x11c: {  	v11 =	vmul.f32 v34, v18;
	v34 =	vmul.f32 v34, v23;
	[tilespmem:v12+s24+$0x0] =	vst.idx.add.f32.msk $0xffff, v38  }
0x11d: {  	[tilespmem:v12+s25+$0x0] =	vst.idx.add.f32.msk $0xffff, v29;
	v29 =	vmul.f32 v35, v24;
	v35 =	vmul.f32 v35, v26  }
0x11e: {  	v38 =	vmul.f32 v36, v25;
	v36 =	vmul.f32 v36, v27;
	[tilespmem:v7+s24+$0x0] =	vst.idx.add.f32.msk $0xffff, v40  }
0x11f: {  	[tilespmem:v7+s25+$0x0] =	vst.idx.add.f32.msk $0xffff, v33;
	v33 =	vmul.f32 v37, v28;
	v37 =	vmul.f32 v37, v30  }
0x120: {  	[tilespmem:v6+s24+$0x0] =	vst.idx.add.f32.msk $0xffff, v11;
	v11 =	vmul.f32 v39, v31;
	v39 =	vmul.f32 v39, v32  }
0x121: {  	[tilespmem:v6+s25+$0x0] =	vst.idx.add.f32.msk $0xffff, v34  }
0x122: {  	[tilespmem:v5+s24+$0x0] =	vst.idx.add.f32.msk $0xffff, v29  }
0x123: {  	[tilespmem:v5+s25+$0x0] =	vst.idx.add.f32.msk $0xffff, v35  }
0x124: {  	[tilespmem:v2+s24+$0x0] =	vst.idx.add.f32.msk $0xffff, v38  }
0x125: {  	[tilespmem:v2+s25+$0x0] =	vst.idx.add.f32.msk $0xffff, v36  }
0x126: {  	[tilespmem:v1+s24+$0x0] =	vst.idx.add.f32.msk $0xffff, v33  }
0x127: {  	[tilespmem:v1+s25+$0x0] =	vst.idx.add.f32.msk $0xffff, v37  }
0x128: {  	[tilespmem:v13+s24+$0x0] =	vst.idx.add.f32.msk $0xffff, v11  }
0x129: {  	[tilespmem:v13+s25+$0x0] =	vst.idx.add.f32.msk $0xffff, v39  }
0x12a: {  	v11 =	vld.idx.msk [tilespmem:v17+s22+$0x0], $0xffff  }
0x12b: {  	v8 =	vld.idx.msk [tilespmem:v8+s22+$0x0], $0xffff  }
0x12c: {  	v9 =	vld.idx.msk [tilespmem:v9+s22+$0x0], $0xffff  }
0x12d: {  	v10 =	vld.idx.msk [tilespmem:v10+s22+$0x0], $0xffff  }
0x12e: {  	v14 =	vld.idx.msk [tilespmem:v14+s22+$0x0], $0xffff  }
0x12f: {  	v15 =	vld.idx.msk [tilespmem:v15+s22+$0x0], $0xffff  }
0x130: {  	v17 =	vmul.f32 v11, v19;
	v11 =	vmul.f32 v11, v21;
	v16 =	vld.idx.msk [tilespmem:v16+s22+$0x0], $0xffff  }
0x131: {  	v19 =	vmul.f32 v8, v20;
	v8 =	vmul.f32 v8, v22;
	[tilespmem:v3+s6+$0x0] =	vst.idx.add.f32.msk $0xffff, v4;
	v3 =	vmov v13  }
0x132: {  	v4 =	vmul.f32 v9, v18;
	v9 =	vmul.f32 v9, v23;
	[tilespmem:v12+s5+$0x0] =	vst.idx.add.f32.msk $0xffff, v17  }
0x133: {  	v17 =	vmul.f32 v10, v24;
	v10 =	vmul.f32 v10, v26;
	[tilespmem:v12+s6+$0x0] =	vst.idx.add.f32.msk $0xffff, v11  }
0x134: {  	v18 =	vmul.f32 v14, v25;
	v13 =	vmul.f32 v14, v27;
	[tilespmem:v7+s5+$0x0] =	vst.idx.add.f32.msk $0xffff, v19  }
0x135: {  	v12 =	vmul.f32 v15, v28;
	v29 =	vmul.f32 v15, v30;
	[tilespmem:v7+s6+$0x0] =	vst.idx.add.f32.msk $0xffff, v8  }
.Ltmp1:
0x136: {  	v11 =	vmul.f32 v16, v31;
	[tilespmem:v6+s5+$0x0] =	vst.idx.add.f32.msk $0xffff, v4;
	v4 =	vmul.f32 v16, v32;
	(pc) =	sbr.rel @p0 .LBB2_5-.Ltmp1, $4  }
0x137: {  	[tilespmem:v6+s6+$0x0] =	vst.idx.add.f32.msk $0xffff, v9  }
0x138: {  	[tilespmem:v5+s5+$0x0] =	vst.idx.add.f32.msk $0xffff, v17  }
0x139: {  	[tilespmem:v5+s6+$0x0] =	vst.idx.add.f32.msk $0xffff, v10  }
0x13a: {  	s16 =	sadd.s32 $0x80, s16;
	[tilespmem:v2+s5+$0x0] =	vst.idx.add.f32.msk $0xffff, v18  }
0x13b: {  	_ =	sdelay $0x3  }
0x13c: {  	[tilespmem:v2+s6+$0x0] =	vst.idx.add.f32.msk $0xffff, v13  }
0x13d: {  	[tilespmem:v1+s5+$0x0] =	vst.idx.add.f32.msk $0xffff, v12  }
0x13e: {  	[tilespmem:v3+s5+$0x0] =	vst.idx.add.f32.msk $0xffff, v11  }
0x13f: {  	[tilespmem:v1+s6+$0x0] =	vst.idx.add.f32.msk $0xffff, v29  }
0x140: {  	[tilespmem:v3+s6+$0x0] =	vst.idx.add.f32.msk $0xffff, v4  }
.LBB2_7:
0x141: {  	s12 =	sshra.s32 s14, $0x2  }
0x142: {  	v1 =	vld [tilespmem:s12+$0x1DD00];
	_ =	sdelay $0x4  }
0x143: {  	v2 =	vshrl.u32 v1, $0xE;
	_ =	sdelay $0x3  }
0x144: {  	v3 =	vld [tilespmem:s12+$0x1E400]  }
0x145: {  	v4 =	vld.idx.msk [tilespmem:v2+s3+$0x0], $0xffff  }
0x146: {  	v5 =	vld [tilespmem:s12+$0x1EB00]  }
0x147: {  	v1 =	vand.u32 $0x3FFF, v1;
	_ =	sdelay $0x2  }
0x148: {  	v6 =	vmul.f32 v4, v3  }
0x149: {  	v4 =	vmul.f32 v4, v5  }
0x14a: {  	[tilespmem:v1+s31+$0x0] =	vst.idx.add.f32.msk $0xffff, v6  }
0x14b: {  	[tilespmem:v1+s0+$0x0] =	vst.idx.add.f32.msk $0xffff, v4  }
0x14c: {  	v4 =	vld.idx.msk [tilespmem:v2+s20+$0x0], $0xffff;
	_ =	sdelay $0x4  }
0x14d: {  	v62 =	vmul.f32 v4, v3  }
0x14e: {  	v4 =	vmul.f32 v4, v5  }
0x14f: {  	[tilespmem:v1+s1+$0x0] =	vst.idx.add.f32.msk $0xffff, v62  }
0x150: {  	[tilespmem:v1+s23+$0x0] =	vst.idx.add.f32.msk $0xffff, v4  }
0x151: {  	v4 =	vld.idx.msk [tilespmem:v2+s21+$0x0], $0xffff;
	_ =	sdelay $0x4  }
0x152: {  	v63 =	vmul.f32 v4, v3  }
0x153: {  	v4 =	vmul.f32 v4, v5  }
0x154: {  	[tilespmem:v1+s24+$0x0] =	vst.idx.add.f32.msk $0xffff, v63  }
0x155: {  	[tilespmem:v1+s25+$0x0] =	vst.idx.add.f32.msk $0xffff, v4  }
0x156: {  	v2 =	vld.idx.msk [tilespmem:v2+s22+$0x0], $0xffff;
	_ =	sdelay $0x2  }
0x157: {  	p0 =	sne.s32 s14, $0x40  }
.Ltmp2:
0x158: {  	_ = 	snop;
	(pc) =	sbr.rel @p0 .LBB2_7-.Ltmp2, $4  }
0x159: {  	v3 =	vmul.f32 v2, v3  }
0x15a: {  	v2 =	vmul.f32 v2, v5  }
0x15b: {  	[tilespmem:v1+s5+$0x0] =	vst.idx.add.f32.msk $0xffff, v3  }
0x15c: {  	s14 =	sadd.s32 $0x40, s14;
	[tilespmem:v1+s6+$0x0] =	vst.idx.add.f32.msk $0xffff, v2  }
0x15d: {  	p0 =	seq.s32 s10, $0xC7  }
0x15e: {  	s11 =	sshrl.u32 @!p0 s11, $0x3  }
0x15f: {  	s12 =	sadd.s32 @!p0 $0xC8, s11  }
0x160: {  	s14 =	simm.s32 @!p0 $0x0;
	s15 =	simm.s32 @!p0 $0x1DA00;
	s13 =	sadd.s32 @!p0 s4, s12  }
0x161: {  	[tilespmem:s15], [sflag:$0x1] =	stream.linear.gather @!p0 [hbm4b:s13+s14], $0x320, $0x38;
	[tilespmem:$0x1EF00] =	vst v63  }
0x162: {  	s11 =	sadd.s32 @!p0 s2, s11;
	s12 =	sadd.s32 @!p0 s2, s12;
	s13 =	simm.s32 @!p0 $0x1E100  }
0x163: {  	[tilespmem:s13], [sflag:$0x1] =	stream.linear.gather @!p0 [hbm4b:s12+s14], $0x320, $0x38;
	[tilespmem:$0x1EF00] =	vst v63  }
0x164: {  	s11 =	sadd.s32 @!p0 $0x9D08, s11;
	s12 =	simm.s32 @!p0 $0x1E800  }
0x165: {  	[tilespmem:s12], [sflag:$0x1] =	stream.linear.gather @!p0 [hbm4b:s11+s14], $0x320, $0x38;
	[tilespmem:$0x1EF00] =	vst v63  }
0x166: {  	_ =	swait.ge [sflag:s7], $0x320  }
0x167: {  	[sflag:s7] =	ssyncset.done $0x0  }
0x168: {  	[sflag:s7] =	ssyncadd.s32 $0xFFFFFCE0  }
0x169: {  	_ =	swait.ge [sflag:s7], $0x320  }
0x16a: {  	[sflag:s7] =	ssyncset.done $0x0  }
0x16b: {  	[sflag:s7] =	ssyncadd.s32 $0xFFFFFCE0  }
0x16c: {  	_ =	swait.ge [sflag:s7], $0x320  }
0x16d: {  	[sflag:s7] =	ssyncset.done $0x0  }
0x16e: {  	s16 =	simm.s32 $0x1DDC0;
	[sflag:s7] =	ssyncadd.s32 $0xFFFFFCE0  }
0x16f: {  	v1 =	vld [tilespmem:s16+$0x30]  }
0x170: {  	v2 =	vld [tilespmem:s16+$0xFFFFFFD0]  }
0x171: {  	v3 =	vld [tilespmem:s16+$0xFFFFFFE0]  }
0x172: {  	v25 =	vld [tilespmem:s16+$0xFFFFFFF0]  }
0x173: {  	v26 =	vld [tilespmem:s16+$0x0]  }
0x174: {  	v24 =	vld [tilespmem:s16+$0xFFFFFFC0]  }
0x175: {  	v27 =	vld [tilespmem:s16+$0x10]  }
0x176: {  	s12 =	simm.s32 $0x1E4C0;
	v28 =	vld [tilespmem:s16+$0x20];
	v23 =	vshrl.u32 v1, $0xE  }
0x177: {  	s13 =	simm.s32 $0x1EBC0;
	v29 =	vld [tilespmem:s12+$0x30]  }
0x178: {  	v30 =	vld [tilespmem:s13+$0x30]  }
0x179: {  	v19 =	vld [tilespmem:s12+$0xFFFFFFC0]  }
0x17a: {  	s11 =	simm.s32 $0x0;
	v20 =	vld [tilespmem:s13+$0xFFFFFFC0]  }
0x17b: {  	v11 =	vld.idx.msk [tilespmem:v23+s11+$0x0], $0xffff  }
0x17c: {  	v17 =	vld [tilespmem:s12+$0xFFFFFFD0]  }
0x17d: {  	v12 =	vld [tilespmem:s13+$0xFFFFFFD0];
	v32 =	vand.u32 $0x3FFF, v1  }
0x17e: {  	v13 =	vld [tilespmem:s12+$0xFFFFFFE0]  }
0x17f: {  	v22 =	vld [tilespmem:s13+$0xFFFFFFE0]  }
0x180: {  	v21 =	vld [tilespmem:s12+$0xFFFFFFF0];
	v1 =	vmul.f32 v11, v29  }
0x181: {  	v18 =	vld [tilespmem:s13+$0xFFFFFFF0];
	v11 =	vmul.f32 v11, v30  }
0x182: {  	[tilespmem:v32+s31+$0x0] =	vst.idx.add.f32.msk $0xffff, v1  }
0x183: {  	[tilespmem:v32+s0+$0x0] =	vst.idx.add.f32.msk $0xffff, v11  }
0x184: {  	v4 =	vshrl.u32 v2, $0xE;
	v1 =	vld.idx.msk [tilespmem:v23+s20+$0x0], $0xffff  }
0x185: {  	v14 =	vld [tilespmem:s12+$0x0];
	v5 =	vshrl.u32 v3, $0xE  }
0x186: {  	v15 =	vld [tilespmem:s13+$0x0]  }
0x187: {  	v16 =	vld [tilespmem:s13+$0x10]  }
0x188: {  	v8 =	vshrl.u32 v24, $0xE;
	v40 =	vand.u32 $0x3FFF, v24;
	v24 =	vld [tilespmem:s13+$0x20]  }
0x189: {  	v6 =	vshrl.u32 v25, $0xE;
	v31 =	vld.idx.msk [tilespmem:v4+s11+$0x0], $0xffff;
	v11 =	vmul.f32 v1, v29  }
0x18a: {  	v7 =	vshrl.u32 v26, $0xE;
	v33 =	vld.idx.msk [tilespmem:v5+s11+$0x0], $0xffff;
	v1 =	vmul.f32 v1, v30  }
0x18b: {  	[tilespmem:v32+s1+$0x0] =	vst.idx.add.f32.msk $0xffff, v11  }
0x18c: {  	v9 =	vshrl.u32 v27, $0xE;
	[tilespmem:v32+s23+$0x0] =	vst.idx.add.f32.msk $0xffff, v1  }
0x18d: {  	v10 =	vshrl.u32 v28, $0xE;
	v1 =	vld.idx.msk [tilespmem:v23+s21+$0x0], $0xffff  }
0x18e: {  	v34 =	vld.idx.msk [tilespmem:v6+s11+$0x0], $0xffff  }
0x18f: {  	v35 =	vld.idx.msk [tilespmem:v7+s11+$0x0], $0xffff  }
0x190: {  	v36 =	vld.idx.msk [tilespmem:v8+s11+$0x0], $0xffff  }
0x191: {  	v37 =	vld.idx.msk [tilespmem:v9+s11+$0x0], $0xffff  }
0x192: {  	v38 =	vld.idx.msk [tilespmem:v10+s11+$0x0], $0xffff;
	v39 =	vmul.f32 v1, v29  }
0x193: {  	v11 =	vld [tilespmem:s12+$0x10];
	v1 =	vmul.f32 v1, v30  }
0x194: {  	[tilespmem:v32+s24+$0x0] =	vst.idx.add.f32.msk $0xffff, v39  }
0x195: {  	[tilespmem:v32+s25+$0x0] =	vst.idx.add.f32.msk $0xffff, v1  }
0x196: {  	v39 =	vand.u32 $0x3FFF, v2;
	v2 =	vmul.f32 v36, v19;
	v1 =	vld.idx.msk [tilespmem:v23+s22+$0x0], $0xffff  }
0x197: {  	v41 =	vand.u32 $0x3FFF, v3;
	v3 =	vmul.f32 v36, v20;
	v23 =	vld [tilespmem:s12+$0x20]  }
0x198: {  	[tilespmem:v40+s31+$0x0] =	vst.idx.add.f32.msk $0xffff, v2  }
0x199: {  	v61 =	vmul.f32 v31, v17;
	[tilespmem:v40+s0+$0x0] =	vst.idx.add.f32.msk $0xffff, v3  }
0x19a: {  	v3 =	vmul.f32 v33, v13;
	v36 =	vld.idx.msk [tilespmem:v8+s20+$0x0], $0xffff  }
0x19b: {  	v2 =	vmul.f32 v31, v12;
	[tilespmem:v39+s31+$0x0] =	vst.idx.add.f32.msk $0xffff, v61  }
0x19c: {  	v25 =	vand.u32 $0x3FFF, v25;
	v62 =	vmul.f32 v33, v22;
	[tilespmem:v41+s31+$0x0] =	vst.idx.add.f32.msk $0xffff, v3  }
0x19d: {  	v63 =	vmul.f32 v34, v18;
	[tilespmem:v39+s0+$0x0] =	vst.idx.add.f32.msk $0xffff, v2  }
0x19e: {  	v33 =	vmul.f32 v37, v11;
	[tilespmem:v41+s0+$0x0] =	vst.idx.add.f32.msk $0xffff, v62;
	v2 =	vmul.f32 v1, v29  }
0x19f: {  	v29 =	vmul.f32 v34, v21;
	v34 =	vmul.f32 v37, v16;
	v37 =	vld.idx.msk [tilespmem:v4+s20+$0x0], $0xffff  }
0x1a0: {  	v3 =	vmul.f32 v1, v30;
	v1 =	vand.u32 $0x3FFF, v26;
	[tilespmem:v32+s5+$0x0] =	vst.idx.add.f32.msk $0xffff, v2  }
0x1a1: {  	[tilespmem:v25+s31+$0x0] =	vst.idx.add.f32.msk $0xffff, v29  }
0x1a2: {  	v2 =	vand.u32 $0x3FFF, v27;
	[tilespmem:v32+s6+$0x0] =	vst.idx.add.f32.msk $0xffff, v3  }
0x1a3: {  	v32 =	vmul.f32 v35, v14;
	[tilespmem:v25+s0+$0x0] =	vst.idx.add.f32.msk $0xffff, v63  }
0x1a4: {  	v3 =	vand.u32 $0x3FFF, v28;
	v28 =	vmul.f32 v35, v15;
	v29 =	vld.idx.msk [tilespmem:v6+s20+$0x0], $0xffff  }
0x1a5: {  	[tilespmem:v1+s31+$0x0] =	vst.idx.add.f32.msk $0xffff, v32  }
0x1a6: {  	[tilespmem:v1+s0+$0x0] =	vst.idx.add.f32.msk $0xffff, v28  }
0x1a7: {  	v43 =	vmul.f32 v37, v17;
	[tilespmem:v2+s31+$0x0] =	vst.idx.add.f32.msk $0xffff, v33  }
0x1a8: {  	v30 =	vld.idx.msk [tilespmem:v7+s20+$0x0], $0xffff  }
0x1a9: {  	v28 =	vmul.f32 v38, v23;
	[tilespmem:v39+s1+$0x0] =	vst.idx.add.f32.msk $0xffff, v43  }
0x1aa: {  	[tilespmem:v2+s0+$0x0] =	vst.idx.add.f32.msk $0xffff, v34  }
0x1ab: {  	v35 =	vmul.f32 v38, v24;
	v38 =	vmul.f32 v36, v19;
	[tilespmem:v3+s31+$0x0] =	vst.idx.add.f32.msk $0xffff, v28  }
0x1ac: {  	v27 =	vmul.f32 v37, v12;
	v28 =	vld.idx.msk [tilespmem:v5+s20+$0x0], $0xffff  }
0x1ad: {  	[tilespmem:v40+s1+$0x0] =	vst.idx.add.f32.msk $0xffff, v38  }
0x1ae: {  	[tilespmem:v39+s23+$0x0] =	vst.idx.add.f32.msk $0xffff, v27  }
0x1af: {  	v26 =	vmul.f32 v36, v20;
	[tilespmem:v3+s0+$0x0] =	vst.idx.add.f32.msk $0xffff, v35  }
0x1b0: {  	v31 =	vld.idx.msk [tilespmem:v9+s20+$0x0], $0xffff  }
0x1b1: {  	[tilespmem:v40+s23+$0x0] =	vst.idx.add.f32.msk $0xffff, v26  }
0x1b2: {  	v52 =	vld.idx.msk [tilespmem:v4+s21+$0x0], $0xffff  }
0x1b3: {  	v45 =	vmul.f32 v29, v21;
	v42 =	vld.idx.msk [tilespmem:v10+s20+$0x0], $0xffff  }
0x1b4: {  	v46 =	vmul.f32 v29, v18;
	v51 =	vld.idx.msk [tilespmem:v8+s21+$0x0], $0xffff  }
0x1b5: {  	[tilespmem:v25+s1+$0x0] =	vst.idx.add.f32.msk $0xffff, v45  }
0x1b6: {  	[tilespmem:v25+s23+$0x0] =	vst.idx.add.f32.msk $0xffff, v46;
	v44 =	vmul.f32 v28, v13  }
0x1b7: {  	v28 =	vmul.f32 v28, v22;
	v29 =	vld.idx.msk [tilespmem:v6+s21+$0x0], $0xffff  }
0x1b8: {  	v48 =	vmul.f32 v31, v11;
	[tilespmem:v41+s1+$0x0] =	vst.idx.add.f32.msk $0xffff, v44  }
0x1b9: {  	v55 =	vmul.f32 v52, v17;
	[tilespmem:v41+s23+$0x0] =	vst.idx.add.f32.msk $0xffff, v28  }
0x1ba: {  	v49 =	vmul.f32 v42, v23;
	[tilespmem:v2+s1+$0x0] =	vst.idx.add.f32.msk $0xffff, v48  }
0x1bb: {  	v53 =	vmul.f32 v51, v19;
	[tilespmem:v39+s24+$0x0] =	vst.idx.add.f32.msk $0xffff, v55  }
0x1bc: {  	v27 =	vmul.f32 v52, v12;
	[tilespmem:v3+s1+$0x0] =	vst.idx.add.f32.msk $0xffff, v49  }
0x1bd: {  	v28 =	vmul.f32 v30, v14;
	[tilespmem:v40+s24+$0x0] =	vst.idx.add.f32.msk $0xffff, v53  }
0x1be: {  	v50 =	vmul.f32 v42, v24;
	[tilespmem:v39+s25+$0x0] =	vst.idx.add.f32.msk $0xffff, v27  }
0x1bf: {  	v26 =	vmul.f32 v51, v20;
	[tilespmem:v1+s1+$0x0] =	vst.idx.add.f32.msk $0xffff, v28  }
0x1c0: {  	[tilespmem:v3+s23+$0x0] =	vst.idx.add.f32.msk $0xffff, v50  }
0x1c1: {  	v47 =	vmul.f32 v30, v15;
	[tilespmem:v40+s25+$0x0] =	vst.idx.add.f32.msk $0xffff, v26  }
0x1c2: {  	v4 =	vld.idx.msk [tilespmem:v4+s22+$0x0], $0xffff  }
0x1c3: {  	[tilespmem:v1+s23+$0x0] =	vst.idx.add.f32.msk $0xffff, v47  }
0x1c4: {  	v28 =	vmul.f32 v31, v16;
	v54 =	vld.idx.msk [tilespmem:v10+s21+$0x0], $0xffff  }
0x1c5: {  	v8 =	vld.idx.msk [tilespmem:v8+s22+$0x0], $0xffff  }
0x1c6: {  	[tilespmem:v2+s23+$0x0] =	vst.idx.add.f32.msk $0xffff, v28  }
0x1c7: {  	v57 =	vmul.f32 v29, v21;
	v28 =	vld.idx.msk [tilespmem:v5+s21+$0x0], $0xffff  }
0x1c8: {  	v30 =	vld.idx.msk [tilespmem:v7+s21+$0x0], $0xffff  }
0x1c9: {  	v58 =	vmul.f32 v29, v18;
	[tilespmem:v25+s24+$0x0] =	vst.idx.add.f32.msk $0xffff, v57  }
0x1ca: {  	v31 =	vld.idx.msk [tilespmem:v9+s21+$0x0], $0xffff  }
0x1cb: {  	[tilespmem:v25+s25+$0x0] =	vst.idx.add.f32.msk $0xffff, v58;
	v61 =	vmul.f32 v54, v23  }
0x1cc: {  	v6 =	vld.idx.msk [tilespmem:v6+s22+$0x0], $0xffff;
	v19 =	vmul.f32 v8, v19  }
0x1cd: {  	v56 =	vmul.f32 v28, v13;
	[tilespmem:v3+s24+$0x0] =	vst.idx.add.f32.msk $0xffff, v61  }
0x1ce: {  	v62 =	vmul.f32 v54, v24;
	[tilespmem:v40+s5+$0x0] =	vst.idx.add.f32.msk $0xffff, v19  }
0x1cf: {  	v8 =	vmul.f32 v8, v20;
	[tilespmem:v41+s24+$0x0] =	vst.idx.add.f32.msk $0xffff, v56  }
0x1d0: {  	v28 =	vmul.f32 v28, v22;
	[tilespmem:v3+s25+$0x0] =	vst.idx.add.f32.msk $0xffff, v62  }
0x1d1: {  	v60 =	vmul.f32 v31, v11;
	[tilespmem:v40+s6+$0x0] =	vst.idx.add.f32.msk $0xffff, v8  }
0x1d2: {  	[tilespmem:v41+s25+$0x0] =	vst.idx.add.f32.msk $0xffff, v28  }
0x1d3: {  	[tilespmem:v2+s24+$0x0] =	vst.idx.add.f32.msk $0xffff, v60  }
0x1d4: {  	v28 =	vmul.f32 v30, v14;
	v63 =	vld.idx.msk [tilespmem:v10+s22+$0x0], $0xffff  }
0x1d5: {  	v10 =	vmul.f32 v4, v17;
	v5 =	vld.idx.msk [tilespmem:v5+s22+$0x0], $0xffff  }
0x1d6: {  	v59 =	vmul.f32 v30, v15;
	[tilespmem:v1+s24+$0x0] =	vst.idx.add.f32.msk $0xffff, v28  }
0x1d7: {  	v4 =	vmul.f32 v4, v12;
	[tilespmem:v39+s5+$0x0] =	vst.idx.add.f32.msk $0xffff, v10  }
0x1d8: {  	[tilespmem:v1+s25+$0x0] =	vst.idx.add.f32.msk $0xffff, v59  }
0x1d9: {  	v28 =	vmul.f32 v31, v16;
	[tilespmem:v39+s6+$0x0] =	vst.idx.add.f32.msk $0xffff, v4  }
0x1da: {  	v7 =	vld.idx.msk [tilespmem:v7+s22+$0x0], $0xffff  }
0x1db: {  	v4 =	vmul.f32 v6, v21;
	[tilespmem:v2+s25+$0x0] =	vst.idx.add.f32.msk $0xffff, v28  }
0x1dc: {  	v9 =	vld.idx.msk [tilespmem:v9+s22+$0x0], $0xffff;
	v8 =	vmul.f32 v5, v13  }
0x1dd: {  	[tilespmem:v25+s5+$0x0] =	vst.idx.add.f32.msk $0xffff, v4;
	v5 =	vmul.f32 v5, v22  }
0x1de: {  	v6 =	vmul.f32 v6, v18;
	[tilespmem:v41+s5+$0x0] =	vst.idx.add.f32.msk $0xffff, v8  }
0x1df: {  	v12 =	vmul.f32 v63, v23;
	[tilespmem:v41+s6+$0x0] =	vst.idx.add.f32.msk $0xffff, v5;
	v5 =	vmul.f32 v7, v14  }
0x1e0: {  	v4 =	vmul.f32 v63, v24;
	[tilespmem:v25+s6+$0x0] =	vst.idx.add.f32.msk $0xffff, v6;
	v10 =	vmul.f32 v7, v15  }
0x1e1: {  	s15 =	simm.s32 $0x1DE40;
	s14 =	simm.s32 $0x0;
	v13 =	vmul.f32 v9, v11;
	v30 =	vmul.f32 v9, v16;
	[tilespmem:v1+s5+$0x0] =	vst.idx.add.f32.msk $0xffff, v5  }
.LBB2_9:
0x1e2: {  	v18 =	vld [tilespmem:s15+$0x30]  }
0x1e3: {  	v5 =	vld [tilespmem:s15+$0xFFFFFFD0]  }
0x1e4: {  	v6 =	vld [tilespmem:s15+$0xFFFFFFE0]  }
0x1e5: {  	v14 =	vld [tilespmem:s15+$0xFFFFFFF0]  }
0x1e6: {  	s14 =	sadd.s32 $0x8, s14;
	v15 =	vld [tilespmem:s15+$0x0]  }
0x1e7: {  	p0 =	slt.u32 s14, $0x28;
	v16 =	vld [tilespmem:s15+$0x10];
	v31 =	vshrl.u32 v18, $0xE  }
0x1e8: {  	v8 =	vshrl.u32 v5, $0xE;
	v7 =	vand.u32 $0x3FFF, v5;
	v17 =	vld [tilespmem:s15+$0x20]  }
0x1e9: {  	v19 =	vld [tilespmem:s15+$0xFFFFFFC0];
	v9 =	vshrl.u32 v6, $0xE;
	v6 =	vand.u32 $0x3FFF, v6  }
0x1ea: {  	v11 =	vshrl.u32 v14, $0xE;
	v5 =	vand.u32 $0x3FFF, v14;
	[tilespmem:v1+s6+$0x0] =	vst.idx.add.f32.msk $0xffff, v10  }
0x1eb: {  	v14 =	vshrl.u32 v15, $0xE;
	v1 =	vand.u32 $0x3FFF, v15;
	[tilespmem:v2+s5+$0x0] =	vst.idx.add.f32.msk $0xffff, v13  }
0x1ec: {  	s12 =	sadd.s32 $0x80, s12;
	v15 =	vshrl.u32 v16, $0xE;
	v33 =	vand.u32 $0x3FFF, v16;
	v20 =	vld.idx.msk [tilespmem:v31+s11+$0x0], $0xffff  }
0x1ed: {  	s13 =	sadd.s32 $0x80, s13;
	v16 =	vshrl.u32 v17, $0xE;
	v13 =	vand.u32 $0x3FFF, v17;
	v34 =	vld [tilespmem:s12+$0x30]  }
0x1ee: {  	v17 =	vshrl.u32 v19, $0xE;
	v10 =	vand.u32 $0x3FFF, v19;
	v35 =	vld [tilespmem:s13+$0x30]  }
0x1ef: {  	v36 =	vand.u32 $0x3FFF, v18;
	v23 =	vld.idx.msk [tilespmem:v8+s11+$0x0], $0xffff  }
0x1f0: {  	v28 =	vld.idx.msk [tilespmem:v9+s11+$0x0], $0xffff  }
0x1f1: {  	v32 =	vld.idx.msk [tilespmem:v11+s11+$0x0], $0xffff  }
0x1f2: {  	v37 =	vld.idx.msk [tilespmem:v14+s11+$0x0], $0xffff;
	v18 =	vmul.f32 v20, v34  }
0x1f3: {  	v24 =	vld.idx.msk [tilespmem:v17+s11+$0x0], $0xffff;
	v19 =	vmul.f32 v20, v35  }
0x1f4: {  	[tilespmem:v36+s31+$0x0] =	vst.idx.add.f32.msk $0xffff, v18  }
0x1f5: {  	[tilespmem:v36+s0+$0x0] =	vst.idx.add.f32.msk $0xffff, v19  }
0x1f6: {  	v25 =	vld.idx.msk [tilespmem:v31+s20+$0x0], $0xffff  }
0x1f7: {  	v38 =	vld.idx.msk [tilespmem:v15+s11+$0x0], $0xffff  }
0x1f8: {  	v39 =	vld.idx.msk [tilespmem:v16+s11+$0x0], $0xffff  }
0x1f9: {  	v19 =	vld [tilespmem:s12+$0xFFFFFFC0]  }
0x1fa: {  	v21 =	vld [tilespmem:s13+$0xFFFFFFC0]  }
0x1fb: {  	v20 =	vld [tilespmem:s12+$0xFFFFFFD0]  }
0x1fc: {  	v26 =	vmul.f32 v25, v34;
	v22 =	vld [tilespmem:s13+$0xFFFFFFD0]  }
0x1fd: {  	v25 =	vmul.f32 v25, v35;
	v18 =	vld [tilespmem:s12+$0xFFFFFFE0]  }
0x1fe: {  	v40 =	vmul.f32 v24, v19;
	[tilespmem:v36+s1+$0x0] =	vst.idx.add.f32.msk $0xffff, v26  }
0x1ff: {  	v41 =	vmul.f32 v24, v21;
	[tilespmem:v36+s23+$0x0] =	vst.idx.add.f32.msk $0xffff, v25  }
0x200: {  	v42 =	vmul.f32 v23, v20;
	v43 =	vld.idx.msk [tilespmem:v31+s21+$0x0], $0xffff  }
0x201: {  	v44 =	vmul.f32 v23, v22;
	v23 =	vld [tilespmem:s13+$0xFFFFFFE0]  }
0x202: {  	v45 =	vmul.f32 v28, v18;
	v24 =	vld [tilespmem:s12+$0xFFFFFFF0]  }
0x203: {  	v26 =	vld [tilespmem:s13+$0xFFFFFFF0]  }
0x204: {  	v25 =	vld [tilespmem:s12+$0x0]  }
0x205: {  	v27 =	vld [tilespmem:s13+$0x0]  }
0x206: {  	v47 =	vmul.f32 v43, v34;
	v46 =	vmul.f32 v28, v23;
	v28 =	vld [tilespmem:s12+$0x10]  }
0x207: {  	v43 =	vmul.f32 v43, v35;
	v48 =	vmul.f32 v32, v24;
	v29 =	vld [tilespmem:s13+$0x10]  }
0x208: {  	v49 =	vmul.f32 v32, v26;
	[tilespmem:v36+s24+$0x0] =	vst.idx.add.f32.msk $0xffff, v47  }
0x209: {  	v47 =	vmul.f32 v37, v25;
	[tilespmem:v36+s25+$0x0] =	vst.idx.add.f32.msk $0xffff, v43  }
0x20a: {  	v37 =	vmul.f32 v37, v27;
	v43 =	vld.idx.msk [tilespmem:v31+s22+$0x0], $0xffff  }
0x20b: {  	v50 =	vmul.f32 v38, v28;
	v31 =	vld [tilespmem:s12+$0x20]  }
0x20c: {  	v38 =	vmul.f32 v38, v29;
	v32 =	vld [tilespmem:s13+$0x20]  }
0x20d: {  	[tilespmem:v10+s31+$0x0] =	vst.idx.add.f32.msk $0xffff, v40  }
0x20e: {  	[tilespmem:v10+s0+$0x0] =	vst.idx.add.f32.msk $0xffff, v41  }
0x20f: {  	[tilespmem:v7+s31+$0x0] =	vst.idx.add.f32.msk $0xffff, v42  }
0x210: {  	v34 =	vmul.f32 v43, v34;
	[tilespmem:v7+s0+$0x0] =	vst.idx.add.f32.msk $0xffff, v44;
	v40 =	vmul.f32 v39, v31  }
0x211: {  	v35 =	vmul.f32 v43, v35;
	[tilespmem:v6+s31+$0x0] =	vst.idx.add.f32.msk $0xffff, v45;
	v39 =	vmul.f32 v39, v32  }
0x212: {  	[tilespmem:v36+s5+$0x0] =	vst.idx.add.f32.msk $0xffff, v34  }
0x213: {  	[tilespmem:v36+s6+$0x0] =	vst.idx.add.f32.msk $0xffff, v35  }
0x214: {  	[tilespmem:v6+s0+$0x0] =	vst.idx.add.f32.msk $0xffff, v46  }
0x215: {  	[tilespmem:v5+s31+$0x0] =	vst.idx.add.f32.msk $0xffff, v48  }
0x216: {  	[tilespmem:v5+s0+$0x0] =	vst.idx.add.f32.msk $0xffff, v49  }
0x217: {  	[tilespmem:v1+s31+$0x0] =	vst.idx.add.f32.msk $0xffff, v47  }
0x218: {  	[tilespmem:v1+s0+$0x0] =	vst.idx.add.f32.msk $0xffff, v37  }
0x219: {  	[tilespmem:v33+s31+$0x0] =	vst.idx.add.f32.msk $0xffff, v50  }
0x21a: {  	[tilespmem:v33+s0+$0x0] =	vst.idx.add.f32.msk $0xffff, v38  }
0x21b: {  	[tilespmem:v13+s31+$0x0] =	vst.idx.add.f32.msk $0xffff, v40  }
0x21c: {  	[tilespmem:v13+s0+$0x0] =	vst.idx.add.f32.msk $0xffff, v39  }
0x21d: {  	v34 =	vld.idx.msk [tilespmem:v17+s20+$0x0], $0xffff  }
0x21e: {  	v35 =	vld.idx.msk [tilespmem:v8+s20+$0x0], $0xffff  }
0x21f: {  	v36 =	vld.idx.msk [tilespmem:v9+s20+$0x0], $0xffff  }
0x220: {  	v37 =	vld.idx.msk [tilespmem:v11+s20+$0x0], $0xffff  }
0x221: {  	v38 =	vld.idx.msk [tilespmem:v14+s20+$0x0], $0xffff  }
0x222: {  	v39 =	vld.idx.msk [tilespmem:v15+s20+$0x0], $0xffff  }
0x223: {  	v40 =	vmul.f32 v34, v19;
	v34 =	vmul.f32 v34, v21;
	v41 =	vld.idx.msk [tilespmem:v16+s20+$0x0], $0xffff  }
0x224: {  	v42 =	vmul.f32 v35, v20;
	v35 =	vmul.f32 v35, v22;
	[tilespmem:v2+s6+$0x0] =	vst.idx.add.f32.msk $0xffff, v30;
	v2 =	vmov v33  }
0x225: {  	v30 =	vmul.f32 v36, v18;
	v33 =	vmul.f32 v36, v23;
	[tilespmem:v10+s1+$0x0] =	vst.idx.add.f32.msk $0xffff, v40  }
0x226: {  	v36 =	vmul.f32 v37, v26;
	[tilespmem:v10+s23+$0x0] =	vst.idx.add.f32.msk $0xffff, v34;
	v34 =	vmul.f32 v37, v24  }
0x227: {  	v37 =	vmul.f32 v38, v25;
	v38 =	vmul.f32 v38, v27;
	[tilespmem:v7+s1+$0x0] =	vst.idx.add.f32.msk $0xffff, v42  }
0x228: {  	[tilespmem:v7+s23+$0x0] =	vst.idx.add.f32.msk $0xffff, v35;
	v35 =	vmul.f32 v39, v28;
	v39 =	vmul.f32 v39, v29  }
0x229: {  	v40 =	vmul.f32 v41, v32;
	[tilespmem:v6+s1+$0x0] =	vst.idx.add.f32.msk $0xffff, v30;
	v30 =	vmul.f32 v41, v31  }
0x22a: {  	[tilespmem:v6+s23+$0x0] =	vst.idx.add.f32.msk $0xffff, v33  }
0x22b: {  	[tilespmem:v5+s1+$0x0] =	vst.idx.add.f32.msk $0xffff, v34  }
0x22c: {  	[tilespmem:v5+s23+$0x0] =	vst.idx.add.f32.msk $0xffff, v36  }
0x22d: {  	[tilespmem:v1+s1+$0x0] =	vst.idx.add.f32.msk $0xffff, v37  }
0x22e: {  	[tilespmem:v1+s23+$0x0] =	vst.idx.add.f32.msk $0xffff, v38  }
0x22f: {  	[tilespmem:v2+s1+$0x0] =	vst.idx.add.f32.msk $0xffff, v35  }
0x230: {  	[tilespmem:v2+s23+$0x0] =	vst.idx.add.f32.msk $0xffff, v39  }
0x231: {  	[tilespmem:v13+s1+$0x0] =	vst.idx.add.f32.msk $0xffff, v30  }
0x232: {  	[tilespmem:v13+s23+$0x0] =	vst.idx.add.f32.msk $0xffff, v40  }
0x233: {  	v30 =	vld.idx.msk [tilespmem:v17+s21+$0x0], $0xffff  }
0x234: {  	v33 =	vld.idx.msk [tilespmem:v8+s21+$0x0], $0xffff  }
0x235: {  	v34 =	vld.idx.msk [tilespmem:v9+s21+$0x0], $0xffff  }
0x236: {  	v35 =	vld.idx.msk [tilespmem:v11+s21+$0x0], $0xffff  }
0x237: {  	v36 =	vld.idx.msk [tilespmem:v14+s21+$0x0], $0xffff  }
0x238: {  	v37 =	vld.idx.msk [tilespmem:v15+s21+$0x0], $0xffff  }
0x239: {  	v38 =	vmul.f32 v30, v19;
	v30 =	vmul.f32 v30, v21;
	v39 =	vld.idx.msk [tilespmem:v16+s21+$0x0], $0xffff  }
0x23a: {  	v40 =	vmul.f32 v33, v20;
	v33 =	vmul.f32 v33, v22;
	[tilespmem:v3+s5+$0x0] =	vst.idx.add.f32.msk $0xffff, v12  }
0x23b: {  	v12 =	vmul.f32 v34, v18;
	v34 =	vmul.f32 v34, v23;
	[tilespmem:v10+s24+$0x0] =	vst.idx.add.f32.msk $0xffff, v38  }
0x23c: {  	[tilespmem:v10+s25+$0x0] =	vst.idx.add.f32.msk $0xffff, v30;
	v30 =	vmul.f32 v35, v24;
	v35 =	vmul.f32 v35, v26  }
0x23d: {  	v38 =	vmul.f32 v36, v25;
	v36 =	vmul.f32 v36, v27;
	[tilespmem:v7+s24+$0x0] =	vst.idx.add.f32.msk $0xffff, v40  }
0x23e: {  	[tilespmem:v7+s25+$0x0] =	vst.idx.add.f32.msk $0xffff, v33;
	v33 =	vmul.f32 v37, v28;
	v37 =	vmul.f32 v37, v29  }
0x23f: {  	[tilespmem:v6+s24+$0x0] =	vst.idx.add.f32.msk $0xffff, v12;
	v12 =	vmul.f32 v39, v31;
	v39 =	vmul.f32 v39, v32  }
0x240: {  	[tilespmem:v6+s25+$0x0] =	vst.idx.add.f32.msk $0xffff, v34  }
0x241: {  	[tilespmem:v5+s24+$0x0] =	vst.idx.add.f32.msk $0xffff, v30  }
0x242: {  	[tilespmem:v5+s25+$0x0] =	vst.idx.add.f32.msk $0xffff, v35  }
0x243: {  	[tilespmem:v1+s24+$0x0] =	vst.idx.add.f32.msk $0xffff, v38  }
0x244: {  	[tilespmem:v1+s25+$0x0] =	vst.idx.add.f32.msk $0xffff, v36  }
0x245: {  	[tilespmem:v2+s24+$0x0] =	vst.idx.add.f32.msk $0xffff, v33  }
0x246: {  	[tilespmem:v2+s25+$0x0] =	vst.idx.add.f32.msk $0xffff, v37  }
0x247: {  	[tilespmem:v13+s24+$0x0] =	vst.idx.add.f32.msk $0xffff, v12  }
0x248: {  	[tilespmem:v13+s25+$0x0] =	vst.idx.add.f32.msk $0xffff, v39  }
0x249: {  	v12 =	vld.idx.msk [tilespmem:v17+s22+$0x0], $0xffff  }
0x24a: {  	v8 =	vld.idx.msk [tilespmem:v8+s22+$0x0], $0xffff  }
0x24b: {  	v9 =	vld.idx.msk [tilespmem:v9+s22+$0x0], $0xffff  }
0x24c: {  	v11 =	vld.idx.msk [tilespmem:v11+s22+$0x0], $0xffff  }
0x24d: {  	v14 =	vld.idx.msk [tilespmem:v14+s22+$0x0], $0xffff  }
0x24e: {  	v15 =	vld.idx.msk [tilespmem:v15+s22+$0x0], $0xffff  }
0x24f: {  	v17 =	vmul.f32 v12, v19;
	v12 =	vmul.f32 v12, v21;
	v16 =	vld.idx.msk [tilespmem:v16+s22+$0x0], $0xffff  }
0x250: {  	v19 =	vmul.f32 v8, v20;
	v8 =	vmul.f32 v8, v22;
	[tilespmem:v3+s6+$0x0] =	vst.idx.add.f32.msk $0xffff, v4;
	v3 =	vmov v13  }
0x251: {  	v4 =	vmul.f32 v9, v18;
	v9 =	vmul.f32 v9, v23;
	[tilespmem:v10+s5+$0x0] =	vst.idx.add.f32.msk $0xffff, v17  }
0x252: {  	v17 =	vmul.f32 v11, v24;
	v11 =	vmul.f32 v11, v26;
	[tilespmem:v10+s6+$0x0] =	vst.idx.add.f32.msk $0xffff, v12  }
0x253: {  	v18 =	vmul.f32 v14, v25;
	v10 =	vmul.f32 v14, v27;
	[tilespmem:v7+s5+$0x0] =	vst.idx.add.f32.msk $0xffff, v19  }
0x254: {  	v13 =	vmul.f32 v15, v28;
	v30 =	vmul.f32 v15, v29;
	[tilespmem:v7+s6+$0x0] =	vst.idx.add.f32.msk $0xffff, v8  }
.Ltmp3:
0x255: {  	v12 =	vmul.f32 v16, v31;
	[tilespmem:v6+s5+$0x0] =	vst.idx.add.f32.msk $0xffff, v4;
	v4 =	vmul.f32 v16, v32;
	(pc) =	sbr.rel @p0 .LBB2_9-.Ltmp3, $4  }
0x256: {  	[tilespmem:v6+s6+$0x0] =	vst.idx.add.f32.msk $0xffff, v9  }
0x257: {  	[tilespmem:v5+s5+$0x0] =	vst.idx.add.f32.msk $0xffff, v17  }
0x258: {  	[tilespmem:v5+s6+$0x0] =	vst.idx.add.f32.msk $0xffff, v11  }
0x259: {  	s15 =	sadd.s32 $0x80, s15;
	[tilespmem:v1+s5+$0x0] =	vst.idx.add.f32.msk $0xffff, v18  }
0x25a: {  	_ =	sdelay $0x3  }
0x25b: {  	[tilespmem:v1+s6+$0x0] =	vst.idx.add.f32.msk $0xffff, v10  }
0x25c: {  	[tilespmem:v2+s5+$0x0] =	vst.idx.add.f32.msk $0xffff, v13  }
0x25d: {  	[tilespmem:v3+s5+$0x0] =	vst.idx.add.f32.msk $0xffff, v12  }
0x25e: {  	[tilespmem:v2+s6+$0x0] =	vst.idx.add.f32.msk $0xffff, v30  }
0x25f: {  	[tilespmem:v3+s6+$0x0] =	vst.idx.add.f32.msk $0xffff, v4  }
.LBB2_11:
0x260: {  	s12 =	sshra.s32 s11, $0x2  }
0x261: {  	v1 =	vld [tilespmem:s12+$0x1E080];
	_ =	sdelay $0x4  }
0x262: {  	v2 =	vshrl.u32 v1, $0xE;
	_ =	sdelay $0x3  }
0x263: {  	v3 =	vld [tilespmem:s12+$0x1E780]  }
0x264: {  	v4 =	vld.idx.msk [tilespmem:v2+s3+$0x0], $0xffff  }
0x265: {  	v5 =	vld [tilespmem:s12+$0x1EE80]  }
0x266: {  	v1 =	vand.u32 $0x3FFF, v1;
	_ =	sdelay $0x2  }
0x267: {  	v6 =	vmul.f32 v4, v3  }
0x268: {  	v4 =	vmul.f32 v4, v5  }
0x269: {  	[tilespmem:v1+s31+$0x0] =	vst.idx.add.f32.msk $0xffff, v6  }
0x26a: {  	[tilespmem:v1+s0+$0x0] =	vst.idx.add.f32.msk $0xffff, v4  }
0x26b: {  	v4 =	vld.idx.msk [tilespmem:v2+s20+$0x0], $0xffff;
	_ =	sdelay $0x4  }
0x26c: {  	v62 =	vmul.f32 v4, v3  }
0x26d: {  	v4 =	vmul.f32 v4, v5  }
0x26e: {  	[tilespmem:v1+s1+$0x0] =	vst.idx.add.f32.msk $0xffff, v62  }
0x26f: {  	[tilespmem:v1+s23+$0x0] =	vst.idx.add.f32.msk $0xffff, v4  }
0x270: {  	v4 =	vld.idx.msk [tilespmem:v2+s21+$0x0], $0xffff;
	_ =	sdelay $0x4  }
0x271: {  	v63 =	vmul.f32 v4, v3  }
0x272: {  	v4 =	vmul.f32 v4, v5  }
0x273: {  	[tilespmem:v1+s24+$0x0] =	vst.idx.add.f32.msk $0xffff, v63  }
0x274: {  	[tilespmem:v1+s25+$0x0] =	vst.idx.add.f32.msk $0xffff, v4  }
0x275: {  	v2 =	vld.idx.msk [tilespmem:v2+s22+$0x0], $0xffff;
	_ =	sdelay $0x2  }
0x276: {  	p0 =	sne.s32 s11, $0x40  }
.Ltmp4:
0x277: {  	_ = 	snop;
	(pc) =	sbr.rel @p0 .LBB2_11-.Ltmp4, $4  }
0x278: {  	v3 =	vmul.f32 v2, v3  }
0x279: {  	v2 =	vmul.f32 v2, v5  }
0x27a: {  	[tilespmem:v1+s5+$0x0] =	vst.idx.add.f32.msk $0xffff, v3  }
0x27b: {  	s11 =	sadd.s32 $0x40, s11;
	[tilespmem:v1+s6+$0x0] =	vst.idx.add.f32.msk $0xffff, v2  }
0x27c: {  	s10 =	sadd.s32 $0x1, s10  }
0x27d: {  	p0 =	sne.s32 s10, $0xC8  }
.Ltmp5:
0x27e: {  	_ = 	snop;
	(pc) =	sbr.rel @p0 .LBB2_4-.Ltmp5, $1  }
0x27f: {  	_ =	sdelay $0x3  }
0x280: {  	s9 =	rddreg [dreg:$0x8]  }
0x281: {  	[hbm4b:s9+s3] =	stream.linear.scatter [tilespmem:s31], [sflag:$0x3], $0x2740, $0x38;
	[tilespmem:$0x1EF00] =	vst v63  }
0x282: {  	_ =	swait.ge [sflag:s19], $0x2740  }
0x283: {  	[sflag:s19] =	ssyncset.done $0x0  }
0x284: {  	s11 =	rddreg [dreg:$0x9];
	[sflag:s19] =	ssyncadd.s32 $0xFFFFD8C0  }
0x285: {  	[hbm4b:s11+s3] =	stream.linear.scatter [tilespmem:s1], [sflag:$0x3], $0x2740, $0x38;
	[tilespmem:$0x1EF00] =	vst v63  }
0x286: {  	_ =	swait.ge [sflag:s19], $0x2740  }
0x287: {  	[sflag:s19] =	ssyncset.done $0x0  }
0x288: {  	s12 =	rddreg [dreg:$0xa];
	[sflag:s19] =	ssyncadd.s32 $0xFFFFD8C0  }
0x289: {  	[hbm4b:s12+s3] =	stream.linear.scatter [tilespmem:s24], [sflag:$0x3], $0x2740, $0x38;
	[tilespmem:$0x1EF00] =	vst v63  }
0x28a: {  	_ =	swait.ge [sflag:s19], $0x2740  }
0x28b: {  	[sflag:s19] =	ssyncset.done $0x0  }
0x28c: {  	s13 =	rddreg [dreg:$0xb];
	[sflag:s19] =	ssyncadd.s32 $0xFFFFD8C0  }
0x28d: {  	[hbm4b:s13+s3] =	stream.linear.scatter [tilespmem:s5], [sflag:$0x3], $0x2740, $0x38;
	[tilespmem:$0x1EF00] =	vst v63  }
0x28e: {  	_ =	swait.ge [sflag:s19], $0x2740  }
0x28f: {  	[sflag:s19] =	ssyncset.done $0x0  }
0x290: {  	s14 =	rddreg [dreg:$0xc];
	[sflag:s19] =	ssyncadd.s32 $0xFFFFD8C0  }
0x291: {  	[hbm4b:s14+s3] =	stream.linear.scatter [tilespmem:s0], [sflag:$0x3], $0x2740, $0x38;
	[tilespmem:$0x1EF00] =	vst v63  }
0x292: {  	_ =	swait.ge [sflag:s19], $0x2740  }
0x293: {  	[sflag:s19] =	ssyncset.done $0x0  }
0x294: {  	s15 =	rddreg [dreg:$0xd];
	[sflag:s19] =	ssyncadd.s32 $0xFFFFD8C0  }
0x295: {  	[hbm4b:s15+s3] =	stream.linear.scatter [tilespmem:s23], [sflag:$0x3], $0x2740, $0x38;
	[tilespmem:$0x1EF00] =	vst v63  }
0x296: {  	_ =	swait.ge [sflag:s19], $0x2740  }
0x297: {  	[sflag:s19] =	ssyncset.done $0x0  }
0x298: {  	s16 =	rddreg [dreg:$0xe];
	[sflag:s19] =	ssyncadd.s32 $0xFFFFD8C0  }
0x299: {  	[hbm4b:s16+s3] =	stream.linear.scatter [tilespmem:s25], [sflag:$0x3], $0x2740, $0x38;
	[tilespmem:$0x1EF00] =	vst v63  }
0x29a: {  	s8 =	sadd.s32 $0x1, s8;
	_ =	swait.ge [sflag:s19], $0x2740  }
0x29b: {  	p0 =	sne.s32 s8, s18;
	[sflag:s19] =	ssyncset.done $0x0  }
.Ltmp6:
0x29c: {  	[sflag:s19] =	ssyncadd.s32 $0xFFFFD8C0;
	(pc) =	sbr.rel @p0 .LBB2_1-.Ltmp6, $4  }
0x29d: {  	[hbm4b:s17+s3] =	stream.linear.scatter [tilespmem:s6], [sflag:$0x3], $0x2740, $0x38;
	[tilespmem:$0x1EF00] =	vst v63  }
0x29e: {  	_ =	swait.ge [sflag:s19], $0x2740  }
0x29f: {  	[sflag:s19] =	ssyncset.done $0x0  }
0x2a0: {  	[sflag:s19] =	ssyncadd.s32 $0xFFFFD8C0  }
0x2a1: {  	_ =	sfence.sel $0x180000  }
0x2a2: {  	[bflag:$0x0] =	sbarrier.arrive $0xFFFF  }
0x2a3: {  	_ =	strace $0x90000047  }
0x2a4: {  	s0 =	stileid.u32;
	[bflag:$0x2] =	sbarrier.arrive $0xFFFF  }
0x2a5: {  	p0 =	sne.s32 s0, $0x0;
	s0 =	rddreg [dreg:$0x2]  }
0x2a6: {  	s0 =	sadd.s32 @!p0 $0x100000, s0  }
0x2a7: {  	[sflag:s0] =	ssyncadd.tile.s32 @!p0 $0x1;
	_ =	shalt  }
.Lfunc_end2:
_tile_overlayer_lowered:
.L_overlay_start_2:
0x2a8: {  	(tag) =	ssettag $0x2  }
0x2a9: {  	s0 =	rddreg [dreg:$0x0];
	s2 =	stileid.u32  }
0x2aa: {  	s1 =	rddreg [dreg:$0x1];
	p0 =	sne.s32 s2, $0x0  }
0x2ab: {  	s3 =	rddreg [dreg:$0x2];
	[bflag:$0x3] =	sbarrier.arrive $0xFFFF;
	s2 =	simm.s32 @!p0 $0x1C03  }
0x2ac: {  	[timem:s3], [sflag:s2] =	dma.local @!p0 [hbm:s0], s1  }
0x2ad: {  	s0 =	simm.s32 @!p0 $0x3  }
0x2ae: {  	_ =	swait.ge @!p0 [sflag:s0], s1  }
0x2af: {  	s1 =	ssub.s32 @!p0 $0x0, s1;
	[sflag:s0] =	ssyncset.done @!p0 $0x0  }
0x2b0: {  	[sflag:s0] =	ssyncadd.s32 @!p0 s1  }
0x2b1: {  	[bflag:$0x3] =	sbarrier.arrive $0xFFFF  }
0x2b2: {  	_ =	shalt  }

// kernel: kernel.15.cloned.1.call-start
scs
__scs_entry_jumppad:
0x0: {  	(pc) =	sbr.rel $0x88, $3  }
0x1: {  	(tag) =	ssettag $0x0;
	lr =	simm.s32 $0x1  }
0x2: {  	[smem:$0x3F90] =	sst lr;
	_ =	strace $0xD0000000  }
0x3: {  	_ = 	snop  }
0x4: {  	_ = 	snop  }
0x5: {  	_ = 	snop  }
0x6: {  	_ = 	snop  }
0x7: {  	_ = 	snop  }
__scs_overlays_trampoline_lowered:
0x8: {  	[smem:$0x3F9F] =	sst s0  }
0x9: {  	[smem:$0x3FA0] =	sst s1  }
0xa: {  	[smem:$0x3FA1] =	sst s2  }
0xb: {  	[smem:$0x3FA2] =	sst s3  }
0xc: {  	[smem:$0x3FA3] =	sst s4  }
0xd: {  	[smem:$0x3FA4] =	sst s5  }
0xe: {  	[smem:$0x3FA5] =	sst s6  }
0xf: {  	[smem:$0x3FA6] =	sst s7  }
0x10: {  	[smem:$0x3FA7] =	sst s8  }
0x11: {  	[smem:$0x3FA8] =	sst s9;
	s0 =	simm.s32 @!p0 $0x0  }
0x12: {  	s1 =	sld [smem:$0x3F8E];
	s0 =	simm.s32 @p0 $0x1  }
0x13: {  	[smem:$0x3FA9] =	sst s0;
	s0 =	simm.s32 @!p1 $0x0  }
0x14: {  	s2 =	sld [smem:$0x3F8D];
	s0 =	simm.s32 @p1 $0x1  }
0x15: {  	[smem:$0x3FAA] =	sst s0;
	s0 =	simm.s32 @!p2 $0x0  }
0x16: {  	s3 =	sld [smem:$0x3FDB];
	s0 =	simm.s32 @p2 $0x1  }
0x17: {  	s4 =	simm.s32 $0x1BF5;
	[smem:$0x3FAC] =	sst s0  }
0x18: {  	s0 =	sld [smem:$0x3F8F];
	_ =	swait.ge [sflag:s4], $0x0  }
0x19: {  	s7 =	sld [smem:$0x3F90]  }
0x1a: {  	s8 =	sadd.s32 $0xFFFFE003, lr  }
0x1b: {  	s9 =	sadd.s32 $0xFFFFFEF7, lr;
	s5 =	simm.s32 $0xFFFFFFFF;
	p2 =	slt.u32 s8, $0xFFFFF086  }
0x1c: {  	p1 =	slt.u32 s9, $0xF7A;
	s5 =	simm.s32 @!p2 $0x0  }
0x1d: {  	s5 =	simm.s32 @p1 $0x1;
	p0 =	seq.s32 s7, s2  }
0x1e: {  	s7 =	smul.u32 @!p0 $0xF7A, s2;
	p2 =	seq.s32 @!p0 s5, $0x0  }
0x1f: {  	s9 =	smul.u32 $0xF7A, s1;
	s8 =	simm.s32 @!p0 $0x1BF5;
	p2 =	por !p2, p0  }
0x20: {  	[sflag:s8] =	ssyncset.s32 @!p0 $0xFFFFF086;
	s6 =	sadd.s32 @!p0 s3, s7;
	s7 =	simm.s32 @!p0 $0x108  }
0x21: {  	s3 =	sadd.s32 s3, s9;
	s6 =	sadd.s32 @!p0 $0x88, s6;
	s7 =	simm.s32 @p2 $0x1082  }
0x22: {  	[simem:s7], [sflag:s8] =	dma.local @!p0 [hbm:s6], $0xF7A  }
0x23: {  	s9 =	sor.u32 $0xD0000000, s2;
	s6 =	simm.s32 $0x108;
	_ =	swait.ge @!p0 [sflag:s8], $0x0  }
0x24: {  	s3 =	sadd.s32 $0x88, s3;
	s6 =	simm.s32 @!p1 $0x1082;
	[sflag:s4] =	ssyncset.s32 $0xFFFFF086  }
0x25: {  	[simem:s6], [sflag:s4] =	dma.local [hbm:s3], $0xF7A  }
0x26: {  	[smem:$0x3F90] =	sst s1;
	(tag) =	ssettag s2;
	_ =	strace s9  }
0x27: {  	s1 =	sld [smem:$0x3FA0]  }
0x28: {  	s2 =	sld [smem:$0x3FA1]  }
0x29: {  	s4 =	sld [smem:$0x3FA3]  }
0x2a: {  	p0 =	seq.s32 s5, $0x0;
	s5 =	sld [smem:$0x3FA4]  }
0x2b: {  	s6 =	sld [smem:$0x3FA5]  }
0x2c: {  	s7 =	sld [smem:$0x3FA6]  }
0x2d: {  	s3 =	simm.s32 $0x108;
	s8 =	sld [smem:$0x3FA7]  }
0x2e: {  	s3 =	simm.s32 @!p0 $0x1082;
	s9 =	sld [smem:$0x3FA8]  }
0x2f: {  	lr =	sadd.s32 s0, s3;
	s0 =	sld [smem:$0x3F9F]  }
0x30: {  	s3 =	sld [smem:$0x3FA2]  }
0x31: {  	[smem:$0x3FAB] =	sst s10  }
0x32: {  	s10 =	sld [smem:$0x3FA9];
	_ =	sdelay $0x3  }
0x33: {  	p0 =	seq.s32 s10, $0x1;
	s10 =	sld [smem:$0x3FAB];
	_ =	sdelay $0x3  }
0x34: {  	[smem:$0x3FAB] =	sst s10  }
0x35: {  	s10 =	sld [smem:$0x3FAA];
	_ =	sdelay $0x3  }
0x36: {  	p1 =	seq.s32 s10, $0x1;
	s10 =	sld [smem:$0x3FAB];
	_ =	sdelay $0x3  }
0x37: {  	[smem:$0x3FAB] =	sst s10  }
0x38: {  	s10 =	sld [smem:$0x3FAC]  }
0x39: {  	_ = 	snop;
	(pc) =	sbr.ind lr, $3  }
0x3a: {  	_ = 	snop  }
0x3b: {  	_ = 	snop  }
0x3c: {  	p2 =	seq.s32 s10, $0x1;
	s10 =	sld [smem:$0x3FAB]  }
0x3d: {  	_ =	shalt  }
0x3e: {  	_ =	shalt  }
0x3f: {  	_ =	shalt  }
0x40: {  	_ =	shalt  }
0x41: {  	_ =	shalt  }
0x42: {  	_ =	shalt  }
0x43: {  	_ =	shalt  }
0x44: {  	_ =	shalt  }
0x45: {  	_ =	shalt  }
0x46: {  	_ =	shalt  }
0x47: {  	_ =	shalt  }
0x48: {  	_ =	shalt  }
0x49: {  	_ =	shalt  }
0x4a: {  	_ =	shalt  }
0x4b: {  	_ =	shalt  }
0x4c: {  	_ =	shalt  }
0x4d: {  	_ =	shalt  }
0x4e: {  	_ =	shalt  }
0x4f: {  	_ =	shalt  }
0x50: {  	_ =	shalt  }
0x51: {  	_ =	shalt  }
0x52: {  	_ =	shalt  }
0x53: {  	_ =	shalt  }
0x54: {  	_ =	shalt  }
0x55: {  	_ =	shalt  }
0x56: {  	_ =	shalt  }
0x57: {  	_ =	shalt  }
0x58: {  	_ =	shalt  }
0x59: {  	_ =	shalt  }
0x5a: {  	_ =	shalt  }
0x5b: {  	_ =	shalt  }
0x5c: {  	_ =	shalt  }
0x5d: {  	_ =	shalt  }
0x5e: {  	_ =	shalt  }
0x5f: {  	_ =	shalt  }
0x60: {  	_ =	shalt  }
0x61: {  	_ =	shalt  }
0x62: {  	_ =	shalt  }
0x63: {  	_ =	shalt  }
0x64: {  	_ =	shalt  }
0x65: {  	_ =	shalt  }
0x66: {  	_ =	shalt  }
0x67: {  	_ =	shalt  }
0x68: {  	_ =	shalt  }
0x69: {  	_ =	shalt  }
0x6a: {  	_ =	shalt  }
0x6b: {  	_ =	shalt  }
0x6c: {  	_ =	shalt  }
0x6d: {  	_ =	shalt  }
0x6e: {  	_ =	shalt  }
0x6f: {  	_ =	shalt  }
0x70: {  	_ =	shalt  }
0x71: {  	_ =	shalt  }
0x72: {  	_ =	shalt  }
0x73: {  	_ =	shalt  }
0x74: {  	_ =	shalt  }
0x75: {  	_ =	shalt  }
0x76: {  	_ =	shalt  }
0x77: {  	_ =	shalt  }
0x78: {  	_ =	shalt  }
0x79: {  	_ =	shalt  }
0x7a: {  	_ =	shalt  }
0x7b: {  	_ =	shalt  }
0x7c: {  	_ =	shalt  }
0x7d: {  	_ =	shalt  }
0x7e: {  	_ =	shalt  }
0x7f: {  	_ =	shalt  }
0x80: {  	_ =	shalt  }
0x81: {  	_ =	shalt  }
0x82: {  	_ =	shalt  }
0x83: {  	_ =	shalt  }
0x84: {  	_ =	shalt  }
0x85: {  	_ =	shalt  }
0x86: {  	_ =	shalt  }
0x87: {  	_ =	shalt  }
.Lfunc_end0:
.L_simem_size_0:
called_computation.1_lowered:
.L_overlay_start_0:
0x88: {  	s2 =	sld [smem:$0x3FD9]  }
0x89: {  	s3 =	sld [smem:$0x3FFE];
	_ =	sdelay $0x1  }
0x8a: {  	s1 =	srdreg.scid  }
0x8b: {  	s0 =	sand.u32 $0x1, s1  }
0x8c: {  	s15 =	sshll.u32 s0, $0xA;
	s2 =	sadd.s32 s3, s2  }
0x8d: {  	s2 =	sadd.s32 s2, s15  }
0x8e: {  	[smem:$0x3FB7] =	sst s2  }
0x8f: {  	_ = 	snop  }
0x90: {  	s2 =	sld [smem:$0x3FD0];
	_ =	sdelay $0x2  }
0x91: {  	s16 =	simm.s32 $0xB;
	s4 =	simm.s32 $0x10  }
0x92: {  	[smem:s4], [sflag:s16] =	dma.local [hbm:s2], $0x1  }
0x93: {  	_ =	swait.eq [sflag:s16], $0x1  }
0x94: {  	[sflag:s16] =	ssyncset.done $0x0  }
0x95: {  	[sflag:s16] =	ssyncadd.s32 $0xFFFFFFFF  }
0x96: {  	s17 =	sld [smem:$0x10];
	(tm) =	ssettm $0x1  }
0x97: {  	s18 =	sld [smem:$0x3FFB];
	_ =	sdelay $0x3  }
0x98: {  	_ =	strace s18  }
0x99: {  	s2 =	sld [smem:$0x3FFC];
	_ =	sdelay $0x3  }
0x9a: {  	_ =	strace s2  }
0x9b: {  	s2 =	sld [smem:$0x3FFD];
	_ =	sdelay $0x3  }
0x9c: {  	_ =	strace s2  }
0x9d: {  	_ =	strace $0x8FFFFFFF  }
0x9e: {  	s19 =	sld [smem:$0x3FDB];
	_ =	sdelay $0x1  }
0x9f: {  	s20 =	simm.s32 $_scs_section_size  }
0xa0: {  	s5 =	simm.s32 $_size__tile_overlayer_lowered;
	s6 =	simm.s32 $_tile_overlayer_lowered  }
0xa1: {  	s7 =	simm.s32 $0x1BFF;
	s21 =	sshll.u32 s6, $0x1;
	s4 =	sadd.s32 s20, s19  }
0xa2: {  	s22 =	simm.s32 $0x0;
	s5 =	sshll.u32 s5, $0x1;
	s6 =	sadd.s32 s21, s4  }
0xa3: {  	[timem:s22], [sflag:s7] =	dma.local [hbm:s6], s5  }
0xa4: {  	_ =	swait.ge [sflag:s7], s5  }
0xa5: {  	s5 =	ssub.s32 $0x0, s5;
	[sflag:s7] =	ssyncset.done $0x0  }
0xa6: {  	[sflag:s7] =	ssyncadd.s32 s5;
	_ =	sdelay $0x1  }
0xa7: {  	s23 =	simm.s32 $0x1B8B  }
0xa8: {  	_ =	swait.ge [sflag:s23], $0x1  }
0xa9: {  	[sflag:s23] =	ssyncset.done $0x0  }
0xaa: {  	[sflag:s23] =	ssyncadd.s32 $0xFFFFFFFF  }
0xab: {  	s5 =	sld [smem:$0x0]  }
0xac: {  	s6 =	sand.u32 $0xFFFFFFFE, s1  }
0xad: {  	p0 =	sne.s32 s1, s6  }
0xae: {  	s6 =	sshll.u32 @p0 s6, $0xE  }
0xaf: {  	s6 =	sadd.s32 @p0 $0x11B8D, s6;
	s7 =	sshll.u32 @p0 s5, $0x11  }
0xb0: {  	s6 =	sor.u32 @p0 s7, s6  }
0xb1: {  	[sflag:s6] =	ssyncadd.remote.s32 @p0 $0x1;
	_ =	sdelay $0x1  }
0xb2: {  	s6 =	simm.s32 @p0 $0x1B8D  }
0xb3: {  	_ =	swait.eq @p0 [sflag:s6], $0x1  }
0xb4: {  	[sflag:s6] =	ssyncadd.s32 @p0 $0xFFFFFFFF  }
0xb5: {  	s7 =	sshll.u32 @!p0 s1, $0xE  }
0xb6: {  	s7 =	sor.u32 @!p0 $0x4000, s7;
	s6 =	simm.s32 @!p0 $0x1B8D  }
0xb7: {  	s5 =	sshll.u32 @!p0 s5, $0x11;
	s7 =	sadd.s32 @!p0 $0x11B8D, s7;
	_ =	swait.eq @!p0 [sflag:s6], $0x1  }
0xb8: {  	s5 =	sor.u32 @!p0 s5, s7;
	[sflag:s6] =	ssyncadd.s32 @!p0 $0xFFFFFFFF  }
0xb9: {  	s25 =	simm.s32 $0x1B8E;
	s24 =	sld [smem:$0x3FFE];
	[sflag:s5] =	ssyncadd.remote.s32 @!p0 $0x1  }
0xba: {  	s26 =	simm.s32 $execute0_lowered;
	[smem:$0x3FD2] =	sst s25  }
0xbb: {  	s6 =	sshll.u32 s26, $0x1;
	_ =	strace $0x80000049;
	[dreg:$0x1] =	wrdreg $0xFFFFFFFF  }
0xbc: {  	s28 =	simm.s32 $_size_execute0_lowered;
	s4 =	sadd.s32 s4, s6;
	[dreg:$0x0] =	wrdreg $0x0  }
0xbd: {  	s6 =	sshll.u32 s28, $0x1;
	[dreg:$0x2] =	wrdreg s4  }
0xbe: {  	[dreg:$0x3] =	wrdreg s6  }
0xbf: {  	[dreg:$0x4] =	wrdreg $0xC0  }
0xc0: {  	_ =	task [dreg:s22], $0x5FFFF  }
0xc1: {  	[dreg:$0x1] =	wrdreg $0xFFFFFFFF  }
0xc2: {  	[dreg:$0x0] =	wrdreg $0x60  }
0xc3: {  	[dreg:$0x2] =	wrdreg s24  }
0xc4: {  	[dreg:$0x3] =	wrdreg s17  }
0xc5: {  	[dreg:$0x4] =	wrdreg $0xA  }
0xc6: {  	_ =	task.clear_ibuf [dreg:s22], $0x5FFFF;
	_ =	strace $0x90000049  }
0xc7: {  	s29 =	simm.s32 $0xA;
	_ =	strace $0x8000004B  }
0xc8: {  	_ =	swait.ge [sflag:s29], $0x1  }
0xc9: {  	[sflag:s29] =	ssyncadd.s32 $0xFFFFFFFF  }
0xca: {  	_ =	strace $0x9000004B  }
0xcb: {  	_ =	sfence  }
0xcc: {  	s30 =	sld [smem:$0x0];
	_ =	sdelay $0x2  }
0xcd: {  	s31 =	sshll.u32 s1, $0xD;
	s1 =	sshrl.u32 s1, $0x2  }
0xce: {  	s4 =	sand.u32 $0x4000, s31;
	s1 =	sadd.s32 s1, s30  }
0xcf: {  	s0 =	sor.u32 s4, s0;
	s1 =	sshll.u32 s1, $0x11  }
0xd0: {  	s0 =	sor.u32 s1, s0  }
0xd1: {  	s0 =	sadd.s32 $0x8F2B, s0  }
0xd2: {  	[sflag:s0] =	ssyncadd.remote.s32 $0x1  }
0xd3: {  	_ =	sfence.sel $0xFFFF  }
0xd4: {  	[dreg:$0x0] =	wrdreg $0xFFFFFFFF;
	(pc) =	sbr.abs _section_cstart, $3  }
0xd5: {  	[dreg:$0x1] =	wrdreg $0xFFFFFFFF  }
0xd6: {  	_ =	task.clear_ibuf [dreg:s22], $0x2FFFF;
	_ =	strace $0x9FFFFFFF  }
0xd7: {  	(tm) =	ssettm $0x7FFFFFFF  }
tec
execute0_lowered:
.L_overlay_start_1:
0x0: {  	(tag) =	ssettag $0x1  }
0x1: {  	s0 =	rddreg [dreg:$0x0]  }
0x2: {  	s2 =	rddreg [dreg:$0x1];
	s3 =	simm.s32 $0x0;
	s1 =	srdreg.scid  }
0x3: {  	s4 =	stileid.u32;
	s28 =	simm.s32 $0x1E480;
	s29 =	simm.s32 $0x1EB80  }
0x4: {  	s30 =	simm.s32 $0x1;
	s1 =	sand.u32 $0x1, s1;
	s4 =	sshll.u32 s4, $0x1  }
0x5: {  	s31 =	simm.s32 $0x9E00;
	[smem:$0x7FF] =	sst s3;
	s5 =	sor.u32 s1, s4  }
0x6: {  	s6 =	sadd.s32 $0x2C600, s0;
	s20 =	sadd.s32 $0x9C40, s2;
	s7 =	smul.u32 $0xA000, s5  }
0x7: {  	_ =	strace $0x8000004A;
	s1 =	ssub.s32 $0x2, s1;
	s5 =	smul.u32 $0x1400, s5  }
0x8: {  	s4 =	sadd.s32 $0x54600, s0;
	s0 =	sadd.s32 $0xAE400, s0;
	[dreg:$0x7] =	wrdreg s20  }
0x9: {  	s20 =	simm.s32 $0x2780;
	s7 =	sshrl.u32 s7, $0x3;
	s16 =	sadd.s32 s6, s5  }
0xa: {  	s5 =	sadd.s32 s0, s5;
	[dreg:$0x3] =	wrdreg s16;
	s17 =	sadd.s32 $0x500, s7  }
0xb: {  	s9 =	sadd.s32 $0xA00, s7;
	[dreg:$0x8] =	wrdreg s5;
	s10 =	sadd.s32 s6, s17  }
0xc: {  	s19 =	sadd.s32 $0xF00, s7;
	s18 =	sadd.s32 s6, s9;
	[dreg:$0x4] =	wrdreg s10  }
0xd: {  	s8 =	sshrl.u32 s1, $0x1;
	s6 =	sadd.s32 s6, s19;
	[dreg:$0x5] =	wrdreg s18  }
0xe: {  	s1 =	ssub.s32 s1, s8;
	s21 =	sadd.s32 s0, s17;
	[dreg:$0x6] =	wrdreg s6  }
0xf: {  	s8 =	simm.s32 $0x0;
	s22 =	sadd.s32 s0, s9;
	[dreg:$0x9] =	wrdreg s21  }
0x10: {  	s23 =	sadd.s32 s0, s7;
	s0 =	sadd.s32 s0, s19;
	[dreg:$0xa] =	wrdreg s22  }
0x11: {  	s5 =	simm.s32 $0x11480;
	s24 =	sadd.s32 $0x28000, s23;
	[dreg:$0xb] =	wrdreg s0  }
0x12: {  	s7 =	simm.s32 $0x2;
	s25 =	sadd.s32 $0x28500, s23;
	[dreg:$0xc] =	wrdreg s24  }
0x13: {  	s26 =	sadd.s32 $0x28A00, s23;
	s17 =	sadd.s32 $0x28F00, s23;
	[dreg:$0xd] =	wrdreg s25  }
0x14: {  	s19 =	simm.s32 $0x3;
	s23 =	simm.s32 $0x16380;
	[dreg:$0xe] =	wrdreg s26  }
0x15: {  	s18 =	smax.u32 s1, $0x1;
	s21 =	simm.s32 $0x4F00;
	s22 =	simm.s32 $0x7680  }
0x16: {  	s26 =	simm.s32 $0x1DD80;
	s0 =	simm.s32 $0x13C00;
	s1 =	simm.s32 $0xC580  }
0x17: {  	v0 =	vimm.f32 $0.0e+00;
	s24 =	simm.s32 $0xED00;
	s25 =	simm.s32 $0x18B00;
	s6 =	simm.s32 $0x1B280  }
.LBB2_1:
0x18: {  	s9 =	rddreg [dreg:$0x3]  }
0x19: {  	[tilespmem:s3], [sflag:$0x3] =	stream.linear.gather [hbm4b:s9+s3], $0x2740, $0x38;
	[tilespmem:$0x1EF00] =	vst v63  }
0x1a: {  	_ =	swait.ge [sflag:s19], $0x2740  }
0x1b: {  	[sflag:s19] =	ssyncset.done $0x0  }
0x1c: {  	s14 =	rddreg [dreg:$0x4];
	[sflag:s19] =	ssyncadd.s32 $0xFFFFD8C0  }
0x1d: {  	[tilespmem:s20], [sflag:$0x3] =	stream.linear.gather [hbm4b:s14+s3], $0x2740, $0x38;
	[tilespmem:$0x1EF00] =	vst v63  }
0x1e: {  	_ =	swait.ge [sflag:s19], $0x2740  }
0x1f: {  	[sflag:s19] =	ssyncset.done $0x0  }
0x20: {  	s15 =	rddreg [dreg:$0x5];
	[sflag:s19] =	ssyncadd.s32 $0xFFFFD8C0  }
0x21: {  	[tilespmem:s21], [sflag:$0x3] =	stream.linear.gather [hbm4b:s15+s3], $0x2740, $0x38;
	[tilespmem:$0x1EF00] =	vst v63  }
0x22: {  	_ =	swait.ge [sflag:s19], $0x2740  }
0x23: {  	[sflag:s19] =	ssyncset.done $0x0  }
0x24: {  	s16 =	rddreg [dreg:$0x6];
	[sflag:s19] =	ssyncadd.s32 $0xFFFFD8C0  }
0x25: {  	[tilespmem:s22], [sflag:$0x3] =	stream.linear.gather [hbm4b:s16+s3], $0x2740, $0x38;
	[tilespmem:$0x1EF00] =	vst v63  }
0x26: {  	_ =	swait.ge [sflag:s19], $0x2740  }
0x27: {  	[sflag:s19] =	ssyncset.done $0x0  }
0x28: {  	s10 =	simm.s32 $0x40;
	s9 =	simm.s32 $0x0;
	[sflag:s19] =	ssyncadd.s32 $0xFFFFD8C0  }
.LBB2_2:
0x29: {  	p0 =	sne.s32 s10, $0x9CC0;
	[tilespmem:s9+$0x1B280] =	vst v0  }
0x2a: {  	[tilespmem:s9+$0x9E00] =	vst v0  }
0x2b: {  	[tilespmem:s9+$0xC580] =	vst v0  }
.Ltmp0:
0x2c: {  	[tilespmem:s9+$0xED00] =	vst v0;
	(pc) =	sbr.rel @p0 .LBB2_2-.Ltmp0, $4  }
0x2d: {  	[tilespmem:s9+$0x11480] =	vst v0  }
0x2e: {  	[tilespmem:s9+$0x13C00] =	vst v0  }
0x2f: {  	[tilespmem:s9+$0x16380] =	vst v0  }
0x30: {  	[tilespmem:s9+$0x18B00] =	vst v0;
	s9 =	sshra.s32 s10, $0x2;
	s10 =	sadd.s32 $0x40, s10  }
0x31: {  	[tilespmem:s9+$0x1B280] =	vst v0  }
0x32: {  	[tilespmem:s9+$0x9E00] =	vst v0  }
0x33: {  	[tilespmem:s9+$0xC580] =	vst v0  }
0x34: {  	[tilespmem:s9+$0xED00] =	vst v0  }
0x35: {  	[tilespmem:s9+$0x11480] =	vst v0  }
0x36: {  	[tilespmem:s9+$0x13C00] =	vst v0  }
0x37: {  	[tilespmem:s9+$0x16380] =	vst v0  }
0x38: {  	[tilespmem:s9+$0x18B00] =	vst v0;
	s9 =	simm.s32 $0x0;
	s10 =	simm.s32 $0x1DA00  }
0x39: {  	[tilespmem:s10], [sflag:$0x1] =	stream.linear.gather [hbm4b:s4+s9], $0x320, $0x38;
	[tilespmem:$0x1EF00] =	vst v63  }
0x3a: {  	s15 =	simm.s32 $0x1E100  }
0x3b: {  	[tilespmem:s15], [sflag:$0x1] =	stream.linear.gather [hbm4b:s2+s9], $0x320, $0x38;
	[tilespmem:$0x1EF00] =	vst v63  }
0x3c: {  	s16 =	rddreg [dreg:$0x7];
	s11 =	simm.s32 $0x1E800;
	s10 =	simm.s32 $0x0  }
0x3d: {  	[tilespmem:s11], [sflag:$0x1] =	stream.linear.gather [hbm4b:s16+s9], $0x320, $0x38;
	[tilespmem:$0x1EF00] =	vst v63  }
.LBB2_4:
0x3e: {  	s11 =	smul.u32 $0x640, s10;
	_ =	sdelay $0x1  }
0x3f: {  	s12 =	sshrl.u32 s11, $0x3  }
0x40: {  	s13 =	sadd.s32 $0x64, s12  }
0x41: {  	s14 =	sadd.s32 s4, s13  }
0x42: {  	[tilespmem:s26], [sflag:$0x2] =	stream.linear.gather [hbm4b:s14+s3], $0x320, $0x38;
	[tilespmem:$0x1EF00] =	vst v63  }
0x43: {  	s12 =	sadd.s32 s2, s12;
	s13 =	sadd.s32 s2, s13  }
0x44: {  	[tilespmem:s28], [sflag:$0x2] =	stream.linear.gather [hbm4b:s13+s3], $0x320, $0x38;
	[tilespmem:$0x1EF00] =	vst v63  }
0x45: {  	s12 =	sadd.s32 $0x9CA4, s12  }
0x46: {  	[tilespmem:s29], [sflag:$0x2] =	stream.linear.gather [hbm4b:s12+s3], $0x320, $0x38;
	[tilespmem:$0x1EF00] =	vst v63  }
0x47: {  	_ =	swait.ge [sflag:s30], $0x320  }
0x48: {  	[sflag:s30] =	ssyncset.done $0x0  }
0x49: {  	[sflag:s30] =	ssyncadd.s32 $0xFFFFFCE0  }
0x4a: {  	_ =	swait.ge [sflag:s30], $0x320  }
0x4b: {  	[sflag:s30] =	ssyncset.done $0x0  }
0x4c: {  	[sflag:s30] =	ssyncadd.s32 $0xFFFFFCE0  }
0x4d: {  	_ =	swait.ge [sflag:s30], $0x320  }
0x4e: {  	[sflag:s30] =	ssyncset.done $0x0  }
0x4f: {  	s16 =	simm.s32 $0x1DA40;
	[sflag:s30] =	ssyncadd.s32 $0xFFFFFCE0  }
0x50: {  	v1 =	vld [tilespmem:s16+$0x30]  }
0x51: {  	v2 =	vld [tilespmem:s16+$0xFFFFFFD0]  }
0x52: {  	v3 =	vld [tilespmem:s16+$0xFFFFFFE0]  }
0x53: {  	v25 =	vld [tilespmem:s16+$0xFFFFFFF0]  }
0x54: {  	v26 =	vld [tilespmem:s16+$0x0]  }
0x55: {  	v24 =	vld [tilespmem:s16+$0xFFFFFFC0]  }
0x56: {  	v27 =	vld [tilespmem:s16+$0x10]  }
0x57: {  	s12 =	simm.s32 $0x1E140;
	v28 =	vld [tilespmem:s16+$0x20]  }
0x58: {  	s13 =	simm.s32 $0x1E840;
	v29 =	vld [tilespmem:s12+$0x30]  }
0x59: {  	v30 =	vld [tilespmem:s13+$0x30]  }
0x5a: {  	v19 =	vld [tilespmem:s12+$0xFFFFFFC0];
	v23 =	vshrl.u32 v1, $0xE  }
0x5b: {  	v20 =	vld [tilespmem:s13+$0xFFFFFFC0]  }
0x5c: {  	v17 =	vld [tilespmem:s12+$0xFFFFFFD0]  }
0x5d: {  	v13 =	vld [tilespmem:s12+$0xFFFFFFE0]  }
0x5e: {  	v22 =	vld [tilespmem:s13+$0xFFFFFFE0]  }
0x5f: {  	v11 =	vld.idx.msk [tilespmem:v23+s9+$0x0], $0xffff  }
0x60: {  	v21 =	vld [tilespmem:s12+$0xFFFFFFF0];
	v4 =	vshrl.u32 v2, $0xE  }
0x61: {  	v18 =	vld [tilespmem:s13+$0xFFFFFFF0];
	v1 =	vand.u32 $0x3FFF, v1  }
0x62: {  	v15 =	vld [tilespmem:s13+$0x0]  }
0x63: {  	v16 =	vld [tilespmem:s13+$0x10]  }
0x64: {  	v43 =	vld [tilespmem:s13+$0x20];
	v5 =	vshrl.u32 v3, $0xE;
	v12 =	vmul.f32 v11, v29  }
0x65: {  	v6 =	vshrl.u32 v25, $0xE;
	v31 =	vld.idx.msk [tilespmem:v4+s9+$0x0], $0xffff;
	v11 =	vmul.f32 v11, v30  }
0x66: {  	v7 =	vshrl.u32 v26, $0xE;
	[tilespmem:v1+s31+$0x0] =	vst.idx.add.f32.msk $0xffff, v12  }
0x67: {  	v8 =	vshrl.u32 v24, $0xE;
	[tilespmem:v1+s0+$0x0] =	vst.idx.add.f32.msk $0xffff, v11  }
0x68: {  	v9 =	vshrl.u32 v27, $0xE;
	v11 =	vld.idx.msk [tilespmem:v23+s20+$0x0], $0xffff  }
0x69: {  	v10 =	vshrl.u32 v28, $0xE;
	v32 =	vld.idx.msk [tilespmem:v5+s9+$0x0], $0xffff  }
0x6a: {  	v33 =	vld.idx.msk [tilespmem:v6+s9+$0x0], $0xffff  }
0x6b: {  	v34 =	vld.idx.msk [tilespmem:v7+s9+$0x0], $0xffff  }
0x6c: {  	v35 =	vld.idx.msk [tilespmem:v8+s9+$0x0], $0xffff  }
0x6d: {  	v36 =	vld.idx.msk [tilespmem:v9+s9+$0x0], $0xffff;
	v14 =	vmul.f32 v11, v29  }
0x6e: {  	v40 =	vand.u32 $0x3FFF, v24;
	v37 =	vld.idx.msk [tilespmem:v10+s9+$0x0], $0xffff;
	v11 =	vmul.f32 v11, v30  }
0x6f: {  	[tilespmem:v1+s1+$0x0] =	vst.idx.add.f32.msk $0xffff, v14  }
0x70: {  	[tilespmem:v1+s23+$0x0] =	vst.idx.add.f32.msk $0xffff, v11  }
0x71: {  	v41 =	vand.u32 $0x3FFF, v3;
	v63 =	vmul.f32 v35, v19;
	v38 =	vld.idx.msk [tilespmem:v23+s21+$0x0], $0xffff  }
0x72: {  	v3 =	vmul.f32 v35, v20;
	v12 =	vld [tilespmem:s13+$0xFFFFFFD0]  }
0x73: {  	[tilespmem:v40+s31+$0x0] =	vst.idx.add.f32.msk $0xffff, v63  }
0x74: {  	[tilespmem:v40+s0+$0x0] =	vst.idx.add.f32.msk $0xffff, v3;
	v3 =	vmul.f32 v32, v13  }
0x75: {  	v45 =	vmul.f32 v32, v22;
	v48 =	vld.idx.msk [tilespmem:v8+s20+$0x0], $0xffff  }
0x76: {  	[tilespmem:v41+s31+$0x0] =	vst.idx.add.f32.msk $0xffff, v3;
	v39 =	vmul.f32 v38, v29  }
0x77: {  	[tilespmem:v41+s0+$0x0] =	vst.idx.add.f32.msk $0xffff, v45;
	v38 =	vmul.f32 v38, v30  }
0x78: {  	[tilespmem:v1+s24+$0x0] =	vst.idx.add.f32.msk $0xffff, v39  }
0x79: {  	[tilespmem:v1+s25+$0x0] =	vst.idx.add.f32.msk $0xffff, v38  }
0x7a: {  	v49 =	vmul.f32 v48, v19;
	v38 =	vand.u32 $0x3FFF, v2;
	v2 =	vld.idx.msk [tilespmem:v23+s22+$0x0], $0xffff  }
0x7b: {  	v14 =	vld [tilespmem:s12+$0x0]  }
0x7c: {  	[tilespmem:v40+s1+$0x0] =	vst.idx.add.f32.msk $0xffff, v49  }
0x7d: {  	v44 =	vmul.f32 v31, v17;
	v11 =	vld [tilespmem:s12+$0x10]  }
0x7e: {  	v31 =	vmul.f32 v31, v12;
	v23 =	vld [tilespmem:s12+$0x20]  }
0x7f: {  	v25 =	vand.u32 $0x3FFF, v25;
	[tilespmem:v38+s31+$0x0] =	vst.idx.add.f32.msk $0xffff, v44;
	v29 =	vmul.f32 v2, v29  }
0x80: {  	[tilespmem:v38+s0+$0x0] =	vst.idx.add.f32.msk $0xffff, v31;
	v3 =	vmul.f32 v2, v30;
	v2 =	vand.u32 $0x3FFF, v26;
	v26 =	vmul.f32 v48, v20  }
0x81: {  	[tilespmem:v1+s5+$0x0] =	vst.idx.add.f32.msk $0xffff, v29  }
0x82: {  	[tilespmem:v40+s23+$0x0] =	vst.idx.add.f32.msk $0xffff, v26  }
0x83: {  	v29 =	vmul.f32 v33, v21;
	[tilespmem:v1+s6+$0x0] =	vst.idx.add.f32.msk $0xffff, v3  }
0x84: {  	v1 =	vand.u32 $0x3FFF, v27;
	v27 =	vmul.f32 v33, v18;
	v56 =	vld.idx.msk [tilespmem:v8+s21+$0x0], $0xffff  }
0x85: {  	v46 =	vmul.f32 v34, v14;
	[tilespmem:v25+s31+$0x0] =	vst.idx.add.f32.msk $0xffff, v29  }
0x86: {  	v3 =	vand.u32 $0x3FFF, v28;
	v28 =	vmul.f32 v34, v15;
	[tilespmem:v25+s0+$0x0] =	vst.idx.add.f32.msk $0xffff, v27  }
0x87: {  	[tilespmem:v2+s31+$0x0] =	vst.idx.add.f32.msk $0xffff, v46  }
0x88: {  	[tilespmem:v2+s0+$0x0] =	vst.idx.add.f32.msk $0xffff, v28  }
0x89: {  	v27 =	vmul.f32 v36, v11;
	v29 =	vld.idx.msk [tilespmem:v6+s20+$0x0], $0xffff  }
0x8a: {  	v28 =	vmul.f32 v37, v23;
	v30 =	vld.idx.msk [tilespmem:v7+s20+$0x0], $0xffff  }
0x8b: {  	[tilespmem:v1+s31+$0x0] =	vst.idx.add.f32.msk $0xffff, v27  }
0x8c: {  	v47 =	vmul.f32 v36, v16;
	[tilespmem:v3+s31+$0x0] =	vst.idx.add.f32.msk $0xffff, v28  }
0x8d: {  	v27 =	vmul.f32 v37, v43;
	v28 =	vld.idx.msk [tilespmem:v5+s20+$0x0], $0xffff  }
0x8e: {  	[tilespmem:v1+s0+$0x0] =	vst.idx.add.f32.msk $0xffff, v47  }
0x8f: {  	[tilespmem:v3+s0+$0x0] =	vst.idx.add.f32.msk $0xffff, v27  }
0x90: {  	v57 =	vmul.f32 v56, v19;
	v27 =	vld.idx.msk [tilespmem:v4+s20+$0x0], $0xffff  }
0x91: {  	v31 =	vld.idx.msk [tilespmem:v9+s20+$0x0], $0xffff  }
0x92: {  	v26 =	vmul.f32 v56, v20;
	[tilespmem:v40+s24+$0x0] =	vst.idx.add.f32.msk $0xffff, v57  }
0x93: {  	v50 =	vld.idx.msk [tilespmem:v10+s20+$0x0], $0xffff  }
0x94: {  	[tilespmem:v40+s25+$0x0] =	vst.idx.add.f32.msk $0xffff, v26;
	v52 =	vmul.f32 v28, v13  }
0x95: {  	v8 =	vld.idx.msk [tilespmem:v8+s22+$0x0], $0xffff;
	v28 =	vmul.f32 v28, v22  }
0x96: {  	v51 =	vmul.f32 v27, v17;
	[tilespmem:v41+s1+$0x0] =	vst.idx.add.f32.msk $0xffff, v52  }
0x97: {  	v54 =	vmul.f32 v31, v11;
	[tilespmem:v41+s23+$0x0] =	vst.idx.add.f32.msk $0xffff, v28  }
0x98: {  	v27 =	vmul.f32 v27, v12;
	[tilespmem:v38+s1+$0x0] =	vst.idx.add.f32.msk $0xffff, v51  }
0x99: {  	v28 =	vmul.f32 v30, v14;
	[tilespmem:v1+s1+$0x0] =	vst.idx.add.f32.msk $0xffff, v54  }
0x9a: {  	v19 =	vmul.f32 v8, v19;
	[tilespmem:v38+s23+$0x0] =	vst.idx.add.f32.msk $0xffff, v27  }
0x9b: {  	v27 =	vmul.f32 v29, v21;
	[tilespmem:v2+s1+$0x0] =	vst.idx.add.f32.msk $0xffff, v28  }
0x9c: {  	v28 =	vmul.f32 v31, v16;
	[tilespmem:v40+s5+$0x0] =	vst.idx.add.f32.msk $0xffff, v19  }
0x9d: {  	[tilespmem:v25+s1+$0x0] =	vst.idx.add.f32.msk $0xffff, v27  }
0x9e: {  	v8 =	vmul.f32 v8, v20;
	[tilespmem:v1+s23+$0x0] =	vst.idx.add.f32.msk $0xffff, v28  }
0x9f: {  	v53 =	vmul.f32 v29, v18;
	v28 =	vld.idx.msk [tilespmem:v5+s21+$0x0], $0xffff  }
0xa0: {  	[tilespmem:v40+s6+$0x0] =	vst.idx.add.f32.msk $0xffff, v8  }
0xa1: {  	v27 =	vmul.f32 v30, v15;
	[tilespmem:v25+s23+$0x0] =	vst.idx.add.f32.msk $0xffff, v53  }
0xa2: {  	v31 =	vld.idx.msk [tilespmem:v9+s21+$0x0], $0xffff  }
0xa3: {  	[tilespmem:v2+s23+$0x0] =	vst.idx.add.f32.msk $0xffff, v27  }
0xa4: {  	v27 =	vmul.f32 v50, v23;
	v29 =	vld.idx.msk [tilespmem:v6+s21+$0x0], $0xffff  }
0xa5: {  	v30 =	vld.idx.msk [tilespmem:v7+s21+$0x0], $0xffff  }
0xa6: {  	v55 =	vmul.f32 v50, v43;
	[tilespmem:v3+s1+$0x0] =	vst.idx.add.f32.msk $0xffff, v27  }
0xa7: {  	v27 =	vld.idx.msk [tilespmem:v4+s21+$0x0], $0xffff  }
0xa8: {  	[tilespmem:v3+s23+$0x0] =	vst.idx.add.f32.msk $0xffff, v55;
	v60 =	vmul.f32 v28, v13  }
0xa9: {  	v28 =	vmul.f32 v28, v22;
	v58 =	vld.idx.msk [tilespmem:v10+s21+$0x0], $0xffff  }
0xaa: {  	v62 =	vmul.f32 v31, v11;
	[tilespmem:v41+s24+$0x0] =	vst.idx.add.f32.msk $0xffff, v60  }
0xab: {  	[tilespmem:v41+s25+$0x0] =	vst.idx.add.f32.msk $0xffff, v28  }
0xac: {  	v28 =	vmul.f32 v30, v14;
	[tilespmem:v1+s24+$0x0] =	vst.idx.add.f32.msk $0xffff, v62  }
0xad: {  	v59 =	vmul.f32 v27, v17;
	v5 =	vld.idx.msk [tilespmem:v5+s22+$0x0], $0xffff  }
0xae: {  	v27 =	vmul.f32 v27, v12;
	[tilespmem:v2+s24+$0x0] =	vst.idx.add.f32.msk $0xffff, v28  }
0xaf: {  	v28 =	vmul.f32 v31, v16;
	[tilespmem:v38+s24+$0x0] =	vst.idx.add.f32.msk $0xffff, v59  }
0xb0: {  	[tilespmem:v38+s25+$0x0] =	vst.idx.add.f32.msk $0xffff, v27  }
0xb1: {  	[tilespmem:v1+s25+$0x0] =	vst.idx.add.f32.msk $0xffff, v28  }
0xb2: {  	v27 =	vmul.f32 v29, v21;
	v4 =	vld.idx.msk [tilespmem:v4+s22+$0x0], $0xffff  }
0xb3: {  	v61 =	vmul.f32 v29, v18;
	v9 =	vld.idx.msk [tilespmem:v9+s22+$0x0], $0xffff  }
0xb4: {  	[tilespmem:v25+s24+$0x0] =	vst.idx.add.f32.msk $0xffff, v27;
	v27 =	vmul.f32 v30, v15  }
0xb5: {  	[tilespmem:v25+s25+$0x0] =	vst.idx.add.f32.msk $0xffff, v61  }
0xb6: {  	v8 =	vmul.f32 v5, v13;
	[tilespmem:v2+s25+$0x0] =	vst.idx.add.f32.msk $0xffff, v27  }
0xb7: {  	v6 =	vld.idx.msk [tilespmem:v6+s22+$0x0], $0xffff  }
0xb8: {  	v27 =	vmul.f32 v58, v23;
	[tilespmem:v41+s5+$0x0] =	vst.idx.add.f32.msk $0xffff, v8  }
0xb9: {  	v63 =	vmul.f32 v58, v43;
	v7 =	vld.idx.msk [tilespmem:v7+s22+$0x0], $0xffff  }
0xba: {  	[tilespmem:v3+s24+$0x0] =	vst.idx.add.f32.msk $0xffff, v27  }
0xbb: {  	v17 =	vmul.f32 v4, v17;
	[tilespmem:v3+s25+$0x0] =	vst.idx.add.f32.msk $0xffff, v63  }
0xbc: {  	v4 =	vmul.f32 v4, v12;
	v10 =	vld.idx.msk [tilespmem:v10+s22+$0x0], $0xffff  }
0xbd: {  	v5 =	vmul.f32 v5, v22;
	[tilespmem:v38+s5+$0x0] =	vst.idx.add.f32.msk $0xffff, v17  }
0xbe: {  	[tilespmem:v38+s6+$0x0] =	vst.idx.add.f32.msk $0xffff, v4;
	v4 =	vmul.f32 v6, v21  }
0xbf: {  	[tilespmem:v41+s6+$0x0] =	vst.idx.add.f32.msk $0xffff, v5;
	v6 =	vmul.f32 v6, v18  }
0xc0: {  	v12 =	vmul.f32 v9, v11;
	v5 =	vmul.f32 v7, v14;
	[tilespmem:v25+s5+$0x0] =	vst.idx.add.f32.msk $0xffff, v4  }
0xc1: {  	v29 =	vmul.f32 v9, v16;
	v13 =	vmul.f32 v7, v15;
	[tilespmem:v25+s6+$0x0] =	vst.idx.add.f32.msk $0xffff, v6  }
0xc2: {  	s15 =	simm.s32 $0x0;
	s16 =	simm.s32 $0x1DAC0;
	[tilespmem:v2+s5+$0x0] =	vst.idx.add.f32.msk $0xffff, v5;
	v11 =	vmul.f32 v10, v23;
	v4 =	vmul.f32 v10, v43  }
.LBB2_5:
0xc3: {  	v18 =	vld [tilespmem:s16+$0x30]  }
0xc4: {  	v5 =	vld [tilespmem:s16+$0xFFFFFFD0]  }
0xc5: {  	v6 =	vld [tilespmem:s16+$0xFFFFFFE0]  }
0xc6: {  	v14 =	vld [tilespmem:s16+$0xFFFFFFF0]  }
0xc7: {  	s15 =	sadd.s32 $0x8, s15;
	v15 =	vld [tilespmem:s16+$0x0]  }
0xc8: {  	p0 =	slt.u32 s15, $0x28;
	v16 =	vld [tilespmem:s16+$0x10];
	v31 =	vshrl.u32 v18, $0xE  }
0xc9: {  	v8 =	vshrl.u32 v5, $0xE;
	v7 =	vand.u32 $0x3FFF, v5;
	v17 =	vld [tilespmem:s16+$0x20]  }
0xca: {  	v19 =	vld [tilespmem:s16+$0xFFFFFFC0];
	v9 =	vshrl.u32 v6, $0xE;
	v6 =	vand.u32 $0x3FFF, v6  }
0xcb: {  	v10 =	vshrl.u32 v14, $0xE;
	v5 =	vand.u32 $0x3FFF, v14;
	[tilespmem:v2+s6+$0x0] =	vst.idx.add.f32.msk $0xffff, v13  }
0xcc: {  	s14 =	simm.s32 $0x0;
	v14 =	vshrl.u32 v15, $0xE;
	v2 =	vand.u32 $0x3FFF, v15;
	[tilespmem:v1+s5+$0x0] =	vst.idx.add.f32.msk $0xffff, v12  }
0xcd: {  	s12 =	sadd.s32 $0x80, s12;
	v15 =	vshrl.u32 v16, $0xE;
	v33 =	vand.u32 $0x3FFF, v16;
	v20 =	vld.idx.msk [tilespmem:v31+s14+$0x0], $0xffff  }
0xce: {  	s13 =	sadd.s32 $0x80, s13;
	v16 =	vshrl.u32 v17, $0xE;
	v13 =	vand.u32 $0x3FFF, v17;
	v34 =	vld [tilespmem:s12+$0x30]  }
0xcf: {  	v17 =	vshrl.u32 v19, $0xE;
	v12 =	vand.u32 $0x3FFF, v19;
	v35 =	vld [tilespmem:s13+$0x30]  }
0xd0: {  	v36 =	vand.u32 $0x3FFF, v18;
	v23 =	vld.idx.msk [tilespmem:v8+s14+$0x0], $0xffff  }
0xd1: {  	v28 =	vld.idx.msk [tilespmem:v9+s14+$0x0], $0xffff  }
0xd2: {  	v32 =	vld.idx.msk [tilespmem:v10+s14+$0x0], $0xffff  }
0xd3: {  	v37 =	vld.idx.msk [tilespmem:v14+s14+$0x0], $0xffff;
	v18 =	vmul.f32 v20, v34  }
0xd4: {  	v24 =	vld.idx.msk [tilespmem:v17+s14+$0x0], $0xffff;
	v19 =	vmul.f32 v20, v35  }
0xd5: {  	[tilespmem:v36+s31+$0x0] =	vst.idx.add.f32.msk $0xffff, v18  }
0xd6: {  	[tilespmem:v36+s0+$0x0] =	vst.idx.add.f32.msk $0xffff, v19  }
0xd7: {  	v25 =	vld.idx.msk [tilespmem:v31+s20+$0x0], $0xffff  }
0xd8: {  	v38 =	vld.idx.msk [tilespmem:v15+s14+$0x0], $0xffff  }
0xd9: {  	v39 =	vld.idx.msk [tilespmem:v16+s14+$0x0], $0xffff  }
0xda: {  	v19 =	vld [tilespmem:s12+$0xFFFFFFC0]  }
0xdb: {  	v21 =	vld [tilespmem:s13+$0xFFFFFFC0]  }
0xdc: {  	v20 =	vld [tilespmem:s12+$0xFFFFFFD0]  }
0xdd: {  	v26 =	vmul.f32 v25, v34;
	v22 =	vld [tilespmem:s13+$0xFFFFFFD0]  }
0xde: {  	v25 =	vmul.f32 v25, v35;
	v18 =	vld [tilespmem:s12+$0xFFFFFFE0]  }
0xdf: {  	v40 =	vmul.f32 v24, v19;
	[tilespmem:v36+s1+$0x0] =	vst.idx.add.f32.msk $0xffff, v26  }
0xe0: {  	v41 =	vmul.f32 v24, v21;
	[tilespmem:v36+s23+$0x0] =	vst.idx.add.f32.msk $0xffff, v25  }
0xe1: {  	v42 =	vmul.f32 v23, v20;
	v43 =	vld.idx.msk [tilespmem:v31+s21+$0x0], $0xffff  }
0xe2: {  	v44 =	vmul.f32 v23, v22;
	v23 =	vld [tilespmem:s13+$0xFFFFFFE0]  }
0xe3: {  	v45 =	vmul.f32 v28, v18;
	v24 =	vld [tilespmem:s12+$0xFFFFFFF0]  }
0xe4: {  	v26 =	vld [tilespmem:s13+$0xFFFFFFF0]  }
0xe5: {  	v25 =	vld [tilespmem:s12+$0x0]  }
0xe6: {  	v27 =	vld [tilespmem:s13+$0x0]  }
0xe7: {  	v47 =	vmul.f32 v43, v34;
	v46 =	vmul.f32 v28, v23;
	v28 =	vld [tilespmem:s12+$0x10]  }
0xe8: {  	v43 =	vmul.f32 v43, v35;
	v48 =	vmul.f32 v32, v24;
	v30 =	vld [tilespmem:s13+$0x10]  }
0xe9: {  	v49 =	vmul.f32 v32, v26;
	[tilespmem:v36+s24+$0x0] =	vst.idx.add.f32.msk $0xffff, v47  }
0xea: {  	v47 =	vmul.f32 v37, v25;
	[tilespmem:v36+s25+$0x0] =	vst.idx.add.f32.msk $0xffff, v43  }
0xeb: {  	v37 =	vmul.f32 v37, v27;
	v43 =	vld.idx.msk [tilespmem:v31+s22+$0x0], $0xffff  }
0xec: {  	v50 =	vmul.f32 v38, v28;
	v31 =	vld [tilespmem:s12+$0x20]  }
0xed: {  	v38 =	vmul.f32 v38, v30;
	v32 =	vld [tilespmem:s13+$0x20]  }
0xee: {  	[tilespmem:v12+s31+$0x0] =	vst.idx.add.f32.msk $0xffff, v40  }
0xef: {  	[tilespmem:v12+s0+$0x0] =	vst.idx.add.f32.msk $0xffff, v41  }
0xf0: {  	[tilespmem:v7+s31+$0x0] =	vst.idx.add.f32.msk $0xffff, v42  }
0xf1: {  	v34 =	vmul.f32 v43, v34;
	[tilespmem:v7+s0+$0x0] =	vst.idx.add.f32.msk $0xffff, v44;
	v40 =	vmul.f32 v39, v31  }
0xf2: {  	v35 =	vmul.f32 v43, v35;
	[tilespmem:v6+s31+$0x0] =	vst.idx.add.f32.msk $0xffff, v45;
	v39 =	vmul.f32 v39, v32  }
0xf3: {  	[tilespmem:v36+s5+$0x0] =	vst.idx.add.f32.msk $0xffff, v34  }
0xf4: {  	[tilespmem:v36+s6+$0x0] =	vst.idx.add.f32.msk $0xffff, v35  }
0xf5: {  	[tilespmem:v6+s0+$0x0] =	vst.idx.add.f32.msk $0xffff, v46  }
0xf6: {  	[tilespmem:v5+s31+$0x0] =	vst.idx.add.f32.msk $0xffff, v48  }
0xf7: {  	[tilespmem:v5+s0+$0x0] =	vst.idx.add.f32.msk $0xffff, v49  }
0xf8: {  	[tilespmem:v2+s31+$0x0] =	vst.idx.add.f32.msk $0xffff, v47  }
0xf9: {  	[tilespmem:v2+s0+$0x0] =	vst.idx.add.f32.msk $0xffff, v37  }
0xfa: {  	[tilespmem:v33+s31+$0x0] =	vst.idx.add.f32.msk $0xffff, v50  }
0xfb: {  	[tilespmem:v33+s0+$0x0] =	vst.idx.add.f32.msk $0xffff, v38  }
0xfc: {  	[tilespmem:v13+s31+$0x0] =	vst.idx.add.f32.msk $0xffff, v40  }
0xfd: {  	[tilespmem:v13+s0+$0x0] =	vst.idx.add.f32.msk $0xffff, v39  }
0xfe: {  	v34 =	vld.idx.msk [tilespmem:v17+s20+$0x0], $0xffff  }
0xff: {  	v35 =	vld.idx.msk [tilespmem:v8+s20+$0x0], $0xffff  }
0x100: {  	v36 =	vld.idx.msk [tilespmem:v9+s20+$0x0], $0xffff  }
0x101: {  	v37 =	vld.idx.msk [tilespmem:v10+s20+$0x0], $0xffff  }
0x102: {  	v38 =	vld.idx.msk [tilespmem:v14+s20+$0x0], $0xffff  }
0x103: {  	v39 =	vld.idx.msk [tilespmem:v15+s20+$0x0], $0xffff  }
0x104: {  	v40 =	vmul.f32 v34, v19;
	v34 =	vmul.f32 v34, v21;
	v41 =	vld.idx.msk [tilespmem:v16+s20+$0x0], $0xffff  }
0x105: {  	v42 =	vmul.f32 v35, v20;
	v35 =	vmul.f32 v35, v22;
	[tilespmem:v1+s6+$0x0] =	vst.idx.add.f32.msk $0xffff, v29;
	v1 =	vmov v33  }
0x106: {  	v29 =	vmul.f32 v36, v18;
	v33 =	vmul.f32 v36, v23;
	[tilespmem:v12+s1+$0x0] =	vst.idx.add.f32.msk $0xffff, v40  }
0x107: {  	v36 =	vmul.f32 v37, v26;
	[tilespmem:v12+s23+$0x0] =	vst.idx.add.f32.msk $0xffff, v34;
	v34 =	vmul.f32 v37, v24  }
0x108: {  	v37 =	vmul.f32 v38, v25;
	v38 =	vmul.f32 v38, v27;
	[tilespmem:v7+s1+$0x0] =	vst.idx.add.f32.msk $0xffff, v42  }
0x109: {  	[tilespmem:v7+s23+$0x0] =	vst.idx.add.f32.msk $0xffff, v35;
	v35 =	vmul.f32 v39, v28;
	v39 =	vmul.f32 v39, v30  }
0x10a: {  	v40 =	vmul.f32 v41, v32;
	[tilespmem:v6+s1+$0x0] =	vst.idx.add.f32.msk $0xffff, v29;
	v29 =	vmul.f32 v41, v31  }
0x10b: {  	[tilespmem:v6+s23+$0x0] =	vst.idx.add.f32.msk $0xffff, v33  }
0x10c: {  	[tilespmem:v5+s1+$0x0] =	vst.idx.add.f32.msk $0xffff, v34  }
0x10d: {  	[tilespmem:v5+s23+$0x0] =	vst.idx.add.f32.msk $0xffff, v36  }
0x10e: {  	[tilespmem:v2+s1+$0x0] =	vst.idx.add.f32.msk $0xffff, v37  }
0x10f: {  	[tilespmem:v2+s23+$0x0] =	vst.idx.add.f32.msk $0xffff, v38  }
0x110: {  	[tilespmem:v1+s1+$0x0] =	vst.idx.add.f32.msk $0xffff, v35  }
0x111: {  	[tilespmem:v1+s23+$0x0] =	vst.idx.add.f32.msk $0xffff, v39  }
0x112: {  	[tilespmem:v13+s1+$0x0] =	vst.idx.add.f32.msk $0xffff, v29  }
0x113: {  	[tilespmem:v13+s23+$0x0] =	vst.idx.add.f32.msk $0xffff, v40  }
0x114: {  	v29 =	vld.idx.msk [tilespmem:v17+s21+$0x0], $0xffff  }
0x115: {  	v33 =	vld.idx.msk [tilespmem:v8+s21+$0x0], $0xffff  }
0x116: {  	v34 =	vld.idx.msk [tilespmem:v9+s21+$0x0], $0xffff  }
0x117: {  	v35 =	vld.idx.msk [tilespmem:v10+s21+$0x0], $0xffff  }
0x118: {  	v36 =	vld.idx.msk [tilespmem:v14+s21+$0x0], $0xffff  }
0x119: {  	v37 =	vld.idx.msk [tilespmem:v15+s21+$0x0], $0xffff  }
0x11a: {  	v38 =	vmul.f32 v29, v19;
	v29 =	vmul.f32 v29, v21;
	v39 =	vld.idx.msk [tilespmem:v16+s21+$0x0], $0xffff  }
0x11b: {  	v40 =	vmul.f32 v33, v20;
	v33 =	vmul.f32 v33, v22;
	[tilespmem:v3+s5+$0x0] =	vst.idx.add.f32.msk $0xffff, v11  }
0x11c: {  	v11 =	vmul.f32 v34, v18;
	v34 =	vmul.f32 v34, v23;
	[tilespmem:v12+s24+$0x0] =	vst.idx.add.f32.msk $0xffff, v38  }
0x11d: {  	[tilespmem:v12+s25+$0x0] =	vst.idx.add.f32.msk $0xffff, v29;
	v29 =	vmul.f32 v35, v24;
	v35 =	vmul.f32 v35, v26  }
0x11e: {  	v38 =	vmul.f32 v36, v25;
	v36 =	vmul.f32 v36, v27;
	[tilespmem:v7+s24+$0x0] =	vst.idx.add.f32.msk $0xffff, v40  }
0x11f: {  	[tilespmem:v7+s25+$0x0] =	vst.idx.add.f32.msk $0xffff, v33;
	v33 =	vmul.f32 v37, v28;
	v37 =	vmul.f32 v37, v30  }
0x120: {  	[tilespmem:v6+s24+$0x0] =	vst.idx.add.f32.msk $0xffff, v11;
	v11 =	vmul.f32 v39, v31;
	v39 =	vmul.f32 v39, v32  }
0x121: {  	[tilespmem:v6+s25+$0x0] =	vst.idx.add.f32.msk $0xffff, v34  }
0x122: {  	[tilespmem:v5+s24+$0x0] =	vst.idx.add.f32.msk $0xffff, v29  }
0x123: {  	[tilespmem:v5+s25+$0x0] =	vst.idx.add.f32.msk $0xffff, v35  }
0x124: {  	[tilespmem:v2+s24+$0x0] =	vst.idx.add.f32.msk $0xffff, v38  }
0x125: {  	[tilespmem:v2+s25+$0x0] =	vst.idx.add.f32.msk $0xffff, v36  }
0x126: {  	[tilespmem:v1+s24+$0x0] =	vst.idx.add.f32.msk $0xffff, v33  }
0x127: {  	[tilespmem:v1+s25+$0x0] =	vst.idx.add.f32.msk $0xffff, v37  }
0x128: {  	[tilespmem:v13+s24+$0x0] =	vst.idx.add.f32.msk $0xffff, v11  }
0x129: {  	[tilespmem:v13+s25+$0x0] =	vst.idx.add.f32.msk $0xffff, v39  }
0x12a: {  	v11 =	vld.idx.msk [tilespmem:v17+s22+$0x0], $0xffff  }
0x12b: {  	v8 =	vld.idx.msk [tilespmem:v8+s22+$0x0], $0xffff  }
0x12c: {  	v9 =	vld.idx.msk [tilespmem:v9+s22+$0x0], $0xffff  }
0x12d: {  	v10 =	vld.idx.msk [tilespmem:v10+s22+$0x0], $0xffff  }
0x12e: {  	v14 =	vld.idx.msk [tilespmem:v14+s22+$0x0], $0xffff  }
0x12f: {  	v15 =	vld.idx.msk [tilespmem:v15+s22+$0x0], $0xffff  }
0x130: {  	v17 =	vmul.f32 v11, v19;
	v11 =	vmul.f32 v11, v21;
	v16 =	vld.idx.msk [tilespmem:v16+s22+$0x0], $0xffff  }
0x131: {  	v19 =	vmul.f32 v8, v20;
	v8 =	vmul.f32 v8, v22;
	[tilespmem:v3+s6+$0x0] =	vst.idx.add.f32.msk $0xffff, v4;
	v3 =	vmov v13  }
0x132: {  	v4 =	vmul.f32 v9, v18;
	v9 =	vmul.f32 v9, v23;
	[tilespmem:v12+s5+$0x0] =	vst.idx.add.f32.msk $0xffff, v17  }
0x133: {  	v17 =	vmul.f32 v10, v24;
	v10 =	vmul.f32 v10, v26;
	[tilespmem:v12+s6+$0x0] =	vst.idx.add.f32.msk $0xffff, v11  }
0x134: {  	v18 =	vmul.f32 v14, v25;
	v13 =	vmul.f32 v14, v27;
	[tilespmem:v7+s5+$0x0] =	vst.idx.add.f32.msk $0xffff, v19  }
0x135: {  	v12 =	vmul.f32 v15, v28;
	v29 =	vmul.f32 v15, v30;
	[tilespmem:v7+s6+$0x0] =	vst.idx.add.f32.msk $0xffff, v8  }
.Ltmp1:
0x136: {  	v11 =	vmul.f32 v16, v31;
	[tilespmem:v6+s5+$0x0] =	vst.idx.add.f32.msk $0xffff, v4;
	v4 =	vmul.f32 v16, v32;
	(pc) =	sbr.rel @p0 .LBB2_5-.Ltmp1, $4  }
0x137: {  	[tilespmem:v6+s6+$0x0] =	vst.idx.add.f32.msk $0xffff, v9  }
0x138: {  	[tilespmem:v5+s5+$0x0] =	vst.idx.add.f32.msk $0xffff, v17  }
0x139: {  	[tilespmem:v5+s6+$0x0] =	vst.idx.add.f32.msk $0xffff, v10  }
0x13a: {  	s16 =	sadd.s32 $0x80, s16;
	[tilespmem:v2+s5+$0x0] =	vst.idx.add.f32.msk $0xffff, v18  }
0x13b: {  	_ =	sdelay $0x3  }
0x13c: {  	[tilespmem:v2+s6+$0x0] =	vst.idx.add.f32.msk $0xffff, v13  }
0x13d: {  	[tilespmem:v1+s5+$0x0] =	vst.idx.add.f32.msk $0xffff, v12  }
0x13e: {  	[tilespmem:v3+s5+$0x0] =	vst.idx.add.f32.msk $0xffff, v11  }
0x13f: {  	[tilespmem:v1+s6+$0x0] =	vst.idx.add.f32.msk $0xffff, v29  }
0x140: {  	[tilespmem:v3+s6+$0x0] =	vst.idx.add.f32.msk $0xffff, v4  }
.LBB2_7:
0x141: {  	s12 =	sshra.s32 s14, $0x2  }
0x142: {  	v1 =	vld [tilespmem:s12+$0x1DD00];
	_ =	sdelay $0x4  }
0x143: {  	v2 =	vshrl.u32 v1, $0xE;
	_ =	sdelay $0x3  }
0x144: {  	v3 =	vld [tilespmem:s12+$0x1E400]  }
0x145: {  	v4 =	vld.idx.msk [tilespmem:v2+s3+$0x0], $0xffff  }
0x146: {  	v5 =	vld [tilespmem:s12+$0x1EB00]  }
0x147: {  	v1 =	vand.u32 $0x3FFF, v1;
	_ =	sdelay $0x2  }
0x148: {  	v6 =	vmul.f32 v4, v3  }
0x149: {  	v4 =	vmul.f32 v4, v5  }
0x14a: {  	[tilespmem:v1+s31+$0x0] =	vst.idx.add.f32.msk $0xffff, v6  }
0x14b: {  	[tilespmem:v1+s0+$0x0] =	vst.idx.add.f32.msk $0xffff, v4  }
0x14c: {  	v4 =	vld.idx.msk [tilespmem:v2+s20+$0x0], $0xffff;
	_ =	sdelay $0x4  }
0x14d: {  	v62 =	vmul.f32 v4, v3  }
0x14e: {  	v4 =	vmul.f32 v4, v5  }
0x14f: {  	[tilespmem:v1+s1+$0x0] =	vst.idx.add.f32.msk $0xffff, v62  }
0x150: {  	[tilespmem:v1+s23+$0x0] =	vst.idx.add.f32.msk $0xffff, v4  }
0x151: {  	v4 =	vld.idx.msk [tilespmem:v2+s21+$0x0], $0xffff;
	_ =	sdelay $0x4  }
0x152: {  	v63 =	vmul.f32 v4, v3  }
0x153: {  	v4 =	vmul.f32 v4, v5  }
0x154: {  	[tilespmem:v1+s24+$0x0] =	vst.idx.add.f32.msk $0xffff, v63  }
0x155: {  	[tilespmem:v1+s25+$0x0] =	vst.idx.add.f32.msk $0xffff, v4  }
0x156: {  	v2 =	vld.idx.msk [tilespmem:v2+s22+$0x0], $0xffff;
	_ =	sdelay $0x2  }
0x157: {  	p0 =	sne.s32 s14, $0x40  }
.Ltmp2:
0x158: {  	_ = 	snop;
	(pc) =	sbr.rel @p0 .LBB2_7-.Ltmp2, $4  }
0x159: {  	v3 =	vmul.f32 v2, v3  }
0x15a: {  	v2 =	vmul.f32 v2, v5  }
0x15b: {  	[tilespmem:v1+s5+$0x0] =	vst.idx.add.f32.msk $0xffff, v3  }
0x15c: {  	s14 =	sadd.s32 $0x40, s14;
	[tilespmem:v1+s6+$0x0] =	vst.idx.add.f32.msk $0xffff, v2  }
0x15d: {  	p0 =	seq.s32 s10, $0xC7  }
0x15e: {  	s11 =	sshrl.u32 @!p0 s11, $0x3  }
0x15f: {  	s12 =	sadd.s32 @!p0 $0xC8, s11  }
0x160: {  	s14 =	simm.s32 @!p0 $0x0;
	s15 =	simm.s32 @!p0 $0x1DA00;
	s13 =	sadd.s32 @!p0 s4, s12  }
0x161: {  	[tilespmem:s15], [sflag:$0x1] =	stream.linear.gather @!p0 [hbm4b:s13+s14], $0x320, $0x38;
	[tilespmem:$0x1EF00] =	vst v63  }
0x162: {  	s11 =	sadd.s32 @!p0 s2, s11;
	s12 =	sadd.s32 @!p0 s2, s12;
	s13 =	simm.s32 @!p0 $0x1E100  }
0x163: {  	[tilespmem:s13], [sflag:$0x1] =	stream.linear.gather @!p0 [hbm4b:s12+s14], $0x320, $0x38;
	[tilespmem:$0x1EF00] =	vst v63  }
0x164: {  	s11 =	sadd.s32 @!p0 $0x9D08, s11;
	s12 =	simm.s32 @!p0 $0x1E800  }
0x165: {  	[tilespmem:s12], [sflag:$0x1] =	stream.linear.gather @!p0 [hbm4b:s11+s14], $0x320, $0x38;
	[tilespmem:$0x1EF00] =	vst v63  }
0x166: {  	_ =	swait.ge [sflag:s7], $0x320  }
0x167: {  	[sflag:s7] =	ssyncset.done $0x0  }
0x168: {  	[sflag:s7] =	ssyncadd.s32 $0xFFFFFCE0  }
0x169: {  	_ =	swait.ge [sflag:s7], $0x320  }
0x16a: {  	[sflag:s7] =	ssyncset.done $0x0  }
0x16b: {  	[sflag:s7] =	ssyncadd.s32 $0xFFFFFCE0  }
0x16c: {  	_ =	swait.ge [sflag:s7], $0x320  }
0x16d: {  	[sflag:s7] =	ssyncset.done $0x0  }
0x16e: {  	s16 =	simm.s32 $0x1DDC0;
	[sflag:s7] =	ssyncadd.s32 $0xFFFFFCE0  }
0x16f: {  	v1 =	vld [tilespmem:s16+$0x30]  }
0x170: {  	v2 =	vld [tilespmem:s16+$0xFFFFFFD0]  }
0x171: {  	v3 =	vld [tilespmem:s16+$0xFFFFFFE0]  }
0x172: {  	v25 =	vld [tilespmem:s16+$0xFFFFFFF0]  }
0x173: {  	v26 =	vld [tilespmem:s16+$0x0]  }
0x174: {  	v24 =	vld [tilespmem:s16+$0xFFFFFFC0]  }
0x175: {  	v27 =	vld [tilespmem:s16+$0x10]  }
0x176: {  	s12 =	simm.s32 $0x1E4C0;
	v28 =	vld [tilespmem:s16+$0x20];
	v23 =	vshrl.u32 v1, $0xE  }
0x177: {  	s13 =	simm.s32 $0x1EBC0;
	v29 =	vld [tilespmem:s12+$0x30]  }
0x178: {  	v30 =	vld [tilespmem:s13+$0x30]  }
0x179: {  	v19 =	vld [tilespmem:s12+$0xFFFFFFC0]  }
0x17a: {  	s11 =	simm.s32 $0x0;
	v20 =	vld [tilespmem:s13+$0xFFFFFFC0]  }
0x17b: {  	v11 =	vld.idx.msk [tilespmem:v23+s11+$0x0], $0xffff  }
0x17c: {  	v17 =	vld [tilespmem:s12+$0xFFFFFFD0]  }
0x17d: {  	v12 =	vld [tilespmem:s13+$0xFFFFFFD0];
	v32 =	vand.u32 $0x3FFF, v1  }
0x17e: {  	v13 =	vld [tilespmem:s12+$0xFFFFFFE0]  }
0x17f: {  	v22 =	vld [tilespmem:s13+$0xFFFFFFE0]  }
0x180: {  	v21 =	vld [tilespmem:s12+$0xFFFFFFF0];
	v1 =	vmul.f32 v11, v29  }
0x181: {  	v18 =	vld [tilespmem:s13+$0xFFFFFFF0];
	v11 =	vmul.f32 v11, v30  }
0x182: {  	[tilespmem:v32+s31+$0x0] =	vst.idx.add.f32.msk $0xffff, v1  }
0x183: {  	[tilespmem:v32+s0+$0x0] =	vst.idx.add.f32.msk $0xffff, v11  }
0x184: {  	v4 =	vshrl.u32 v2, $0xE;
	v1 =	vld.idx.msk [tilespmem:v23+s20+$0x0], $0xffff  }
0x185: {  	v14 =	vld [tilespmem:s12+$0x0];
	v5 =	vshrl.u32 v3, $0xE  }
0x186: {  	v15 =	vld [tilespmem:s13+$0x0]  }
0x187: {  	v16 =	vld [tilespmem:s13+$0x10]  }
0x188: {  	v8 =	vshrl.u32 v24, $0xE;
	v40 =	vand.u32 $0x3FFF, v24;
	v24 =	vld [tilespmem:s13+$0x20]  }
0x189: {  	v6 =	vshrl.u32 v25, $0xE;
	v31 =	vld.idx.msk [tilespmem:v4+s11+$0x0], $0xffff;
	v11 =	vmul.f32 v1, v29  }
0x18a: {  	v7 =	vshrl.u32 v26, $0xE;
	v33 =	vld.idx.msk [tilespmem:v5+s11+$0x0], $0xffff;
	v1 =	vmul.f32 v1, v30  }
0x18b: {  	[tilespmem:v32+s1+$0x0] =	vst.idx.add.f32.msk $0xffff, v11  }
0x18c: {  	v9 =	vshrl.u32 v27, $0xE;
	[tilespmem:v32+s23+$0x0] =	vst.idx.add.f32.msk $0xffff, v1  }
0x18d: {  	v10 =	vshrl.u32 v28, $0xE;
	v1 =	vld.idx.msk [tilespmem:v23+s21+$0x0], $0xffff  }
0x18e: {  	v34 =	vld.idx.msk [tilespmem:v6+s11+$0x0], $0xffff  }
0x18f: {  	v35 =	vld.idx.msk [tilespmem:v7+s11+$0x0], $0xffff  }
0x190: {  	v36 =	vld.idx.msk [tilespmem:v8+s11+$0x0], $0xffff  }
0x191: {  	v37 =	vld.idx.msk [tilespmem:v9+s11+$0x0], $0xffff  }
0x192: {  	v38 =	vld.idx.msk [tilespmem:v10+s11+$0x0], $0xffff;
	v39 =	vmul.f32 v1, v29  }
0x193: {  	v11 =	vld [tilespmem:s12+$0x10];
	v1 =	vmul.f32 v1, v30  }
0x194: {  	[tilespmem:v32+s24+$0x0] =	vst.idx.add.f32.msk $0xffff, v39  }
0x195: {  	[tilespmem:v32+s25+$0x0] =	vst.idx.add.f32.msk $0xffff, v1  }
0x196: {  	v39 =	vand.u32 $0x3FFF, v2;
	v2 =	vmul.f32 v36, v19;
	v1 =	vld.idx.msk [tilespmem:v23+s22+$0x0], $0xffff  }
0x197: {  	v41 =	vand.u32 $0x3FFF, v3;
	v3 =	vmul.f32 v36, v20;
	v23 =	vld [tilespmem:s12+$0x20]  }
0x198: {  	[tilespmem:v40+s31+$0x0] =	vst.idx.add.f32.msk $0xffff, v2  }
0x199: {  	v61 =	vmul.f32 v31, v17;
	[tilespmem:v40+s0+$0x0] =	vst.idx.add.f32.msk $0xffff, v3  }
0x19a: {  	v3 =	vmul.f32 v33, v13;
	v36 =	vld.idx.msk [tilespmem:v8+s20+$0x0], $0xffff  }
0x19b: {  	v2 =	vmul.f32 v31, v12;
	[tilespmem:v39+s31+$0x0] =	vst.idx.add.f32.msk $0xffff, v61  }
0x19c: {  	v25 =	vand.u32 $0x3FFF, v25;
	v62 =	vmul.f32 v33, v22;
	[tilespmem:v41+s31+$0x0] =	vst.idx.add.f32.msk $0xffff, v3  }
0x19d: {  	v63 =	vmul.f32 v34, v18;
	[tilespmem:v39+s0+$0x0] =	vst.idx.add.f32.msk $0xffff, v2  }
0x19e: {  	v33 =	vmul.f32 v37, v11;
	[tilespmem:v41+s0+$0x0] =	vst.idx.add.f32.msk $0xffff, v62;
	v2 =	vmul.f32 v1, v29  }
0x19f: {  	v29 =	vmul.f32 v34, v21;
	v34 =	vmul.f32 v37, v16;
	v37 =	vld.idx.msk [tilespmem:v4+s20+$0x0], $0xffff  }
0x1a0: {  	v3 =	vmul.f32 v1, v30;
	v1 =	vand.u32 $0x3FFF, v26;
	[tilespmem:v32+s5+$0x0] =	vst.idx.add.f32.msk $0xffff, v2  }
0x1a1: {  	[tilespmem:v25+s31+$0x0] =	vst.idx.add.f32.msk $0xffff, v29  }
0x1a2: {  	v2 =	vand.u32 $0x3FFF, v27;
	[tilespmem:v32+s6+$0x0] =	vst.idx.add.f32.msk $0xffff, v3  }
0x1a3: {  	v32 =	vmul.f32 v35, v14;
	[tilespmem:v25+s0+$0x0] =	vst.idx.add.f32.msk $0xffff, v63  }
0x1a4: {  	v3 =	vand.u32 $0x3FFF, v28;
	v28 =	vmul.f32 v35, v15;
	v29 =	vld.idx.msk [tilespmem:v6+s20+$0x0], $0xffff  }
0x1a5: {  	[tilespmem:v1+s31+$0x0] =	vst.idx.add.f32.msk $0xffff, v32  }
0x1a6: {  	[tilespmem:v1+s0+$0x0] =	vst.idx.add.f32.msk $0xffff, v28  }
0x1a7: {  	v43 =	vmul.f32 v37, v17;
	[tilespmem:v2+s31+$0x0] =	vst.idx.add.f32.msk $0xffff, v33  }
0x1a8: {  	v30 =	vld.idx.msk [tilespmem:v7+s20+$0x0], $0xffff  }
0x1a9: {  	v28 =	vmul.f32 v38, v23;
	[tilespmem:v39+s1+$0x0] =	vst.idx.add.f32.msk $0xffff, v43  }
0x1aa: {  	[tilespmem:v2+s0+$0x0] =	vst.idx.add.f32.msk $0xffff, v34  }
0x1ab: {  	v35 =	vmul.f32 v38, v24;
	v38 =	vmul.f32 v36, v19;
	[tilespmem:v3+s31+$0x0] =	vst.idx.add.f32.msk $0xffff, v28  }
0x1ac: {  	v27 =	vmul.f32 v37, v12;
	v28 =	vld.idx.msk [tilespmem:v5+s20+$0x0], $0xffff  }
0x1ad: {  	[tilespmem:v40+s1+$0x0] =	vst.idx.add.f32.msk $0xffff, v38  }
0x1ae: {  	[tilespmem:v39+s23+$0x0] =	vst.idx.add.f32.msk $0xffff, v27  }
0x1af: {  	v26 =	vmul.f32 v36, v20;
	[tilespmem:v3+s0+$0x0] =	vst.idx.add.f32.msk $0xffff, v35  }
0x1b0: {  	v31 =	vld.idx.msk [tilespmem:v9+s20+$0x0], $0xffff  }
0x1b1: {  	[tilespmem:v40+s23+$0x0] =	vst.idx.add.f32.msk $0xffff, v26  }
0x1b2: {  	v52 =	vld.idx.msk [tilespmem:v4+s21+$0x0], $0xffff  }
0x1b3: {  	v45 =	vmul.f32 v29, v21;
	v42 =	vld.idx.msk [tilespmem:v10+s20+$0x0], $0xffff  }
0x1b4: {  	v46 =	vmul.f32 v29, v18;
	v51 =	vld.idx.msk [tilespmem:v8+s21+$0x0], $0xffff  }
0x1b5: {  	[tilespmem:v25+s1+$0x0] =	vst.idx.add.f32.msk $0xffff, v45  }
0x1b6: {  	[tilespmem:v25+s23+$0x0] =	vst.idx.add.f32.msk $0xffff, v46;
	v44 =	vmul.f32 v28, v13  }
0x1b7: {  	v28 =	vmul.f32 v28, v22;
	v29 =	vld.idx.msk [tilespmem:v6+s21+$0x0], $0xffff  }
0x1b8: {  	v48 =	vmul.f32 v31, v11;
	[tilespmem:v41+s1+$0x0] =	vst.idx.add.f32.msk $0xffff, v44  }
0x1b9: {  	v55 =	vmul.f32 v52, v17;
	[tilespmem:v41+s23+$0x0] =	vst.idx.add.f32.msk $0xffff, v28  }
0x1ba: {  	v49 =	vmul.f32 v42, v23;
	[tilespmem:v2+s1+$0x0] =	vst.idx.add.f32.msk $0xffff, v48  }
0x1bb: {  	v53 =	vmul.f32 v51, v19;
	[tilespmem:v39+s24+$0x0] =	vst.idx.add.f32.msk $0xffff, v55  }
0x1bc: {  	v27 =	vmul.f32 v52, v12;
	[tilespmem:v3+s1+$0x0] =	vst.idx.add.f32.msk $0xffff, v49  }
0x1bd: {  	v28 =	vmul.f32 v30, v14;
	[tilespmem:v40+s24+$0x0] =	vst.idx.add.f32.msk $0xffff, v53  }
0x1be: {  	v50 =	vmul.f32 v42, v24;
	[tilespmem:v39+s25+$0x0] =	vst.idx.add.f32.msk $0xffff, v27  }
0x1bf: {  	v26 =	vmul.f32 v51, v20;
	[tilespmem:v1+s1+$0x0] =	vst.idx.add.f32.msk $0xffff, v28  }
0x1c0: {  	[tilespmem:v3+s23+$0x0] =	vst.idx.add.f32.msk $0xffff, v50  }
0x1c1: {  	v47 =	vmul.f32 v30, v15;
	[tilespmem:v40+s25+$0x0] =	vst.idx.add.f32.msk $0xffff, v26  }
0x1c2: {  	v4 =	vld.idx.msk [tilespmem:v4+s22+$0x0], $0xffff  }
0x1c3: {  	[tilespmem:v1+s23+$0x0] =	vst.idx.add.f32.msk $0xffff, v47  }
0x1c4: {  	v28 =	vmul.f32 v31, v16;
	v54 =	vld.idx.msk [tilespmem:v10+s21+$0x0], $0xffff  }
0x1c5: {  	v8 =	vld.idx.msk [tilespmem:v8+s22+$0x0], $0xffff  }
0x1c6: {  	[tilespmem:v2+s23+$0x0] =	vst.idx.add.f32.msk $0xffff, v28  }
0x1c7: {  	v57 =	vmul.f32 v29, v21;
	v28 =	vld.idx.msk [tilespmem:v5+s21+$0x0], $0xffff  }
0x1c8: {  	v30 =	vld.idx.msk [tilespmem:v7+s21+$0x0], $0xffff  }
0x1c9: {  	v58 =	vmul.f32 v29, v18;
	[tilespmem:v25+s24+$0x0] =	vst.idx.add.f32.msk $0xffff, v57  }
0x1ca: {  	v31 =	vld.idx.msk [tilespmem:v9+s21+$0x0], $0xffff  }
0x1cb: {  	[tilespmem:v25+s25+$0x0] =	vst.idx.add.f32.msk $0xffff, v58;
	v61 =	vmul.f32 v54, v23  }
0x1cc: {  	v6 =	vld.idx.msk [tilespmem:v6+s22+$0x0], $0xffff;
	v19 =	vmul.f32 v8, v19  }
0x1cd: {  	v56 =	vmul.f32 v28, v13;
	[tilespmem:v3+s24+$0x0] =	vst.idx.add.f32.msk $0xffff, v61  }
0x1ce: {  	v62 =	vmul.f32 v54, v24;
	[tilespmem:v40+s5+$0x0] =	vst.idx.add.f32.msk $0xffff, v19  }
0x1cf: {  	v8 =	vmul.f32 v8, v20;
	[tilespmem:v41+s24+$0x0] =	vst.idx.add.f32.msk $0xffff, v56  }
0x1d0: {  	v28 =	vmul.f32 v28, v22;
	[tilespmem:v3+s25+$0x0] =	vst.idx.add.f32.msk $0xffff, v62  }
0x1d1: {  	v60 =	vmul.f32 v31, v11;
	[tilespmem:v40+s6+$0x0] =	vst.idx.add.f32.msk $0xffff, v8  }
0x1d2: {  	[tilespmem:v41+s25+$0x0] =	vst.idx.add.f32.msk $0xffff, v28  }
0x1d3: {  	[tilespmem:v2+s24+$0x0] =	vst.idx.add.f32.msk $0xffff, v60  }
0x1d4: {  	v28 =	vmul.f32 v30, v14;
	v63 =	vld.idx.msk [tilespmem:v10+s22+$0x0], $0xffff  }
0x1d5: {  	v10 =	vmul.f32 v4, v17;
	v5 =	vld.idx.msk [tilespmem:v5+s22+$0x0], $0xffff  }
0x1d6: {  	v59 =	vmul.f32 v30, v15;
	[tilespmem:v1+s24+$0x0] =	vst.idx.add.f32.msk $0xffff, v28  }
0x1d7: {  	v4 =	vmul.f32 v4, v12;
	[tilespmem:v39+s5+$0x0] =	vst.idx.add.f32.msk $0xffff, v10  }
0x1d8: {  	[tilespmem:v1+s25+$0x0] =	vst.idx.add.f32.msk $0xffff, v59  }
0x1d9: {  	v28 =	vmul.f32 v31, v16;
	[tilespmem:v39+s6+$0x0] =	vst.idx.add.f32.msk $0xffff, v4  }
0x1da: {  	v7 =	vld.idx.msk [tilespmem:v7+s22+$0x0], $0xffff  }
0x1db: {  	v4 =	vmul.f32 v6, v21;
	[tilespmem:v2+s25+$0x0] =	vst.idx.add.f32.msk $0xffff, v28  }
0x1dc: {  	v9 =	vld.idx.msk [tilespmem:v9+s22+$0x0], $0xffff;
	v8 =	vmul.f32 v5, v13  }
0x1dd: {  	[tilespmem:v25+s5+$0x0] =	vst.idx.add.f32.msk $0xffff, v4;
	v5 =	vmul.f32 v5, v22  }
0x1de: {  	v6 =	vmul.f32 v6, v18;
	[tilespmem:v41+s5+$0x0] =	vst.idx.add.f32.msk $0xffff, v8  }
0x1df: {  	v12 =	vmul.f32 v63, v23;
	[tilespmem:v41+s6+$0x0] =	vst.idx.add.f32.msk $0xffff, v5;
	v5 =	vmul.f32 v7, v14  }
0x1e0: {  	v4 =	vmul.f32 v63, v24;
	[tilespmem:v25+s6+$0x0] =	vst.idx.add.f32.msk $0xffff, v6;
	v10 =	vmul.f32 v7, v15  }
0x1e1: {  	s15 =	simm.s32 $0x1DE40;
	s14 =	simm.s32 $0x0;
	v13 =	vmul.f32 v9, v11;
	v30 =	vmul.f32 v9, v16;
	[tilespmem:v1+s5+$0x0] =	vst.idx.add.f32.msk $0xffff, v5  }
.LBB2_9:
0x1e2: {  	v18 =	vld [tilespmem:s15+$0x30]  }
0x1e3: {  	v5 =	vld [tilespmem:s15+$0xFFFFFFD0]  }
0x1e4: {  	v6 =	vld [tilespmem:s15+$0xFFFFFFE0]  }
0x1e5: {  	v14 =	vld [tilespmem:s15+$0xFFFFFFF0]  }
0x1e6: {  	s14 =	sadd.s32 $0x8, s14;
	v15 =	vld [tilespmem:s15+$0x0]  }
0x1e7: {  	p0 =	slt.u32 s14, $0x28;
	v16 =	vld [tilespmem:s15+$0x10];
	v31 =	vshrl.u32 v18, $0xE  }
0x1e8: {  	v8 =	vshrl.u32 v5, $0xE;
	v7 =	vand.u32 $0x3FFF, v5;
	v17 =	vld [tilespmem:s15+$0x20]  }
0x1e9: {  	v19 =	vld [tilespmem:s15+$0xFFFFFFC0];
	v9 =	vshrl.u32 v6, $0xE;
	v6 =	vand.u32 $0x3FFF, v6  }
0x1ea: {  	v11 =	vshrl.u32 v14, $0xE;
	v5 =	vand.u32 $0x3FFF, v14;
	[tilespmem:v1+s6+$0x0] =	vst.idx.add.f32.msk $0xffff, v10  }
0x1eb: {  	v14 =	vshrl.u32 v15, $0xE;
	v1 =	vand.u32 $0x3FFF, v15;
	[tilespmem:v2+s5+$0x0] =	vst.idx.add.f32.msk $0xffff, v13  }
0x1ec: {  	s12 =	sadd.s32 $0x80, s12;
	v15 =	vshrl.u32 v16, $0xE;
	v33 =	vand.u32 $0x3FFF, v16;
	v20 =	vld.idx.msk [tilespmem:v31+s11+$0x0], $0xffff  }
0x1ed: {  	s13 =	sadd.s32 $0x80, s13;
	v16 =	vshrl.u32 v17, $0xE;
	v13 =	vand.u32 $0x3FFF, v17;
	v34 =	vld [tilespmem:s12+$0x30]  }
0x1ee: {  	v17 =	vshrl.u32 v19, $0xE;
	v10 =	vand.u32 $0x3FFF, v19;
	v35 =	vld [tilespmem:s13+$0x30]  }
0x1ef: {  	v36 =	vand.u32 $0x3FFF, v18;
	v23 =	vld.idx.msk [tilespmem:v8+s11+$0x0], $0xffff  }
0x1f0: {  	v28 =	vld.idx.msk [tilespmem:v9+s11+$0x0], $0xffff  }
0x1f1: {  	v32 =	vld.idx.msk [tilespmem:v11+s11+$0x0], $0xffff  }
0x1f2: {  	v37 =	vld.idx.msk [tilespmem:v14+s11+$0x0], $0xffff;
	v18 =	vmul.f32 v20, v34  }
0x1f3: {  	v24 =	vld.idx.msk [tilespmem:v17+s11+$0x0], $0xffff;
	v19 =	vmul.f32 v20, v35  }
0x1f4: {  	[tilespmem:v36+s31+$0x0] =	vst.idx.add.f32.msk $0xffff, v18  }
0x1f5: {  	[tilespmem:v36+s0+$0x0] =	vst.idx.add.f32.msk $0xffff, v19  }
0x1f6: {  	v25 =	vld.idx.msk [tilespmem:v31+s20+$0x0], $0xffff  }
0x1f7: {  	v38 =	vld.idx.msk [tilespmem:v15+s11+$0x0], $0xffff  }
0x1f8: {  	v39 =	vld.idx.msk [tilespmem:v16+s11+$0x0], $0xffff  }
0x1f9: {  	v19 =	vld [tilespmem:s12+$0xFFFFFFC0]  }
0x1fa: {  	v21 =	vld [tilespmem:s13+$0xFFFFFFC0]  }
0x1fb: {  	v20 =	vld [tilespmem:s12+$0xFFFFFFD0]  }
0x1fc: {  	v26 =	vmul.f32 v25, v34;
	v22 =	vld [tilespmem:s13+$0xFFFFFFD0]  }
0x1fd: {  	v25 =	vmul.f32 v25, v35;
	v18 =	vld [tilespmem:s12+$0xFFFFFFE0]  }
0x1fe: {  	v40 =	vmul.f32 v24, v19;
	[tilespmem:v36+s1+$0x0] =	vst.idx.add.f32.msk $0xffff, v26  }
0x1ff: {  	v41 =	vmul.f32 v24, v21;
	[tilespmem:v36+s23+$0x0] =	vst.idx.add.f32.msk $0xffff, v25  }
0x200: {  	v42 =	vmul.f32 v23, v20;
	v43 =	vld.idx.msk [tilespmem:v31+s21+$0x0], $0xffff  }
0x201: {  	v44 =	vmul.f32 v23, v22;
	v23 =	vld [tilespmem:s13+$0xFFFFFFE0]  }
0x202: {  	v45 =	vmul.f32 v28, v18;
	v24 =	vld [tilespmem:s12+$0xFFFFFFF0]  }
0x203: {  	v26 =	vld [tilespmem:s13+$0xFFFFFFF0]  }
0x204: {  	v25 =	vld [tilespmem:s12+$0x0]  }
0x205: {  	v27 =	vld [tilespmem:s13+$0x0]  }
0x206: {  	v47 =	vmul.f32 v43, v34;
	v46 =	vmul.f32 v28, v23;
	v28 =	vld [tilespmem:s12+$0x10]  }
0x207: {  	v43 =	vmul.f32 v43, v35;
	v48 =	vmul.f32 v32, v24;
	v29 =	vld [tilespmem:s13+$0x10]  }
0x208: {  	v49 =	vmul.f32 v32, v26;
	[tilespmem:v36+s24+$0x0] =	vst.idx.add.f32.msk $0xffff, v47  }
0x209: {  	v47 =	vmul.f32 v37, v25;
	[tilespmem:v36+s25+$0x0] =	vst.idx.add.f32.msk $0xffff, v43  }
0x20a: {  	v37 =	vmul.f32 v37, v27;
	v43 =	vld.idx.msk [tilespmem:v31+s22+$0x0], $0xffff  }
0x20b: {  	v50 =	vmul.f32 v38, v28;
	v31 =	vld [tilespmem:s12+$0x20]  }
0x20c: {  	v38 =	vmul.f32 v38, v29;
	v32 =	vld [tilespmem:s13+$0x20]  }
0x20d: {  	[tilespmem:v10+s31+$0x0] =	vst.idx.add.f32.msk $0xffff, v40  }
0x20e: {  	[tilespmem:v10+s0+$0x0] =	vst.idx.add.f32.msk $0xffff, v41  }
0x20f: {  	[tilespmem:v7+s31+$0x0] =	vst.idx.add.f32.msk $0xffff, v42  }
0x210: {  	v34 =	vmul.f32 v43, v34;
	[tilespmem:v7+s0+$0x0] =	vst.idx.add.f32.msk $0xffff, v44;
	v40 =	vmul.f32 v39, v31  }
0x211: {  	v35 =	vmul.f32 v43, v35;
	[tilespmem:v6+s31+$0x0] =	vst.idx.add.f32.msk $0xffff, v45;
	v39 =	vmul.f32 v39, v32  }
0x212: {  	[tilespmem:v36+s5+$0x0] =	vst.idx.add.f32.msk $0xffff, v34  }
0x213: {  	[tilespmem:v36+s6+$0x0] =	vst.idx.add.f32.msk $0xffff, v35  }
0x214: {  	[tilespmem:v6+s0+$0x0] =	vst.idx.add.f32.msk $0xffff, v46  }
0x215: {  	[tilespmem:v5+s31+$0x0] =	vst.idx.add.f32.msk $0xffff, v48  }
0x216: {  	[tilespmem:v5+s0+$0x0] =	vst.idx.add.f32.msk $0xffff, v49  }
0x217: {  	[tilespmem:v1+s31+$0x0] =	vst.idx.add.f32.msk $0xffff, v47  }
0x218: {  	[tilespmem:v1+s0+$0x0] =	vst.idx.add.f32.msk $0xffff, v37  }
0x219: {  	[tilespmem:v33+s31+$0x0] =	vst.idx.add.f32.msk $0xffff, v50  }
0x21a: {  	[tilespmem:v33+s0+$0x0] =	vst.idx.add.f32.msk $0xffff, v38  }
0x21b: {  	[tilespmem:v13+s31+$0x0] =	vst.idx.add.f32.msk $0xffff, v40  }
0x21c: {  	[tilespmem:v13+s0+$0x0] =	vst.idx.add.f32.msk $0xffff, v39  }
0x21d: {  	v34 =	vld.idx.msk [tilespmem:v17+s20+$0x0], $0xffff  }
0x21e: {  	v35 =	vld.idx.msk [tilespmem:v8+s20+$0x0], $0xffff  }
0x21f: {  	v36 =	vld.idx.msk [tilespmem:v9+s20+$0x0], $0xffff  }
0x220: {  	v37 =	vld.idx.msk [tilespmem:v11+s20+$0x0], $0xffff  }
0x221: {  	v38 =	vld.idx.msk [tilespmem:v14+s20+$0x0], $0xffff  }
0x222: {  	v39 =	vld.idx.msk [tilespmem:v15+s20+$0x0], $0xffff  }
0x223: {  	v40 =	vmul.f32 v34, v19;
	v34 =	vmul.f32 v34, v21;
	v41 =	vld.idx.msk [tilespmem:v16+s20+$0x0], $0xffff  }
0x224: {  	v42 =	vmul.f32 v35, v20;
	v35 =	vmul.f32 v35, v22;
	[tilespmem:v2+s6+$0x0] =	vst.idx.add.f32.msk $0xffff, v30;
	v2 =	vmov v33  }
0x225: {  	v30 =	vmul.f32 v36, v18;
	v33 =	vmul.f32 v36, v23;
	[tilespmem:v10+s1+$0x0] =	vst.idx.add.f32.msk $0xffff, v40  }
0x226: {  	v36 =	vmul.f32 v37, v26;
	[tilespmem:v10+s23+$0x0] =	vst.idx.add.f32.msk $0xffff, v34;
	v34 =	vmul.f32 v37, v24  }
0x227: {  	v37 =	vmul.f32 v38, v25;
	v38 =	vmul.f32 v38, v27;
	[tilespmem:v7+s1+$0x0] =	vst.idx.add.f32.msk $0xffff, v42  }
0x228: {  	[tilespmem:v7+s23+$0x0] =	vst.idx.add.f32.msk $0xffff, v35;
	v35 =	vmul.f32 v39, v28;
	v39 =	vmul.f32 v39, v29  }
0x229: {  	v40 =	vmul.f32 v41, v32;
	[tilespmem:v6+s1+$0x0] =	vst.idx.add.f32.msk $0xffff, v30;
	v30 =	vmul.f32 v41, v31  }
0x22a: {  	[tilespmem:v6+s23+$0x0] =	vst.idx.add.f32.msk $0xffff, v33  }
0x22b: {  	[tilespmem:v5+s1+$0x0] =	vst.idx.add.f32.msk $0xffff, v34  }
0x22c: {  	[tilespmem:v5+s23+$0x0] =	vst.idx.add.f32.msk $0xffff, v36  }
0x22d: {  	[tilespmem:v1+s1+$0x0] =	vst.idx.add.f32.msk $0xffff, v37  }
0x22e: {  	[tilespmem:v1+s23+$0x0] =	vst.idx.add.f32.msk $0xffff, v38  }
0x22f: {  	[tilespmem:v2+s1+$0x0] =	vst.idx.add.f32.msk $0xffff, v35  }
0x230: {  	[tilespmem:v2+s23+$0x0] =	vst.idx.add.f32.msk $0xffff, v39  }
0x231: {  	[tilespmem:v13+s1+$0x0] =	vst.idx.add.f32.msk $0xffff, v30  }
0x232: {  	[tilespmem:v13+s23+$0x0] =	vst.idx.add.f32.msk $0xffff, v40  }
0x233: {  	v30 =	vld.idx.msk [tilespmem:v17+s21+$0x0], $0xffff  }
0x234: {  	v33 =	vld.idx.msk [tilespmem:v8+s21+$0x0], $0xffff  }
0x235: {  	v34 =	vld.idx.msk [tilespmem:v9+s21+$0x0], $0xffff  }
0x236: {  	v35 =	vld.idx.msk [tilespmem:v11+s21+$0x0], $0xffff  }
0x237: {  	v36 =	vld.idx.msk [tilespmem:v14+s21+$0x0], $0xffff  }
0x238: {  	v37 =	vld.idx.msk [tilespmem:v15+s21+$0x0], $0xffff  }
0x239: {  	v38 =	vmul.f32 v30, v19;
	v30 =	vmul.f32 v30, v21;
	v39 =	vld.idx.msk [tilespmem:v16+s21+$0x0], $0xffff  }
0x23a: {  	v40 =	vmul.f32 v33, v20;
	v33 =	vmul.f32 v33, v22;
	[tilespmem:v3+s5+$0x0] =	vst.idx.add.f32.msk $0xffff, v12  }
0x23b: {  	v12 =	vmul.f32 v34, v18;
	v34 =	vmul.f32 v34, v23;
	[tilespmem:v10+s24+$0x0] =	vst.idx.add.f32.msk $0xffff, v38  }
0x23c: {  	[tilespmem:v10+s25+$0x0] =	vst.idx.add.f32.msk $0xffff, v30;
	v30 =	vmul.f32 v35, v24;
	v35 =	vmul.f32 v35, v26  }
0x23d: {  	v38 =	vmul.f32 v36, v25;
	v36 =	vmul.f32 v36, v27;
	[tilespmem:v7+s24+$0x0] =	vst.idx.add.f32.msk $0xffff, v40  }
0x23e: {  	[tilespmem:v7+s25+$0x0] =	vst.idx.add.f32.msk $0xffff, v33;
	v33 =	vmul.f32 v37, v28;
	v37 =	vmul.f32 v37, v29  }
0x23f: {  	[tilespmem:v6+s24+$0x0] =	vst.idx.add.f32.msk $0xffff, v12;
	v12 =	vmul.f32 v39, v31;
	v39 =	vmul.f32 v39, v32  }
0x240: {  	[tilespmem:v6+s25+$0x0] =	vst.idx.add.f32.msk $0xffff, v34  }
0x241: {  	[tilespmem:v5+s24+$0x0] =	vst.idx.add.f32.msk $0xffff, v30  }
0x242: {  	[tilespmem:v5+s25+$0x0] =	vst.idx.add.f32.msk $0xffff, v35  }
0x243: {  	[tilespmem:v1+s24+$0x0] =	vst.idx.add.f32.msk $0xffff, v38  }
0x244: {  	[tilespmem:v1+s25+$0x0] =	vst.idx.add.f32.msk $0xffff, v36  }
0x245: {  	[tilespmem:v2+s24+$0x0] =	vst.idx.add.f32.msk $0xffff, v33  }
0x246: {  	[tilespmem:v2+s25+$0x0] =	vst.idx.add.f32.msk $0xffff, v37  }
0x247: {  	[tilespmem:v13+s24+$0x0] =	vst.idx.add.f32.msk $0xffff, v12  }
0x248: {  	[tilespmem:v13+s25+$0x0] =	vst.idx.add.f32.msk $0xffff, v39  }
0x249: {  	v12 =	vld.idx.msk [tilespmem:v17+s22+$0x0], $0xffff  }
0x24a: {  	v8 =	vld.idx.msk [tilespmem:v8+s22+$0x0], $0xffff  }
0x24b: {  	v9 =	vld.idx.msk [tilespmem:v9+s22+$0x0], $0xffff  }
0x24c: {  	v11 =	vld.idx.msk [tilespmem:v11+s22+$0x0], $0xffff  }
0x24d: {  	v14 =	vld.idx.msk [tilespmem:v14+s22+$0x0], $0xffff  }
0x24e: {  	v15 =	vld.idx.msk [tilespmem:v15+s22+$0x0], $0xffff  }
0x24f: {  	v17 =	vmul.f32 v12, v19;
	v12 =	vmul.f32 v12, v21;
	v16 =	vld.idx.msk [tilespmem:v16+s22+$0x0], $0xffff  }
0x250: {  	v19 =	vmul.f32 v8, v20;
	v8 =	vmul.f32 v8, v22;
	[tilespmem:v3+s6+$0x0] =	vst.idx.add.f32.msk $0xffff, v4;
	v3 =	vmov v13  }
0x251: {  	v4 =	vmul.f32 v9, v18;
	v9 =	vmul.f32 v9, v23;
	[tilespmem:v10+s5+$0x0] =	vst.idx.add.f32.msk $0xffff, v17  }
0x252: {  	v17 =	vmul.f32 v11, v24;
	v11 =	vmul.f32 v11, v26;
	[tilespmem:v10+s6+$0x0] =	vst.idx.add.f32.msk $0xffff, v12  }
0x253: {  	v18 =	vmul.f32 v14, v25;
	v10 =	vmul.f32 v14, v27;
	[tilespmem:v7+s5+$0x0] =	vst.idx.add.f32.msk $0xffff, v19  }
0x254: {  	v13 =	vmul.f32 v15, v28;
	v30 =	vmul.f32 v15, v29;
	[tilespmem:v7+s6+$0x0] =	vst.idx.add.f32.msk $0xffff, v8  }
.Ltmp3:
0x255: {  	v12 =	vmul.f32 v16, v31;
	[tilespmem:v6+s5+$0x0] =	vst.idx.add.f32.msk $0xffff, v4;
	v4 =	vmul.f32 v16, v32;
	(pc) =	sbr.rel @p0 .LBB2_9-.Ltmp3, $4  }
0x256: {  	[tilespmem:v6+s6+$0x0] =	vst.idx.add.f32.msk $0xffff, v9  }
0x257: {  	[tilespmem:v5+s5+$0x0] =	vst.idx.add.f32.msk $0xffff, v17  }
0x258: {  	[tilespmem:v5+s6+$0x0] =	vst.idx.add.f32.msk $0xffff, v11  }
0x259: {  	s15 =	sadd.s32 $0x80, s15;
	[tilespmem:v1+s5+$0x0] =	vst.idx.add.f32.msk $0xffff, v18  }
0x25a: {  	_ =	sdelay $0x3  }
0x25b: {  	[tilespmem:v1+s6+$0x0] =	vst.idx.add.f32.msk $0xffff, v10  }
0x25c: {  	[tilespmem:v2+s5+$0x0] =	vst.idx.add.f32.msk $0xffff, v13  }
0x25d: {  	[tilespmem:v3+s5+$0x0] =	vst.idx.add.f32.msk $0xffff, v12  }
0x25e: {  	[tilespmem:v2+s6+$0x0] =	vst.idx.add.f32.msk $0xffff, v30  }
0x25f: {  	[tilespmem:v3+s6+$0x0] =	vst.idx.add.f32.msk $0xffff, v4  }
.LBB2_11:
0x260: {  	s12 =	sshra.s32 s11, $0x2  }
0x261: {  	v1 =	vld [tilespmem:s12+$0x1E080];
	_ =	sdelay $0x4  }
0x262: {  	v2 =	vshrl.u32 v1, $0xE;
	_ =	sdelay $0x3  }
0x263: {  	v3 =	vld [tilespmem:s12+$0x1E780]  }
0x264: {  	v4 =	vld.idx.msk [tilespmem:v2+s3+$0x0], $0xffff  }
0x265: {  	v5 =	vld [tilespmem:s12+$0x1EE80]  }
0x266: {  	v1 =	vand.u32 $0x3FFF, v1;
	_ =	sdelay $0x2  }
0x267: {  	v6 =	vmul.f32 v4, v3  }
0x268: {  	v4 =	vmul.f32 v4, v5  }
0x269: {  	[tilespmem:v1+s31+$0x0] =	vst.idx.add.f32.msk $0xffff, v6  }
0x26a: {  	[tilespmem:v1+s0+$0x0] =	vst.idx.add.f32.msk $0xffff, v4  }
0x26b: {  	v4 =	vld.idx.msk [tilespmem:v2+s20+$0x0], $0xffff;
	_ =	sdelay $0x4  }
0x26c: {  	v62 =	vmul.f32 v4, v3  }
0x26d: {  	v4 =	vmul.f32 v4, v5  }
0x26e: {  	[tilespmem:v1+s1+$0x0] =	vst.idx.add.f32.msk $0xffff, v62  }
0x26f: {  	[tilespmem:v1+s23+$0x0] =	vst.idx.add.f32.msk $0xffff, v4  }
0x270: {  	v4 =	vld.idx.msk [tilespmem:v2+s21+$0x0], $0xffff;
	_ =	sdelay $0x4  }
0x271: {  	v63 =	vmul.f32 v4, v3  }
0x272: {  	v4 =	vmul.f32 v4, v5  }
0x273: {  	[tilespmem:v1+s24+$0x0] =	vst.idx.add.f32.msk $0xffff, v63  }
0x274: {  	[tilespmem:v1+s25+$0x0] =	vst.idx.add.f32.msk $0xffff, v4  }
0x275: {  	v2 =	vld.idx.msk [tilespmem:v2+s22+$0x0], $0xffff;
	_ =	sdelay $0x2  }
0x276: {  	p0 =	sne.s32 s11, $0x40  }
.Ltmp4:
0x277: {  	_ = 	snop;
	(pc) =	sbr.rel @p0 .LBB2_11-.Ltmp4, $4  }
0x278: {  	v3 =	vmul.f32 v2, v3  }
0x279: {  	v2 =	vmul.f32 v2, v5  }
0x27a: {  	[tilespmem:v1+s5+$0x0] =	vst.idx.add.f32.msk $0xffff, v3  }
0x27b: {  	s11 =	sadd.s32 $0x40, s11;
	[tilespmem:v1+s6+$0x0] =	vst.idx.add.f32.msk $0xffff, v2  }
0x27c: {  	s10 =	sadd.s32 $0x1, s10  }
0x27d: {  	p0 =	sne.s32 s10, $0xC8  }
.Ltmp5:
0x27e: {  	_ = 	snop;
	(pc) =	sbr.rel @p0 .LBB2_4-.Ltmp5, $1  }
0x27f: {  	_ =	sdelay $0x3  }
0x280: {  	s9 =	rddreg [dreg:$0x8]  }
0x281: {  	[hbm4b:s9+s3] =	stream.linear.scatter [tilespmem:s31], [sflag:$0x3], $0x2740, $0x38;
	[tilespmem:$0x1EF00] =	vst v63  }
0x282: {  	_ =	swait.ge [sflag:s19], $0x2740  }
0x283: {  	[sflag:s19] =	ssyncset.done $0x0  }
0x284: {  	s11 =	rddreg [dreg:$0x9];
	[sflag:s19] =	ssyncadd.s32 $0xFFFFD8C0  }
0x285: {  	[hbm4b:s11+s3] =	stream.linear.scatter [tilespmem:s1], [sflag:$0x3], $0x2740, $0x38;
	[tilespmem:$0x1EF00] =	vst v63  }
0x286: {  	_ =	swait.ge [sflag:s19], $0x2740  }
0x287: {  	[sflag:s19] =	ssyncset.done $0x0  }
0x288: {  	s12 =	rddreg [dreg:$0xa];
	[sflag:s19] =	ssyncadd.s32 $0xFFFFD8C0  }
0x289: {  	[hbm4b:s12+s3] =	stream.linear.scatter [tilespmem:s24], [sflag:$0x3], $0x2740, $0x38;
	[tilespmem:$0x1EF00] =	vst v63  }
0x28a: {  	_ =	swait.ge [sflag:s19], $0x2740  }
0x28b: {  	[sflag:s19] =	ssyncset.done $0x0  }
0x28c: {  	s13 =	rddreg [dreg:$0xb];
	[sflag:s19] =	ssyncadd.s32 $0xFFFFD8C0  }
0x28d: {  	[hbm4b:s13+s3] =	stream.linear.scatter [tilespmem:s5], [sflag:$0x3], $0x2740, $0x38;
	[tilespmem:$0x1EF00] =	vst v63  }
0x28e: {  	_ =	swait.ge [sflag:s19], $0x2740  }
0x28f: {  	[sflag:s19] =	ssyncset.done $0x0  }
0x290: {  	s14 =	rddreg [dreg:$0xc];
	[sflag:s19] =	ssyncadd.s32 $0xFFFFD8C0  }
0x291: {  	[hbm4b:s14+s3] =	stream.linear.scatter [tilespmem:s0], [sflag:$0x3], $0x2740, $0x38;
	[tilespmem:$0x1EF00] =	vst v63  }
0x292: {  	_ =	swait.ge [sflag:s19], $0x2740  }
0x293: {  	[sflag:s19] =	ssyncset.done $0x0  }
0x294: {  	s15 =	rddreg [dreg:$0xd];
	[sflag:s19] =	ssyncadd.s32 $0xFFFFD8C0  }
0x295: {  	[hbm4b:s15+s3] =	stream.linear.scatter [tilespmem:s23], [sflag:$0x3], $0x2740, $0x38;
	[tilespmem:$0x1EF00] =	vst v63  }
0x296: {  	_ =	swait.ge [sflag:s19], $0x2740  }
0x297: {  	[sflag:s19] =	ssyncset.done $0x0  }
0x298: {  	s16 =	rddreg [dreg:$0xe];
	[sflag:s19] =	ssyncadd.s32 $0xFFFFD8C0  }
0x299: {  	[hbm4b:s16+s3] =	stream.linear.scatter [tilespmem:s25], [sflag:$0x3], $0x2740, $0x38;
	[tilespmem:$0x1EF00] =	vst v63  }
0x29a: {  	s8 =	sadd.s32 $0x1, s8;
	_ =	swait.ge [sflag:s19], $0x2740  }
0x29b: {  	p0 =	sne.s32 s8, s18;
	[sflag:s19] =	ssyncset.done $0x0  }
.Ltmp6:
0x29c: {  	[sflag:s19] =	ssyncadd.s32 $0xFFFFD8C0;
	(pc) =	sbr.rel @p0 .LBB2_1-.Ltmp6, $4  }
0x29d: {  	[hbm4b:s17+s3] =	stream.linear.scatter [tilespmem:s6], [sflag:$0x3], $0x2740, $0x38;
	[tilespmem:$0x1EF00] =	vst v63  }
0x29e: {  	_ =	swait.ge [sflag:s19], $0x2740  }
0x29f: {  	[sflag:s19] =	ssyncset.done $0x0  }
0x2a0: {  	[sflag:s19] =	ssyncadd.s32 $0xFFFFD8C0  }
0x2a1: {  	_ =	sfence.sel $0x180000  }
0x2a2: {  	[bflag:$0x0] =	sbarrier.arrive $0xFFFF  }
0x2a3: {  	_ =	strace $0x9000004A  }
0x2a4: {  	s0 =	stileid.u32;
	[bflag:$0x2] =	sbarrier.arrive $0xFFFF  }
0x2a5: {  	p0 =	sne.s32 s0, $0x0;
	s0 =	rddreg [dreg:$0x2]  }
0x2a6: {  	s0 =	sadd.s32 @!p0 $0x100000, s0  }
0x2a7: {  	[sflag:s0] =	ssyncadd.tile.s32 @!p0 $0x1;
	_ =	shalt  }
.Lfunc_end2:
_tile_overlayer_lowered:
.L_overlay_start_2:
0x2a8: {  	(tag) =	ssettag $0x2  }
0x2a9: {  	s0 =	rddreg [dreg:$0x0];
	s2 =	stileid.u32  }
0x2aa: {  	s1 =	rddreg [dreg:$0x1];
	p0 =	sne.s32 s2, $0x0  }
0x2ab: {  	s3 =	rddreg [dreg:$0x2];
	[bflag:$0x3] =	sbarrier.arrive $0xFFFF;
	s2 =	simm.s32 @!p0 $0x1C03  }
0x2ac: {  	[timem:s3], [sflag:s2] =	dma.local @!p0 [hbm:s0], s1  }
0x2ad: {  	s0 =	simm.s32 @!p0 $0x3  }
0x2ae: {  	_ =	swait.ge @!p0 [sflag:s0], s1  }
0x2af: {  	s1 =	ssub.s32 @!p0 $0x0, s1;
	[sflag:s0] =	ssyncset.done @!p0 $0x0  }
0x2b0: {  	[sflag:s0] =	ssyncadd.s32 @!p0 s1  }
0x2b1: {  	[bflag:$0x3] =	sbarrier.arrive $0xFFFF  }
0x2b2: {  	_ =	shalt  }

// kernel: kernel.18.cloned.1.call-start
scs
__scs_entry_jumppad:
0x0: {  	(pc) =	sbr.rel $0x88, $3  }
0x1: {  	(tag) =	ssettag $0x0;
	lr =	simm.s32 $0x1  }
0x2: {  	[smem:$0x3F90] =	sst lr;
	_ =	strace $0xD0000000  }
0x3: {  	_ = 	snop  }
0x4: {  	_ = 	snop  }
0x5: {  	_ = 	snop  }
0x6: {  	_ = 	snop  }
0x7: {  	_ = 	snop  }
__scs_overlays_trampoline_lowered:
0x8: {  	[smem:$0x3F9F] =	sst s0  }
0x9: {  	[smem:$0x3FA0] =	sst s1  }
0xa: {  	[smem:$0x3FA1] =	sst s2  }
0xb: {  	[smem:$0x3FA2] =	sst s3  }
0xc: {  	[smem:$0x3FA3] =	sst s4  }
0xd: {  	[smem:$0x3FA4] =	sst s5  }
0xe: {  	[smem:$0x3FA5] =	sst s6  }
0xf: {  	[smem:$0x3FA6] =	sst s7  }
0x10: {  	[smem:$0x3FA7] =	sst s8  }
0x11: {  	[smem:$0x3FA8] =	sst s9;
	s0 =	simm.s32 @!p0 $0x0  }
0x12: {  	s1 =	sld [smem:$0x3F8E];
	s0 =	simm.s32 @p0 $0x1  }
0x13: {  	[smem:$0x3FA9] =	sst s0;
	s0 =	simm.s32 @!p1 $0x0  }
0x14: {  	s2 =	sld [smem:$0x3F8D];
	s0 =	simm.s32 @p1 $0x1  }
0x15: {  	[smem:$0x3FAA] =	sst s0;
	s0 =	simm.s32 @!p2 $0x0  }
0x16: {  	s3 =	sld [smem:$0x3FDB];
	s0 =	simm.s32 @p2 $0x1  }
0x17: {  	s4 =	simm.s32 $0x1BF5;
	[smem:$0x3FAC] =	sst s0  }
0x18: {  	s0 =	sld [smem:$0x3F8F];
	_ =	swait.ge [sflag:s4], $0x0  }
0x19: {  	s7 =	sld [smem:$0x3F90]  }
0x1a: {  	s8 =	sadd.s32 $0xFFFFE003, lr  }
0x1b: {  	s9 =	sadd.s32 $0xFFFFFEF7, lr;
	s5 =	simm.s32 $0xFFFFFFFF;
	p2 =	slt.u32 s8, $0xFFFFF086  }
0x1c: {  	p1 =	slt.u32 s9, $0xF7A;
	s5 =	simm.s32 @!p2 $0x0  }
0x1d: {  	s5 =	simm.s32 @p1 $0x1;
	p0 =	seq.s32 s7, s2  }
0x1e: {  	s7 =	smul.u32 @!p0 $0xF7A, s2;
	p2 =	seq.s32 @!p0 s5, $0x0  }
0x1f: {  	s9 =	smul.u32 $0xF7A, s1;
	s8 =	simm.s32 @!p0 $0x1BF5;
	p2 =	por !p2, p0  }
0x20: {  	[sflag:s8] =	ssyncset.s32 @!p0 $0xFFFFF086;
	s6 =	sadd.s32 @!p0 s3, s7;
	s7 =	simm.s32 @!p0 $0x108  }
0x21: {  	s3 =	sadd.s32 s3, s9;
	s6 =	sadd.s32 @!p0 $0x88, s6;
	s7 =	simm.s32 @p2 $0x1082  }
0x22: {  	[simem:s7], [sflag:s8] =	dma.local @!p0 [hbm:s6], $0xF7A  }
0x23: {  	s9 =	sor.u32 $0xD0000000, s2;
	s6 =	simm.s32 $0x108;
	_ =	swait.ge @!p0 [sflag:s8], $0x0  }
0x24: {  	s3 =	sadd.s32 $0x88, s3;
	s6 =	simm.s32 @!p1 $0x1082;
	[sflag:s4] =	ssyncset.s32 $0xFFFFF086  }
0x25: {  	[simem:s6], [sflag:s4] =	dma.local [hbm:s3], $0xF7A  }
0x26: {  	[smem:$0x3F90] =	sst s1;
	(tag) =	ssettag s2;
	_ =	strace s9  }
0x27: {  	s1 =	sld [smem:$0x3FA0]  }
0x28: {  	s2 =	sld [smem:$0x3FA1]  }
0x29: {  	s4 =	sld [smem:$0x3FA3]  }
0x2a: {  	p0 =	seq.s32 s5, $0x0;
	s5 =	sld [smem:$0x3FA4]  }
0x2b: {  	s6 =	sld [smem:$0x3FA5]  }
0x2c: {  	s7 =	sld [smem:$0x3FA6]  }
0x2d: {  	s3 =	simm.s32 $0x108;
	s8 =	sld [smem:$0x3FA7]  }
0x2e: {  	s3 =	simm.s32 @!p0 $0x1082;
	s9 =	sld [smem:$0x3FA8]  }
0x2f: {  	lr =	sadd.s32 s0, s3;
	s0 =	sld [smem:$0x3F9F]  }
0x30: {  	s3 =	sld [smem:$0x3FA2]  }
0x31: {  	[smem:$0x3FAB] =	sst s10  }
0x32: {  	s10 =	sld [smem:$0x3FA9];
	_ =	sdelay $0x3  }
0x33: {  	p0 =	seq.s32 s10, $0x1;
	s10 =	sld [smem:$0x3FAB];
	_ =	sdelay $0x3  }
0x34: {  	[smem:$0x3FAB] =	sst s10  }
0x35: {  	s10 =	sld [smem:$0x3FAA];
	_ =	sdelay $0x3  }
0x36: {  	p1 =	seq.s32 s10, $0x1;
	s10 =	sld [smem:$0x3FAB];
	_ =	sdelay $0x3  }
0x37: {  	[smem:$0x3FAB] =	sst s10  }
0x38: {  	s10 =	sld [smem:$0x3FAC]  }
0x39: {  	_ = 	snop;
	(pc) =	sbr.ind lr, $3  }
0x3a: {  	_ = 	snop  }
0x3b: {  	_ = 	snop  }
0x3c: {  	p2 =	seq.s32 s10, $0x1;
	s10 =	sld [smem:$0x3FAB]  }
0x3d: {  	_ =	shalt  }
0x3e: {  	_ =	shalt  }
0x3f: {  	_ =	shalt  }
0x40: {  	_ =	shalt  }
0x41: {  	_ =	shalt  }
0x42: {  	_ =	shalt  }
0x43: {  	_ =	shalt  }
0x44: {  	_ =	shalt  }
0x45: {  	_ =	shalt  }
0x46: {  	_ =	shalt  }
0x47: {  	_ =	shalt  }
0x48: {  	_ =	shalt  }
0x49: {  	_ =	shalt  }
0x4a: {  	_ =	shalt  }
0x4b: {  	_ =	shalt  }
0x4c: {  	_ =	shalt  }
0x4d: {  	_ =	shalt  }
0x4e: {  	_ =	shalt  }
0x4f: {  	_ =	shalt  }
0x50: {  	_ =	shalt  }
0x51: {  	_ =	shalt  }
0x52: {  	_ =	shalt  }
0x53: {  	_ =	shalt  }
0x54: {  	_ =	shalt  }
0x55: {  	_ =	shalt  }
0x56: {  	_ =	shalt  }
0x57: {  	_ =	shalt  }
0x58: {  	_ =	shalt  }
0x59: {  	_ =	shalt  }
0x5a: {  	_ =	shalt  }
0x5b: {  	_ =	shalt  }
0x5c: {  	_ =	shalt  }
0x5d: {  	_ =	shalt  }
0x5e: {  	_ =	shalt  }
0x5f: {  	_ =	shalt  }
0x60: {  	_ =	shalt  }
0x61: {  	_ =	shalt  }
0x62: {  	_ =	shalt  }
0x63: {  	_ =	shalt  }
0x64: {  	_ =	shalt  }
0x65: {  	_ =	shalt  }
0x66: {  	_ =	shalt  }
0x67: {  	_ =	shalt  }
0x68: {  	_ =	shalt  }
0x69: {  	_ =	shalt  }
0x6a: {  	_ =	shalt  }
0x6b: {  	_ =	shalt  }
0x6c: {  	_ =	shalt  }
0x6d: {  	_ =	shalt  }
0x6e: {  	_ =	shalt  }
0x6f: {  	_ =	shalt  }
0x70: {  	_ =	shalt  }
0x71: {  	_ =	shalt  }
0x72: {  	_ =	shalt  }
0x73: {  	_ =	shalt  }
0x74: {  	_ =	shalt  }
0x75: {  	_ =	shalt  }
0x76: {  	_ =	shalt  }
0x77: {  	_ =	shalt  }
0x78: {  	_ =	shalt  }
0x79: {  	_ =	shalt  }
0x7a: {  	_ =	shalt  }
0x7b: {  	_ =	shalt  }
0x7c: {  	_ =	shalt  }
0x7d: {  	_ =	shalt  }
0x7e: {  	_ =	shalt  }
0x7f: {  	_ =	shalt  }
0x80: {  	_ =	shalt  }
0x81: {  	_ =	shalt  }
0x82: {  	_ =	shalt  }
0x83: {  	_ =	shalt  }
0x84: {  	_ =	shalt  }
0x85: {  	_ =	shalt  }
0x86: {  	_ =	shalt  }
0x87: {  	_ =	shalt  }
.Lfunc_end0:
.L_simem_size_0:
called_computation.2_lowered:
.L_overlay_start_0:
0x88: {  	s2 =	sld [smem:$0x3FD9]  }
0x89: {  	s3 =	sld [smem:$0x3FFE];
	_ =	sdelay $0x1  }
0x8a: {  	s1 =	srdreg.scid  }
0x8b: {  	s0 =	sand.u32 $0x1, s1  }
0x8c: {  	s14 =	sshll.u32 s0, $0xA;
	s2 =	sadd.s32 s3, s2  }
0x8d: {  	s2 =	sadd.s32 s2, s14  }
0x8e: {  	[smem:$0x3FB7] =	sst s2  }
0x8f: {  	_ = 	snop  }
0x90: {  	s2 =	sld [smem:$0x3FD0];
	_ =	sdelay $0x2  }
0x91: {  	s15 =	simm.s32 $0xB;
	s4 =	simm.s32 $0x10  }
0x92: {  	[smem:s4], [sflag:s15] =	dma.local [hbm:s2], $0x1  }
0x93: {  	_ =	swait.eq [sflag:s15], $0x1  }
0x94: {  	[sflag:s15] =	ssyncset.done $0x0  }
0x95: {  	[sflag:s15] =	ssyncadd.s32 $0xFFFFFFFF  }
0x96: {  	s16 =	sld [smem:$0x12];
	(tm) =	ssettm $0x1  }
0x97: {  	s17 =	sld [smem:$0x3FFB];
	_ =	sdelay $0x3  }
0x98: {  	_ =	strace s17  }
0x99: {  	s3 =	sld [smem:$0x3FFC];
	_ =	sdelay $0x3  }
0x9a: {  	_ =	strace s3  }
0x9b: {  	s3 =	sld [smem:$0x3FFD];
	_ =	sdelay $0x3  }
0x9c: {  	_ =	strace s3  }
0x9d: {  	_ =	strace $0x8FFFFFFF  }
0x9e: {  	s18 =	sld [smem:$0x3FDB];
	_ =	sdelay $0x1  }
0x9f: {  	s19 =	simm.s32 $_scs_section_size  }
0xa0: {  	s5 =	simm.s32 $_size__tile_overlayer_lowered;
	s6 =	simm.s32 $_tile_overlayer_lowered  }
0xa1: {  	s22 =	simm.s32 $0x1BFF;
	s21 =	sshll.u32 s6, $0x1;
	s3 =	sadd.s32 s19, s18  }
0xa2: {  	s7 =	simm.s32 $0x0;
	s20 =	sshll.u32 s5, $0x1;
	s5 =	sadd.s32 s21, s3  }
0xa3: {  	[timem:s7], [sflag:s22] =	dma.local [hbm:s5], s20  }
0xa4: {  	_ =	swait.ge [sflag:s22], s20  }
0xa5: {  	s4 =	ssub.s32 $0x0, s20;
	[sflag:s22] =	ssyncset.done $0x0  }
0xa6: {  	[sflag:s22] =	ssyncadd.s32 s4;
	_ =	sdelay $0x1  }
0xa7: {  	s23 =	simm.s32 $0x1B8B  }
0xa8: {  	_ =	swait.ge [sflag:s23], $0x1  }
0xa9: {  	[sflag:s23] =	ssyncset.done $0x0  }
0xaa: {  	s25 =	simm.s32 $0x1B8E;
	s24 =	sld [smem:$0x3FFE];
	[sflag:s23] =	ssyncadd.s32 $0xFFFFFFFF  }
0xab: {  	s26 =	simm.s32 $execute0_lowered;
	[smem:$0x3FD2] =	sst s25  }
0xac: {  	s5 =	sshll.u32 s26, $0x1;
	_ =	strace $0x8000004C;
	[dreg:$0x1] =	wrdreg $0xFFFFFFFF  }
0xad: {  	s28 =	simm.s32 $_size_execute0_lowered;
	s3 =	sadd.s32 s3, s5;
	[dreg:$0x0] =	wrdreg $0x0  }
0xae: {  	s5 =	sshll.u32 s28, $0x1;
	[dreg:$0x2] =	wrdreg s3  }
0xaf: {  	[dreg:$0x3] =	wrdreg s5  }
0xb0: {  	[dreg:$0x4] =	wrdreg $0xC0  }
0xb1: {  	_ =	task [dreg:s7], $0x5FFFF  }
0xb2: {  	[dreg:$0x1] =	wrdreg $0xFFFFFFFF  }
0xb3: {  	[dreg:$0x0] =	wrdreg $0x60  }
0xb4: {  	[dreg:$0x2] =	wrdreg s24  }
0xb5: {  	[dreg:$0x3] =	wrdreg s16  }
0xb6: {  	[dreg:$0x4] =	wrdreg $0x9  }
0xb7: {  	_ =	task.clear_ibuf [dreg:s7], $0x5FFFF;
	_ =	strace $0x9000004C  }
0xb8: {  	s29 =	simm.s32 $0x9;
	_ =	strace $0x8000004E  }
0xb9: {  	_ =	swait.ge [sflag:s29], $0x1  }
0xba: {  	[sflag:s29] =	ssyncadd.s32 $0xFFFFFFFF  }
0xbb: {  	_ =	strace $0x9000004E  }
0xbc: {  	_ =	sfence  }
0xbd: {  	s30 =	sld [smem:$0x0];
	_ =	sdelay $0x2  }
0xbe: {  	s31 =	sshll.u32 s1, $0xD;
	s1 =	sshrl.u32 s1, $0x2  }
0xbf: {  	s3 =	sand.u32 $0x4000, s31;
	s1 =	sadd.s32 s1, s30  }
0xc0: {  	s0 =	sor.u32 s3, s0;
	s1 =	sshll.u32 s1, $0x11  }
0xc1: {  	s0 =	sor.u32 s1, s0  }
0xc2: {  	s0 =	sadd.s32 $0x8F2B, s0  }
0xc3: {  	[sflag:s0] =	ssyncadd.remote.s32 $0x1  }
0xc4: {  	_ =	sfence.sel $0xFFFF  }
0xc5: {  	[dreg:$0x0] =	wrdreg $0xFFFFFFFF;
	(pc) =	sbr.abs _section_cstart, $3  }
0xc6: {  	[dreg:$0x1] =	wrdreg $0xFFFFFFFF  }
0xc7: {  	_ =	task.clear_ibuf [dreg:s7], $0x2FFFF;
	_ =	strace $0x9FFFFFFF  }
0xc8: {  	(tm) =	ssettm $0x7FFFFFFF  }
0xc9: {  	_ =	shalt  }
tec
execute0_lowered:
.L_overlay_start_1:
0x0: {  	(tag) =	ssettag $0x1  }
0x1: {  	s0 =	rddreg [dreg:$0x0]  }
0x2: {  	s2 =	rddreg [dreg:$0x1];
	s3 =	simm.s32 $0x0;
	s1 =	srdreg.scid  }
0x3: {  	s4 =	stileid.u32;
	s17 =	simm.s32 $0x3;
	s18 =	simm.s32 $0x2780  }
0x4: {  	s19 =	simm.s32 $0x4F00;
	s20 =	simm.s32 $0x7680;
	s28 =	simm.s32 $0x16180  }
0x5: {  	s29 =	simm.s32 $0x17A80;
	s30 =	simm.s32 $0x19380;
	s31 =	simm.s32 $0x1AC80  }
0x6: {  	[smem:$0x7FF] =	sst s3;
	s1 =	sand.u32 $0x1, s1;
	s4 =	sshll.u32 s4, $0x1  }
0x7: {  	s6 =	sadd.s32 $0x2C600, s0;
	s24 =	sadd.s32 $0x9C40, s2;
	s25 =	sadd.s32 $0x13880, s2  }
0x8: {  	s26 =	sadd.s32 $0x1D4C0, s2;
	_ =	strace $0x8000004D;
	s5 =	sor.u32 s1, s4  }
0x9: {  	s1 =	ssub.s32 $0x2, s1;
	s4 =	sadd.s32 $0x54600, s0;
	[dreg:$0x7] =	wrdreg s24  }
0xa: {  	s0 =	sadd.s32 $0x5E400, s0;
	[dreg:$0x8] =	wrdreg s25;
	s7 =	smul.u32 $0x2800, s5  }
0xb: {  	[dreg:$0x9] =	wrdreg s26;
	s26 =	simm.s32 $0x14880;
	s5 =	smul.u32 $0x500, s5  }
0xc: {  	s24 =	simm.s32 $0x2;
	s25 =	simm.s32 $0x0;
	s8 =	sshrl.u32 s1, $0x1  }
0xd: {  	s1 =	ssub.s32 s1, s8;
	s7 =	sshrl.u32 s7, $0x3;
	s21 =	sadd.s32 s6, s5  }
0xe: {  	s5 =	sadd.s32 s0, s5;
	s16 =	smax.u32 s1, $0x1;
	s1 =	simm.s32 $0x9E00  }
0xf: {  	[dreg:$0x3] =	wrdreg s21;
	s22 =	sadd.s32 $0xA000, s7;
	s9 =	sadd.s32 $0x14000, s7  }
0x10: {  	s7 =	sadd.s32 $0x1E000, s7;
	[dreg:$0xa] =	wrdreg s5;
	s21 =	simm.s32 $0xC580  }
0x11: {  	s10 =	sadd.s32 s6, s22;
	s23 =	sadd.s32 s6, s9;
	s6 =	sadd.s32 s6, s7  }
0x12: {  	s13 =	sadd.s32 s0, s22;
	s14 =	sadd.s32 s0, s9;
	[dreg:$0x4] =	wrdreg s10  }
0x13: {  	s15 =	sadd.s32 s0, s7;
	s0 =	simm.s32 $0x1;
	[dreg:$0x5] =	wrdreg s23  }
0x14: {  	v0 =	vimm.f32 $0.0e+00;
	s22 =	simm.s32 $0xED00;
	[dreg:$0x6] =	wrdreg s6;
	s23 =	simm.s32 $0x11480  }
.LBB2_1:
0x15: {  	s5 =	rddreg [dreg:$0x3]  }
0x16: {  	[tilespmem:s3], [sflag:$0x3] =	stream.linear.gather [hbm4b:s5+s3], $0x2740, $0x38;
	[tilespmem:$0x1B900] =	vst v63  }
0x17: {  	_ =	swait.ge [sflag:s17], $0x2740  }
0x18: {  	[sflag:s17] =	ssyncset.done $0x0  }
0x19: {  	s10 =	rddreg [dreg:$0x4];
	[sflag:s17] =	ssyncadd.s32 $0xFFFFD8C0  }
0x1a: {  	[tilespmem:s18], [sflag:$0x3] =	stream.linear.gather [hbm4b:s10+s3], $0x2740, $0x38;
	[tilespmem:$0x1B900] =	vst v63  }
0x1b: {  	_ =	swait.ge [sflag:s17], $0x2740  }
0x1c: {  	[sflag:s17] =	ssyncset.done $0x0  }
0x1d: {  	s11 =	rddreg [dreg:$0x5];
	[sflag:s17] =	ssyncadd.s32 $0xFFFFD8C0  }
0x1e: {  	[tilespmem:s19], [sflag:$0x3] =	stream.linear.gather [hbm4b:s11+s3], $0x2740, $0x38;
	[tilespmem:$0x1B900] =	vst v63  }
0x1f: {  	_ =	swait.ge [sflag:s17], $0x2740  }
0x20: {  	[sflag:s17] =	ssyncset.done $0x0  }
0x21: {  	s12 =	rddreg [dreg:$0x6];
	[sflag:s17] =	ssyncadd.s32 $0xFFFFD8C0  }
0x22: {  	[tilespmem:s20], [sflag:$0x3] =	stream.linear.gather [hbm4b:s12+s3], $0x2740, $0x38;
	[tilespmem:$0x1B900] =	vst v63  }
0x23: {  	_ =	swait.ge [sflag:s17], $0x2740  }
0x24: {  	[sflag:s17] =	ssyncset.done $0x0  }
0x25: {  	s6 =	simm.s32 $0x40;
	s5 =	simm.s32 $0x0;
	[sflag:s17] =	ssyncadd.s32 $0xFFFFD8C0  }
.LBB2_2:
0x26: {  	p0 =	sne.s32 s6, $0x9CC0;
	[tilespmem:s5+$0x11480] =	vst v0;
	s7 =	smov.u32 s6;
	s6 =	sadd.s32 $0x40, s6  }
.Ltmp0:
0x27: {  	[tilespmem:s5+$0xED00] =	vst v0;
	(pc) =	sbr.rel @p0 .LBB2_2-.Ltmp0, $3  }
0x28: {  	[tilespmem:s5+$0x9E00] =	vst v0  }
0x29: {  	[tilespmem:s5+$0xC580] =	vst v0;
	_ =	sdelay $0x1  }
0x2a: {  	s5 =	sshra.s32 s7, $0x2  }
0x2b: {  	[tilespmem:s5+$0x11480] =	vst v0  }
0x2c: {  	[tilespmem:s5+$0xED00] =	vst v0  }
0x2d: {  	[tilespmem:s5+$0x9E00] =	vst v0  }
0x2e: {  	[tilespmem:s5+$0xC580] =	vst v0;
	s5 =	simm.s32 $0x0;
	s6 =	simm.s32 $0x13C00  }
0x2f: {  	[tilespmem:s6], [sflag:$0x1] =	stream.linear.gather [hbm4b:s4+s5], $0xC80, $0x38;
	[tilespmem:$0x1B900] =	vst v63  }
0x30: {  	s7 =	simm.s32 $0x15500  }
0x31: {  	[tilespmem:s7], [sflag:$0x1] =	stream.linear.gather [hbm4b:s2+s5], $0xC80, $0x38;
	[tilespmem:$0x1B900] =	vst v63  }
0x32: {  	s8 =	rddreg [dreg:$0x7];
	s7 =	simm.s32 $0x16E00  }
0x33: {  	[tilespmem:s7], [sflag:$0x1] =	stream.linear.gather [hbm4b:s8+s5], $0xC80, $0x38;
	[tilespmem:$0x1B900] =	vst v63  }
0x34: {  	s9 =	rddreg [dreg:$0x8];
	s10 =	simm.s32 $0x18700  }
0x35: {  	[tilespmem:s10], [sflag:$0x1] =	stream.linear.gather [hbm4b:s9+s5], $0xC80, $0x38;
	[tilespmem:$0x1B900] =	vst v63  }
0x36: {  	s11 =	rddreg [dreg:$0x9];
	s12 =	simm.s32 $0x1A000  }
0x37: {  	[tilespmem:s12], [sflag:$0x1] =	stream.linear.gather [hbm4b:s11+s5], $0xC80, $0x38;
	[tilespmem:$0x1B900] =	vst v63  }
.LBB2_4:
0x38: {  	s6 =	smul.u32 $0x1900, s5;
	_ =	sdelay $0x1  }
0x39: {  	s7 =	sshrl.u32 s6, $0x3  }
0x3a: {  	s8 =	sadd.s32 $0x190, s7  }
0x3b: {  	s9 =	sadd.s32 s4, s8  }
0x3c: {  	[tilespmem:s26], [sflag:$0x2] =	stream.linear.gather [hbm4b:s9+s3], $0xC80, $0x38;
	[tilespmem:$0x1B900] =	vst v63  }
0x3d: {  	s7 =	sadd.s32 s2, s7;
	s8 =	sadd.s32 s2, s8  }
0x3e: {  	[tilespmem:s28], [sflag:$0x2] =	stream.linear.gather [hbm4b:s8+s3], $0xC80, $0x38;
	[tilespmem:$0x1B900] =	vst v63  }
0x3f: {  	s10 =	sadd.s32 $0x9DD0, s7  }
0x40: {  	[tilespmem:s29], [sflag:$0x2] =	stream.linear.gather [hbm4b:s10+s3], $0xC80, $0x38;
	[tilespmem:$0x1B900] =	vst v63  }
0x41: {  	s11 =	sadd.s32 $0x13A10, s7  }
0x42: {  	[tilespmem:s30], [sflag:$0x2] =	stream.linear.gather [hbm4b:s11+s3], $0xC80, $0x38;
	[tilespmem:$0x1B900] =	vst v63  }
0x43: {  	s7 =	sadd.s32 $0x1D650, s7  }
0x44: {  	[tilespmem:s31], [sflag:$0x2] =	stream.linear.gather [hbm4b:s7+s3], $0xC80, $0x38;
	[tilespmem:$0x1B900] =	vst v63  }
0x45: {  	_ =	swait.ge [sflag:s0], $0xC80  }
0x46: {  	[sflag:s0] =	ssyncset.done $0x0  }
0x47: {  	[sflag:s0] =	ssyncadd.s32 $0xFFFFF380  }
0x48: {  	_ =	swait.ge [sflag:s0], $0xC80  }
0x49: {  	[sflag:s0] =	ssyncset.done $0x0  }
0x4a: {  	[sflag:s0] =	ssyncadd.s32 $0xFFFFF380  }
0x4b: {  	_ =	swait.ge [sflag:s0], $0xC80  }
0x4c: {  	[sflag:s0] =	ssyncset.done $0x0  }
0x4d: {  	[sflag:s0] =	ssyncadd.s32 $0xFFFFF380  }
0x4e: {  	_ =	swait.ge [sflag:s0], $0xC80  }
0x4f: {  	[sflag:s0] =	ssyncset.done $0x0  }
0x50: {  	[sflag:s0] =	ssyncadd.s32 $0xFFFFF380  }
0x51: {  	_ =	swait.ge [sflag:s0], $0xC80  }
0x52: {  	[sflag:s0] =	ssyncset.done $0x0  }
0x53: {  	s12 =	simm.s32 $0x13C40;
	[sflag:s0] =	ssyncadd.s32 $0xFFFFF380  }
0x54: {  	v1 =	vld [tilespmem:s12+$0x30]  }
0x55: {  	v2 =	vld [tilespmem:s12+$0xFFFFFFD0]  }
0x56: {  	v3 =	vld [tilespmem:s12+$0xFFFFFFE0]  }
0x57: {  	v4 =	vld [tilespmem:s12+$0xFFFFFFF0]  }
0x58: {  	v5 =	vld [tilespmem:s12+$0x0]  }
0x59: {  	v7 =	vld [tilespmem:s12+$0x10]  }
0x5a: {  	v9 =	vld [tilespmem:s12+$0xFFFFFFC0]  }
0x5b: {  	s7 =	simm.s32 $0x15540;
	v11 =	vld [tilespmem:s12+$0x20]  }
0x5c: {  	v16 =	vld [tilespmem:s7+$0x30]  }
0x5d: {  	v26 =	vld [tilespmem:s7+$0xFFFFFFC0]  }
0x5e: {  	v27 =	vld [tilespmem:s7+$0xFFFFFFD0]  }
0x5f: {  	v28 =	vld [tilespmem:s7+$0xFFFFFFE0];
	v6 =	vshrl.u32 v1, $0xE  }
0x60: {  	v29 =	vld [tilespmem:s7+$0xFFFFFFF0];
	v8 =	vshrl.u32 v2, $0xE  }
0x61: {  	v61 =	vld [tilespmem:s7+$0x0];
	v17 =	vshrl.u32 v9, $0xE  }
0x62: {  	v62 =	vld [tilespmem:s7+$0x10];
	v10 =	vshrl.u32 v3, $0xE  }
0x63: {  	v63 =	vld [tilespmem:s7+$0x20];
	v12 =	vshrl.u32 v4, $0xE  }
0x64: {  	v13 =	vshrl.u32 v5, $0xE;
	v14 =	vld.idx.msk [tilespmem:v6+s3+$0x0], $0xffff  }
0x65: {  	v15 =	vshrl.u32 v7, $0xE;
	v18 =	vld.idx.msk [tilespmem:v8+s3+$0x0], $0xffff  }
0x66: {  	v22 =	vshrl.u32 v11, $0xE;
	v60 =	vld.idx.msk [tilespmem:v17+s3+$0x0], $0xffff  }
0x67: {  	v20 =	vand.u32 $0x3FFF, v1;
	v19 =	vld.idx.msk [tilespmem:v10+s3+$0x0], $0xffff  }
0x68: {  	v9 =	vand.u32 $0x3FFF, v9;
	v1 =	vld.idx.msk [tilespmem:v12+s3+$0x0], $0xffff  }
0x69: {  	v3 =	vand.u32 $0x3FFF, v3;
	v21 =	vld.idx.msk [tilespmem:v13+s3+$0x0], $0xffff  }
0x6a: {  	v4 =	vand.u32 $0x3FFF, v4;
	v23 =	vld.idx.msk [tilespmem:v15+s3+$0x0], $0xffff;
	v14 =	vmul.f32 v16, v14  }
0x6b: {  	v5 =	vand.u32 $0x3FFF, v5;
	v25 =	vld.idx.msk [tilespmem:v22+s3+$0x0], $0xffff;
	v16 =	vmul.f32 v26, v60  }
0x6c: {  	v19 =	vmul.f32 v28, v19;
	[tilespmem:v20+s1+$0x0] =	vst.idx.add.f32.msk $0xffff, v14  }
0x6d: {  	v29 =	vmul.f32 v29, v1;
	[tilespmem:v9+s1+$0x0] =	vst.idx.add.f32.msk $0xffff, v16  }
0x6e: {  	v1 =	vand.u32 $0x3FFF, v7;
	v7 =	vmul.f32 v61, v21;
	[tilespmem:v3+s1+$0x0] =	vst.idx.add.f32.msk $0xffff, v19  }
0x6f: {  	[tilespmem:v4+s1+$0x0] =	vst.idx.add.f32.msk $0xffff, v29  }
0x70: {  	[tilespmem:v5+s1+$0x0] =	vst.idx.add.f32.msk $0xffff, v7  }
0x71: {  	s8 =	simm.s32 $0x16E40;
	v14 =	vld.idx.msk [tilespmem:v6+s18+$0x0], $0xffff  }
0x72: {  	v24 =	vld [tilespmem:s8+$0x30]  }
0x73: {  	v7 =	vld.idx.msk [tilespmem:v17+s18+$0x0], $0xffff  }
0x74: {  	v37 =	vld [tilespmem:s8+$0xFFFFFFC0]  }
0x75: {  	v33 =	vld.idx.msk [tilespmem:v10+s18+$0x0], $0xffff  }
0x76: {  	v34 =	vld.idx.msk [tilespmem:v13+s18+$0x0], $0xffff  }
0x77: {  	v39 =	vld [tilespmem:s8+$0xFFFFFFE0]  }
0x78: {  	v40 =	vld [tilespmem:s8+$0xFFFFFFF0];
	v14 =	vmul.f32 v24, v14  }
0x79: {  	v41 =	vld [tilespmem:s8+$0x0];
	v7 =	vmul.f32 v37, v7  }
0x7a: {  	[tilespmem:v20+s21+$0x0] =	vst.idx.add.f32.msk $0xffff, v14  }
0x7b: {  	[tilespmem:v9+s21+$0x0] =	vst.idx.add.f32.msk $0xffff, v7  }
0x7c: {  	s9 =	simm.s32 $0x18740;
	v14 =	vand.u32 $0x3FFF, v2;
	v2 =	vld.idx.msk [tilespmem:v6+s19+$0x0], $0xffff  }
0x7d: {  	v7 =	vmul.f32 v39, v33;
	v30 =	vld [tilespmem:s9+$0x30]  }
0x7e: {  	v48 =	vld [tilespmem:s9+$0xFFFFFFC0]  }
0x7f: {  	[tilespmem:v3+s21+$0x0] =	vst.idx.add.f32.msk $0xffff, v7;
	v7 =	vmul.f32 v41, v34  }
0x80: {  	v18 =	vmul.f32 v27, v18;
	v50 =	vld [tilespmem:s9+$0xFFFFFFE0]  }
0x81: {  	[tilespmem:v5+s21+$0x0] =	vst.idx.add.f32.msk $0xffff, v7  }
0x82: {  	[tilespmem:v14+s1+$0x0] =	vst.idx.add.f32.msk $0xffff, v18  }
0x83: {  	v45 =	vld.idx.msk [tilespmem:v13+s19+$0x0], $0xffff  }
0x84: {  	v52 =	vld [tilespmem:s9+$0x0];
	v30 =	vmul.f32 v30, v2  }
0x85: {  	v2 =	vand.u32 $0x3FFF, v11;
	v11 =	vmul.f32 v62, v23;
	v38 =	vld [tilespmem:s8+$0xFFFFFFD0]  }
0x86: {  	[tilespmem:v20+s22+$0x0] =	vst.idx.add.f32.msk $0xffff, v30  }
0x87: {  	[tilespmem:v1+s1+$0x0] =	vst.idx.add.f32.msk $0xffff, v11  }
0x88: {  	s10 =	simm.s32 $0x1A040;
	v6 =	vld.idx.msk [tilespmem:v6+s20+$0x0], $0xffff  }
0x89: {  	v31 =	vld [tilespmem:s10+$0x30]  }
0x8a: {  	v32 =	vmul.f32 v63, v25;
	v11 =	vld.idx.msk [tilespmem:v8+s18+$0x0], $0xffff  }
0x8b: {  	v35 =	vld.idx.msk [tilespmem:v15+s18+$0x0], $0xffff  }
0x8c: {  	[tilespmem:v2+s1+$0x0] =	vst.idx.add.f32.msk $0xffff, v32  }
0x8d: {  	v36 =	vld.idx.msk [tilespmem:v22+s18+$0x0], $0xffff  }
0x8e: {  	v43 =	vld [tilespmem:s8+$0x20];
	v6 =	vmul.f32 v31, v6  }
0x8f: {  	v42 =	vld [tilespmem:s8+$0x10]  }
0x90: {  	v11 =	vmul.f32 v38, v11;
	[tilespmem:v20+s23+$0x0] =	vst.idx.add.f32.msk $0xffff, v6  }
0x91: {  	v6 =	vld.idx.msk [tilespmem:v12+s18+$0x0], $0xffff  }
0x92: {  	[tilespmem:v14+s21+$0x0] =	vst.idx.add.f32.msk $0xffff, v11  }
0x93: {  	v11 =	vld.idx.msk [tilespmem:v10+s19+$0x0], $0xffff;
	v7 =	vmul.f32 v43, v36  }
0x94: {  	v49 =	vld [tilespmem:s9+$0xFFFFFFD0]  }
0x95: {  	[tilespmem:v2+s21+$0x0] =	vst.idx.add.f32.msk $0xffff, v7  }
0x96: {  	v7 =	vld.idx.msk [tilespmem:v8+s19+$0x0], $0xffff;
	v6 =	vmul.f32 v40, v6  }
0x97: {  	v47 =	vld.idx.msk [tilespmem:v22+s19+$0x0], $0xffff  }
0x98: {  	[tilespmem:v4+s21+$0x0] =	vst.idx.add.f32.msk $0xffff, v6  }
0x99: {  	v6 =	vmul.f32 v42, v35;
	v44 =	vld.idx.msk [tilespmem:v12+s19+$0x0], $0xffff  }
0x9a: {  	v51 =	vld [tilespmem:s9+$0xFFFFFFF0]  }
0x9b: {  	[tilespmem:v1+s21+$0x0] =	vst.idx.add.f32.msk $0xffff, v6  }
0x9c: {  	v6 =	vld.idx.msk [tilespmem:v17+s19+$0x0], $0xffff  }
0x9d: {  	v46 =	vld.idx.msk [tilespmem:v15+s19+$0x0], $0xffff  }
0x9e: {  	v7 =	vmul.f32 v49, v7;
	v53 =	vld [tilespmem:s9+$0x10]  }
0x9f: {  	v54 =	vld [tilespmem:s9+$0x20]  }
0xa0: {  	[tilespmem:v14+s22+$0x0] =	vst.idx.add.f32.msk $0xffff, v7;
	v7 =	vmul.f32 v51, v44  }
0xa1: {  	v58 =	vld [tilespmem:s10+$0xFFFFFFD0];
	v6 =	vmul.f32 v48, v6  }
0xa2: {  	[tilespmem:v4+s22+$0x0] =	vst.idx.add.f32.msk $0xffff, v7  }
0xa3: {  	v7 =	vmul.f32 v53, v46;
	[tilespmem:v9+s22+$0x0] =	vst.idx.add.f32.msk $0xffff, v6  }
0xa4: {  	v60 =	vld [tilespmem:s10+$0xFFFFFFF0]  }
0xa5: {  	[tilespmem:v1+s22+$0x0] =	vst.idx.add.f32.msk $0xffff, v7  }
0xa6: {  	v6 =	vmul.f32 v50, v11;
	v7 =	vld.idx.msk [tilespmem:v8+s20+$0x0], $0xffff  }
0xa7: {  	v57 =	vld [tilespmem:s10+$0xFFFFFFC0]  }
0xa8: {  	[tilespmem:v3+s22+$0x0] =	vst.idx.add.f32.msk $0xffff, v6  }
0xa9: {  	v6 =	vmul.f32 v52, v45;
	v55 =	vld.idx.msk [tilespmem:v15+s20+$0x0], $0xffff  }
0xaa: {  	v62 =	vld [tilespmem:s10+$0x10]  }
0xab: {  	[tilespmem:v5+s22+$0x0] =	vst.idx.add.f32.msk $0xffff, v6;
	v6 =	vmul.f32 v54, v47  }
0xac: {  	v8 =	vld.idx.msk [tilespmem:v10+s20+$0x0], $0xffff  }
0xad: {  	[tilespmem:v2+s22+$0x0] =	vst.idx.add.f32.msk $0xffff, v6  }
0xae: {  	v6 =	vld.idx.msk [tilespmem:v17+s20+$0x0], $0xffff  }
0xaf: {  	v10 =	vld.idx.msk [tilespmem:v12+s20+$0x0], $0xffff  }
0xb0: {  	v59 =	vld [tilespmem:s10+$0xFFFFFFE0]  }
0xb1: {  	v11 =	vld.idx.msk [tilespmem:v13+s20+$0x0], $0xffff  }
0xb2: {  	v61 =	vld [tilespmem:s10+$0x0]  }
0xb3: {  	v56 =	vld.idx.msk [tilespmem:v22+s20+$0x0], $0xffff;
	v6 =	vmul.f32 v57, v6  }
0xb4: {  	v7 =	vmul.f32 v58, v7;
	v63 =	vld [tilespmem:s10+$0x20]  }
0xb5: {  	[tilespmem:v9+s23+$0x0] =	vst.idx.add.f32.msk $0xffff, v6;
	v6 =	vmul.f32 v59, v8  }
0xb6: {  	[tilespmem:v14+s23+$0x0] =	vst.idx.add.f32.msk $0xffff, v7;
	v7 =	vmul.f32 v60, v10  }
0xb7: {  	[tilespmem:v3+s23+$0x0] =	vst.idx.add.f32.msk $0xffff, v6;
	v3 =	vmul.f32 v61, v11  }
0xb8: {  	[tilespmem:v4+s23+$0x0] =	vst.idx.add.f32.msk $0xffff, v7  }
0xb9: {  	s11 =	simm.s32 $0x0;
	s12 =	simm.s32 $0x13CC0;
	v7 =	vmul.f32 v63, v56;
	v11 =	vmul.f32 v62, v55;
	[tilespmem:v5+s23+$0x0] =	vst.idx.add.f32.msk $0xffff, v3  }
.LBB2_5:
0xba: {  	v15 =	vld [tilespmem:s12+$0x30];
	s11 =	sadd.s32 $0x8, s11  }
0xbb: {  	v3 =	vld [tilespmem:s12+$0xFFFFFFD0];
	p0 =	slt.u32 s11, $0xC0  }
0xbc: {  	v4 =	vld [tilespmem:s12+$0xFFFFFFE0]  }
0xbd: {  	v5 =	vld [tilespmem:s12+$0xFFFFFFF0]  }
0xbe: {  	v6 =	vld [tilespmem:s12+$0x0]  }
0xbf: {  	v13 =	vld [tilespmem:s12+$0x10];
	v16 =	vshrl.u32 v15, $0xE  }
0xc0: {  	v8 =	vshrl.u32 v3, $0xE;
	v3 =	vand.u32 $0x3FFF, v3;
	v14 =	vld [tilespmem:s12+$0x20]  }
0xc1: {  	v17 =	vld [tilespmem:s12+$0xFFFFFFC0];
	v9 =	vshrl.u32 v4, $0xE;
	v4 =	vand.u32 $0x3FFF, v4  }
0xc2: {  	v10 =	vshrl.u32 v5, $0xE;
	v5 =	vand.u32 $0x3FFF, v5;
	[tilespmem:v1+s23+$0x0] =	vst.idx.add.f32.msk $0xffff, v11  }
0xc3: {  	v11 =	vshrl.u32 v6, $0xE;
	v6 =	vand.u32 $0x3FFF, v6;
	[tilespmem:v2+s23+$0x0] =	vst.idx.add.f32.msk $0xffff, v7  }
0xc4: {  	s7 =	sadd.s32 $0x80, s7;
	v12 =	vshrl.u32 v13, $0xE;
	v1 =	vand.u32 $0x3FFF, v13;
	v18 =	vld.idx.msk [tilespmem:v16+s3+$0x0], $0xffff  }
0xc5: {  	v13 =	vshrl.u32 v14, $0xE;
	v2 =	vand.u32 $0x3FFF, v14;
	v19 =	vld [tilespmem:s7+$0x30]  }
0xc6: {  	v14 =	vshrl.u32 v17, $0xE;
	v7 =	vand.u32 $0x3FFF, v17;
	v17 =	vld.idx.msk [tilespmem:v8+s3+$0x0], $0xffff  }
0xc7: {  	v15 =	vand.u32 $0x3FFF, v15;
	v20 =	vld.idx.msk [tilespmem:v9+s3+$0x0], $0xffff  }
0xc8: {  	v21 =	vld.idx.msk [tilespmem:v10+s3+$0x0], $0xffff  }
0xc9: {  	v22 =	vld.idx.msk [tilespmem:v11+s3+$0x0], $0xffff  }
0xca: {  	v23 =	vld.idx.msk [tilespmem:v12+s3+$0x0], $0xffff;
	v18 =	vmul.f32 v19, v18  }
0xcb: {  	v19 =	vld.idx.msk [tilespmem:v14+s3+$0x0], $0xffff  }
0xcc: {  	[tilespmem:v15+s1+$0x0] =	vst.idx.add.f32.msk $0xffff, v18  }
0xcd: {  	s8 =	sadd.s32 $0x80, s8;
	v18 =	vld.idx.msk [tilespmem:v16+s18+$0x0], $0xffff  }
0xce: {  	v24 =	vld [tilespmem:s8+$0x30]  }
0xcf: {  	v25 =	vld.idx.msk [tilespmem:v13+s3+$0x0], $0xffff  }
0xd0: {  	v26 =	vld [tilespmem:s7+$0xFFFFFFC0]  }
0xd1: {  	v27 =	vld [tilespmem:s7+$0xFFFFFFD0]  }
0xd2: {  	v28 =	vld [tilespmem:s7+$0xFFFFFFE0]  }
0xd3: {  	v29 =	vld [tilespmem:s7+$0xFFFFFFF0];
	v18 =	vmul.f32 v24, v18  }
0xd4: {  	v24 =	vld [tilespmem:s7+$0x0]  }
0xd5: {  	v19 =	vmul.f32 v26, v19;
	[tilespmem:v15+s21+$0x0] =	vst.idx.add.f32.msk $0xffff, v18  }
0xd6: {  	s9 =	sadd.s32 $0x80, s9;
	v17 =	vmul.f32 v27, v17;
	v18 =	vld.idx.msk [tilespmem:v16+s19+$0x0], $0xffff  }
0xd7: {  	v20 =	vmul.f32 v28, v20;
	v26 =	vld [tilespmem:s9+$0x30]  }
0xd8: {  	v21 =	vmul.f32 v29, v21;
	v27 =	vld [tilespmem:s7+$0x10]  }
0xd9: {  	v22 =	vmul.f32 v24, v22;
	v24 =	vld [tilespmem:s7+$0x20]  }
0xda: {  	[tilespmem:v7+s1+$0x0] =	vst.idx.add.f32.msk $0xffff, v19  }
0xdb: {  	[tilespmem:v3+s1+$0x0] =	vst.idx.add.f32.msk $0xffff, v17  }
0xdc: {  	[tilespmem:v4+s1+$0x0] =	vst.idx.add.f32.msk $0xffff, v20;
	v17 =	vmul.f32 v26, v18  }
0xdd: {  	[tilespmem:v5+s1+$0x0] =	vst.idx.add.f32.msk $0xffff, v21;
	v18 =	vmul.f32 v27, v23  }
0xde: {  	v19 =	vmul.f32 v24, v25;
	[tilespmem:v15+s22+$0x0] =	vst.idx.add.f32.msk $0xffff, v17  }
0xdf: {  	s10 =	sadd.s32 $0x80, s10;
	v16 =	vld.idx.msk [tilespmem:v16+s20+$0x0], $0xffff  }
0xe0: {  	v17 =	vld [tilespmem:s10+$0x30]  }
0xe1: {  	[tilespmem:v6+s1+$0x0] =	vst.idx.add.f32.msk $0xffff, v22  }
0xe2: {  	[tilespmem:v1+s1+$0x0] =	vst.idx.add.f32.msk $0xffff, v18  }
0xe3: {  	[tilespmem:v2+s1+$0x0] =	vst.idx.add.f32.msk $0xffff, v19  }
0xe4: {  	v18 =	vld.idx.msk [tilespmem:v14+s18+$0x0], $0xffff  }
0xe5: {  	v19 =	vld.idx.msk [tilespmem:v8+s18+$0x0], $0xffff;
	v16 =	vmul.f32 v17, v16  }
0xe6: {  	v17 =	vld.idx.msk [tilespmem:v9+s18+$0x0], $0xffff  }
0xe7: {  	[tilespmem:v15+s23+$0x0] =	vst.idx.add.f32.msk $0xffff, v16  }
0xe8: {  	v15 =	vld.idx.msk [tilespmem:v10+s18+$0x0], $0xffff  }
0xe9: {  	v16 =	vld.idx.msk [tilespmem:v11+s18+$0x0], $0xffff  }
0xea: {  	v20 =	vld.idx.msk [tilespmem:v12+s18+$0x0], $0xffff  }
0xeb: {  	v21 =	vld.idx.msk [tilespmem:v13+s18+$0x0], $0xffff  }
0xec: {  	v22 =	vld [tilespmem:s8+$0xFFFFFFC0]  }
0xed: {  	v23 =	vld [tilespmem:s8+$0xFFFFFFD0]  }
0xee: {  	v24 =	vld [tilespmem:s8+$0xFFFFFFE0]  }
0xef: {  	v25 =	vld [tilespmem:s8+$0xFFFFFFF0]  }
0xf0: {  	v26 =	vld [tilespmem:s8+$0x0]  }
0xf1: {  	v18 =	vmul.f32 v22, v18;
	v22 =	vld [tilespmem:s8+$0x10]  }
0xf2: {  	v19 =	vmul.f32 v23, v19;
	v23 =	vld [tilespmem:s8+$0x20]  }
0xf3: {  	[tilespmem:v7+s21+$0x0] =	vst.idx.add.f32.msk $0xffff, v18;
	v17 =	vmul.f32 v24, v17  }
0xf4: {  	[tilespmem:v3+s21+$0x0] =	vst.idx.add.f32.msk $0xffff, v19;
	v15 =	vmul.f32 v25, v15  }
0xf5: {  	[tilespmem:v4+s21+$0x0] =	vst.idx.add.f32.msk $0xffff, v17;
	v16 =	vmul.f32 v26, v16  }
0xf6: {  	[tilespmem:v5+s21+$0x0] =	vst.idx.add.f32.msk $0xffff, v15;
	v15 =	vmul.f32 v22, v20  }
0xf7: {  	[tilespmem:v6+s21+$0x0] =	vst.idx.add.f32.msk $0xffff, v16;
	v16 =	vmul.f32 v23, v21  }
0xf8: {  	[tilespmem:v1+s21+$0x0] =	vst.idx.add.f32.msk $0xffff, v15  }
0xf9: {  	[tilespmem:v2+s21+$0x0] =	vst.idx.add.f32.msk $0xffff, v16  }
0xfa: {  	v15 =	vld.idx.msk [tilespmem:v14+s19+$0x0], $0xffff  }
0xfb: {  	v16 =	vld.idx.msk [tilespmem:v8+s19+$0x0], $0xffff  }
0xfc: {  	v17 =	vld.idx.msk [tilespmem:v9+s19+$0x0], $0xffff  }
0xfd: {  	v18 =	vld.idx.msk [tilespmem:v10+s19+$0x0], $0xffff  }
0xfe: {  	v19 =	vld.idx.msk [tilespmem:v11+s19+$0x0], $0xffff  }
0xff: {  	v20 =	vld.idx.msk [tilespmem:v12+s19+$0x0], $0xffff  }
0x100: {  	v21 =	vld.idx.msk [tilespmem:v13+s19+$0x0], $0xffff  }
0x101: {  	v22 =	vld [tilespmem:s9+$0xFFFFFFC0]  }
0x102: {  	v23 =	vld [tilespmem:s9+$0xFFFFFFD0]  }
0x103: {  	v24 =	vld [tilespmem:s9+$0xFFFFFFE0]  }
0x104: {  	v25 =	vld [tilespmem:s9+$0xFFFFFFF0]  }
0x105: {  	v26 =	vld [tilespmem:s9+$0x0]  }
0x106: {  	v15 =	vmul.f32 v22, v15;
	v22 =	vld [tilespmem:s9+$0x10]  }
0x107: {  	v16 =	vmul.f32 v23, v16;
	v23 =	vld [tilespmem:s9+$0x20]  }
0x108: {  	[tilespmem:v7+s22+$0x0] =	vst.idx.add.f32.msk $0xffff, v15;
	v15 =	vmul.f32 v24, v17  }
0x109: {  	[tilespmem:v3+s22+$0x0] =	vst.idx.add.f32.msk $0xffff, v16;
	v16 =	vmul.f32 v25, v18  }
0x10a: {  	[tilespmem:v4+s22+$0x0] =	vst.idx.add.f32.msk $0xffff, v15;
	v15 =	vmul.f32 v26, v19  }
0x10b: {  	[tilespmem:v5+s22+$0x0] =	vst.idx.add.f32.msk $0xffff, v16;
	v16 =	vmul.f32 v22, v20  }
0x10c: {  	[tilespmem:v6+s22+$0x0] =	vst.idx.add.f32.msk $0xffff, v15;
	v15 =	vmul.f32 v23, v21  }
0x10d: {  	[tilespmem:v1+s22+$0x0] =	vst.idx.add.f32.msk $0xffff, v16  }
0x10e: {  	[tilespmem:v2+s22+$0x0] =	vst.idx.add.f32.msk $0xffff, v15  }
0x10f: {  	v14 =	vld.idx.msk [tilespmem:v14+s20+$0x0], $0xffff  }
0x110: {  	v8 =	vld.idx.msk [tilespmem:v8+s20+$0x0], $0xffff  }
0x111: {  	v9 =	vld.idx.msk [tilespmem:v9+s20+$0x0], $0xffff  }
0x112: {  	v10 =	vld.idx.msk [tilespmem:v10+s20+$0x0], $0xffff  }
0x113: {  	v11 =	vld.idx.msk [tilespmem:v11+s20+$0x0], $0xffff  }
0x114: {  	v12 =	vld.idx.msk [tilespmem:v12+s20+$0x0], $0xffff  }
0x115: {  	v13 =	vld.idx.msk [tilespmem:v13+s20+$0x0], $0xffff  }
0x116: {  	v15 =	vld [tilespmem:s10+$0xFFFFFFC0]  }
0x117: {  	v16 =	vld [tilespmem:s10+$0xFFFFFFD0]  }
0x118: {  	v17 =	vld [tilespmem:s10+$0xFFFFFFE0]  }
0x119: {  	v18 =	vld [tilespmem:s10+$0xFFFFFFF0]  }
0x11a: {  	v19 =	vld [tilespmem:s10+$0x0]  }
0x11b: {  	v14 =	vmul.f32 v15, v14;
	v15 =	vld [tilespmem:s10+$0x10]  }
0x11c: {  	v8 =	vmul.f32 v16, v8;
	v16 =	vld [tilespmem:s10+$0x20]  }
.Ltmp1:
0x11d: {  	[tilespmem:v7+s23+$0x0] =	vst.idx.add.f32.msk $0xffff, v14;
	v7 =	vmul.f32 v17, v9;
	(pc) =	sbr.rel @p0 .LBB2_5-.Ltmp1, $4  }
0x11e: {  	[tilespmem:v3+s23+$0x0] =	vst.idx.add.f32.msk $0xffff, v8;
	v3 =	vmul.f32 v18, v10  }
0x11f: {  	[tilespmem:v4+s23+$0x0] =	vst.idx.add.f32.msk $0xffff, v7;
	v4 =	vmul.f32 v19, v11  }
0x120: {  	[tilespmem:v5+s23+$0x0] =	vst.idx.add.f32.msk $0xffff, v3;
	v11 =	vmul.f32 v15, v12  }
0x121: {  	s12 =	sadd.s32 $0x80, s12;
	[tilespmem:v6+s23+$0x0] =	vst.idx.add.f32.msk $0xffff, v4;
	v7 =	vmul.f32 v16, v13  }
0x122: {  	_ =	sdelay $0x1  }
0x123: {  	p0 =	seq.s32 s5, $0x31  }
0x124: {  	s6 =	sshrl.u32 @!p0 s6, $0x3  }
0x125: {  	[tilespmem:v1+s23+$0x0] =	vst.idx.add.f32.msk $0xffff, v11;
	s7 =	sadd.s32 @!p0 $0x320, s6  }
0x126: {  	[tilespmem:v2+s23+$0x0] =	vst.idx.add.f32.msk $0xffff, v7;
	s9 =	simm.s32 @!p0 $0x0;
	s10 =	simm.s32 @!p0 $0x13C00;
	s8 =	sadd.s32 @!p0 s4, s7  }
0x127: {  	[tilespmem:s10], [sflag:$0x1] =	stream.linear.gather @!p0 [hbm4b:s8+s9], $0xC80, $0x38;
	[tilespmem:$0x1B900] =	vst v63  }
0x128: {  	s6 =	sadd.s32 @!p0 s2, s6;
	s7 =	sadd.s32 @!p0 s2, s7;
	s8 =	simm.s32 @!p0 $0x15500  }
0x129: {  	[tilespmem:s8], [sflag:$0x1] =	stream.linear.gather @!p0 [hbm4b:s7+s9], $0xC80, $0x38;
	[tilespmem:$0x1B900] =	vst v63  }
0x12a: {  	s7 =	sadd.s32 @!p0 $0x9F60, s6;
	s8 =	simm.s32 @!p0 $0x16E00  }
0x12b: {  	[tilespmem:s8], [sflag:$0x1] =	stream.linear.gather @!p0 [hbm4b:s7+s9], $0xC80, $0x38;
	[tilespmem:$0x1B900] =	vst v63  }
0x12c: {  	s7 =	sadd.s32 @!p0 $0x13BA0, s6;
	s8 =	simm.s32 @!p0 $0x18700  }
0x12d: {  	[tilespmem:s8], [sflag:$0x1] =	stream.linear.gather @!p0 [hbm4b:s7+s9], $0xC80, $0x38;
	[tilespmem:$0x1B900] =	vst v63  }
0x12e: {  	s6 =	sadd.s32 @!p0 $0x1D7E0, s6;
	s7 =	simm.s32 @!p0 $0x1A000  }
0x12f: {  	[tilespmem:s7], [sflag:$0x1] =	stream.linear.gather @!p0 [hbm4b:s6+s9], $0xC80, $0x38;
	[tilespmem:$0x1B900] =	vst v63  }
0x130: {  	_ =	swait.ge [sflag:s24], $0xC80  }
0x131: {  	[sflag:s24] =	ssyncset.done $0x0  }
0x132: {  	[sflag:s24] =	ssyncadd.s32 $0xFFFFF380  }
0x133: {  	_ =	swait.ge [sflag:s24], $0xC80  }
0x134: {  	[sflag:s24] =	ssyncset.done $0x0  }
0x135: {  	[sflag:s24] =	ssyncadd.s32 $0xFFFFF380  }
0x136: {  	_ =	swait.ge [sflag:s24], $0xC80  }
0x137: {  	[sflag:s24] =	ssyncset.done $0x0  }
0x138: {  	[sflag:s24] =	ssyncadd.s32 $0xFFFFF380  }
0x139: {  	_ =	swait.ge [sflag:s24], $0xC80  }
0x13a: {  	[sflag:s24] =	ssyncset.done $0x0  }
0x13b: {  	[sflag:s24] =	ssyncadd.s32 $0xFFFFF380  }
0x13c: {  	_ =	swait.ge [sflag:s24], $0xC80  }
0x13d: {  	[sflag:s24] =	ssyncset.done $0x0  }
0x13e: {  	s12 =	simm.s32 $0x148C0;
	[sflag:s24] =	ssyncadd.s32 $0xFFFFF380  }
0x13f: {  	v1 =	vld [tilespmem:s12+$0x30]  }
0x140: {  	v2 =	vld [tilespmem:s12+$0xFFFFFFD0]  }
0x141: {  	v3 =	vld [tilespmem:s12+$0xFFFFFFE0]  }
0x142: {  	v4 =	vld [tilespmem:s12+$0xFFFFFFF0]  }
0x143: {  	v5 =	vld [tilespmem:s12+$0x0]  }
0x144: {  	v7 =	vld [tilespmem:s12+$0x10]  }
0x145: {  	v9 =	vld [tilespmem:s12+$0xFFFFFFC0]  }
0x146: {  	s6 =	simm.s32 $0x161C0;
	v11 =	vld [tilespmem:s12+$0x20]  }
0x147: {  	v16 =	vld [tilespmem:s6+$0x30]  }
0x148: {  	v26 =	vld [tilespmem:s6+$0xFFFFFFC0]  }
0x149: {  	v27 =	vld [tilespmem:s6+$0xFFFFFFD0]  }
0x14a: {  	v28 =	vld [tilespmem:s6+$0xFFFFFFE0];
	v6 =	vshrl.u32 v1, $0xE  }
0x14b: {  	v29 =	vld [tilespmem:s6+$0xFFFFFFF0];
	v8 =	vshrl.u32 v2, $0xE  }
0x14c: {  	v61 =	vld [tilespmem:s6+$0x0];
	v17 =	vshrl.u32 v9, $0xE  }
0x14d: {  	v62 =	vld [tilespmem:s6+$0x10];
	v10 =	vshrl.u32 v3, $0xE  }
0x14e: {  	v63 =	vld [tilespmem:s6+$0x20];
	v12 =	vshrl.u32 v4, $0xE  }
0x14f: {  	v13 =	vshrl.u32 v5, $0xE;
	v14 =	vld.idx.msk [tilespmem:v6+s3+$0x0], $0xffff  }
0x150: {  	v15 =	vshrl.u32 v7, $0xE;
	v18 =	vld.idx.msk [tilespmem:v8+s3+$0x0], $0xffff  }
0x151: {  	v22 =	vshrl.u32 v11, $0xE;
	v60 =	vld.idx.msk [tilespmem:v17+s3+$0x0], $0xffff  }
0x152: {  	v20 =	vand.u32 $0x3FFF, v1;
	v19 =	vld.idx.msk [tilespmem:v10+s3+$0x0], $0xffff  }
0x153: {  	v9 =	vand.u32 $0x3FFF, v9;
	v1 =	vld.idx.msk [tilespmem:v12+s3+$0x0], $0xffff  }
0x154: {  	v3 =	vand.u32 $0x3FFF, v3;
	v21 =	vld.idx.msk [tilespmem:v13+s3+$0x0], $0xffff  }
0x155: {  	v4 =	vand.u32 $0x3FFF, v4;
	v23 =	vld.idx.msk [tilespmem:v15+s3+$0x0], $0xffff;
	v14 =	vmul.f32 v16, v14  }
0x156: {  	v5 =	vand.u32 $0x3FFF, v5;
	v25 =	vld.idx.msk [tilespmem:v22+s3+$0x0], $0xffff;
	v16 =	vmul.f32 v26, v60  }
0x157: {  	v19 =	vmul.f32 v28, v19;
	[tilespmem:v20+s1+$0x0] =	vst.idx.add.f32.msk $0xffff, v14  }
0x158: {  	v29 =	vmul.f32 v29, v1;
	[tilespmem:v9+s1+$0x0] =	vst.idx.add.f32.msk $0xffff, v16  }
0x159: {  	v1 =	vand.u32 $0x3FFF, v7;
	v7 =	vmul.f32 v61, v21;
	[tilespmem:v3+s1+$0x0] =	vst.idx.add.f32.msk $0xffff, v19  }
0x15a: {  	[tilespmem:v4+s1+$0x0] =	vst.idx.add.f32.msk $0xffff, v29  }
0x15b: {  	[tilespmem:v5+s1+$0x0] =	vst.idx.add.f32.msk $0xffff, v7  }
0x15c: {  	s7 =	simm.s32 $0x17AC0;
	v14 =	vld.idx.msk [tilespmem:v6+s18+$0x0], $0xffff  }
0x15d: {  	v24 =	vld [tilespmem:s7+$0x30]  }
0x15e: {  	v7 =	vld.idx.msk [tilespmem:v17+s18+$0x0], $0xffff  }
0x15f: {  	v37 =	vld [tilespmem:s7+$0xFFFFFFC0]  }
0x160: {  	v33 =	vld.idx.msk [tilespmem:v10+s18+$0x0], $0xffff  }
0x161: {  	v34 =	vld.idx.msk [tilespmem:v13+s18+$0x0], $0xffff  }
0x162: {  	v39 =	vld [tilespmem:s7+$0xFFFFFFE0]  }
0x163: {  	v40 =	vld [tilespmem:s7+$0xFFFFFFF0];
	v14 =	vmul.f32 v24, v14  }
0x164: {  	v41 =	vld [tilespmem:s7+$0x0];
	v7 =	vmul.f32 v37, v7  }
0x165: {  	[tilespmem:v20+s21+$0x0] =	vst.idx.add.f32.msk $0xffff, v14  }
0x166: {  	[tilespmem:v9+s21+$0x0] =	vst.idx.add.f32.msk $0xffff, v7  }
0x167: {  	s8 =	simm.s32 $0x193C0;
	v14 =	vand.u32 $0x3FFF, v2;
	v2 =	vld.idx.msk [tilespmem:v6+s19+$0x0], $0xffff  }
0x168: {  	v7 =	vmul.f32 v39, v33;
	v30 =	vld [tilespmem:s8+$0x30]  }
0x169: {  	v48 =	vld [tilespmem:s8+$0xFFFFFFC0]  }
0x16a: {  	[tilespmem:v3+s21+$0x0] =	vst.idx.add.f32.msk $0xffff, v7;
	v7 =	vmul.f32 v41, v34  }
0x16b: {  	v18 =	vmul.f32 v27, v18;
	v50 =	vld [tilespmem:s8+$0xFFFFFFE0]  }
0x16c: {  	[tilespmem:v5+s21+$0x0] =	vst.idx.add.f32.msk $0xffff, v7  }
0x16d: {  	[tilespmem:v14+s1+$0x0] =	vst.idx.add.f32.msk $0xffff, v18  }
0x16e: {  	v45 =	vld.idx.msk [tilespmem:v13+s19+$0x0], $0xffff  }
0x16f: {  	v52 =	vld [tilespmem:s8+$0x0];
	v30 =	vmul.f32 v30, v2  }
0x170: {  	v2 =	vand.u32 $0x3FFF, v11;
	v11 =	vmul.f32 v62, v23;
	v38 =	vld [tilespmem:s7+$0xFFFFFFD0]  }
0x171: {  	[tilespmem:v20+s22+$0x0] =	vst.idx.add.f32.msk $0xffff, v30  }
0x172: {  	[tilespmem:v1+s1+$0x0] =	vst.idx.add.f32.msk $0xffff, v11  }
0x173: {  	s9 =	simm.s32 $0x1ACC0;
	v6 =	vld.idx.msk [tilespmem:v6+s20+$0x0], $0xffff  }
0x174: {  	v31 =	vld [tilespmem:s9+$0x30]  }
0x175: {  	v32 =	vmul.f32 v63, v25;
	v11 =	vld.idx.msk [tilespmem:v8+s18+$0x0], $0xffff  }
0x176: {  	v35 =	vld.idx.msk [tilespmem:v15+s18+$0x0], $0xffff  }
0x177: {  	[tilespmem:v2+s1+$0x0] =	vst.idx.add.f32.msk $0xffff, v32  }
0x178: {  	v36 =	vld.idx.msk [tilespmem:v22+s18+$0x0], $0xffff  }
0x179: {  	v43 =	vld [tilespmem:s7+$0x20];
	v6 =	vmul.f32 v31, v6  }
0x17a: {  	v42 =	vld [tilespmem:s7+$0x10]  }
0x17b: {  	v11 =	vmul.f32 v38, v11;
	[tilespmem:v20+s23+$0x0] =	vst.idx.add.f32.msk $0xffff, v6  }
0x17c: {  	v6 =	vld.idx.msk [tilespmem:v12+s18+$0x0], $0xffff  }
0x17d: {  	[tilespmem:v14+s21+$0x0] =	vst.idx.add.f32.msk $0xffff, v11  }
0x17e: {  	v11 =	vld.idx.msk [tilespmem:v10+s19+$0x0], $0xffff;
	v7 =	vmul.f32 v43, v36  }
0x17f: {  	v49 =	vld [tilespmem:s8+$0xFFFFFFD0]  }
0x180: {  	[tilespmem:v2+s21+$0x0] =	vst.idx.add.f32.msk $0xffff, v7  }
0x181: {  	v7 =	vld.idx.msk [tilespmem:v8+s19+$0x0], $0xffff;
	v6 =	vmul.f32 v40, v6  }
0x182: {  	v47 =	vld.idx.msk [tilespmem:v22+s19+$0x0], $0xffff  }
0x183: {  	[tilespmem:v4+s21+$0x0] =	vst.idx.add.f32.msk $0xffff, v6  }
0x184: {  	v6 =	vmul.f32 v42, v35;
	v44 =	vld.idx.msk [tilespmem:v12+s19+$0x0], $0xffff  }
0x185: {  	v51 =	vld [tilespmem:s8+$0xFFFFFFF0]  }
0x186: {  	[tilespmem:v1+s21+$0x0] =	vst.idx.add.f32.msk $0xffff, v6  }
0x187: {  	v6 =	vld.idx.msk [tilespmem:v17+s19+$0x0], $0xffff  }
0x188: {  	v46 =	vld.idx.msk [tilespmem:v15+s19+$0x0], $0xffff  }
0x189: {  	v7 =	vmul.f32 v49, v7;
	v53 =	vld [tilespmem:s8+$0x10]  }
0x18a: {  	v54 =	vld [tilespmem:s8+$0x20]  }
0x18b: {  	[tilespmem:v14+s22+$0x0] =	vst.idx.add.f32.msk $0xffff, v7;
	v7 =	vmul.f32 v51, v44  }
0x18c: {  	v58 =	vld [tilespmem:s9+$0xFFFFFFD0];
	v6 =	vmul.f32 v48, v6  }
0x18d: {  	[tilespmem:v4+s22+$0x0] =	vst.idx.add.f32.msk $0xffff, v7  }
0x18e: {  	v7 =	vmul.f32 v53, v46;
	[tilespmem:v9+s22+$0x0] =	vst.idx.add.f32.msk $0xffff, v6  }
0x18f: {  	v60 =	vld [tilespmem:s9+$0xFFFFFFF0]  }
0x190: {  	[tilespmem:v1+s22+$0x0] =	vst.idx.add.f32.msk $0xffff, v7  }
0x191: {  	v6 =	vmul.f32 v50, v11;
	v7 =	vld.idx.msk [tilespmem:v8+s20+$0x0], $0xffff  }
0x192: {  	v57 =	vld [tilespmem:s9+$0xFFFFFFC0]  }
0x193: {  	[tilespmem:v3+s22+$0x0] =	vst.idx.add.f32.msk $0xffff, v6  }
0x194: {  	v6 =	vmul.f32 v52, v45;
	v55 =	vld.idx.msk [tilespmem:v15+s20+$0x0], $0xffff  }
0x195: {  	v62 =	vld [tilespmem:s9+$0x10]  }
0x196: {  	[tilespmem:v5+s22+$0x0] =	vst.idx.add.f32.msk $0xffff, v6;
	v6 =	vmul.f32 v54, v47  }
0x197: {  	v8 =	vld.idx.msk [tilespmem:v10+s20+$0x0], $0xffff  }
0x198: {  	[tilespmem:v2+s22+$0x0] =	vst.idx.add.f32.msk $0xffff, v6  }
0x199: {  	v6 =	vld.idx.msk [tilespmem:v17+s20+$0x0], $0xffff  }
0x19a: {  	v10 =	vld.idx.msk [tilespmem:v12+s20+$0x0], $0xffff  }
0x19b: {  	v59 =	vld [tilespmem:s9+$0xFFFFFFE0]  }
0x19c: {  	v11 =	vld.idx.msk [tilespmem:v13+s20+$0x0], $0xffff  }
0x19d: {  	v61 =	vld [tilespmem:s9+$0x0]  }
0x19e: {  	v56 =	vld.idx.msk [tilespmem:v22+s20+$0x0], $0xffff;
	v6 =	vmul.f32 v57, v6  }
0x19f: {  	v7 =	vmul.f32 v58, v7;
	v63 =	vld [tilespmem:s9+$0x20]  }
0x1a0: {  	[tilespmem:v9+s23+$0x0] =	vst.idx.add.f32.msk $0xffff, v6;
	v6 =	vmul.f32 v59, v8  }
0x1a1: {  	[tilespmem:v14+s23+$0x0] =	vst.idx.add.f32.msk $0xffff, v7;
	v7 =	vmul.f32 v60, v10  }
0x1a2: {  	[tilespmem:v3+s23+$0x0] =	vst.idx.add.f32.msk $0xffff, v6;
	v3 =	vmul.f32 v61, v11  }
0x1a3: {  	[tilespmem:v4+s23+$0x0] =	vst.idx.add.f32.msk $0xffff, v7  }
0x1a4: {  	s11 =	simm.s32 $0x14940;
	s10 =	simm.s32 $0x0;
	v7 =	vmul.f32 v63, v56;
	v11 =	vmul.f32 v62, v55;
	[tilespmem:v5+s23+$0x0] =	vst.idx.add.f32.msk $0xffff, v3  }
.LBB2_7:
0x1a5: {  	v15 =	vld [tilespmem:s11+$0x30];
	s10 =	sadd.s32 $0x8, s10  }
0x1a6: {  	v3 =	vld [tilespmem:s11+$0xFFFFFFD0];
	p0 =	slt.u32 s10, $0xC0  }
0x1a7: {  	v4 =	vld [tilespmem:s11+$0xFFFFFFE0]  }
0x1a8: {  	v5 =	vld [tilespmem:s11+$0xFFFFFFF0]  }
0x1a9: {  	v6 =	vld [tilespmem:s11+$0x0]  }
0x1aa: {  	v13 =	vld [tilespmem:s11+$0x10];
	v16 =	vshrl.u32 v15, $0xE  }
0x1ab: {  	v8 =	vshrl.u32 v3, $0xE;
	v3 =	vand.u32 $0x3FFF, v3;
	v14 =	vld [tilespmem:s11+$0x20]  }
0x1ac: {  	v17 =	vld [tilespmem:s11+$0xFFFFFFC0];
	v9 =	vshrl.u32 v4, $0xE;
	v4 =	vand.u32 $0x3FFF, v4  }
0x1ad: {  	v10 =	vshrl.u32 v5, $0xE;
	v5 =	vand.u32 $0x3FFF, v5;
	[tilespmem:v1+s23+$0x0] =	vst.idx.add.f32.msk $0xffff, v11  }
0x1ae: {  	v11 =	vshrl.u32 v6, $0xE;
	v6 =	vand.u32 $0x3FFF, v6;
	[tilespmem:v2+s23+$0x0] =	vst.idx.add.f32.msk $0xffff, v7  }
0x1af: {  	s6 =	sadd.s32 $0x80, s6;
	v12 =	vshrl.u32 v13, $0xE;
	v1 =	vand.u32 $0x3FFF, v13;
	v18 =	vld.idx.msk [tilespmem:v16+s3+$0x0], $0xffff  }
0x1b0: {  	v13 =	vshrl.u32 v14, $0xE;
	v2 =	vand.u32 $0x3FFF, v14;
	v19 =	vld [tilespmem:s6+$0x30]  }
0x1b1: {  	v14 =	vshrl.u32 v17, $0xE;
	v7 =	vand.u32 $0x3FFF, v17;
	v17 =	vld.idx.msk [tilespmem:v8+s3+$0x0], $0xffff  }
0x1b2: {  	v15 =	vand.u32 $0x3FFF, v15;
	v20 =	vld.idx.msk [tilespmem:v9+s3+$0x0], $0xffff  }
0x1b3: {  	v21 =	vld.idx.msk [tilespmem:v10+s3+$0x0], $0xffff  }
0x1b4: {  	v22 =	vld.idx.msk [tilespmem:v11+s3+$0x0], $0xffff  }
0x1b5: {  	v23 =	vld.idx.msk [tilespmem:v12+s3+$0x0], $0xffff;
	v18 =	vmul.f32 v19, v18  }
0x1b6: {  	v19 =	vld.idx.msk [tilespmem:v14+s3+$0x0], $0xffff  }
0x1b7: {  	[tilespmem:v15+s1+$0x0] =	vst.idx.add.f32.msk $0xffff, v18  }
0x1b8: {  	s7 =	sadd.s32 $0x80, s7;
	v18 =	vld.idx.msk [tilespmem:v16+s18+$0x0], $0xffff  }
0x1b9: {  	v24 =	vld [tilespmem:s7+$0x30]  }
0x1ba: {  	v25 =	vld.idx.msk [tilespmem:v13+s3+$0x0], $0xffff  }
0x1bb: {  	v26 =	vld [tilespmem:s6+$0xFFFFFFC0]  }
0x1bc: {  	v27 =	vld [tilespmem:s6+$0xFFFFFFD0]  }
0x1bd: {  	v28 =	vld [tilespmem:s6+$0xFFFFFFE0]  }
0x1be: {  	v29 =	vld [tilespmem:s6+$0xFFFFFFF0];
	v18 =	vmul.f32 v24, v18  }
0x1bf: {  	v24 =	vld [tilespmem:s6+$0x0]  }
0x1c0: {  	v19 =	vmul.f32 v26, v19;
	[tilespmem:v15+s21+$0x0] =	vst.idx.add.f32.msk $0xffff, v18  }
0x1c1: {  	s8 =	sadd.s32 $0x80, s8;
	v17 =	vmul.f32 v27, v17;
	v18 =	vld.idx.msk [tilespmem:v16+s19+$0x0], $0xffff  }
0x1c2: {  	v20 =	vmul.f32 v28, v20;
	v26 =	vld [tilespmem:s8+$0x30]  }
0x1c3: {  	v21 =	vmul.f32 v29, v21;
	v27 =	vld [tilespmem:s6+$0x10]  }
0x1c4: {  	v22 =	vmul.f32 v24, v22;
	v24 =	vld [tilespmem:s6+$0x20]  }
0x1c5: {  	[tilespmem:v7+s1+$0x0] =	vst.idx.add.f32.msk $0xffff, v19  }
0x1c6: {  	[tilespmem:v3+s1+$0x0] =	vst.idx.add.f32.msk $0xffff, v17  }
0x1c7: {  	[tilespmem:v4+s1+$0x0] =	vst.idx.add.f32.msk $0xffff, v20;
	v17 =	vmul.f32 v26, v18  }
0x1c8: {  	[tilespmem:v5+s1+$0x0] =	vst.idx.add.f32.msk $0xffff, v21;
	v18 =	vmul.f32 v27, v23  }
0x1c9: {  	v19 =	vmul.f32 v24, v25;
	[tilespmem:v15+s22+$0x0] =	vst.idx.add.f32.msk $0xffff, v17  }
0x1ca: {  	s9 =	sadd.s32 $0x80, s9;
	v16 =	vld.idx.msk [tilespmem:v16+s20+$0x0], $0xffff  }
0x1cb: {  	v17 =	vld [tilespmem:s9+$0x30]  }
0x1cc: {  	[tilespmem:v6+s1+$0x0] =	vst.idx.add.f32.msk $0xffff, v22  }
0x1cd: {  	[tilespmem:v1+s1+$0x0] =	vst.idx.add.f32.msk $0xffff, v18  }
0x1ce: {  	[tilespmem:v2+s1+$0x0] =	vst.idx.add.f32.msk $0xffff, v19  }
0x1cf: {  	v18 =	vld.idx.msk [tilespmem:v14+s18+$0x0], $0xffff  }
0x1d0: {  	v19 =	vld.idx.msk [tilespmem:v8+s18+$0x0], $0xffff;
	v16 =	vmul.f32 v17, v16  }
0x1d1: {  	v17 =	vld.idx.msk [tilespmem:v9+s18+$0x0], $0xffff  }
0x1d2: {  	[tilespmem:v15+s23+$0x0] =	vst.idx.add.f32.msk $0xffff, v16  }
0x1d3: {  	v15 =	vld.idx.msk [tilespmem:v10+s18+$0x0], $0xffff  }
0x1d4: {  	v16 =	vld.idx.msk [tilespmem:v11+s18+$0x0], $0xffff  }
0x1d5: {  	v20 =	vld.idx.msk [tilespmem:v12+s18+$0x0], $0xffff  }
0x1d6: {  	v21 =	vld.idx.msk [tilespmem:v13+s18+$0x0], $0xffff  }
0x1d7: {  	v22 =	vld [tilespmem:s7+$0xFFFFFFC0]  }
0x1d8: {  	v23 =	vld [tilespmem:s7+$0xFFFFFFD0]  }
0x1d9: {  	v24 =	vld [tilespmem:s7+$0xFFFFFFE0]  }
0x1da: {  	v25 =	vld [tilespmem:s7+$0xFFFFFFF0]  }
0x1db: {  	v26 =	vld [tilespmem:s7+$0x0]  }
0x1dc: {  	v18 =	vmul.f32 v22, v18;
	v22 =	vld [tilespmem:s7+$0x10]  }
0x1dd: {  	v19 =	vmul.f32 v23, v19;
	v23 =	vld [tilespmem:s7+$0x20]  }
0x1de: {  	[tilespmem:v7+s21+$0x0] =	vst.idx.add.f32.msk $0xffff, v18;
	v17 =	vmul.f32 v24, v17  }
0x1df: {  	[tilespmem:v3+s21+$0x0] =	vst.idx.add.f32.msk $0xffff, v19;
	v15 =	vmul.f32 v25, v15  }
0x1e0: {  	[tilespmem:v4+s21+$0x0] =	vst.idx.add.f32.msk $0xffff, v17;
	v16 =	vmul.f32 v26, v16  }
0x1e1: {  	[tilespmem:v5+s21+$0x0] =	vst.idx.add.f32.msk $0xffff, v15;
	v15 =	vmul.f32 v22, v20  }
0x1e2: {  	[tilespmem:v6+s21+$0x0] =	vst.idx.add.f32.msk $0xffff, v16;
	v16 =	vmul.f32 v23, v21  }
0x1e3: {  	[tilespmem:v1+s21+$0x0] =	vst.idx.add.f32.msk $0xffff, v15  }
0x1e4: {  	[tilespmem:v2+s21+$0x0] =	vst.idx.add.f32.msk $0xffff, v16  }
0x1e5: {  	v15 =	vld.idx.msk [tilespmem:v14+s19+$0x0], $0xffff  }
0x1e6: {  	v16 =	vld.idx.msk [tilespmem:v8+s19+$0x0], $0xffff  }
0x1e7: {  	v17 =	vld.idx.msk [tilespmem:v9+s19+$0x0], $0xffff  }
0x1e8: {  	v18 =	vld.idx.msk [tilespmem:v10+s19+$0x0], $0xffff  }
0x1e9: {  	v19 =	vld.idx.msk [tilespmem:v11+s19+$0x0], $0xffff  }
0x1ea: {  	v20 =	vld.idx.msk [tilespmem:v12+s19+$0x0], $0xffff  }
0x1eb: {  	v21 =	vld.idx.msk [tilespmem:v13+s19+$0x0], $0xffff  }
0x1ec: {  	v22 =	vld [tilespmem:s8+$0xFFFFFFC0]  }
0x1ed: {  	v23 =	vld [tilespmem:s8+$0xFFFFFFD0]  }
0x1ee: {  	v24 =	vld [tilespmem:s8+$0xFFFFFFE0]  }
0x1ef: {  	v25 =	vld [tilespmem:s8+$0xFFFFFFF0]  }
0x1f0: {  	v26 =	vld [tilespmem:s8+$0x0]  }
0x1f1: {  	v15 =	vmul.f32 v22, v15;
	v22 =	vld [tilespmem:s8+$0x10]  }
0x1f2: {  	v16 =	vmul.f32 v23, v16;
	v23 =	vld [tilespmem:s8+$0x20]  }
0x1f3: {  	[tilespmem:v7+s22+$0x0] =	vst.idx.add.f32.msk $0xffff, v15;
	v15 =	vmul.f32 v24, v17  }
0x1f4: {  	[tilespmem:v3+s22+$0x0] =	vst.idx.add.f32.msk $0xffff, v16;
	v16 =	vmul.f32 v25, v18  }
0x1f5: {  	[tilespmem:v4+s22+$0x0] =	vst.idx.add.f32.msk $0xffff, v15;
	v15 =	vmul.f32 v26, v19  }
0x1f6: {  	[tilespmem:v5+s22+$0x0] =	vst.idx.add.f32.msk $0xffff, v16;
	v16 =	vmul.f32 v22, v20  }
0x1f7: {  	[tilespmem:v6+s22+$0x0] =	vst.idx.add.f32.msk $0xffff, v15;
	v15 =	vmul.f32 v23, v21  }
0x1f8: {  	[tilespmem:v1+s22+$0x0] =	vst.idx.add.f32.msk $0xffff, v16  }
0x1f9: {  	[tilespmem:v2+s22+$0x0] =	vst.idx.add.f32.msk $0xffff, v15  }
0x1fa: {  	v14 =	vld.idx.msk [tilespmem:v14+s20+$0x0], $0xffff  }
0x1fb: {  	v8 =	vld.idx.msk [tilespmem:v8+s20+$0x0], $0xffff  }
0x1fc: {  	v9 =	vld.idx.msk [tilespmem:v9+s20+$0x0], $0xffff  }
0x1fd: {  	v10 =	vld.idx.msk [tilespmem:v10+s20+$0x0], $0xffff  }
0x1fe: {  	v11 =	vld.idx.msk [tilespmem:v11+s20+$0x0], $0xffff  }
0x1ff: {  	v12 =	vld.idx.msk [tilespmem:v12+s20+$0x0], $0xffff  }
0x200: {  	v13 =	vld.idx.msk [tilespmem:v13+s20+$0x0], $0xffff  }
0x201: {  	v15 =	vld [tilespmem:s9+$0xFFFFFFC0]  }
0x202: {  	v16 =	vld [tilespmem:s9+$0xFFFFFFD0]  }
0x203: {  	v17 =	vld [tilespmem:s9+$0xFFFFFFE0]  }
0x204: {  	v18 =	vld [tilespmem:s9+$0xFFFFFFF0]  }
0x205: {  	v19 =	vld [tilespmem:s9+$0x0]  }
0x206: {  	v14 =	vmul.f32 v15, v14;
	v15 =	vld [tilespmem:s9+$0x10]  }
0x207: {  	v8 =	vmul.f32 v16, v8;
	v16 =	vld [tilespmem:s9+$0x20]  }
.Ltmp2:
0x208: {  	[tilespmem:v7+s23+$0x0] =	vst.idx.add.f32.msk $0xffff, v14;
	v7 =	vmul.f32 v17, v9;
	(pc) =	sbr.rel @p0 .LBB2_7-.Ltmp2, $4  }
0x209: {  	[tilespmem:v3+s23+$0x0] =	vst.idx.add.f32.msk $0xffff, v8;
	v3 =	vmul.f32 v18, v10  }
0x20a: {  	[tilespmem:v4+s23+$0x0] =	vst.idx.add.f32.msk $0xffff, v7;
	v4 =	vmul.f32 v19, v11  }
0x20b: {  	[tilespmem:v5+s23+$0x0] =	vst.idx.add.f32.msk $0xffff, v3;
	v11 =	vmul.f32 v15, v12  }
0x20c: {  	s11 =	sadd.s32 $0x80, s11;
	[tilespmem:v6+s23+$0x0] =	vst.idx.add.f32.msk $0xffff, v4;
	v7 =	vmul.f32 v16, v13  }
0x20d: {  	s5 =	sadd.s32 $0x1, s5  }
0x20e: {  	p0 =	sne.s32 s5, $0x32  }
.Ltmp3:
0x20f: {  	_ = 	snop;
	(pc) =	sbr.rel @p0 .LBB2_4-.Ltmp3, $3  }
0x210: {  	_ =	sdelay $0x1  }
0x211: {  	[tilespmem:v1+s23+$0x0] =	vst.idx.add.f32.msk $0xffff, v11  }
0x212: {  	[tilespmem:v2+s23+$0x0] =	vst.idx.add.f32.msk $0xffff, v7  }
0x213: {  	s5 =	rddreg [dreg:$0xa]  }
0x214: {  	[hbm4b:s5+s3] =	stream.linear.scatter [tilespmem:s1], [sflag:$0x3], $0x2740, $0x38;
	[tilespmem:$0x1B900] =	vst v63  }
0x215: {  	_ =	swait.ge [sflag:s17], $0x2740  }
0x216: {  	[sflag:s17] =	ssyncset.done $0x0  }
0x217: {  	[sflag:s17] =	ssyncadd.s32 $0xFFFFD8C0  }
0x218: {  	[hbm4b:s13+s3] =	stream.linear.scatter [tilespmem:s21], [sflag:$0x3], $0x2740, $0x38;
	[tilespmem:$0x1B900] =	vst v63  }
0x219: {  	_ =	swait.ge [sflag:s17], $0x2740  }
0x21a: {  	[sflag:s17] =	ssyncset.done $0x0  }
0x21b: {  	[sflag:s17] =	ssyncadd.s32 $0xFFFFD8C0  }
0x21c: {  	[hbm4b:s14+s3] =	stream.linear.scatter [tilespmem:s22], [sflag:$0x3], $0x2740, $0x38;
	[tilespmem:$0x1B900] =	vst v63  }
0x21d: {  	s25 =	sadd.s32 $0x1, s25;
	_ =	swait.ge [sflag:s17], $0x2740  }
0x21e: {  	p0 =	sne.s32 s25, s16;
	[sflag:s17] =	ssyncset.done $0x0  }
.Ltmp4:
0x21f: {  	[sflag:s17] =	ssyncadd.s32 $0xFFFFD8C0;
	(pc) =	sbr.rel @p0 .LBB2_1-.Ltmp4, $4  }
0x220: {  	[hbm4b:s15+s3] =	stream.linear.scatter [tilespmem:s23], [sflag:$0x3], $0x2740, $0x38;
	[tilespmem:$0x1B900] =	vst v63  }
0x221: {  	_ =	swait.ge [sflag:s17], $0x2740  }
0x222: {  	[sflag:s17] =	ssyncset.done $0x0  }
0x223: {  	[sflag:s17] =	ssyncadd.s32 $0xFFFFD8C0  }
0x224: {  	_ =	sfence.sel $0x180000  }
0x225: {  	[bflag:$0x0] =	sbarrier.arrive $0xFFFF  }
0x226: {  	_ =	strace $0x9000004D  }
0x227: {  	s0 =	stileid.u32;
	[bflag:$0x2] =	sbarrier.arrive $0xFFFF  }
0x228: {  	p0 =	sne.s32 s0, $0x0;
	s0 =	rddreg [dreg:$0x2]  }
0x229: {  	s0 =	sadd.s32 @!p0 $0x100000, s0  }
0x22a: {  	[sflag:s0] =	ssyncadd.tile.s32 @!p0 $0x1;
	_ =	shalt  }
.Lfunc_end2:
_tile_overlayer_lowered:
.L_overlay_start_2:
0x22b: {  	(tag) =	ssettag $0x2  }
0x22c: {  	s0 =	rddreg [dreg:$0x0];
	s2 =	stileid.u32  }
0x22d: {  	s1 =	rddreg [dreg:$0x1];
	p0 =	sne.s32 s2, $0x0  }
0x22e: {  	s3 =	rddreg [dreg:$0x2];
	[bflag:$0x3] =	sbarrier.arrive $0xFFFF;
	s2 =	simm.s32 @!p0 $0x1C03  }
0x22f: {  	[timem:s3], [sflag:s2] =	dma.local @!p0 [hbm:s0], s1  }
0x230: {  	s0 =	simm.s32 @!p0 $0x3  }
0x231: {  	_ =	swait.ge @!p0 [sflag:s0], s1  }
0x232: {  	s1 =	ssub.s32 @!p0 $0x0, s1;
	[sflag:s0] =	ssyncset.done @!p0 $0x0  }
0x233: {  	[sflag:s0] =	ssyncadd.s32 @!p0 s1  }
0x234: {  	[bflag:$0x3] =	sbarrier.arrive $0xFFFF  }
0x235: {  	_ =	shalt  }

</sc_bundles>
